<compile_context>
chip_gen: v7x
topology: tpu7x:2x2x1
jax: 0.10.2.dev20260603
libtpu: 0.0.44.dev20260713+nightly
codegen_flags: <defaults>
</compile_context>

<pallas_src>
import functools

import jax
import jax.numpy as jnp
import numpy as np
from jax import lax
from jax.experimental import pallas as pl
from jax.experimental.pallas import tpu as pltpu
from jax.experimental.pallas import tpu_sc as plsc

E = 8
TOPK = 2
H = 12
BT = 256
NBPAD = 32


def _router_body(x_ref, rw_ref, rb_ref, gates_ref, cums_ref, eob_ref, pbase_ref,
                 live_ref, slot_ref, *, nb, bt):
    logits = jnp.dot(x_ref[...], rw_ref[...], preferred_element_type=jnp.float32)
    logits = logits + rb_ref[...]
    s, ncols = logits.shape
    col = jax.lax.broadcasted_iota(jnp.int32, logits.shape, 1)
    m1 = jnp.max(logits, axis=1, keepdims=True)
    eq1 = (logits == m1)
    i1 = jnp.min(jnp.where(eq1, col, ncols), axis=1, keepdims=True)
    first1 = (col == i1)
    neg = jnp.float32(-jnp.inf)
    l2 = jnp.where(first1, neg, logits)
    m2 = jnp.max(l2, axis=1, keepdims=True)
    eq2 = (l2 == m2)
    i2 = jnp.min(jnp.where(eq2, col, ncols), axis=1, keepdims=True)
    first2 = (col == i2)
    e2 = jnp.exp(m2 - m1)
    g1 = 1.0 / (1.0 + e2)
    g2 = 1.0 - g1
    gates = jnp.where(first1, g1, 0.0) + jnp.where(first2, g2, 0.0)
    gates_ref[...] = gates

    c = (first1 | first2).astype(jnp.float32)
    sh = 1
    while sh < s:
        c = c + jnp.concatenate([jnp.zeros((sh, ncols), jnp.float32), c[:-sh]], axis=0)
        sh *= 2
    cums_ref[...] = c

    counts = c[s - 1:s, :]
    nblk = jnp.floor((counts + (bt - 1)) / bt)
    ri = jax.lax.broadcasted_iota(jnp.int32, (ncols, ncols), 0)
    ci = jax.lax.broadcasted_iota(jnp.int32, (ncols, ncols), 1)
    tri = (ci < ri).astype(jnp.float32)
    starts = jnp.sum(tri * nblk, axis=1, keepdims=True)
    brow = jax.lax.broadcasted_iota(jnp.int32, (ncols, NBPAD), 1).astype(jnp.float32)
    le = (starts <= brow).astype(jnp.float32)
    eob = jnp.sum(le, axis=0, keepdims=True) - 1.0
    smax = jnp.max(jnp.where(starts <= brow, starts, -1.0), axis=0, keepdims=True)
    pbase = (brow[0:1, :] - smax) * bt
    eob_ref[...] = eob.astype(jnp.int32)
    pbase_ref[...] = pbase.astype(jnp.int32)
    total = jnp.sum(nblk, axis=1, keepdims=True)
    live_ref[...] = (brow[0:1, :] < total).astype(jnp.int32)

    smat = jnp.where(ri == ci, starts * jnp.ones((1, ncols), jnp.float32), 0.0)
    startslot_row = jnp.sum(smat, axis=0, keepdims=True) * bt
    slot_all = startslot_row + c - 1.0
    slot1 = jnp.sum(jnp.where(first1, slot_all, 0.0), axis=1, keepdims=True)
    slot2 = jnp.sum(jnp.where(first2, slot_all, 0.0), axis=1, keepdims=True)
    slot_ref[...] = jnp.concatenate([slot1, slot2], axis=1).astype(jnp.int32)


def _kv_body(x_ref, kw_ref, kb_ref, vw_ref, vb_ref, k_ref, v_ref, *, dh):
    xb = x_ref[...]
    k = (jnp.dot(xb, kw_ref[0], preferred_element_type=jnp.float32)
         + kb_ref[0]).astype(jnp.bfloat16)
    v = (jnp.dot(xb, vw_ref[0], preferred_element_type=jnp.float32)
         + vb_ref[0]).astype(jnp.bfloat16)
    for h in range(k.shape[1] // dh):
        k_ref[0, h] = k[:, h * dh:(h + 1) * dh]
        v_ref[0, h] = v[:, h * dh:(h + 1) * dh]


def _moe_attn_body(eob_ref, pbase_ref, live_ref, x_ref, cums_ref, gates_ref,
                   k_ref, v_ref, qw_ref, qb_ref, ow_ref, ob_ref, y_ref,
                   *, dh, scale):
    b = pl.program_id(0)
    live = live_ref[b] == 1

    @pl.when(live)
    def _block():
        e = eob_ref[b]
        p0 = pbase_ref[b]
        cums = cums_ref[...]
        gates = gates_ref[...]
        s = cums.shape[0]
        col = jax.lax.broadcasted_iota(jnp.int32, cums.shape, 1)
        sel = (col == e)
        cums_col = jnp.sum(jnp.where(sel, cums, 0.0), axis=1, keepdims=True)
        gates_col = jnp.sum(jnp.where(sel, gates, 0.0), axis=1, keepdims=True)
        lane_p = jax.lax.broadcasted_iota(jnp.int32, (s, BT), 1)
        tgt = (lane_p + (p0 + 1)).astype(jnp.float32)
        mt_f = jnp.where((cums_col == tgt) & (gates_col > 0.0), 1.0, 0.0)
        mt = mt_f.astype(jnp.bfloat16)
        g_slot = jax.lax.dot_general(mt_f, gates_col, (((0,), (0,)), ((), ())),
                                     preferred_element_type=jnp.float32)
        xg = jax.lax.dot_general(mt, x_ref[...], (((0,), (0,)), ((), ())),
                                 preferred_element_type=jnp.float32)
        q = ((jnp.dot(xg.astype(jnp.bfloat16), qw_ref[0],
                      preferred_element_type=jnp.float32) + qb_ref[0])
             * scale).astype(jnp.bfloat16)

        ones = jnp.ones((s, 1), jnp.bfloat16)
        nheads = q.shape[1] // dh
        heads = []
        for h in range(nheads):
            qh = q[:, h * dh:(h + 1) * dh]
            kh = k_ref[0, h]
            sc = jax.lax.dot_general(qh, kh, (((1,), (1,)), ((), ())),
                                     preferred_element_type=jnp.float32)
            p = jnp.exp(sc).astype(jnp.bfloat16)
            lsum = jnp.dot(p, ones, preferred_element_type=jnp.float32)
            vh = v_ref[0, h]
            pv = jnp.dot(p, vh, preferred_element_type=jnp.float32)
            heads.append(pv / lsum)
        attn = jnp.concatenate(heads, axis=1)
        y = (jnp.dot(attn.astype(jnp.bfloat16), ow_ref[0],
                     preferred_element_type=jnp.float32) + ob_ref[0])
        y_ref[0] = y * g_slot


def _sc_combine(s, d):
    info = plsc.get_sparse_core_info()
    nw = info.num_cores * info.num_subcores
    tok_w = s // nw
    tchunk = 32
    nch = tok_w // tchunk
    mesh = plsc.VectorSubcoreMesh(core_axis_name="c", subcore_axis_name="s")

    @functools.partial(
        pl.kernel, mesh=mesh,
        out_type=jax.ShapeDtypeStruct((s, d), jnp.float32),
        scratch_types=[
            pltpu.VMEM((2 * tchunk,), jnp.int32),
            pltpu.VMEM((2 * tchunk,), jnp.int32),
            pltpu.VMEM((2 * tchunk, d), jnp.float32),
            pltpu.VMEM((2 * tchunk, d), jnp.float32),
            pltpu.VMEM((tchunk, d), jnp.float32),
            pltpu.SemaphoreType.DMA,
            pltpu.SemaphoreType.DMA,
        ],
    )
    def combine(y_hbm, idx_hbm, out_hbm, idx_v0, idx_v1, rows_v0, rows_v1,
                acc_v, sem0, sem1):
        wid = lax.axis_index("s") * info.num_cores + lax.axis_index("c")
        tbase = wid * tok_w
        pltpu.sync_copy(idx_hbm.at[pl.ds(tbase * 2, 2 * tchunk)], idx_v0)
        pltpu.sync_copy(idx_hbm.at[pl.ds(tbase * 2 + 2 * tchunk, 2 * tchunk)],
                        idx_v1)
        cp0 = pltpu.async_copy(y_hbm.at[idx_v0], rows_v0, sem0)
        cp1 = pltpu.async_copy(y_hbm.at[idx_v1], rows_v1, sem1)
        for ch, (cp, rows_v) in enumerate(((cp0, rows_v0), (cp1, rows_v1))):
            cp.wait()

            def body(i, _, rows_v=rows_v):
                for j in range(d // 16):
                    acc_v[i, pl.ds(j * 16, 16)] = (
                        rows_v[2 * i, pl.ds(j * 16, 16)]
                        + rows_v[2 * i + 1, pl.ds(j * 16, 16)])
                return 0

            lax.fori_loop(0, tchunk, body, 0)
            pltpu.sync_copy(acc_v, out_hbm.at[pl.ds(tbase + ch * tchunk, tchunk)])

    return combine


def kernel(x, router_w, router_b, q_w, q_b, k_w, k_b, v_w, v_b, o_w, o_b):
    B, S, D = x.shape
    dh = D // H
    scale = 1.0 / np.sqrt(dh)
    nb = (S * TOPK) // BT + E
    x2 = x.reshape(S, D)
    x16 = x2.astype(jnp.bfloat16)
    qw16 = q_w.astype(jnp.bfloat16)
    kw16 = k_w.astype(jnp.bfloat16)
    vw16 = v_w.astype(jnp.bfloat16)
    ow16 = o_w.astype(jnp.bfloat16)
    rb = router_b.reshape(1, E)
    qb = q_b.reshape(E, 1, D)
    kb = k_b.reshape(E, 1, D)
    vb = v_b.reshape(E, 1, D)
    ob = o_b.reshape(E, 1, D)

    gates, cums, eob, pbase, live, slot12 = pl.pallas_call(
        functools.partial(_router_body, nb=nb, bt=BT),
        grid=(1,),
        in_specs=[
            pl.BlockSpec((S, D), lambda i: (0, 0)),
            pl.BlockSpec((D, E), lambda i: (0, 0)),
            pl.BlockSpec((1, E), lambda i: (0, 0)),
        ],
        out_specs=[
            pl.BlockSpec((S, E), lambda i: (0, 0)),
            pl.BlockSpec((S, E), lambda i: (0, 0)),
            pl.BlockSpec((1, NBPAD), lambda i: (0, 0)),
            pl.BlockSpec((1, NBPAD), lambda i: (0, 0)),
            pl.BlockSpec((1, NBPAD), lambda i: (0, 0)),
            pl.BlockSpec((S, TOPK), lambda i: (0, 0)),
        ],
        out_shape=[
            jax.ShapeDtypeStruct((S, E), jnp.float32),
            jax.ShapeDtypeStruct((S, E), jnp.float32),
            jax.ShapeDtypeStruct((1, NBPAD), jnp.int32),
            jax.ShapeDtypeStruct((1, NBPAD), jnp.int32),
            jax.ShapeDtypeStruct((1, NBPAD), jnp.int32),
            jax.ShapeDtypeStruct((S, TOPK), jnp.int32),
        ],
    )(x2, router_w, rb)

    BP = 512
    NP = S // BP
    k_all, v_all = pl.pallas_call(
        functools.partial(_kv_body, dh=dh),
        grid=(E, NP),
        in_specs=[
            pl.BlockSpec((BP, D), lambda e, i: (i, 0)),
            pl.BlockSpec((1, D, D), lambda e, i: (e, 0, 0)),
            pl.BlockSpec((1, 1, D), lambda e, i: (e, 0, 0)),
            pl.BlockSpec((1, D, D), lambda e, i: (e, 0, 0)),
            pl.BlockSpec((1, 1, D), lambda e, i: (e, 0, 0)),
        ],
        out_specs=[
            pl.BlockSpec((1, H, BP, dh), lambda e, i: (e, 0, i, 0)),
            pl.BlockSpec((1, H, BP, dh), lambda e, i: (e, 0, i, 0)),
        ],
        out_shape=[jax.ShapeDtypeStruct((E, H, S, dh), jnp.bfloat16)] * 2,
    )(x16, kw16, kb, vw16, vb)

    grid_spec = pltpu.PrefetchScalarGridSpec(
        num_scalar_prefetch=3,
        grid=(nb,),
        in_specs=[
            pl.BlockSpec((S, D), lambda b, eob_s, pb_s, lv_s: (0, 0)),
            pl.BlockSpec((S, E), lambda b, eob_s, pb_s, lv_s: (0, 0)),
            pl.BlockSpec((S, E), lambda b, eob_s, pb_s, lv_s: (0, 0)),
            pl.BlockSpec((1, H, S, dh),
                         lambda b, eob_s, pb_s, lv_s: (eob_s[b], 0, 0, 0)),
            pl.BlockSpec((1, H, S, dh),
                         lambda b, eob_s, pb_s, lv_s: (eob_s[b], 0, 0, 0)),
            pl.BlockSpec((1, D, D), lambda b, eob_s, pb_s, lv_s: (eob_s[b], 0, 0)),
            pl.BlockSpec((1, 1, D), lambda b, eob_s, pb_s, lv_s: (eob_s[b], 0, 0)),
            pl.BlockSpec((1, D, D), lambda b, eob_s, pb_s, lv_s: (eob_s[b], 0, 0)),
            pl.BlockSpec((1, 1, D), lambda b, eob_s, pb_s, lv_s: (eob_s[b], 0, 0)),
        ],
        out_specs=pl.BlockSpec((1, BT, D),
                               lambda b, eob_s, pb_s, lv_s: (b, 0, 0)),
    )
    y_slots = pl.pallas_call(
        functools.partial(_moe_attn_body, dh=dh, scale=scale),
        grid_spec=grid_spec,
        out_shape=jax.ShapeDtypeStruct((nb, BT, D), jnp.float32),
    )(eob.reshape(NBPAD), pbase.reshape(NBPAD), live.reshape(NBPAD),
      x16, cums, gates, k_all, v_all, qw16, qb, ow16, ob)

    out = _sc_combine(S, D)(y_slots.reshape(nb * BT, D),
                            slot12.reshape(S * TOPK))
    return out.reshape(B, S, D)

# --- scband reference (transcript-rebuilt; emitter-appended) ---
"""Pipeline reference for scband-hierarchical-mo-eattention-31086973288494 (READ-ONLY COPY).

The authoritative reference and input builder live on the scoring server;
editing this copy changes nothing except your own understanding.
"""

import jax, jax.numpy as jnp
import numpy as np

E = 8
TOPK = 2
D = 768
H = 12
DH = D // H
B = 1
S = 2048


def setup_inputs(seed: int = 0) -> dict:
    key = jax.random.key(seed)
    ks = jax.random.split(key, 12)
    s_in = 1.0 / np.sqrt(np.sqrt(2.0) * D)
    s_out = 1.0 / np.sqrt(D)
    inp = {
        "x": jax.random.normal(ks[0], (B, S, D), dtype=jnp.float32),
        "router_w": jax.random.normal(ks[1], (D, E), dtype=jnp.float32) * s_out,
        "router_b": jnp.zeros((E,), dtype=jnp.float32),
        "q_w": jax.random.normal(ks[2], (E, D, D), dtype=jnp.float32) * s_in,
        "q_b": jnp.zeros((E, D), dtype=jnp.float32),
        "k_w": jax.random.normal(ks[3], (E, D, D), dtype=jnp.float32) * s_in,
        "k_b": jnp.zeros((E, D), dtype=jnp.float32),
        "v_w": jax.random.normal(ks[4], (E, D, D), dtype=jnp.float32) * s_in,
        "v_b": jnp.zeros((E, D), dtype=jnp.float32),
        "o_w": jax.random.normal(ks[5], (E, D, D), dtype=jnp.float32) * s_out,
        "o_b": jnp.zeros((E, D), dtype=jnp.float32),
    }
    return inp


def reference(x, router_w, router_b, q_w, q_b, k_w, k_b, v_w, v_b, o_w, o_b):
    Bq, Sq, Dq = x.shape
    # Router: per-token expert logits, top-k gating (hierarchical MoE dispatch)
    logits = jnp.einsum('bsd,de->bse', x, router_w) + router_b  # [B,S,E]
    top_vals, top_idx = jax.lax.top_k(logits, TOPK)             # [B,S,K]
    gates_k = jax.nn.softmax(top_vals, axis=-1)                 # [B,S,K]
    gates = jnp.sum(jax.nn.one_hot(top_idx, E, dtype=x.dtype) * gates_k[..., None], axis=2)  # [B,S,E]
    scale = 1.0 / np.sqrt(DH)
    out = jnp.zeros_like(x)
    for e in range(E):
        # BaseExpertAttention forward for expert e (eval mode: dropout is identity)
        q = (x @ q_w[e] + q_b[e]).reshape(Bq, Sq, H, DH).transpose(0, 2, 1, 3)
        k = (x @ k_w[e] + k_b[e]).reshape(Bq, Sq, H, DH).transpose(0, 2, 1, 3)
        v = (x @ v_w[e] + v_b[e]).reshape(Bq, Sq, H, DH).transpose(0, 2, 1, 3)
        attn_scores = jnp.einsum('bhqd,bhkd->bhqk', q, k) * scale
        attn_probs = jax.nn.softmax(attn_scores, axis=-1)
        attn_out = jnp.einsum('bhqk,bhkd->bhqd', attn_probs, v)
        attn_out = attn_out.transpose(0, 2, 1, 3).reshape(Bq, Sq, Dq)
        expert_out = attn_out @ o_w[e] + o_b[e]
        out = out + expert_out * gates[..., e][..., None]
    return out

if __name__ == "__main__":
    import jax
    _d = setup_inputs()
    print(jax.jit(kernel)(*tuple(_d.values())))

</pallas_src>

<mosaic_0001>
#map = affine_map<(d0, d1) -> (0, 0)>
#map1 = affine_map<(d0, d1) -> (0)>
module attributes {stable_mosaic.version = 14 : i64} {
  func.func @combine(%arg0: i32, %arg1: i32, %arg2: memref<6144x768xf32, #tpu.memory_space<hbm>>, %arg3: memref<4096xi32, #tpu.memory_space<hbm>>, %arg4: memref<2048x768xf32, #tpu.memory_space<hbm>>, %arg5: memref<64xi32, #tpu.memory_space<vmem>>, %arg6: memref<64xi32, #tpu.memory_space<vmem>>, %arg7: memref<64x768xf32, #tpu.memory_space<vmem>>, %arg8: memref<64x768xf32, #tpu.memory_space<vmem>>, %arg9: memref<32x768xf32, #tpu.memory_space<vmem>>, %arg10: memref<!tpu.dma_semaphore, #tpu.memory_space<semaphore_mem>>, %arg11: memref<!tpu.dma_semaphore, #tpu.memory_space<semaphore_mem>>) attributes {dimension_semantics = [#tpu.dimension_semantics<core_parallel>, #tpu.dimension_semantics<subcore_parallel>], iteration_bounds = array<i64: 2, 16>, scalar_prefetch = 0 : i64, scratch_operands = 7 : i64, tpu.core_type = #tpu.core_type<sc_vector_subcore>, window_params = [{transform_indices = #map}, {transform_indices = #map1}, {transform_indices = #map}]} {
    %mul3A = arith.constant 2 : i32
    %mul3A_0 = arith.muli %arg1, %mul3A : i32
    %add3A = arith.addi %mul3A_0, %arg0 : i32
    %mul3A_1 = arith.constant 64 : i32
    %mul3A_2 = arith.muli %add3A, %mul3A_1 : i32
    %mul3A_3 = arith.constant 2 : i32
    %mul3A_4 = arith.muli %mul3A_2, %mul3A_3 : i32
    "tpu.region"() ({
      %run_scoped3A = tpu.sem_alloc : memref<!tpu.dma_semaphore, #tpu.memory_space<semaphore_mem>>
      %dma_start3A_36 = tpu.memref_slice %arg3[%mul3A_4] : memref<4096xi32, #tpu.memory_space<hbm>> -> memref<64xi32, #tpu.memory_space<hbm>>
      %dma_start3A_37 = tpu.memref_slice %arg3[%mul3A_4] : memref<4096xi32, #tpu.memory_space<hbm>> -> memref<64xi32, #tpu.memory_space<hbm>>
      tpu.enqueue_dma source(%dma_start3A_37 : memref<64xi32, #tpu.memory_space<hbm>>) target(%arg5 : memref<64xi32, #tpu.memory_space<vmem>>) target_semaphore(%run_scoped3A : memref<!tpu.dma_semaphore, #tpu.memory_space<semaphore_mem>>)
      %dma_wait3A_38 = tpu.memref_slice %arg3[%mul3A_4] : memref<4096xi32, #tpu.memory_space<hbm>> -> memref<64xi32, #tpu.memory_space<hbm>>
      %dma_wait3A_39 = tpu.memref_slice %arg3[%mul3A_4] : memref<4096xi32, #tpu.memory_space<hbm>> -> memref<64xi32, #tpu.memory_space<hbm>>
      tpu.wait_dma2 semaphore(%run_scoped3A : memref<!tpu.dma_semaphore, #tpu.memory_space<semaphore_mem>>) src(%dma_wait3A_39 : memref<64xi32, #tpu.memory_space<hbm>>) dst(%arg5 : memref<64xi32, #tpu.memory_space<vmem>>)
      tpu.yield
    }) : () -> ()
    %mul3A_5 = arith.constant 2 : i32
    %mul3A_6 = arith.muli %mul3A_2, %mul3A_5 : i32
    %add3A_7 = arith.constant 64 : i32
    %add3A_8 = arith.addi %mul3A_6, %add3A_7 : i32
    "tpu.region"() ({
      %run_scoped3A = tpu.sem_alloc : memref<!tpu.dma_semaphore, #tpu.memory_space<semaphore_mem>>
      %dma_start3A_36 = tpu.memref_slice %arg3[%add3A_8] : memref<4096xi32, #tpu.memory_space<hbm>> -> memref<64xi32, #tpu.memory_space<hbm>>
      %dma_start3A_37 = tpu.memref_slice %arg3[%add3A_8] : memref<4096xi32, #tpu.memory_space<hbm>> -> memref<64xi32, #tpu.memory_space<hbm>>
      tpu.enqueue_dma source(%dma_start3A_37 : memref<64xi32, #tpu.memory_space<hbm>>) target(%arg6 : memref<64xi32, #tpu.memory_space<vmem>>) target_semaphore(%run_scoped3A : memref<!tpu.dma_semaphore, #tpu.memory_space<semaphore_mem>>)
      %dma_wait3A_38 = tpu.memref_slice %arg3[%add3A_8] : memref<4096xi32, #tpu.memory_space<hbm>> -> memref<64xi32, #tpu.memory_space<hbm>>
      %dma_wait3A_39 = tpu.memref_slice %arg3[%add3A_8] : memref<4096xi32, #tpu.memory_space<hbm>> -> memref<64xi32, #tpu.memory_space<hbm>>
      tpu.wait_dma2 semaphore(%run_scoped3A : memref<!tpu.dma_semaphore, #tpu.memory_space<semaphore_mem>>) src(%dma_wait3A_39 : memref<64xi32, #tpu.memory_space<hbm>>) dst(%arg6 : memref<64xi32, #tpu.memory_space<vmem>>)
      tpu.yield
    }) : () -> ()
    %dma_start3A = arith.constant 0 : i32
    %dma_start3A_9 = arith.constant 0 : i32
    %dma_start3A_10 = tpu.memref_slice %arg2[%dma_start3A, %dma_start3A_9] : memref<6144x768xf32, #tpu.memory_space<hbm>> -> memref<6144x768xf32, #tpu.memory_space<hbm>>
    tpu.enqueue_indirect_dma source(%dma_start3A_10 : memref<6144x768xf32, #tpu.memory_space<hbm>>) target(%arg7 : memref<64x768xf32, #tpu.memory_space<vmem>>) offsets(%arg5 : memref<64xi32, #tpu.memory_space<vmem>>) semaphore(%arg10 : memref<!tpu.dma_semaphore, #tpu.memory_space<semaphore_mem>>)
    %dma_start3A_11 = arith.constant 0 : i32
    %dma_start3A_12 = arith.constant 0 : i32
    %dma_start3A_13 = tpu.memref_slice %arg2[%dma_start3A_11, %dma_start3A_12] : memref<6144x768xf32, #tpu.memory_space<hbm>> -> memref<6144x768xf32, #tpu.memory_space<hbm>>
    tpu.enqueue_indirect_dma source(%dma_start3A_13 : memref<6144x768xf32, #tpu.memory_space<hbm>>) target(%arg8 : memref<64x768xf32, #tpu.memory_space<vmem>>) offsets(%arg6 : memref<64xi32, #tpu.memory_space<vmem>>) semaphore(%arg11 : memref<!tpu.dma_semaphore, #tpu.memory_space<semaphore_mem>>)
    %dma_wait3A = arith.constant 0 : i32
    %dma_wait3A_14 = arith.constant 0 : i32
    %dma_wait3A_15 = tpu.memref_slice %arg2[%dma_wait3A, %dma_wait3A_14] : memref<6144x768xf32, #tpu.memory_space<hbm>> -> memref<6144x768xf32, #tpu.memory_space<hbm>>
    tpu.wait_indirect_dma semaphore(%arg10 : memref<!tpu.dma_semaphore, #tpu.memory_space<semaphore_mem>>) src(%dma_wait3A_15 : memref<6144x768xf32, #tpu.memory_space<hbm>>) dst(%arg7 : memref<64x768xf32, #tpu.memory_space<vmem>>)
    %scan3A = arith.constant 0 : i32
    %scan3A_16 = arith.constant 0 : i32
    %scan3A_17 = arith.constant 32 : i32
    %scan3A_18 = arith.addi %scan3A_16, %scan3A_17 : i32
    %scan3A_19 = arith.constant 1 : i32
    %scan3A_20 = scf.for %scan3A_36 = %scan3A_16 to %scan3A_18 step %scan3A_19 iter_args(%scan3A_37 = %scan3A) -> (i32)  : i32 {
      %mul3A_38 = arith.constant 2 : i32
      %mul3A_39 = arith.muli %mul3A_38, %scan3A_36 : i32
      %get3A = arith.index_cast %mul3A_39 : i32 to index
      %get3A_40 = arith.constant 0 : index
      %get3A_41 = tpu.vector_load %arg7[%get3A, %get3A_40] {strides = array<i32>} : memref<64x768xf32, #tpu.memory_space<vmem>>, vector<1x16xf32>,
      %get3A_42 = vector.shape_cast %get3A_41 : vector<1x16xf32> to vector<16xf32>
      %mul3A_43 = arith.constant 2 : i32
      %mul3A_44 = arith.muli %mul3A_43, %scan3A_36 : i32
      %add3A_45 = arith.constant 1 : i32
      %add3A_46 = arith.addi %mul3A_44, %add3A_45 : i32
      %get3A_47 = arith.index_cast %add3A_46 : i32 to index
      %get3A_48 = arith.constant 0 : index
      %get3A_49 = tpu.vector_load %arg7[%get3A_47, %get3A_48] {strides = array<i32>} : memref<64x768xf32, #tpu.memory_space<vmem>>, vector<1x16xf32>,
      %get3A_50 = vector.shape_cast %get3A_49 : vector<1x16xf32> to vector<16xf32>
      %add3A_51 = arith.addf %get3A_42, %get3A_50 : vector<16xf32>
      %swap3A = arith.index_cast %scan3A_36 : i32 to index
      %swap3A_52 = arith.constant 0 : index
      %swap3A_53 = tpu.vector_load %arg9[%swap3A, %swap3A_52] {strides = array<i32>} : memref<32x768xf32, #tpu.memory_space<vmem>>, vector<1x16xf32>,
      %swap3A_54 = vector.shape_cast %swap3A_53 : vector<1x16xf32> to vector<16xf32>
      %swap3A_55 = vector.shape_cast %add3A_51 : vector<16xf32> to vector<1x16xf32>
      tpu.vector_store %arg9[%swap3A, %swap3A_52], %swap3A_55 {strides = array<i32>} : memref<32x768xf32, #tpu.memory_space<vmem>>, vector<1x16xf32>,
      %mul3A_56 = arith.constant 2 : i32
      %mul3A_57 = arith.muli %mul3A_56, %scan3A_36 : i32
      %get3A_58 = arith.index_cast %mul3A_57 : i32 to index
      %get3A_59 = arith.constant 16 : index
      %get3A_60 = tpu.vector_load %arg7[%get3A_58, %get3A_59] {strides = array<i32>} : memref<64x768xf32, #tpu.memory_space<vmem>>, vector<1x16xf32>,
      %get3A_61 = vector.shape_cast %get3A_60 : vector<1x16xf32> to vector<16xf32>
      %mul3A_62 = arith.constant 2 : i32
      %mul3A_63 = arith.muli %mul3A_62, %scan3A_36 : i32
      %add3A_64 = arith.constant 1 : i32
      %add3A_65 = arith.addi %mul3A_63, %add3A_64 : i32
      %get3A_66 = arith.index_cast %add3A_65 : i32 to index
      %get3A_67 = arith.constant 16 : index
      %get3A_68 = tpu.vector_load %arg7[%get3A_66, %get3A_67] {strides = array<i32>} : memref<64x768xf32, #tpu.memory_space<vmem>>, vector<1x16xf32>,
      %get3A_69 = vector.shape_cast %get3A_68 : vector<1x16xf32> to vector<16xf32>
      %add3A_70 = arith.addf %get3A_61, %get3A_69 : vector<16xf32>
      %swap3A_71 = arith.index_cast %scan3A_36 : i32 to index
      %swap3A_72 = arith.constant 16 : index
      %swap3A_73 = tpu.vector_load %arg9[%swap3A_71, %swap3A_72] {strides = array<i32>} : memref<32x768xf32, #tpu.memory_space<vmem>>, vector<1x16xf32>,
      %swap3A_74 = vector.shape_cast %swap3A_73 : vector<1x16xf32> to vector<16xf32>
      %swap3A_75 = vector.shape_cast %add3A_70 : vector<16xf32> to vector<1x16xf32>
      tpu.vector_store %arg9[%swap3A_71, %swap3A_72], %swap3A_75 {strides = array<i32>} : memref<32x768xf32, #tpu.memory_space<vmem>>, vector<1x16xf32>,
      %mul3A_76 = arith.constant 2 : i32
      %mul3A_77 = arith.muli %mul3A_76, %scan3A_36 : i32
      %get3A_78 = arith.index_cast %mul3A_77 : i32 to index
      %get3A_79 = arith.constant 32 : index
      %get3A_80 = tpu.vector_load %arg7[%get3A_78, %get3A_79] {strides = array<i32>} : memref<64x768xf32, #tpu.memory_space<vmem>>, vector<1x16xf32>,
      %get3A_81 = vector.shape_cast %get3A_80 : vector<1x16xf32> to vector<16xf32>
      %mul3A_82 = arith.constant 2 : i32
      %mul3A_83 = arith.muli %mul3A_82, %scan3A_36 : i32
      %add3A_84 = arith.constant 1 : i32
      %add3A_85 = arith.addi %mul3A_83, %add3A_84 : i32
      %get3A_86 = arith.index_cast %add3A_85 : i32 to index
      %get3A_87 = arith.constant 32 : index
      %get3A_88 = tpu.vector_load %arg7[%get3A_86, %get3A_87] {strides = array<i32>} : memref<64x768xf32, #tpu.memory_space<vmem>>, vector<1x16xf32>,
      %get3A_89 = vector.shape_cast %get3A_88 : vector<1x16xf32> to vector<16xf32>
      %add3A_90 = arith.addf %get3A_81, %get3A_89 : vector<16xf32>
      %swap3A_91 = arith.index_cast %scan3A_36 : i32 to index
      %swap3A_92 = arith.constant 32 : index
      %swap3A_93 = tpu.vector_load %arg9[%swap3A_91, %swap3A_92] {strides = array<i32>} : memref<32x768xf32, #tpu.memory_space<vmem>>, vector<1x16xf32>,
      %swap3A_94 = vector.shape_cast %swap3A_93 : vector<1x16xf32> to vector<16xf32>
      %swap3A_95 = vector.shape_cast %add3A_90 : vector<16xf32> to vector<1x16xf32>
      tpu.vector_store %arg9[%swap3A_91, %swap3A_92], %swap3A_95 {strides = array<i32>} : memref<32x768xf32, #tpu.memory_space<vmem>>, vector<1x16xf32>,
      %mul3A_96 = arith.constant 2 : i32
      %mul3A_97 = arith.muli %mul3A_96, %scan3A_36 : i32
      %get3A_98 = arith.index_cast %mul3A_97 : i32 to index
      %get3A_99 = arith.constant 48 : index
      %get3A_100 = tpu.vector_load %arg7[%get3A_98, %get3A_99] {strides = array<i32>} : memref<64x768xf32, #tpu.memory_space<vmem>>, vector<1x16xf32>,
      %get3A_101 = vector.shape_cast %get3A_100 : vector<1x16xf32> to vector<16xf32>
      %mul3A_102 = arith.constant 2 : i32
      %mul3A_103 = arith.muli %mul3A_102, %scan3A_36 : i32
      %add3A_104 = arith.constant 1 : i32
      %add3A_105 = arith.addi %mul3A_103, %add3A_104 : i32
      %get3A_106 = arith.index_cast %add3A_105 : i32 to index
      %get3A_107 = arith.constant 48 : index
      %get3A_108 = tpu.vector_load %arg7[%get3A_106, %get3A_107] {strides = array<i32>} : memref<64x768xf32, #tpu.memory_space<vmem>>, vector<1x16xf32>,
      %get3A_109 = vector.shape_cast %get3A_108 : vector<1x16xf32> to vector<16xf32>
      %add3A_110 = arith.addf %get3A_101, %get3A_109 : vector<16xf32>
      %swap3A_111 = arith.index_cast %scan3A_36 : i32 to index
      %swap3A_112 = arith.constant 48 : index
      %swap3A_113 = tpu.vector_load %arg9[%swap3A_111, %swap3A_112] {strides = array<i32>} : memref<32x768xf32, #tpu.memory_space<vmem>>, vector<1x16xf32>,
      %swap3A_114 = vector.shape_cast %swap3A_113 : vector<1x16xf32> to vector<16xf32>
      %swap3A_115 = vector.shape_cast %add3A_110 : vector<16xf32> to vector<1x16xf32>
      tpu.vector_store %arg9[%swap3A_111, %swap3A_112], %swap3A_115 {strides = array<i32>} : memref<32x768xf32, #tpu.memory_space<vmem>>, vector<1x16xf32>,
      %mul3A_116 = arith.constant 2 : i32
      %mul3A_117 = arith.muli %mul3A_116, %scan3A_36 : i32
      %get3A_118 = arith.index_cast %mul3A_117 : i32 to index
      %get3A_119 = arith.constant 64 : index
      %get3A_120 = tpu.vector_load %arg7[%get3A_118, %get3A_119] {strides = array<i32>} : memref<64x768xf32, #tpu.memory_space<vmem>>, vector<1x16xf32>,
      %get3A_121 = vector.shape_cast %get3A_120 : vector<1x16xf32> to vector<16xf32>
      %mul3A_122 = arith.constant 2 : i32
      %mul3A_123 = arith.muli %mul3A_122, %scan3A_36 : i32
      %add3A_124 = arith.constant 1 : i32
      %add3A_125 = arith.addi %mul3A_123, %add3A_124 : i32
      %get3A_126 = arith.index_cast %add3A_125 : i32 to index
      %get3A_127 = arith.constant 64 : index
      %get3A_128 = tpu.vector_load %arg7[%get3A_126, %get3A_127] {strides = array<i32>} : memref<64x768xf32, #tpu.memory_space<vmem>>, vector<1x16xf32>,
      %get3A_129 = vector.shape_cast %get3A_128 : vector<1x16xf32> to vector<16xf32>
      %add3A_130 = arith.addf %get3A_121, %get3A_129 : vector<16xf32>
      %swap3A_131 = arith.index_cast %scan3A_36 : i32 to index
      %swap3A_132 = arith.constant 64 : index
      %swap3A_133 = tpu.vector_load %arg9[%swap3A_131, %swap3A_132] {strides = array<i32>} : memref<32x768xf32, #tpu.memory_space<vmem>>, vector<1x16xf32>,
      %swap3A_134 = vector.shape_cast %swap3A_133 : vector<1x16xf32> to vector<16xf32>
      %swap3A_135 = vector.shape_cast %add3A_130 : vector<16xf32> to vector<1x16xf32>
      tpu.vector_store %arg9[%swap3A_131, %swap3A_132], %swap3A_135 {strides = array<i32>} : memref<32x768xf32, #tpu.memory_space<vmem>>, vector<1x16xf32>,
      %mul3A_136 = arith.constant 2 : i32
      %mul3A_137 = arith.muli %mul3A_136, %scan3A_36 : i32
      %get3A_138 = arith.index_cast %mul3A_137 : i32 to index
      %get3A_139 = arith.constant 80 : index
      %get3A_140 = tpu.vector_load %arg7[%get3A_138, %get3A_139] {strides = array<i32>} : memref<64x768xf32, #tpu.memory_space<vmem>>, vector<1x16xf32>,
      %get3A_141 = vector.shape_cast %get3A_140 : vector<1x16xf32> to vector<16xf32>
      %mul3A_142 = arith.constant 2 : i32
      %mul3A_143 = arith.muli %mul3A_142, %scan3A_36 : i32
      %add3A_144 = arith.constant 1 : i32
      %add3A_145 = arith.addi %mul3A_143, %add3A_144 : i32
      %get3A_146 = arith.index_cast %add3A_145 : i32 to index
      %get3A_147 = arith.constant 80 : index
      %get3A_148 = tpu.vector_load %arg7[%get3A_146, %get3A_147] {strides = array<i32>} : memref<64x768xf32, #tpu.memory_space<vmem>>, vector<1x16xf32>,
      %get3A_149 = vector.shape_cast %get3A_148 : vector<1x16xf32> to vector<16xf32>
      %add3A_150 = arith.addf %get3A_141, %get3A_149 : vector<16xf32>
      %swap3A_151 = arith.index_cast %scan3A_36 : i32 to index
      %swap3A_152 = arith.constant 80 : index
      %swap3A_153 = tpu.vector_load %arg9[%swap3A_151, %swap3A_152] {strides = array<i32>} : memref<32x768xf32, #tpu.memory_space<vmem>>, vector<1x16xf32>,
      %swap3A_154 = vector.shape_cast %swap3A_153 : vector<1x16xf32> to vector<16xf32>
      %swap3A_155 = vector.shape_cast %add3A_150 : vector<16xf32> to vector<1x16xf32>
      tpu.vector_store %arg9[%swap3A_151, %swap3A_152], %swap3A_155 {strides = array<i32>} : memref<32x768xf32, #tpu.memory_space<vmem>>, vector<1x16xf32>,
      %mul3A_156 = arith.constant 2 : i32
      %mul3A_157 = arith.muli %mul3A_156, %scan3A_36 : i32
      %get3A_158 = arith.index_cast %mul3A_157 : i32 to index
      %get3A_159 = arith.constant 96 : index
      %get3A_160 = tpu.vector_load %arg7[%get3A_158, %get3A_159] {strides = array<i32>} : memref<64x768xf32, #tpu.memory_space<vmem>>, vector<1x16xf32>,
      %get3A_161 = vector.shape_cast %get3A_160 : vector<1x16xf32> to vector<16xf32>
      %mul3A_162 = arith.constant 2 : i32
      %mul3A_163 = arith.muli %mul3A_162, %scan3A_36 : i32
      %add3A_164 = arith.constant 1 : i32
      %add3A_165 = arith.addi %mul3A_163, %add3A_164 : i32
      %get3A_166 = arith.index_cast %add3A_165 : i32 to index
      %get3A_167 = arith.constant 96 : index
      %get3A_168 = tpu.vector_load %arg7[%get3A_166, %get3A_167] {strides = array<i32>} : memref<64x768xf32, #tpu.memory_space<vmem>>, vector<1x16xf32>,
      %get3A_169 = vector.shape_cast %get3A_168 : vector<1x16xf32> to vector<16xf32>
      %add3A_170 = arith.addf %get3A_161, %get3A_169 : vector<16xf32>
      %swap3A_171 = arith.index_cast %scan3A_36 : i32 to index
      %swap3A_172 = arith.constant 96 : index
      %swap3A_173 = tpu.vector_load %arg9[%swap3A_171, %swap3A_172] {strides = array<i32>} : memref<32x768xf32, #tpu.memory_space<vmem>>, vector<1x16xf32>,
      %swap3A_174 = vector.shape_cast %swap3A_173 : vector<1x16xf32> to vector<16xf32>
      %swap3A_175 = vector.shape_cast %add3A_170 : vector<16xf32> to vector<1x16xf32>
      tpu.vector_store %arg9[%swap3A_171, %swap3A_172], %swap3A_175 {strides = array<i32>} : memref<32x768xf32, #tpu.memory_space<vmem>>, vector<1x16xf32>,
      %mul3A_176 = arith.constant 2 : i32
      %mul3A_177 = arith.muli %mul3A_176, %scan3A_36 : i32
      %get3A_178 = arith.index_cast %mul3A_177 : i32 to index
      %get3A_179 = arith.constant 112 : index
      %get3A_180 = tpu.vector_load %arg7[%get3A_178, %get3A_179] {strides = array<i32>} : memref<64x768xf32, #tpu.memory_space<vmem>>, vector<1x16xf32>,
      %get3A_181 = vector.shape_cast %get3A_180 : vector<1x16xf32> to vector<16xf32>
      %mul3A_182 = arith.constant 2 : i32
      %mul3A_183 = arith.muli %mul3A_182, %scan3A_36 : i32
      %add3A_184 = arith.constant 1 : i32
      %add3A_185 = arith.addi %mul3A_183, %add3A_184 : i32
      %get3A_186 = arith.index_cast %add3A_185 : i32 to index
      %get3A_187 = arith.constant 112 : index
      %get3A_188 = tpu.vector_load %arg7[%get3A_186, %get3A_187] {strides = array<i32>} : memref<64x768xf32, #tpu.memory_space<vmem>>, vector<1x16xf32>,
      %get3A_189 = vector.shape_cast %get3A_188 : vector<1x16xf32> to vector<16xf32>
      %add3A_190 = arith.addf %get3A_181, %get3A_189 : vector<16xf32>
      %swap3A_191 = arith.index_cast %scan3A_36 : i32 to index
      %swap3A_192 = arith.constant 112 : index
      %swap3A_193 = tpu.vector_load %arg9[%swap3A_191, %swap3A_192] {strides = array<i32>} : memref<32x768xf32, #tpu.memory_space<vmem>>, vector<1x16xf32>,
      %swap3A_194 = vector.shape_cast %swap3A_193 : vector<1x16xf32> to vector<16xf32>
      %swap3A_195 = vector.shape_cast %add3A_190 : vector<16xf32> to vector<1x16xf32>
      tpu.vector_store %arg9[%swap3A_191, %swap3A_192], %swap3A_195 {strides = array<i32>} : memref<32x768xf32, #tpu.memory_space<vmem>>, vector<1x16xf32>,
      %mul3A_196 = arith.constant 2 : i32
      %mul3A_197 = arith.muli %mul3A_196, %scan3A_36 : i32
      %get3A_198 = arith.index_cast %mul3A_197 : i32 to index
      %get3A_199 = arith.constant 128 : index
      %get3A_200 = tpu.vector_load %arg7[%get3A_198, %get3A_199] {strides = array<i32>} : memref<64x768xf32, #tpu.memory_space<vmem>>, vector<1x16xf32>,
      %get3A_201 = vector.shape_cast %get3A_200 : vector<1x16xf32> to vector<16xf32>
      %mul3A_202 = arith.constant 2 : i32
      %mul3A_203 = arith.muli %mul3A_202, %scan3A_36 : i32
      %add3A_204 = arith.constant 1 : i32
      %add3A_205 = arith.addi %mul3A_203, %add3A_204 : i32
      %get3A_206 = arith.index_cast %add3A_205 : i32 to index
      %get3A_207 = arith.constant 128 : index
      %get3A_208 = tpu.vector_load %arg7[%get3A_206, %get3A_207] {strides = array<i32>} : memref<64x768xf32, #tpu.memory_space<vmem>>, vector<1x16xf32>,
      %get3A_209 = vector.shape_cast %get3A_208 : vector<1x16xf32> to vector<16xf32>
      %add3A_210 = arith.addf %get3A_201, %get3A_209 : vector<16xf32>
      %swap3A_211 = arith.index_cast %scan3A_36 : i32 to index
      %swap3A_212 = arith.constant 128 : index
      %swap3A_213 = tpu.vector_load %arg9[%swap3A_211, %swap3A_212] {strides = array<i32>} : memref<32x768xf32, #tpu.memory_space<vmem>>, vector<1x16xf32>,
      %swap3A_214 = vector.shape_cast %swap3A_213 : vector<1x16xf32> to vector<16xf32>
      %swap3A_215 = vector.shape_cast %add3A_210 : vector<16xf32> to vector<1x16xf32>
      tpu.vector_store %arg9[%swap3A_211, %swap3A_212], %swap3A_215 {strides = array<i32>} : memref<32x768xf32, #tpu.memory_space<vmem>>, vector<1x16xf32>,
      %mul3A_216 = arith.constant 2 : i32
      %mul3A_217 = arith.muli %mul3A_216, %scan3A_36 : i32
      %get3A_218 = arith.index_cast %mul3A_217 : i32 to index
      %get3A_219 = arith.constant 144 : index
      %get3A_220 = tpu.vector_load %arg7[%get3A_218, %get3A_219] {strides = array<i32>} : memref<64x768xf32, #tpu.memory_space<vmem>>, vector<1x16xf32>,
      %get3A_221 = vector.shape_cast %get3A_220 : vector<1x16xf32> to vector<16xf32>
      %mul3A_222 = arith.constant 2 : i32
      %mul3A_223 = arith.muli %mul3A_222, %scan3A_36 : i32
      %add3A_224 = arith.constant 1 : i32
      %add3A_225 = arith.addi %mul3A_223, %add3A_224 : i32
      %get3A_226 = arith.index_cast %add3A_225 : i32 to index
      %get3A_227 = arith.constant 144 : index
      %get3A_228 = tpu.vector_load %arg7[%get3A_226, %get3A_227] {strides = array<i32>} : memref<64x768xf32, #tpu.memory_space<vmem>>, vector<1x16xf32>,
      %get3A_229 = vector.shape_cast %get3A_228 : vector<1x16xf32> to vector<16xf32>
      %add3A_230 = arith.addf %get3A_221, %get3A_229 : vector<16xf32>
      %swap3A_231 = arith.index_cast %scan3A_36 : i32 to index
      %swap3A_232 = arith.constant 144 : index
      %swap3A_233 = tpu.vector_load %arg9[%swap3A_231, %swap3A_232] {strides = array<i32>} : memref<32x768xf32, #tpu.memory_space<vmem>>, vector<1x16xf32>,
      %swap3A_234 = vector.shape_cast %swap3A_233 : vector<1x16xf32> to vector<16xf32>
      %swap3A_235 = vector.shape_cast %add3A_230 : vector<16xf32> to vector<1x16xf32>
      tpu.vector_store %arg9[%swap3A_231, %swap3A_232], %swap3A_235 {strides = array<i32>} : memref<32x768xf32, #tpu.memory_space<vmem>>, vector<1x16xf32>,
      %mul3A_236 = arith.constant 2 : i32
      %mul3A_237 = arith.muli %mul3A_236, %scan3A_36 : i32
      %get3A_238 = arith.index_cast %mul3A_237 : i32 to index
      %get3A_239 = arith.constant 160 : index
      %get3A_240 = tpu.vector_load %arg7[%get3A_238, %get3A_239] {strides = array<i32>} : memref<64x768xf32, #tpu.memory_space<vmem>>, vector<1x16xf32>,
      %get3A_241 = vector.shape_cast %get3A_240 : vector<1x16xf32> to vector<16xf32>
      %mul3A_242 = arith.constant 2 : i32
      %mul3A_243 = arith.muli %mul3A_242, %scan3A_36 : i32
      %add3A_244 = arith.constant 1 : i32
      %add3A_245 = arith.addi %mul3A_243, %add3A_244 : i32
      %get3A_246 = arith.index_cast %add3A_245 : i32 to index
      %get3A_247 = arith.constant 160 : index
      %get3A_248 = tpu.vector_load %arg7[%get3A_246, %get3A_247] {strides = array<i32>} : memref<64x768xf32, #tpu.memory_space<vmem>>, vector<1x16xf32>,
      %get3A_249 = vector.shape_cast %get3A_248 : vector<1x16xf32> to vector<16xf32>
      %add3A_250 = arith.addf %get3A_241, %get3A_249 : vector<16xf32>
      %swap3A_251 = arith.index_cast %scan3A_36 : i32 to index
      %swap3A_252 = arith.constant 160 : index
      %swap3A_253 = tpu.vector_load %arg9[%swap3A_251, %swap3A_252] {strides = array<i32>} : memref<32x768xf32, #tpu.memory_space<vmem>>, vector<1x16xf32>,
      %swap3A_254 = vector.shape_cast %swap3A_253 : vector<1x16xf32> to vector<16xf32>
      %swap3A_255 = vector.shape_cast %add3A_250 : vector<16xf32> to vector<1x16xf32>
      tpu.vector_store %arg9[%swap3A_251, %swap3A_252], %swap3A_255 {strides = array<i32>} : memref<32x768xf32, #tpu.memory_space<vmem>>, vector<1x16xf32>,
      %mul3A_256 = arith.constant 2 : i32
      %mul3A_257 = arith.muli %mul3A_256, %scan3A_36 : i32
      %get3A_258 = arith.index_cast %mul3A_257 : i32 to index
      %get3A_259 = arith.constant 176 : index
      %get3A_260 = tpu.vector_load %arg7[%get3A_258, %get3A_259] {strides = array<i32>} : memref<64x768xf32, #tpu.memory_space<vmem>>, vector<1x16xf32>,
      %get3A_261 = vector.shape_cast %get3A_260 : vector<1x16xf32> to vector<16xf32>
      %mul3A_262 = arith.constant 2 : i32
      %mul3A_263 = arith.muli %mul3A_262, %scan3A_36 : i32
      %add3A_264 = arith.constant 1 : i32
      %add3A_265 = arith.addi %mul3A_263, %add3A_264 : i32
      %get3A_266 = arith.index_cast %add3A_265 : i32 to index
      %get3A_267 = arith.constant 176 : index
      %get3A_268 = tpu.vector_load %arg7[%get3A_266, %get3A_267] {strides = array<i32>} : memref<64x768xf32, #tpu.memory_space<vmem>>, vector<1x16xf32>,
      %get3A_269 = vector.shape_cast %get3A_268 : vector<1x16xf32> to vector<16xf32>
      %add3A_270 = arith.addf %get3A_261, %get3A_269 : vector<16xf32>
      %swap3A_271 = arith.index_cast %scan3A_36 : i32 to index
      %swap3A_272 = arith.constant 176 : index
      %swap3A_273 = tpu.vector_load %arg9[%swap3A_271, %swap3A_272] {strides = array<i32>} : memref<32x768xf32, #tpu.memory_space<vmem>>, vector<1x16xf32>,
      %swap3A_274 = vector.shape_cast %swap3A_273 : vector<1x16xf32> to vector<16xf32>
      %swap3A_275 = vector.shape_cast %add3A_270 : vector<16xf32> to vector<1x16xf32>
      tpu.vector_store %arg9[%swap3A_271, %swap3A_272], %swap3A_275 {strides = array<i32>} : memref<32x768xf32, #tpu.memory_space<vmem>>, vector<1x16xf32>,
      %mul3A_276 = arith.constant 2 : i32
      %mul3A_277 = arith.muli %mul3A_276, %scan3A_36 : i32
      %get3A_278 = arith.index_cast %mul3A_277 : i32 to index
      %get3A_279 = arith.constant 192 : index
      %get3A_280 = tpu.vector_load %arg7[%get3A_278, %get3A_279] {strides = array<i32>} : memref<64x768xf32, #tpu.memory_space<vmem>>, vector<1x16xf32>,
      %get3A_281 = vector.shape_cast %get3A_280 : vector<1x16xf32> to vector<16xf32>
      %mul3A_282 = arith.constant 2 : i32
      %mul3A_283 = arith.muli %mul3A_282, %scan3A_36 : i32
      %add3A_284 = arith.constant 1 : i32
      %add3A_285 = arith.addi %mul3A_283, %add3A_284 : i32
      %get3A_286 = arith.index_cast %add3A_285 : i32 to index
      %get3A_287 = arith.constant 192 : index
      %get3A_288 = tpu.vector_load %arg7[%get3A_286, %get3A_287] {strides = array<i32>} : memref<64x768xf32, #tpu.memory_space<vmem>>, vector<1x16xf32>,
      %get3A_289 = vector.shape_cast %get3A_288 : vector<1x16xf32> to vector<16xf32>
      %add3A_290 = arith.addf %get3A_281, %get3A_289 : vector<16xf32>
      %swap3A_291 = arith.index_cast %scan3A_36 : i32 to index
      %swap3A_292 = arith.constant 192 : index
      %swap3A_293 = tpu.vector_load %arg9[%swap3A_291, %swap3A_292] {strides = array<i32>} : memref<32x768xf32, #tpu.memory_space<vmem>>, vector<1x16xf32>,
      %swap3A_294 = vector.shape_cast %swap3A_293 : vector<1x16xf32> to vector<16xf32>
      %swap3A_295 = vector.shape_cast %add3A_290 : vector<16xf32> to vector<1x16xf32>
      tpu.vector_store %arg9[%swap3A_291, %swap3A_292], %swap3A_295 {strides = array<i32>} : memref<32x768xf32, #tpu.memory_space<vmem>>, vector<1x16xf32>,
      %mul3A_296 = arith.constant 2 : i32
      %mul3A_297 = arith.muli %mul3A_296, %scan3A_36 : i32
      %get3A_298 = arith.index_cast %mul3A_297 : i32 to index
      %get3A_299 = arith.constant 208 : index
      %get3A_300 = tpu.vector_load %arg7[%get3A_298, %get3A_299] {strides = array<i32>} : memref<64x768xf32, #tpu.memory_space<vmem>>, vector<1x16xf32>,
      %get3A_301 = vector.shape_cast %get3A_300 : vector<1x16xf32> to vector<16xf32>
      %mul3A_302 = arith.constant 2 : i32
      %mul3A_303 = arith.muli %mul3A_302, %scan3A_36 : i32
      %add3A_304 = arith.constant 1 : i32
      %add3A_305 = arith.addi %mul3A_303, %add3A_304 : i32
      %get3A_306 = arith.index_cast %add3A_305 : i32 to index
      %get3A_307 = arith.constant 208 : index
      %get3A_308 = tpu.vector_load %arg7[%get3A_306, %get3A_307] {strides = array<i32>} : memref<64x768xf32, #tpu.memory_space<vmem>>, vector<1x16xf32>,
      %get3A_309 = vector.shape_cast %get3A_308 : vector<1x16xf32> to vector<16xf32>
      %add3A_310 = arith.addf %get3A_301, %get3A_309 : vector<16xf32>
      %swap3A_311 = arith.index_cast %scan3A_36 : i32 to index
      %swap3A_312 = arith.constant 208 : index
      %swap3A_313 = tpu.vector_load %arg9[%swap3A_311, %swap3A_312] {strides = array<i32>} : memref<32x768xf32, #tpu.memory_space<vmem>>, vector<1x16xf32>,
      %swap3A_314 = vector.shape_cast %swap3A_313 : vector<1x16xf32> to vector<16xf32>
      %swap3A_315 = vector.shape_cast %add3A_310 : vector<16xf32> to vector<1x16xf32>
      tpu.vector_store %arg9[%swap3A_311, %swap3A_312], %swap3A_315 {strides = array<i32>} : memref<32x768xf32, #tpu.memory_space<vmem>>, vector<1x16xf32>,
      %mul3A_316 = arith.constant 2 : i32
      %mul3A_317 = arith.muli %mul3A_316, %scan3A_36 : i32
      %get3A_318 = arith.index_cast %mul3A_317 : i32 to index
      %get3A_319 = arith.constant 224 : index
      %get3A_320 = tpu.vector_load %arg7[%get3A_318, %get3A_319] {strides = array<i32>} : memref<64x768xf32, #tpu.memory_space<vmem>>, vector<1x16xf32>,
      %get3A_321 = vector.shape_cast %get3A_320 : vector<1x16xf32> to vector<16xf32>
      %mul3A_322 = arith.constant 2 : i32
      %mul3A_323 = arith.muli %mul3A_322, %scan3A_36 : i32
      %add3A_324 = arith.constant 1 : i32
      %add3A_325 = arith.addi %mul3A_323, %add3A_324 : i32
      %get3A_326 = arith.index_cast %add3A_325 : i32 to index
      %get3A_327 = arith.constant 224 : index
      %get3A_328 = tpu.vector_load %arg7[%get3A_326, %get3A_327] {strides = array<i32>} : memref<64x768xf32, #tpu.memory_space<vmem>>, vector<1x16xf32>,
      %get3A_329 = vector.shape_cast %get3A_328 : vector<1x16xf32> to vector<16xf32>
      %add3A_330 = arith.addf %get3A_321, %get3A_329 : vector<16xf32>
      %swap3A_331 = arith.index_cast %scan3A_36 : i32 to index
      %swap3A_332 = arith.constant 224 : index
      %swap3A_333 = tpu.vector_load %arg9[%swap3A_331, %swap3A_332] {strides = array<i32>} : memref<32x768xf32, #tpu.memory_space<vmem>>, vector<1x16xf32>,
      %swap3A_334 = vector.shape_cast %swap3A_333 : vector<1x16xf32> to vector<16xf32>
      %swap3A_335 = vector.shape_cast %add3A_330 : vector<16xf32> to vector<1x16xf32>
      tpu.vector_store %arg9[%swap3A_331, %swap3A_332], %swap3A_335 {strides = array<i32>} : memref<32x768xf32, #tpu.memory_space<vmem>>, vector<1x16xf32>,
      %mul3A_336 = arith.constant 2 : i32
      %mul3A_337 = arith.muli %mul3A_336, %scan3A_36 : i32
      %get3A_338 = arith.index_cast %mul3A_337 : i32 to index
      %get3A_339 = arith.constant 240 : index
      %get3A_340 = tpu.vector_load %arg7[%get3A_338, %get3A_339] {strides = array<i32>} : memref<64x768xf32, #tpu.memory_space<vmem>>, vector<1x16xf32>,
      %get3A_341 = vector.shape_cast %get3A_340 : vector<1x16xf32> to vector<16xf32>
      %mul3A_342 = arith.constant 2 : i32
      %mul3A_343 = arith.muli %mul3A_342, %scan3A_36 : i32
      %add3A_344 = arith.constant 1 : i32
      %add3A_345 = arith.addi %mul3A_343, %add3A_344 : i32
      %get3A_346 = arith.index_cast %add3A_345 : i32 to index
      %get3A_347 = arith.constant 240 : index
      %get3A_348 = tpu.vector_load %arg7[%get3A_346, %get3A_347] {strides = array<i32>} : memref<64x768xf32, #tpu.memory_space<vmem>>, vector<1x16xf32>,
      %get3A_349 = vector.shape_cast %get3A_348 : vector<1x16xf32> to vector<16xf32>
      %add3A_350 = arith.addf %get3A_341, %get3A_349 : vector<16xf32>
      %swap3A_351 = arith.index_cast %scan3A_36 : i32 to index
      %swap3A_352 = arith.constant 240 : index
      %swap3A_353 = tpu.vector_load %arg9[%swap3A_351, %swap3A_352] {strides = array<i32>} : memref<32x768xf32, #tpu.memory_space<vmem>>, vector<1x16xf32>,
      %swap3A_354 = vector.shape_cast %swap3A_353 : vector<1x16xf32> to vector<16xf32>
      %swap3A_355 = vector.shape_cast %add3A_350 : vector<16xf32> to vector<1x16xf32>
      tpu.vector_store %arg9[%swap3A_351, %swap3A_352], %swap3A_355 {strides = array<i32>} : memref<32x768xf32, #tpu.memory_space<vmem>>, vector<1x16xf32>,
      %mul3A_356 = arith.constant 2 : i32
      %mul3A_357 = arith.muli %mul3A_356, %scan3A_36 : i32
      %get3A_358 = arith.index_cast %mul3A_357 : i32 to index
      %get3A_359 = arith.constant 256 : index
      %get3A_360 = tpu.vector_load %arg7[%get3A_358, %get3A_359] {strides = array<i32>} : memref<64x768xf32, #tpu.memory_space<vmem>>, vector<1x16xf32>,
      %get3A_361 = vector.shape_cast %get3A_360 : vector<1x16xf32> to vector<16xf32>
      %mul3A_362 = arith.constant 2 : i32
      %mul3A_363 = arith.muli %mul3A_362, %scan3A_36 : i32
      %add3A_364 = arith.constant 1 : i32
      %add3A_365 = arith.addi %mul3A_363, %add3A_364 : i32
      %get3A_366 = arith.index_cast %add3A_365 : i32 to index
      %get3A_367 = arith.constant 256 : index
      %get3A_368 = tpu.vector_load %arg7[%get3A_366, %get3A_367] {strides = array<i32>} : memref<64x768xf32, #tpu.memory_space<vmem>>, vector<1x16xf32>,
      %get3A_369 = vector.shape_cast %get3A_368 : vector<1x16xf32> to vector<16xf32>
      %add3A_370 = arith.addf %get3A_361, %get3A_369 : vector<16xf32>
      %swap3A_371 = arith.index_cast %scan3A_36 : i32 to index
      %swap3A_372 = arith.constant 256 : index
      %swap3A_373 = tpu.vector_load %arg9[%swap3A_371, %swap3A_372] {strides = array<i32>} : memref<32x768xf32, #tpu.memory_space<vmem>>, vector<1x16xf32>,
      %swap3A_374 = vector.shape_cast %swap3A_373 : vector<1x16xf32> to vector<16xf32>
      %swap3A_375 = vector.shape_cast %add3A_370 : vector<16xf32> to vector<1x16xf32>
      tpu.vector_store %arg9[%swap3A_371, %swap3A_372], %swap3A_375 {strides = array<i32>} : memref<32x768xf32, #tpu.memory_space<vmem>>, vector<1x16xf32>,
      %mul3A_376 = arith.constant 2 : i32
      %mul3A_377 = arith.muli %mul3A_376, %scan3A_36 : i32
      %get3A_378 = arith.index_cast %mul3A_377 : i32 to index
      %get3A_379 = arith.constant 272 : index
      %get3A_380 = tpu.vector_load %arg7[%get3A_378, %get3A_379] {strides = array<i32>} : memref<64x768xf32, #tpu.memory_space<vmem>>, vector<1x16xf32>,
      %get3A_381 = vector.shape_cast %get3A_380 : vector<1x16xf32> to vector<16xf32>
      %mul3A_382 = arith.constant 2 : i32
      %mul3A_383 = arith.muli %mul3A_382, %scan3A_36 : i32
      %add3A_384 = arith.constant 1 : i32
      %add3A_385 = arith.addi %mul3A_383, %add3A_384 : i32
      %get3A_386 = arith.index_cast %add3A_385 : i32 to index
      %get3A_387 = arith.constant 272 : index
      %get3A_388 = tpu.vector_load %arg7[%get3A_386, %get3A_387] {strides = array<i32>} : memref<64x768xf32, #tpu.memory_space<vmem>>, vector<1x16xf32>,
      %get3A_389 = vector.shape_cast %get3A_388 : vector<1x16xf32> to vector<16xf32>
      %add3A_390 = arith.addf %get3A_381, %get3A_389 : vector<16xf32>
      %swap3A_391 = arith.index_cast %scan3A_36 : i32 to index
      %swap3A_392 = arith.constant 272 : index
      %swap3A_393 = tpu.vector_load %arg9[%swap3A_391, %swap3A_392] {strides = array<i32>} : memref<32x768xf32, #tpu.memory_space<vmem>>, vector<1x16xf32>,
      %swap3A_394 = vector.shape_cast %swap3A_393 : vector<1x16xf32> to vector<16xf32>
      %swap3A_395 = vector.shape_cast %add3A_390 : vector<16xf32> to vector<1x16xf32>
      tpu.vector_store %arg9[%swap3A_391, %swap3A_392], %swap3A_395 {strides = array<i32>} : memref<32x768xf32, #tpu.memory_space<vmem>>, vector<1x16xf32>,
      %mul3A_396 = arith.constant 2 : i32
      %mul3A_397 = arith.muli %mul3A_396, %scan3A_36 : i32
      %get3A_398 = arith.index_cast %mul3A_397 : i32 to index
      %get3A_399 = arith.constant 288 : index
      %get3A_400 = tpu.vector_load %arg7[%get3A_398, %get3A_399] {strides = array<i32>} : memref<64x768xf32, #tpu.memory_space<vmem>>, vector<1x16xf32>,
      %get3A_401 = vector.shape_cast %get3A_400 : vector<1x16xf32> to vector<16xf32>
      %mul3A_402 = arith.constant 2 : i32
      %mul3A_403 = arith.muli %mul3A_402, %scan3A_36 : i32
      %add3A_404 = arith.constant 1 : i32
      %add3A_405 = arith.addi %mul3A_403, %add3A_404 : i32
      %get3A_406 = arith.index_cast %add3A_405 : i32 to index
      %get3A_407 = arith.constant 288 : index
      %get3A_408 = tpu.vector_load %arg7[%get3A_406, %get3A_407] {strides = array<i32>} : memref<64x768xf32, #tpu.memory_space<vmem>>, vector<1x16xf32>,
      %get3A_409 = vector.shape_cast %get3A_408 : vector<1x16xf32> to vector<16xf32>
      %add3A_410 = arith.addf %get3A_401, %get3A_409 : vector<16xf32>
      %swap3A_411 = arith.index_cast %scan3A_36 : i32 to index
      %swap3A_412 = arith.constant 288 : index
      %swap3A_413 = tpu.vector_load %arg9[%swap3A_411, %swap3A_412] {strides = array<i32>} : memref<32x768xf32, #tpu.memory_space<vmem>>, vector<1x16xf32>,
      %swap3A_414 = vector.shape_cast %swap3A_413 : vector<1x16xf32> to vector<16xf32>
      %swap3A_415 = vector.shape_cast %add3A_410 : vector<16xf32> to vector<1x16xf32>
      tpu.vector_store %arg9[%swap3A_411, %swap3A_412], %swap3A_415 {strides = array<i32>} : memref<32x768xf32, #tpu.memory_space<vmem>>, vector<1x16xf32>,
      %mul3A_416 = arith.constant 2 : i32
      %mul3A_417 = arith.muli %mul3A_416, %scan3A_36 : i32
      %get3A_418 = arith.index_cast %mul3A_417 : i32 to index
      %get3A_419 = arith.constant 304 : index
      %get3A_420 = tpu.vector_load %arg7[%get3A_418, %get3A_419] {strides = array<i32>} : memref<64x768xf32, #tpu.memory_space<vmem>>, vector<1x16xf32>,
      %get3A_421 = vector.shape_cast %get3A_420 : vector<1x16xf32> to vector<16xf32>
      %mul3A_422 = arith.constant 2 : i32
      %mul3A_423 = arith.muli %mul3A_422, %scan3A_36 : i32
      %add3A_424 = arith.constant 1 : i32
      %add3A_425 = arith.addi %mul3A_423, %add3A_424 : i32
      %get3A_426 = arith.index_cast %add3A_425 : i32 to index
      %get3A_427 = arith.constant 304 : index
      %get3A_428 = tpu.vector_load %arg7[%get3A_426, %get3A_427] {strides = array<i32>} : memref<64x768xf32, #tpu.memory_space<vmem>>, vector<1x16xf32>,
      %get3A_429 = vector.shape_cast %get3A_428 : vector<1x16xf32> to vector<16xf32>
      %add3A_430 = arith.addf %get3A_421, %get3A_429 : vector<16xf32>
      %swap3A_431 = arith.index_cast %scan3A_36 : i32 to index
      %swap3A_432 = arith.constant 304 : index
      %swap3A_433 = tpu.vector_load %arg9[%swap3A_431, %swap3A_432] {strides = array<i32>} : memref<32x768xf32, #tpu.memory_space<vmem>>, vector<1x16xf32>,
      %swap3A_434 = vector.shape_cast %swap3A_433 : vector<1x16xf32> to vector<16xf32>
      %swap3A_435 = vector.shape_cast %add3A_430 : vector<16xf32> to vector<1x16xf32>
      tpu.vector_store %arg9[%swap3A_431, %swap3A_432], %swap3A_435 {strides = array<i32>} : memref<32x768xf32, #tpu.memory_space<vmem>>, vector<1x16xf32>,
      %mul3A_436 = arith.constant 2 : i32
      %mul3A_437 = arith.muli %mul3A_436, %scan3A_36 : i32
      %get3A_438 = arith.index_cast %mul3A_437 : i32 to index
      %get3A_439 = arith.constant 320 : index
      %get3A_440 = tpu.vector_load %arg7[%get3A_438, %get3A_439] {strides = array<i32>} : memref<64x768xf32, #tpu.memory_space<vmem>>, vector<1x16xf32>,
      %get3A_441 = vector.shape_cast %get3A_440 : vector<1x16xf32> to vector<16xf32>
      %mul3A_442 = arith.constant 2 : i32
      %mul3A_443 = arith.muli %mul3A_442, %scan3A_36 : i32
      %add3A_444 = arith.constant 1 : i32
      %add3A_445 = arith.addi %mul3A_443, %add3A_444 : i32
      %get3A_446 = arith.index_cast %add3A_445 : i32 to index
      %get3A_447 = arith.constant 320 : index
      %get3A_448 = tpu.vector_load %arg7[%get3A_446, %get3A_447] {strides = array<i32>} : memref<64x768xf32, #tpu.memory_space<vmem>>, vector<1x16xf32>,
      %get3A_449 = vector.shape_cast %get3A_448 : vector<1x16xf32> to vector<16xf32>
      %add3A_450 = arith.addf %get3A_441, %get3A_449 : vector<16xf32>
      %swap3A_451 = arith.index_cast %scan3A_36 : i32 to index
      %swap3A_452 = arith.constant 320 : index
      %swap3A_453 = tpu.vector_load %arg9[%swap3A_451, %swap3A_452] {strides = array<i32>} : memref<32x768xf32, #tpu.memory_space<vmem>>, vector<1x16xf32>,
      %swap3A_454 = vector.shape_cast %swap3A_453 : vector<1x16xf32> to vector<16xf32>
      %swap3A_455 = vector.shape_cast %add3A_450 : vector<16xf32> to vector<1x16xf32>
      tpu.vector_store %arg9[%swap3A_451, %swap3A_452], %swap3A_455 {strides = array<i32>} : memref<32x768xf32, #tpu.memory_space<vmem>>, vector<1x16xf32>,
      %mul3A_456 = arith.constant 2 : i32
      %mul3A_457 = arith.muli %mul3A_456, %scan3A_36 : i32
      %get3A_458 = arith.index_cast %mul3A_457 : i32 to index
      %get3A_459 = arith.constant 336 : index
      %get3A_460 = tpu.vector_load %arg7[%get3A_458, %get3A_459] {strides = array<i32>} : memref<64x768xf32, #tpu.memory_space<vmem>>, vector<1x16xf32>,
      %get3A_461 = vector.shape_cast %get3A_460 : vector<1x16xf32> to vector<16xf32>
      %mul3A_462 = arith.constant 2 : i32
      %mul3A_463 = arith.muli %mul3A_462, %scan3A_36 : i32
      %add3A_464 = arith.constant 1 : i32
      %add3A_465 = arith.addi %mul3A_463, %add3A_464 : i32
      %get3A_466 = arith.index_cast %add3A_465 : i32 to index
      %get3A_467 = arith.constant 336 : index
      %get3A_468 = tpu.vector_load %arg7[%get3A_466, %get3A_467] {strides = array<i32>} : memref<64x768xf32, #tpu.memory_space<vmem>>, vector<1x16xf32>,
      %get3A_469 = vector.shape_cast %get3A_468 : vector<1x16xf32> to vector<16xf32>
      %add3A_470 = arith.addf %get3A_461, %get3A_469 : vector<16xf32>
      %swap3A_471 = arith.index_cast %scan3A_36 : i32 to index
      %swap3A_472 = arith.constant 336 : index
      %swap3A_473 = tpu.vector_load %arg9[%swap3A_471, %swap3A_472] {strides = array<i32>} : memref<32x768xf32, #tpu.memory_space<vmem>>, vector<1x16xf32>,
      %swap3A_474 = vector.shape_cast %swap3A_473 : vector<1x16xf32> to vector<16xf32>
      %swap3A_475 = vector.shape_cast %add3A_470 : vector<16xf32> to vector<1x16xf32>
      tpu.vector_store %arg9[%swap3A_471, %swap3A_472], %swap3A_475 {strides = array<i32>} : memref<32x768xf32, #tpu.memory_space<vmem>>, vector<1x16xf32>,
      %mul3A_476 = arith.constant 2 : i32
      %mul3A_477 = arith.muli %mul3A_476, %scan3A_36 : i32
      %get3A_478 = arith.index_cast %mul3A_477 : i32 to index
      %get3A_479 = arith.constant 352 : index
      %get3A_480 = tpu.vector_load %arg7[%get3A_478, %get3A_479] {strides = array<i32>} : memref<64x768xf32, #tpu.memory_space<vmem>>, vector<1x16xf32>,
      %get3A_481 = vector.shape_cast %get3A_480 : vector<1x16xf32> to vector<16xf32>
      %mul3A_482 = arith.constant 2 : i32
      %mul3A_483 = arith.muli %mul3A_482, %scan3A_36 : i32
      %add3A_484 = arith.constant 1 : i32
      %add3A_485 = arith.addi %mul3A_483, %add3A_484 : i32
      %get3A_486 = arith.index_cast %add3A_485 : i32 to index
      %get3A_487 = arith.constant 352 : index
      %get3A_488 = tpu.vector_load %arg7[%get3A_486, %get3A_487] {strides = array<i32>} : memref<64x768xf32, #tpu.memory_space<vmem>>, vector<1x16xf32>,
      %get3A_489 = vector.shape_cast %get3A_488 : vector<1x16xf32> to vector<16xf32>
      %add3A_490 = arith.addf %get3A_481, %get3A_489 : vector<16xf32>
      %swap3A_491 = arith.index_cast %scan3A_36 : i32 to index
      %swap3A_492 = arith.constant 352 : index
      %swap3A_493 = tpu.vector_load %arg9[%swap3A_491, %swap3A_492] {strides = array<i32>} : memref<32x768xf32, #tpu.memory_space<vmem>>, vector<1x16xf32>,
      %swap3A_494 = vector.shape_cast %swap3A_493 : vector<1x16xf32> to vector<16xf32>
      %swap3A_495 = vector.shape_cast %add3A_490 : vector<16xf32> to vector<1x16xf32>
      tpu.vector_store %arg9[%swap3A_491, %swap3A_492], %swap3A_495 {strides = array<i32>} : memref<32x768xf32, #tpu.memory_space<vmem>>, vector<1x16xf32>,
      %mul3A_496 = arith.constant 2 : i32
      %mul3A_497 = arith.muli %mul3A_496, %scan3A_36 : i32
      %get3A_498 = arith.index_cast %mul3A_497 : i32 to index
      %get3A_499 = arith.constant 368 : index
      %get3A_500 = tpu.vector_load %arg7[%get3A_498, %get3A_499] {strides = array<i32>} : memref<64x768xf32, #tpu.memory_space<vmem>>, vector<1x16xf32>,
      %get3A_501 = vector.shape_cast %get3A_500 : vector<1x16xf32> to vector<16xf32>
      %mul3A_502 = arith.constant 2 : i32
      %mul3A_503 = arith.muli %mul3A_502, %scan3A_36 : i32
      %add3A_504 = arith.constant 1 : i32
      %add3A_505 = arith.addi %mul3A_503, %add3A_504 : i32
      %get3A_506 = arith.index_cast %add3A_505 : i32 to index
      %get3A_507 = arith.constant 368 : index
      %get3A_508 = tpu.vector_load %arg7[%get3A_506, %get3A_507] {strides = array<i32>} : memref<64x768xf32, #tpu.memory_space<vmem>>, vector<1x16xf32>,
      %get3A_509 = vector.shape_cast %get3A_508 : vector<1x16xf32> to vector<16xf32>
      %add3A_510 = arith.addf %get3A_501, %get3A_509 : vector<16xf32>
      %swap3A_511 = arith.index_cast %scan3A_36 : i32 to index
      %swap3A_512 = arith.constant 368 : index
      %swap3A_513 = tpu.vector_load %arg9[%swap3A_511, %swap3A_512] {strides = array<i32>} : memref<32x768xf32, #tpu.memory_space<vmem>>, vector<1x16xf32>,
      %swap3A_514 = vector.shape_cast %swap3A_513 : vector<1x16xf32> to vector<16xf32>
      %swap3A_515 = vector.shape_cast %add3A_510 : vector<16xf32> to vector<1x16xf32>
      tpu.vector_store %arg9[%swap3A_511, %swap3A_512], %swap3A_515 {strides = array<i32>} : memref<32x768xf32, #tpu.memory_space<vmem>>, vector<1x16xf32>,
      %mul3A_516 = arith.constant 2 : i32
      %mul3A_517 = arith.muli %mul3A_516, %scan3A_36 : i32
      %get3A_518 = arith.index_cast %mul3A_517 : i32 to index
      %get3A_519 = arith.constant 384 : index
      %get3A_520 = tpu.vector_load %arg7[%get3A_518, %get3A_519] {strides = array<i32>} : memref<64x768xf32, #tpu.memory_space<vmem>>, vector<1x16xf32>,
      %get3A_521 = vector.shape_cast %get3A_520 : vector<1x16xf32> to vector<16xf32>
      %mul3A_522 = arith.constant 2 : i32
      %mul3A_523 = arith.muli %mul3A_522, %scan3A_36 : i32
      %add3A_524 = arith.constant 1 : i32
      %add3A_525 = arith.addi %mul3A_523, %add3A_524 : i32
      %get3A_526 = arith.index_cast %add3A_525 : i32 to index
      %get3A_527 = arith.constant 384 : index
      %get3A_528 = tpu.vector_load %arg7[%get3A_526, %get3A_527] {strides = array<i32>} : memref<64x768xf32, #tpu.memory_space<vmem>>, vector<1x16xf32>,
      %get3A_529 = vector.shape_cast %get3A_528 : vector<1x16xf32> to vector<16xf32>
      %add3A_530 = arith.addf %get3A_521, %get3A_529 : vector<16xf32>
      %swap3A_531 = arith.index_cast %scan3A_36 : i32 to index
      %swap3A_532 = arith.constant 384 : index
      %swap3A_533 = tpu.vector_load %arg9[%swap3A_531, %swap3A_532] {strides = array<i32>} : memref<32x768xf32, #tpu.memory_space<vmem>>, vector<1x16xf32>,
      %swap3A_534 = vector.shape_cast %swap3A_533 : vector<1x16xf32> to vector<16xf32>
      %swap3A_535 = vector.shape_cast %add3A_530 : vector<16xf32> to vector<1x16xf32>
      tpu.vector_store %arg9[%swap3A_531, %swap3A_532], %swap3A_535 {strides = array<i32>} : memref<32x768xf32, #tpu.memory_space<vmem>>, vector<1x16xf32>,
      %mul3A_536 = arith.constant 2 : i32
      %mul3A_537 = arith.muli %mul3A_536, %scan3A_36 : i32
      %get3A_538 = arith.index_cast %mul3A_537 : i32 to index
      %get3A_539 = arith.constant 400 : index
      %get3A_540 = tpu.vector_load %arg7[%get3A_538, %get3A_539] {strides = array<i32>} : memref<64x768xf32, #tpu.memory_space<vmem>>, vector<1x16xf32>,
      %get3A_541 = vector.shape_cast %get3A_540 : vector<1x16xf32> to vector<16xf32>
      %mul3A_542 = arith.constant 2 : i32
      %mul3A_543 = arith.muli %mul3A_542, %scan3A_36 : i32
      %add3A_544 = arith.constant 1 : i32
      %add3A_545 = arith.addi %mul3A_543, %add3A_544 : i32
      %get3A_546 = arith.index_cast %add3A_545 : i32 to index
      %get3A_547 = arith.constant 400 : index
      %get3A_548 = tpu.vector_load %arg7[%get3A_546, %get3A_547] {strides = array<i32>} : memref<64x768xf32, #tpu.memory_space<vmem>>, vector<1x16xf32>,
      %get3A_549 = vector.shape_cast %get3A_548 : vector<1x16xf32> to vector<16xf32>
      %add3A_550 = arith.addf %get3A_541, %get3A_549 : vector<16xf32>
      %swap3A_551 = arith.index_cast %scan3A_36 : i32 to index
      %swap3A_552 = arith.constant 400 : index
      %swap3A_553 = tpu.vector_load %arg9[%swap3A_551, %swap3A_552] {strides = array<i32>} : memref<32x768xf32, #tpu.memory_space<vmem>>, vector<1x16xf32>,
      %swap3A_554 = vector.shape_cast %swap3A_553 : vector<1x16xf32> to vector<16xf32>
      %swap3A_555 = vector.shape_cast %add3A_550 : vector<16xf32> to vector<1x16xf32>
      tpu.vector_store %arg9[%swap3A_551, %swap3A_552], %swap3A_555 {strides = array<i32>} : memref<32x768xf32, #tpu.memory_space<vmem>>, vector<1x16xf32>,
      %mul3A_556 = arith.constant 2 : i32
      %mul3A_557 = arith.muli %mul3A_556, %scan3A_36 : i32
      %get3A_558 = arith.index_cast %mul3A_557 : i32 to index
      %get3A_559 = arith.constant 416 : index
      %get3A_560 = tpu.vector_load %arg7[%get3A_558, %get3A_559] {strides = array<i32>} : memref<64x768xf32, #tpu.memory_space<vmem>>, vector<1x16xf32>,
      %get3A_561 = vector.shape_cast %get3A_560 : vector<1x16xf32> to vector<16xf32>
      %mul3A_562 = arith.constant 2 : i32
      %mul3A_563 = arith.muli %mul3A_562, %scan3A_36 : i32
      %add3A_564 = arith.constant 1 : i32
      %add3A_565 = arith.addi %mul3A_563, %add3A_564 : i32
      %get3A_566 = arith.index_cast %add3A_565 : i32 to index
      %get3A_567 = arith.constant 416 : index
      %get3A_568 = tpu.vector_load %arg7[%get3A_566, %get3A_567] {strides = array<i32>} : memref<64x768xf32, #tpu.memory_space<vmem>>, vector<1x16xf32>,
      %get3A_569 = vector.shape_cast %get3A_568 : vector<1x16xf32> to vector<16xf32>
      %add3A_570 = arith.addf %get3A_561, %get3A_569 : vector<16xf32>
      %swap3A_571 = arith.index_cast %scan3A_36 : i32 to index
      %swap3A_572 = arith.constant 416 : index
      %swap3A_573 = tpu.vector_load %arg9[%swap3A_571, %swap3A_572] {strides = array<i32>} : memref<32x768xf32, #tpu.memory_space<vmem>>, vector<1x16xf32>,
      %swap3A_574 = vector.shape_cast %swap3A_573 : vector<1x16xf32> to vector<16xf32>
      %swap3A_575 = vector.shape_cast %add3A_570 : vector<16xf32> to vector<1x16xf32>
      tpu.vector_store %arg9[%swap3A_571, %swap3A_572], %swap3A_575 {strides = array<i32>} : memref<32x768xf32, #tpu.memory_space<vmem>>, vector<1x16xf32>,
      %mul3A_576 = arith.constant 2 : i32
      %mul3A_577 = arith.muli %mul3A_576, %scan3A_36 : i32
      %get3A_578 = arith.index_cast %mul3A_577 : i32 to index
      %get3A_579 = arith.constant 432 : index
      %get3A_580 = tpu.vector_load %arg7[%get3A_578, %get3A_579] {strides = array<i32>} : memref<64x768xf32, #tpu.memory_space<vmem>>, vector<1x16xf32>,
      %get3A_581 = vector.shape_cast %get3A_580 : vector<1x16xf32> to vector<16xf32>
      %mul3A_582 = arith.constant 2 : i32
      %mul3A_583 = arith.muli %mul3A_582, %scan3A_36 : i32
      %add3A_584 = arith.constant 1 : i32
      %add3A_585 = arith.addi %mul3A_583, %add3A_584 : i32
      %get3A_586 = arith.index_cast %add3A_585 : i32 to index
      %get3A_587 = arith.constant 432 : index
      %get3A_588 = tpu.vector_load %arg7[%get3A_586, %get3A_587] {strides = array<i32>} : memref<64x768xf32, #tpu.memory_space<vmem>>, vector<1x16xf32>,
      %get3A_589 = vector.shape_cast %get3A_588 : vector<1x16xf32> to vector<16xf32>
      %add3A_590 = arith.addf %get3A_581, %get3A_589 : vector<16xf32>
      %swap3A_591 = arith.index_cast %scan3A_36 : i32 to index
      %swap3A_592 = arith.constant 432 : index
      %swap3A_593 = tpu.vector_load %arg9[%swap3A_591, %swap3A_592] {strides = array<i32>} : memref<32x768xf32, #tpu.memory_space<vmem>>, vector<1x16xf32>,
      %swap3A_594 = vector.shape_cast %swap3A_593 : vector<1x16xf32> to vector<16xf32>
      %swap3A_595 = vector.shape_cast %add3A_590 : vector<16xf32> to vector<1x16xf32>
      tpu.vector_store %arg9[%swap3A_591, %swap3A_592], %swap3A_595 {strides = array<i32>} : memref<32x768xf32, #tpu.memory_space<vmem>>, vector<1x16xf32>,
      %mul3A_596 = arith.constant 2 : i32
      %mul3A_597 = arith.muli %mul3A_596, %scan3A_36 : i32
      %get3A_598 = arith.index_cast %mul3A_597 : i32 to index
      %get3A_599 = arith.constant 448 : index
      %get3A_600 = tpu.vector_load %arg7[%get3A_598, %get3A_599] {strides = array<i32>} : memref<64x768xf32, #tpu.memory_space<vmem>>, vector<1x16xf32>,
      %get3A_601 = vector.shape_cast %get3A_600 : vector<1x16xf32> to vector<16xf32>
      %mul3A_602 = arith.constant 2 : i32
      %mul3A_603 = arith.muli %mul3A_602, %scan3A_36 : i32
      %add3A_604 = arith.constant 1 : i32
      %add3A_605 = arith.addi %mul3A_603, %add3A_604 : i32
      %get3A_606 = arith.index_cast %add3A_605 : i32 to index
      %get3A_607 = arith.constant 448 : index
      %get3A_608 = tpu.vector_load %arg7[%get3A_606, %get3A_607] {strides = array<i32>} : memref<64x768xf32, #tpu.memory_space<vmem>>, vector<1x16xf32>,
      %get3A_609 = vector.shape_cast %get3A_608 : vector<1x16xf32> to vector<16xf32>
      %add3A_610 = arith.addf %get3A_601, %get3A_609 : vector<16xf32>
      %swap3A_611 = arith.index_cast %scan3A_36 : i32 to index
      %swap3A_612 = arith.constant 448 : index
      %swap3A_613 = tpu.vector_load %arg9[%swap3A_611, %swap3A_612] {strides = array<i32>} : memref<32x768xf32, #tpu.memory_space<vmem>>, vector<1x16xf32>,
      %swap3A_614 = vector.shape_cast %swap3A_613 : vector<1x16xf32> to vector<16xf32>
      %swap3A_615 = vector.shape_cast %add3A_610 : vector<16xf32> to vector<1x16xf32>
      tpu.vector_store %arg9[%swap3A_611, %swap3A_612], %swap3A_615 {strides = array<i32>} : memref<32x768xf32, #tpu.memory_space<vmem>>, vector<1x16xf32>,
      %mul3A_616 = arith.constant 2 : i32
      %mul3A_617 = arith.muli %mul3A_616, %scan3A_36 : i32
      %get3A_618 = arith.index_cast %mul3A_617 : i32 to index
      %get3A_619 = arith.constant 464 : index
      %get3A_620 = tpu.vector_load %arg7[%get3A_618, %get3A_619] {strides = array<i32>} : memref<64x768xf32, #tpu.memory_space<vmem>>, vector<1x16xf32>,
      %get3A_621 = vector.shape_cast %get3A_620 : vector<1x16xf32> to vector<16xf32>
      %mul3A_622 = arith.constant 2 : i32
      %mul3A_623 = arith.muli %mul3A_622, %scan3A_36 : i32
      %add3A_624 = arith.constant 1 : i32
      %add3A_625 = arith.addi %mul3A_623, %add3A_624 : i32
      %get3A_626 = arith.index_cast %add3A_625 : i32 to index
      %get3A_627 = arith.constant 464 : index
      %get3A_628 = tpu.vector_load %arg7[%get3A_626, %get3A_627] {strides = array<i32>} : memref<64x768xf32, #tpu.memory_space<vmem>>, vector<1x16xf32>,
      %get3A_629 = vector.shape_cast %get3A_628 : vector<1x16xf32> to vector<16xf32>
      %add3A_630 = arith.addf %get3A_621, %get3A_629 : vector<16xf32>
      %swap3A_631 = arith.index_cast %scan3A_36 : i32 to index
      %swap3A_632 = arith.constant 464 : index
      %swap3A_633 = tpu.vector_load %arg9[%swap3A_631, %swap3A_632] {strides = array<i32>} : memref<32x768xf32, #tpu.memory_space<vmem>>, vector<1x16xf32>,
      %swap3A_634 = vector.shape_cast %swap3A_633 : vector<1x16xf32> to vector<16xf32>
      %swap3A_635 = vector.shape_cast %add3A_630 : vector<16xf32> to vector<1x16xf32>
      tpu.vector_store %arg9[%swap3A_631, %swap3A_632], %swap3A_635 {strides = array<i32>} : memref<32x768xf32, #tpu.memory_space<vmem>>, vector<1x16xf32>,
      %mul3A_636 = arith.constant 2 : i32
      %mul3A_637 = arith.muli %mul3A_636, %scan3A_36 : i32
      %get3A_638 = arith.index_cast %mul3A_637 : i32 to index
      %get3A_639 = arith.constant 480 : index
      %get3A_640 = tpu.vector_load %arg7[%get3A_638, %get3A_639] {strides = array<i32>} : memref<64x768xf32, #tpu.memory_space<vmem>>, vector<1x16xf32>,
      %get3A_641 = vector.shape_cast %get3A_640 : vector<1x16xf32> to vector<16xf32>
      %mul3A_642 = arith.constant 2 : i32
      %mul3A_643 = arith.muli %mul3A_642, %scan3A_36 : i32
      %add3A_644 = arith.constant 1 : i32
      %add3A_645 = arith.addi %mul3A_643, %add3A_644 : i32
      %get3A_646 = arith.index_cast %add3A_645 : i32 to index
      %get3A_647 = arith.constant 480 : index
      %get3A_648 = tpu.vector_load %arg7[%get3A_646, %get3A_647] {strides = array<i32>} : memref<64x768xf32, #tpu.memory_space<vmem>>, vector<1x16xf32>,
      %get3A_649 = vector.shape_cast %get3A_648 : vector<1x16xf32> to vector<16xf32>
      %add3A_650 = arith.addf %get3A_641, %get3A_649 : vector<16xf32>
      %swap3A_651 = arith.index_cast %scan3A_36 : i32 to index
      %swap3A_652 = arith.constant 480 : index
      %swap3A_653 = tpu.vector_load %arg9[%swap3A_651, %swap3A_652] {strides = array<i32>} : memref<32x768xf32, #tpu.memory_space<vmem>>, vector<1x16xf32>,
      %swap3A_654 = vector.shape_cast %swap3A_653 : vector<1x16xf32> to vector<16xf32>
      %swap3A_655 = vector.shape_cast %add3A_650 : vector<16xf32> to vector<1x16xf32>
      tpu.vector_store %arg9[%swap3A_651, %swap3A_652], %swap3A_655 {strides = array<i32>} : memref<32x768xf32, #tpu.memory_space<vmem>>, vector<1x16xf32>,
      %mul3A_656 = arith.constant 2 : i32
      %mul3A_657 = arith.muli %mul3A_656, %scan3A_36 : i32
      %get3A_658 = arith.index_cast %mul3A_657 : i32 to index
      %get3A_659 = arith.constant 496 : index
      %get3A_660 = tpu.vector_load %arg7[%get3A_658, %get3A_659] {strides = array<i32>} : memref<64x768xf32, #tpu.memory_space<vmem>>, vector<1x16xf32>,
      %get3A_661 = vector.shape_cast %get3A_660 : vector<1x16xf32> to vector<16xf32>
      %mul3A_662 = arith.constant 2 : i32
      %mul3A_663 = arith.muli %mul3A_662, %scan3A_36 : i32
      %add3A_664 = arith.constant 1 : i32
      %add3A_665 = arith.addi %mul3A_663, %add3A_664 : i32
      %get3A_666 = arith.index_cast %add3A_665 : i32 to index
      %get3A_667 = arith.constant 496 : index
      %get3A_668 = tpu.vector_load %arg7[%get3A_666, %get3A_667] {strides = array<i32>} : memref<64x768xf32, #tpu.memory_space<vmem>>, vector<1x16xf32>,
      %get3A_669 = vector.shape_cast %get3A_668 : vector<1x16xf32> to vector<16xf32>
      %add3A_670 = arith.addf %get3A_661, %get3A_669 : vector<16xf32>
      %swap3A_671 = arith.index_cast %scan3A_36 : i32 to index
      %swap3A_672 = arith.constant 496 : index
      %swap3A_673 = tpu.vector_load %arg9[%swap3A_671, %swap3A_672] {strides = array<i32>} : memref<32x768xf32, #tpu.memory_space<vmem>>, vector<1x16xf32>,
      %swap3A_674 = vector.shape_cast %swap3A_673 : vector<1x16xf32> to vector<16xf32>
      %swap3A_675 = vector.shape_cast %add3A_670 : vector<16xf32> to vector<1x16xf32>
      tpu.vector_store %arg9[%swap3A_671, %swap3A_672], %swap3A_675 {strides = array<i32>} : memref<32x768xf32, #tpu.memory_space<vmem>>, vector<1x16xf32>,
      %mul3A_676 = arith.constant 2 : i32
      %mul3A_677 = arith.muli %mul3A_676, %scan3A_36 : i32
      %get3A_678 = arith.index_cast %mul3A_677 : i32 to index
      %get3A_679 = arith.constant 512 : index
      %get3A_680 = tpu.vector_load %arg7[%get3A_678, %get3A_679] {strides = array<i32>} : memref<64x768xf32, #tpu.memory_space<vmem>>, vector<1x16xf32>,
      %get3A_681 = vector.shape_cast %get3A_680 : vector<1x16xf32> to vector<16xf32>
      %mul3A_682 = arith.constant 2 : i32
      %mul3A_683 = arith.muli %mul3A_682, %scan3A_36 : i32
      %add3A_684 = arith.constant 1 : i32
      %add3A_685 = arith.addi %mul3A_683, %add3A_684 : i32
      %get3A_686 = arith.index_cast %add3A_685 : i32 to index
      %get3A_687 = arith.constant 512 : index
      %get3A_688 = tpu.vector_load %arg7[%get3A_686, %get3A_687] {strides = array<i32>} : memref<64x768xf32, #tpu.memory_space<vmem>>, vector<1x16xf32>,
      %get3A_689 = vector.shape_cast %get3A_688 : vector<1x16xf32> to vector<16xf32>
      %add3A_690 = arith.addf %get3A_681, %get3A_689 : vector<16xf32>
      %swap3A_691 = arith.index_cast %scan3A_36 : i32 to index
      %swap3A_692 = arith.constant 512 : index
      %swap3A_693 = tpu.vector_load %arg9[%swap3A_691, %swap3A_692] {strides = array<i32>} : memref<32x768xf32, #tpu.memory_space<vmem>>, vector<1x16xf32>,
      %swap3A_694 = vector.shape_cast %swap3A_693 : vector<1x16xf32> to vector<16xf32>
      %swap3A_695 = vector.shape_cast %add3A_690 : vector<16xf32> to vector<1x16xf32>
      tpu.vector_store %arg9[%swap3A_691, %swap3A_692], %swap3A_695 {strides = array<i32>} : memref<32x768xf32, #tpu.memory_space<vmem>>, vector<1x16xf32>,
      %mul3A_696 = arith.constant 2 : i32
      %mul3A_697 = arith.muli %mul3A_696, %scan3A_36 : i32
      %get3A_698 = arith.index_cast %mul3A_697 : i32 to index
      %get3A_699 = arith.constant 528 : index
      %get3A_700 = tpu.vector_load %arg7[%get3A_698, %get3A_699] {strides = array<i32>} : memref<64x768xf32, #tpu.memory_space<vmem>>, vector<1x16xf32>,
      %get3A_701 = vector.shape_cast %get3A_700 : vector<1x16xf32> to vector<16xf32>
      %mul3A_702 = arith.constant 2 : i32
      %mul3A_703 = arith.muli %mul3A_702, %scan3A_36 : i32
      %add3A_704 = arith.constant 1 : i32
      %add3A_705 = arith.addi %mul3A_703, %add3A_704 : i32
      %get3A_706 = arith.index_cast %add3A_705 : i32 to index
      %get3A_707 = arith.constant 528 : index
      %get3A_708 = tpu.vector_load %arg7[%get3A_706, %get3A_707] {strides = array<i32>} : memref<64x768xf32, #tpu.memory_space<vmem>>, vector<1x16xf32>,
      %get3A_709 = vector.shape_cast %get3A_708 : vector<1x16xf32> to vector<16xf32>
      %add3A_710 = arith.addf %get3A_701, %get3A_709 : vector<16xf32>
      %swap3A_711 = arith.index_cast %scan3A_36 : i32 to index
      %swap3A_712 = arith.constant 528 : index
      %swap3A_713 = tpu.vector_load %arg9[%swap3A_711, %swap3A_712] {strides = array<i32>} : memref<32x768xf32, #tpu.memory_space<vmem>>, vector<1x16xf32>,
      %swap3A_714 = vector.shape_cast %swap3A_713 : vector<1x16xf32> to vector<16xf32>
      %swap3A_715 = vector.shape_cast %add3A_710 : vector<16xf32> to vector<1x16xf32>
      tpu.vector_store %arg9[%swap3A_711, %swap3A_712], %swap3A_715 {strides = array<i32>} : memref<32x768xf32, #tpu.memory_space<vmem>>, vector<1x16xf32>,
      %mul3A_716 = arith.constant 2 : i32
      %mul3A_717 = arith.muli %mul3A_716, %scan3A_36 : i32
      %get3A_718 = arith.index_cast %mul3A_717 : i32 to index
      %get3A_719 = arith.constant 544 : index
      %get3A_720 = tpu.vector_load %arg7[%get3A_718, %get3A_719] {strides = array<i32>} : memref<64x768xf32, #tpu.memory_space<vmem>>, vector<1x16xf32>,
      %get3A_721 = vector.shape_cast %get3A_720 : vector<1x16xf32> to vector<16xf32>
      %mul3A_722 = arith.constant 2 : i32
      %mul3A_723 = arith.muli %mul3A_722, %scan3A_36 : i32
      %add3A_724 = arith.constant 1 : i32
      %add3A_725 = arith.addi %mul3A_723, %add3A_724 : i32
      %get3A_726 = arith.index_cast %add3A_725 : i32 to index
      %get3A_727 = arith.constant 544 : index
      %get3A_728 = tpu.vector_load %arg7[%get3A_726, %get3A_727] {strides = array<i32>} : memref<64x768xf32, #tpu.memory_space<vmem>>, vector<1x16xf32>,
      %get3A_729 = vector.shape_cast %get3A_728 : vector<1x16xf32> to vector<16xf32>
      %add3A_730 = arith.addf %get3A_721, %get3A_729 : vector<16xf32>
      %swap3A_731 = arith.index_cast %scan3A_36 : i32 to index
      %swap3A_732 = arith.constant 544 : index
      %swap3A_733 = tpu.vector_load %arg9[%swap3A_731, %swap3A_732] {strides = array<i32>} : memref<32x768xf32, #tpu.memory_space<vmem>>, vector<1x16xf32>,
      %swap3A_734 = vector.shape_cast %swap3A_733 : vector<1x16xf32> to vector<16xf32>
      %swap3A_735 = vector.shape_cast %add3A_730 : vector<16xf32> to vector<1x16xf32>
      tpu.vector_store %arg9[%swap3A_731, %swap3A_732], %swap3A_735 {strides = array<i32>} : memref<32x768xf32, #tpu.memory_space<vmem>>, vector<1x16xf32>,
      %mul3A_736 = arith.constant 2 : i32
      %mul3A_737 = arith.muli %mul3A_736, %scan3A_36 : i32
      %get3A_738 = arith.index_cast %mul3A_737 : i32 to index
      %get3A_739 = arith.constant 560 : index
      %get3A_740 = tpu.vector_load %arg7[%get3A_738, %get3A_739] {strides = array<i32>} : memref<64x768xf32, #tpu.memory_space<vmem>>, vector<1x16xf32>,
      %get3A_741 = vector.shape_cast %get3A_740 : vector<1x16xf32> to vector<16xf32>
      %mul3A_742 = arith.constant 2 : i32
      %mul3A_743 = arith.muli %mul3A_742, %scan3A_36 : i32
      %add3A_744 = arith.constant 1 : i32
      %add3A_745 = arith.addi %mul3A_743, %add3A_744 : i32
      %get3A_746 = arith.index_cast %add3A_745 : i32 to index
      %get3A_747 = arith.constant 560 : index
      %get3A_748 = tpu.vector_load %arg7[%get3A_746, %get3A_747] {strides = array<i32>} : memref<64x768xf32, #tpu.memory_space<vmem>>, vector<1x16xf32>,
      %get3A_749 = vector.shape_cast %get3A_748 : vector<1x16xf32> to vector<16xf32>
      %add3A_750 = arith.addf %get3A_741, %get3A_749 : vector<16xf32>
      %swap3A_751 = arith.index_cast %scan3A_36 : i32 to index
      %swap3A_752 = arith.constant 560 : index
      %swap3A_753 = tpu.vector_load %arg9[%swap3A_751, %swap3A_752] {strides = array<i32>} : memref<32x768xf32, #tpu.memory_space<vmem>>, vector<1x16xf32>,
      %swap3A_754 = vector.shape_cast %swap3A_753 : vector<1x16xf32> to vector<16xf32>
      %swap3A_755 = vector.shape_cast %add3A_750 : vector<16xf32> to vector<1x16xf32>
      tpu.vector_store %arg9[%swap3A_751, %swap3A_752], %swap3A_755 {strides = array<i32>} : memref<32x768xf32, #tpu.memory_space<vmem>>, vector<1x16xf32>,
      %mul3A_756 = arith.constant 2 : i32
      %mul3A_757 = arith.muli %mul3A_756, %scan3A_36 : i32
      %get3A_758 = arith.index_cast %mul3A_757 : i32 to index
      %get3A_759 = arith.constant 576 : index
      %get3A_760 = tpu.vector_load %arg7[%get3A_758, %get3A_759] {strides = array<i32>} : memref<64x768xf32, #tpu.memory_space<vmem>>, vector<1x16xf32>,
      %get3A_761 = vector.shape_cast %get3A_760 : vector<1x16xf32> to vector<16xf32>
      %mul3A_762 = arith.constant 2 : i32
      %mul3A_763 = arith.muli %mul3A_762, %scan3A_36 : i32
      %add3A_764 = arith.constant 1 : i32
      %add3A_765 = arith.addi %mul3A_763, %add3A_764 : i32
      %get3A_766 = arith.index_cast %add3A_765 : i32 to index
      %get3A_767 = arith.constant 576 : index
      %get3A_768 = tpu.vector_load %arg7[%get3A_766, %get3A_767] {strides = array<i32>} : memref<64x768xf32, #tpu.memory_space<vmem>>, vector<1x16xf32>,
      %get3A_769 = vector.shape_cast %get3A_768 : vector<1x16xf32> to vector<16xf32>
      %add3A_770 = arith.addf %get3A_761, %get3A_769 : vector<16xf32>
      %swap3A_771 = arith.index_cast %scan3A_36 : i32 to index
      %swap3A_772 = arith.constant 576 : index
      %swap3A_773 = tpu.vector_load %arg9[%swap3A_771, %swap3A_772] {strides = array<i32>} : memref<32x768xf32, #tpu.memory_space<vmem>>, vector<1x16xf32>,
      %swap3A_774 = vector.shape_cast %swap3A_773 : vector<1x16xf32> to vector<16xf32>
      %swap3A_775 = vector.shape_cast %add3A_770 : vector<16xf32> to vector<1x16xf32>
      tpu.vector_store %arg9[%swap3A_771, %swap3A_772], %swap3A_775 {strides = array<i32>} : memref<32x768xf32, #tpu.memory_space<vmem>>, vector<1x16xf32>,
      %mul3A_776 = arith.constant 2 : i32
      %mul3A_777 = arith.muli %mul3A_776, %scan3A_36 : i32
      %get3A_778 = arith.index_cast %mul3A_777 : i32 to index
      %get3A_779 = arith.constant 592 : index
      %get3A_780 = tpu.vector_load %arg7[%get3A_778, %get3A_779] {strides = array<i32>} : memref<64x768xf32, #tpu.memory_space<vmem>>, vector<1x16xf32>,
      %get3A_781 = vector.shape_cast %get3A_780 : vector<1x16xf32> to vector<16xf32>
      %mul3A_782 = arith.constant 2 : i32
      %mul3A_783 = arith.muli %mul3A_782, %scan3A_36 : i32
      %add3A_784 = arith.constant 1 : i32
      %add3A_785 = arith.addi %mul3A_783, %add3A_784 : i32
      %get3A_786 = arith.index_cast %add3A_785 : i32 to index
      %get3A_787 = arith.constant 592 : index
      %get3A_788 = tpu.vector_load %arg7[%get3A_786, %get3A_787] {strides = array<i32>} : memref<64x768xf32, #tpu.memory_space<vmem>>, vector<1x16xf32>,
      %get3A_789 = vector.shape_cast %get3A_788 : vector<1x16xf32> to vector<16xf32>
      %add3A_790 = arith.addf %get3A_781, %get3A_789 : vector<16xf32>
      %swap3A_791 = arith.index_cast %scan3A_36 : i32 to index
      %swap3A_792 = arith.constant 592 : index
      %swap3A_793 = tpu.vector_load %arg9[%swap3A_791, %swap3A_792] {strides = array<i32>} : memref<32x768xf32, #tpu.memory_space<vmem>>, vector<1x16xf32>,
      %swap3A_794 = vector.shape_cast %swap3A_793 : vector<1x16xf32> to vector<16xf32>
      %swap3A_795 = vector.shape_cast %add3A_790 : vector<16xf32> to vector<1x16xf32>
      tpu.vector_store %arg9[%swap3A_791, %swap3A_792], %swap3A_795 {strides = array<i32>} : memref<32x768xf32, #tpu.memory_space<vmem>>, vector<1x16xf32>,
      %mul3A_796 = arith.constant 2 : i32
      %mul3A_797 = arith.muli %mul3A_796, %scan3A_36 : i32
      %get3A_798 = arith.index_cast %mul3A_797 : i32 to index
      %get3A_799 = arith.constant 608 : index
      %get3A_800 = tpu.vector_load %arg7[%get3A_798, %get3A_799] {strides = array<i32>} : memref<64x768xf32, #tpu.memory_space<vmem>>, vector<1x16xf32>,
      %get3A_801 = vector.shape_cast %get3A_800 : vector<1x16xf32> to vector<16xf32>
      %mul3A_802 = arith.constant 2 : i32
      %mul3A_803 = arith.muli %mul3A_802, %scan3A_36 : i32
      %add3A_804 = arith.constant 1 : i32
      %add3A_805 = arith.addi %mul3A_803, %add3A_804 : i32
      %get3A_806 = arith.index_cast %add3A_805 : i32 to index
      %get3A_807 = arith.constant 608 : index
      %get3A_808 = tpu.vector_load %arg7[%get3A_806, %get3A_807] {strides = array<i32>} : memref<64x768xf32, #tpu.memory_space<vmem>>, vector<1x16xf32>,
      %get3A_809 = vector.shape_cast %get3A_808 : vector<1x16xf32> to vector<16xf32>
      %add3A_810 = arith.addf %get3A_801, %get3A_809 : vector<16xf32>
      %swap3A_811 = arith.index_cast %scan3A_36 : i32 to index
      %swap3A_812 = arith.constant 608 : index
      %swap3A_813 = tpu.vector_load %arg9[%swap3A_811, %swap3A_812] {strides = array<i32>} : memref<32x768xf32, #tpu.memory_space<vmem>>, vector<1x16xf32>,
      %swap3A_814 = vector.shape_cast %swap3A_813 : vector<1x16xf32> to vector<16xf32>
      %swap3A_815 = vector.shape_cast %add3A_810 : vector<16xf32> to vector<1x16xf32>
      tpu.vector_store %arg9[%swap3A_811, %swap3A_812], %swap3A_815 {strides = array<i32>} : memref<32x768xf32, #tpu.memory_space<vmem>>, vector<1x16xf32>,
      %mul3A_816 = arith.constant 2 : i32
      %mul3A_817 = arith.muli %mul3A_816, %scan3A_36 : i32
      %get3A_818 = arith.index_cast %mul3A_817 : i32 to index
      %get3A_819 = arith.constant 624 : index
      %get3A_820 = tpu.vector_load %arg7[%get3A_818, %get3A_819] {strides = array<i32>} : memref<64x768xf32, #tpu.memory_space<vmem>>, vector<1x16xf32>,
      %get3A_821 = vector.shape_cast %get3A_820 : vector<1x16xf32> to vector<16xf32>
      %mul3A_822 = arith.constant 2 : i32
      %mul3A_823 = arith.muli %mul3A_822, %scan3A_36 : i32
      %add3A_824 = arith.constant 1 : i32
      %add3A_825 = arith.addi %mul3A_823, %add3A_824 : i32
      %get3A_826 = arith.index_cast %add3A_825 : i32 to index
      %get3A_827 = arith.constant 624 : index
      %get3A_828 = tpu.vector_load %arg7[%get3A_826, %get3A_827] {strides = array<i32>} : memref<64x768xf32, #tpu.memory_space<vmem>>, vector<1x16xf32>,
      %get3A_829 = vector.shape_cast %get3A_828 : vector<1x16xf32> to vector<16xf32>
      %add3A_830 = arith.addf %get3A_821, %get3A_829 : vector<16xf32>
      %swap3A_831 = arith.index_cast %scan3A_36 : i32 to index
      %swap3A_832 = arith.constant 624 : index
      %swap3A_833 = tpu.vector_load %arg9[%swap3A_831, %swap3A_832] {strides = array<i32>} : memref<32x768xf32, #tpu.memory_space<vmem>>, vector<1x16xf32>,
      %swap3A_834 = vector.shape_cast %swap3A_833 : vector<1x16xf32> to vector<16xf32>
      %swap3A_835 = vector.shape_cast %add3A_830 : vector<16xf32> to vector<1x16xf32>
      tpu.vector_store %arg9[%swap3A_831, %swap3A_832], %swap3A_835 {strides = array<i32>} : memref<32x768xf32, #tpu.memory_space<vmem>>, vector<1x16xf32>,
      %mul3A_836 = arith.constant 2 : i32
      %mul3A_837 = arith.muli %mul3A_836, %scan3A_36 : i32
      %get3A_838 = arith.index_cast %mul3A_837 : i32 to index
      %get3A_839 = arith.constant 640 : index
      %get3A_840 = tpu.vector_load %arg7[%get3A_838, %get3A_839] {strides = array<i32>} : memref<64x768xf32, #tpu.memory_space<vmem>>, vector<1x16xf32>,
      %get3A_841 = vector.shape_cast %get3A_840 : vector<1x16xf32> to vector<16xf32>
      %mul3A_842 = arith.constant 2 : i32
      %mul3A_843 = arith.muli %mul3A_842, %scan3A_36 : i32
      %add3A_844 = arith.constant 1 : i32
      %add3A_845 = arith.addi %mul3A_843, %add3A_844 : i32
      %get3A_846 = arith.index_cast %add3A_845 : i32 to index
      %get3A_847 = arith.constant 640 : index
      %get3A_848 = tpu.vector_load %arg7[%get3A_846, %get3A_847] {strides = array<i32>} : memref<64x768xf32, #tpu.memory_space<vmem>>, vector<1x16xf32>,
      %get3A_849 = vector.shape_cast %get3A_848 : vector<1x16xf32> to vector<16xf32>
      %add3A_850 = arith.addf %get3A_841, %get3A_849 : vector<16xf32>
      %swap3A_851 = arith.index_cast %scan3A_36 : i32 to index
      %swap3A_852 = arith.constant 640 : index
      %swap3A_853 = tpu.vector_load %arg9[%swap3A_851, %swap3A_852] {strides = array<i32>} : memref<32x768xf32, #tpu.memory_space<vmem>>, vector<1x16xf32>,
      %swap3A_854 = vector.shape_cast %swap3A_853 : vector<1x16xf32> to vector<16xf32>
      %swap3A_855 = vector.shape_cast %add3A_850 : vector<16xf32> to vector<1x16xf32>
      tpu.vector_store %arg9[%swap3A_851, %swap3A_852], %swap3A_855 {strides = array<i32>} : memref<32x768xf32, #tpu.memory_space<vmem>>, vector<1x16xf32>,
      %mul3A_856 = arith.constant 2 : i32
      %mul3A_857 = arith.muli %mul3A_856, %scan3A_36 : i32
      %get3A_858 = arith.index_cast %mul3A_857 : i32 to index
      %get3A_859 = arith.constant 656 : index
      %get3A_860 = tpu.vector_load %arg7[%get3A_858, %get3A_859] {strides = array<i32>} : memref<64x768xf32, #tpu.memory_space<vmem>>, vector<1x16xf32>,
      %get3A_861 = vector.shape_cast %get3A_860 : vector<1x16xf32> to vector<16xf32>
      %mul3A_862 = arith.constant 2 : i32
      %mul3A_863 = arith.muli %mul3A_862, %scan3A_36 : i32
      %add3A_864 = arith.constant 1 : i32
      %add3A_865 = arith.addi %mul3A_863, %add3A_864 : i32
      %get3A_866 = arith.index_cast %add3A_865 : i32 to index
      %get3A_867 = arith.constant 656 : index
      %get3A_868 = tpu.vector_load %arg7[%get3A_866, %get3A_867] {strides = array<i32>} : memref<64x768xf32, #tpu.memory_space<vmem>>, vector<1x16xf32>,
      %get3A_869 = vector.shape_cast %get3A_868 : vector<1x16xf32> to vector<16xf32>
      %add3A_870 = arith.addf %get3A_861, %get3A_869 : vector<16xf32>
      %swap3A_871 = arith.index_cast %scan3A_36 : i32 to index
      %swap3A_872 = arith.constant 656 : index
      %swap3A_873 = tpu.vector_load %arg9[%swap3A_871, %swap3A_872] {strides = array<i32>} : memref<32x768xf32, #tpu.memory_space<vmem>>, vector<1x16xf32>,
      %swap3A_874 = vector.shape_cast %swap3A_873 : vector<1x16xf32> to vector<16xf32>
      %swap3A_875 = vector.shape_cast %add3A_870 : vector<16xf32> to vector<1x16xf32>
      tpu.vector_store %arg9[%swap3A_871, %swap3A_872], %swap3A_875 {strides = array<i32>} : memref<32x768xf32, #tpu.memory_space<vmem>>, vector<1x16xf32>,
      %mul3A_876 = arith.constant 2 : i32
      %mul3A_877 = arith.muli %mul3A_876, %scan3A_36 : i32
      %get3A_878 = arith.index_cast %mul3A_877 : i32 to index
      %get3A_879 = arith.constant 672 : index
      %get3A_880 = tpu.vector_load %arg7[%get3A_878, %get3A_879] {strides = array<i32>} : memref<64x768xf32, #tpu.memory_space<vmem>>, vector<1x16xf32>,
      %get3A_881 = vector.shape_cast %get3A_880 : vector<1x16xf32> to vector<16xf32>
      %mul3A_882 = arith.constant 2 : i32
      %mul3A_883 = arith.muli %mul3A_882, %scan3A_36 : i32
      %add3A_884 = arith.constant 1 : i32
      %add3A_885 = arith.addi %mul3A_883, %add3A_884 : i32
      %get3A_886 = arith.index_cast %add3A_885 : i32 to index
      %get3A_887 = arith.constant 672 : index
      %get3A_888 = tpu.vector_load %arg7[%get3A_886, %get3A_887] {strides = array<i32>} : memref<64x768xf32, #tpu.memory_space<vmem>>, vector<1x16xf32>,
      %get3A_889 = vector.shape_cast %get3A_888 : vector<1x16xf32> to vector<16xf32>
      %add3A_890 = arith.addf %get3A_881, %get3A_889 : vector<16xf32>
      %swap3A_891 = arith.index_cast %scan3A_36 : i32 to index
      %swap3A_892 = arith.constant 672 : index
      %swap3A_893 = tpu.vector_load %arg9[%swap3A_891, %swap3A_892] {strides = array<i32>} : memref<32x768xf32, #tpu.memory_space<vmem>>, vector<1x16xf32>,
      %swap3A_894 = vector.shape_cast %swap3A_893 : vector<1x16xf32> to vector<16xf32>
      %swap3A_895 = vector.shape_cast %add3A_890 : vector<16xf32> to vector<1x16xf32>
      tpu.vector_store %arg9[%swap3A_891, %swap3A_892], %swap3A_895 {strides = array<i32>} : memref<32x768xf32, #tpu.memory_space<vmem>>, vector<1x16xf32>,
      %mul3A_896 = arith.constant 2 : i32
      %mul3A_897 = arith.muli %mul3A_896, %scan3A_36 : i32
      %get3A_898 = arith.index_cast %mul3A_897 : i32 to index
      %get3A_899 = arith.constant 688 : index
      %get3A_900 = tpu.vector_load %arg7[%get3A_898, %get3A_899] {strides = array<i32>} : memref<64x768xf32, #tpu.memory_space<vmem>>, vector<1x16xf32>,
      %get3A_901 = vector.shape_cast %get3A_900 : vector<1x16xf32> to vector<16xf32>
      %mul3A_902 = arith.constant 2 : i32
      %mul3A_903 = arith.muli %mul3A_902, %scan3A_36 : i32
      %add3A_904 = arith.constant 1 : i32
      %add3A_905 = arith.addi %mul3A_903, %add3A_904 : i32
      %get3A_906 = arith.index_cast %add3A_905 : i32 to index
      %get3A_907 = arith.constant 688 : index
      %get3A_908 = tpu.vector_load %arg7[%get3A_906, %get3A_907] {strides = array<i32>} : memref<64x768xf32, #tpu.memory_space<vmem>>, vector<1x16xf32>,
      %get3A_909 = vector.shape_cast %get3A_908 : vector<1x16xf32> to vector<16xf32>
      %add3A_910 = arith.addf %get3A_901, %get3A_909 : vector<16xf32>
      %swap3A_911 = arith.index_cast %scan3A_36 : i32 to index
      %swap3A_912 = arith.constant 688 : index
      %swap3A_913 = tpu.vector_load %arg9[%swap3A_911, %swap3A_912] {strides = array<i32>} : memref<32x768xf32, #tpu.memory_space<vmem>>, vector<1x16xf32>,
      %swap3A_914 = vector.shape_cast %swap3A_913 : vector<1x16xf32> to vector<16xf32>
      %swap3A_915 = vector.shape_cast %add3A_910 : vector<16xf32> to vector<1x16xf32>
      tpu.vector_store %arg9[%swap3A_911, %swap3A_912], %swap3A_915 {strides = array<i32>} : memref<32x768xf32, #tpu.memory_space<vmem>>, vector<1x16xf32>,
      %mul3A_916 = arith.constant 2 : i32
      %mul3A_917 = arith.muli %mul3A_916, %scan3A_36 : i32
      %get3A_918 = arith.index_cast %mul3A_917 : i32 to index
      %get3A_919 = arith.constant 704 : index
      %get3A_920 = tpu.vector_load %arg7[%get3A_918, %get3A_919] {strides = array<i32>} : memref<64x768xf32, #tpu.memory_space<vmem>>, vector<1x16xf32>,
      %get3A_921 = vector.shape_cast %get3A_920 : vector<1x16xf32> to vector<16xf32>
      %mul3A_922 = arith.constant 2 : i32
      %mul3A_923 = arith.muli %mul3A_922, %scan3A_36 : i32
      %add3A_924 = arith.constant 1 : i32
      %add3A_925 = arith.addi %mul3A_923, %add3A_924 : i32
      %get3A_926 = arith.index_cast %add3A_925 : i32 to index
      %get3A_927 = arith.constant 704 : index
      %get3A_928 = tpu.vector_load %arg7[%get3A_926, %get3A_927] {strides = array<i32>} : memref<64x768xf32, #tpu.memory_space<vmem>>, vector<1x16xf32>,
      %get3A_929 = vector.shape_cast %get3A_928 : vector<1x16xf32> to vector<16xf32>
      %add3A_930 = arith.addf %get3A_921, %get3A_929 : vector<16xf32>
      %swap3A_931 = arith.index_cast %scan3A_36 : i32 to index
      %swap3A_932 = arith.constant 704 : index
      %swap3A_933 = tpu.vector_load %arg9[%swap3A_931, %swap3A_932] {strides = array<i32>} : memref<32x768xf32, #tpu.memory_space<vmem>>, vector<1x16xf32>,
      %swap3A_934 = vector.shape_cast %swap3A_933 : vector<1x16xf32> to vector<16xf32>
      %swap3A_935 = vector.shape_cast %add3A_930 : vector<16xf32> to vector<1x16xf32>
      tpu.vector_store %arg9[%swap3A_931, %swap3A_932], %swap3A_935 {strides = array<i32>} : memref<32x768xf32, #tpu.memory_space<vmem>>, vector<1x16xf32>,
      %mul3A_936 = arith.constant 2 : i32
      %mul3A_937 = arith.muli %mul3A_936, %scan3A_36 : i32
      %get3A_938 = arith.index_cast %mul3A_937 : i32 to index
      %get3A_939 = arith.constant 720 : index
      %get3A_940 = tpu.vector_load %arg7[%get3A_938, %get3A_939] {strides = array<i32>} : memref<64x768xf32, #tpu.memory_space<vmem>>, vector<1x16xf32>,
      %get3A_941 = vector.shape_cast %get3A_940 : vector<1x16xf32> to vector<16xf32>
      %mul3A_942 = arith.constant 2 : i32
      %mul3A_943 = arith.muli %mul3A_942, %scan3A_36 : i32
      %add3A_944 = arith.constant 1 : i32
      %add3A_945 = arith.addi %mul3A_943, %add3A_944 : i32
      %get3A_946 = arith.index_cast %add3A_945 : i32 to index
      %get3A_947 = arith.constant 720 : index
      %get3A_948 = tpu.vector_load %arg7[%get3A_946, %get3A_947] {strides = array<i32>} : memref<64x768xf32, #tpu.memory_space<vmem>>, vector<1x16xf32>,
      %get3A_949 = vector.shape_cast %get3A_948 : vector<1x16xf32> to vector<16xf32>
      %add3A_950 = arith.addf %get3A_941, %get3A_949 : vector<16xf32>
      %swap3A_951 = arith.index_cast %scan3A_36 : i32 to index
      %swap3A_952 = arith.constant 720 : index
      %swap3A_953 = tpu.vector_load %arg9[%swap3A_951, %swap3A_952] {strides = array<i32>} : memref<32x768xf32, #tpu.memory_space<vmem>>, vector<1x16xf32>,
      %swap3A_954 = vector.shape_cast %swap3A_953 : vector<1x16xf32> to vector<16xf32>
      %swap3A_955 = vector.shape_cast %add3A_950 : vector<16xf32> to vector<1x16xf32>
      tpu.vector_store %arg9[%swap3A_951, %swap3A_952], %swap3A_955 {strides = array<i32>} : memref<32x768xf32, #tpu.memory_space<vmem>>, vector<1x16xf32>,
      %mul3A_956 = arith.constant 2 : i32
      %mul3A_957 = arith.muli %mul3A_956, %scan3A_36 : i32
      %get3A_958 = arith.index_cast %mul3A_957 : i32 to index
      %get3A_959 = arith.constant 736 : index
      %get3A_960 = tpu.vector_load %arg7[%get3A_958, %get3A_959] {strides = array<i32>} : memref<64x768xf32, #tpu.memory_space<vmem>>, vector<1x16xf32>,
      %get3A_961 = vector.shape_cast %get3A_960 : vector<1x16xf32> to vector<16xf32>
      %mul3A_962 = arith.constant 2 : i32
      %mul3A_963 = arith.muli %mul3A_962, %scan3A_36 : i32
      %add3A_964 = arith.constant 1 : i32
      %add3A_965 = arith.addi %mul3A_963, %add3A_964 : i32
      %get3A_966 = arith.index_cast %add3A_965 : i32 to index
      %get3A_967 = arith.constant 736 : index
      %get3A_968 = tpu.vector_load %arg7[%get3A_966, %get3A_967] {strides = array<i32>} : memref<64x768xf32, #tpu.memory_space<vmem>>, vector<1x16xf32>,
      %get3A_969 = vector.shape_cast %get3A_968 : vector<1x16xf32> to vector<16xf32>
      %add3A_970 = arith.addf %get3A_961, %get3A_969 : vector<16xf32>
      %swap3A_971 = arith.index_cast %scan3A_36 : i32 to index
      %swap3A_972 = arith.constant 736 : index
      %swap3A_973 = tpu.vector_load %arg9[%swap3A_971, %swap3A_972] {strides = array<i32>} : memref<32x768xf32, #tpu.memory_space<vmem>>, vector<1x16xf32>,
      %swap3A_974 = vector.shape_cast %swap3A_973 : vector<1x16xf32> to vector<16xf32>
      %swap3A_975 = vector.shape_cast %add3A_970 : vector<16xf32> to vector<1x16xf32>
      tpu.vector_store %arg9[%swap3A_971, %swap3A_972], %swap3A_975 {strides = array<i32>} : memref<32x768xf32, #tpu.memory_space<vmem>>, vector<1x16xf32>,
      %mul3A_976 = arith.constant 2 : i32
      %mul3A_977 = arith.muli %mul3A_976, %scan3A_36 : i32
      %get3A_978 = arith.index_cast %mul3A_977 : i32 to index
      %get3A_979 = arith.constant 752 : index
      %get3A_980 = tpu.vector_load %arg7[%get3A_978, %get3A_979] {strides = array<i32>} : memref<64x768xf32, #tpu.memory_space<vmem>>, vector<1x16xf32>,
      %get3A_981 = vector.shape_cast %get3A_980 : vector<1x16xf32> to vector<16xf32>
      %mul3A_982 = arith.constant 2 : i32
      %mul3A_983 = arith.muli %mul3A_982, %scan3A_36 : i32
      %add3A_984 = arith.constant 1 : i32
      %add3A_985 = arith.addi %mul3A_983, %add3A_984 : i32
      %get3A_986 = arith.index_cast %add3A_985 : i32 to index
      %get3A_987 = arith.constant 752 : index
      %get3A_988 = tpu.vector_load %arg7[%get3A_986, %get3A_987] {strides = array<i32>} : memref<64x768xf32, #tpu.memory_space<vmem>>, vector<1x16xf32>,
      %get3A_989 = vector.shape_cast %get3A_988 : vector<1x16xf32> to vector<16xf32>
      %add3A_990 = arith.addf %get3A_981, %get3A_989 : vector<16xf32>
      %swap3A_991 = arith.index_cast %scan3A_36 : i32 to index
      %swap3A_992 = arith.constant 752 : index
      %swap3A_993 = tpu.vector_load %arg9[%swap3A_991, %swap3A_992] {strides = array<i32>} : memref<32x768xf32, #tpu.memory_space<vmem>>, vector<1x16xf32>,
      %swap3A_994 = vector.shape_cast %swap3A_993 : vector<1x16xf32> to vector<16xf32>
      %swap3A_995 = vector.shape_cast %add3A_990 : vector<16xf32> to vector<1x16xf32>
      tpu.vector_store %arg9[%swap3A_991, %swap3A_992], %swap3A_995 {strides = array<i32>} : memref<32x768xf32, #tpu.memory_space<vmem>>, vector<1x16xf32>,
      %scan3A_996 = arith.constant 0 : i32
      scf.yield %scan3A_996 : i32
    }
    %scan3A_21 = arith.constant 32 : i32
    %add3A_22 = arith.constant 0 : i32
    %add3A_23 = arith.addi %mul3A_2, %add3A_22 : i32
    "tpu.region"() ({
      %run_scoped3A = tpu.sem_alloc : memref<!tpu.dma_semaphore, #tpu.memory_space<semaphore_mem>>
      %dma_start3A_36 = arith.constant 0 : i32
      %dma_start3A_37 = tpu.memref_slice %arg4[%add3A_23, %dma_start3A_36] : memref<2048x768xf32, #tpu.memory_space<hbm>> -> memref<32x768xf32, #tpu.memory_space<hbm>>
      %dma_start3A_38 = arith.constant 0 : i32
      %dma_start3A_39 = tpu.memref_slice %arg4[%add3A_23, %dma_start3A_38] : memref<2048x768xf32, #tpu.memory_space<hbm>> -> memref<32x768xf32, #tpu.memory_space<hbm>>
      tpu.enqueue_dma source(%arg9 : memref<32x768xf32, #tpu.memory_space<vmem>>) target(%dma_start3A_39 : memref<32x768xf32, #tpu.memory_space<hbm>>) target_semaphore(%run_scoped3A : memref<!tpu.dma_semaphore, #tpu.memory_space<semaphore_mem>>)
      %dma_wait3A_40 = arith.constant 0 : i32
      %dma_wait3A_41 = tpu.memref_slice %arg4[%add3A_23, %dma_wait3A_40] : memref<2048x768xf32, #tpu.memory_space<hbm>> -> memref<32x768xf32, #tpu.memory_space<hbm>>
      %dma_wait3A_42 = arith.constant 0 : i32
      %dma_wait3A_43 = tpu.memref_slice %arg4[%add3A_23, %dma_wait3A_42] : memref<2048x768xf32, #tpu.memory_space<hbm>> -> memref<32x768xf32, #tpu.memory_space<hbm>>
      tpu.wait_dma2 semaphore(%run_scoped3A : memref<!tpu.dma_semaphore, #tpu.memory_space<semaphore_mem>>) src(%arg9 : memref<32x768xf32, #tpu.memory_space<vmem>>) dst(%dma_wait3A_43 : memref<32x768xf32, #tpu.memory_space<hbm>>)
      tpu.yield
    }) : () -> ()
    %dma_wait3A_24 = arith.constant 0 : i32
    %dma_wait3A_25 = arith.constant 0 : i32
    %dma_wait3A_26 = tpu.memref_slice %arg2[%dma_wait3A_24, %dma_wait3A_25] : memref<6144x768xf32, #tpu.memory_space<hbm>> -> memref<6144x768xf32, #tpu.memory_space<hbm>>
    tpu.wait_indirect_dma semaphore(%arg11 : memref<!tpu.dma_semaphore, #tpu.memory_space<semaphore_mem>>) src(%dma_wait3A_26 : memref<6144x768xf32, #tpu.memory_space<hbm>>) dst(%arg8 : memref<64x768xf32, #tpu.memory_space<vmem>>)
    %scan3A_27 = arith.constant 0 : i32
    %scan3A_28 = arith.constant 0 : i32
    %scan3A_29 = arith.constant 32 : i32
    %scan3A_30 = arith.addi %scan3A_28, %scan3A_29 : i32
    %scan3A_31 = arith.constant 1 : i32
    %scan3A_32 = scf.for %scan3A_36 = %scan3A_28 to %scan3A_30 step %scan3A_31 iter_args(%scan3A_37 = %scan3A_27) -> (i32)  : i32 {
      %mul3A_38 = arith.constant 2 : i32
      %mul3A_39 = arith.muli %mul3A_38, %scan3A_36 : i32
      %get3A = arith.index_cast %mul3A_39 : i32 to index
      %get3A_40 = arith.constant 0 : index
      %get3A_41 = tpu.vector_load %arg8[%get3A, %get3A_40] {strides = array<i32>} : memref<64x768xf32, #tpu.memory_space<vmem>>, vector<1x16xf32>,
      %get3A_42 = vector.shape_cast %get3A_41 : vector<1x16xf32> to vector<16xf32>
      %mul3A_43 = arith.constant 2 : i32
      %mul3A_44 = arith.muli %mul3A_43, %scan3A_36 : i32
      %add3A_45 = arith.constant 1 : i32
      %add3A_46 = arith.addi %mul3A_44, %add3A_45 : i32
      %get3A_47 = arith.index_cast %add3A_46 : i32 to index
      %get3A_48 = arith.constant 0 : index
      %get3A_49 = tpu.vector_load %arg8[%get3A_47, %get3A_48] {strides = array<i32>} : memref<64x768xf32, #tpu.memory_space<vmem>>, vector<1x16xf32>,
      %get3A_50 = vector.shape_cast %get3A_49 : vector<1x16xf32> to vector<16xf32>
      %add3A_51 = arith.addf %get3A_42, %get3A_50 : vector<16xf32>
      %swap3A = arith.index_cast %scan3A_36 : i32 to index
      %swap3A_52 = arith.constant 0 : index
      %swap3A_53 = tpu.vector_load %arg9[%swap3A, %swap3A_52] {strides = array<i32>} : memref<32x768xf32, #tpu.memory_space<vmem>>, vector<1x16xf32>,
      %swap3A_54 = vector.shape_cast %swap3A_53 : vector<1x16xf32> to vector<16xf32>
      %swap3A_55 = vector.shape_cast %add3A_51 : vector<16xf32> to vector<1x16xf32>
      tpu.vector_store %arg9[%swap3A, %swap3A_52], %swap3A_55 {strides = array<i32>} : memref<32x768xf32, #tpu.memory_space<vmem>>, vector<1x16xf32>,
      %mul3A_56 = arith.constant 2 : i32
      %mul3A_57 = arith.muli %mul3A_56, %scan3A_36 : i32
      %get3A_58 = arith.index_cast %mul3A_57 : i32 to index
      %get3A_59 = arith.constant 16 : index
      %get3A_60 = tpu.vector_load %arg8[%get3A_58, %get3A_59] {strides = array<i32>} : memref<64x768xf32, #tpu.memory_space<vmem>>, vector<1x16xf32>,
      %get3A_61 = vector.shape_cast %get3A_60 : vector<1x16xf32> to vector<16xf32>
      %mul3A_62 = arith.constant 2 : i32
      %mul3A_63 = arith.muli %mul3A_62, %scan3A_36 : i32
      %add3A_64 = arith.constant 1 : i32
      %add3A_65 = arith.addi %mul3A_63, %add3A_64 : i32
      %get3A_66 = arith.index_cast %add3A_65 : i32 to index
      %get3A_67 = arith.constant 16 : index
      %get3A_68 = tpu.vector_load %arg8[%get3A_66, %get3A_67] {strides = array<i32>} : memref<64x768xf32, #tpu.memory_space<vmem>>, vector<1x16xf32>,
      %get3A_69 = vector.shape_cast %get3A_68 : vector<1x16xf32> to vector<16xf32>
      %add3A_70 = arith.addf %get3A_61, %get3A_69 : vector<16xf32>
      %swap3A_71 = arith.index_cast %scan3A_36 : i32 to index
      %swap3A_72 = arith.constant 16 : index
      %swap3A_73 = tpu.vector_load %arg9[%swap3A_71, %swap3A_72] {strides = array<i32>} : memref<32x768xf32, #tpu.memory_space<vmem>>, vector<1x16xf32>,
      %swap3A_74 = vector.shape_cast %swap3A_73 : vector<1x16xf32> to vector<16xf32>
      %swap3A_75 = vector.shape_cast %add3A_70 : vector<16xf32> to vector<1x16xf32>
      tpu.vector_store %arg9[%swap3A_71, %swap3A_72], %swap3A_75 {strides = array<i32>} : memref<32x768xf32, #tpu.memory_space<vmem>>, vector<1x16xf32>,
      %mul3A_76 = arith.constant 2 : i32
      %mul3A_77 = arith.muli %mul3A_76, %scan3A_36 : i32
      %get3A_78 = arith.index_cast %mul3A_77 : i32 to index
      %get3A_79 = arith.constant 32 : index
      %get3A_80 = tpu.vector_load %arg8[%get3A_78, %get3A_79] {strides = array<i32>} : memref<64x768xf32, #tpu.memory_space<vmem>>, vector<1x16xf32>,
      %get3A_81 = vector.shape_cast %get3A_80 : vector<1x16xf32> to vector<16xf32>
      %mul3A_82 = arith.constant 2 : i32
      %mul3A_83 = arith.muli %mul3A_82, %scan3A_36 : i32
      %add3A_84 = arith.constant 1 : i32
      %add3A_85 = arith.addi %mul3A_83, %add3A_84 : i32
      %get3A_86 = arith.index_cast %add3A_85 : i32 to index
      %get3A_87 = arith.constant 32 : index
      %get3A_88 = tpu.vector_load %arg8[%get3A_86, %get3A_87] {strides = array<i32>} : memref<64x768xf32, #tpu.memory_space<vmem>>, vector<1x16xf32>,
      %get3A_89 = vector.shape_cast %get3A_88 : vector<1x16xf32> to vector<16xf32>
      %add3A_90 = arith.addf %get3A_81, %get3A_89 : vector<16xf32>
      %swap3A_91 = arith.index_cast %scan3A_36 : i32 to index
      %swap3A_92 = arith.constant 32 : index
      %swap3A_93 = tpu.vector_load %arg9[%swap3A_91, %swap3A_92] {strides = array<i32>} : memref<32x768xf32, #tpu.memory_space<vmem>>, vector<1x16xf32>,
      %swap3A_94 = vector.shape_cast %swap3A_93 : vector<1x16xf32> to vector<16xf32>
      %swap3A_95 = vector.shape_cast %add3A_90 : vector<16xf32> to vector<1x16xf32>
      tpu.vector_store %arg9[%swap3A_91, %swap3A_92], %swap3A_95 {strides = array<i32>} : memref<32x768xf32, #tpu.memory_space<vmem>>, vector<1x16xf32>,
      %mul3A_96 = arith.constant 2 : i32
      %mul3A_97 = arith.muli %mul3A_96, %scan3A_36 : i32
      %get3A_98 = arith.index_cast %mul3A_97 : i32 to index
      %get3A_99 = arith.constant 48 : index
      %get3A_100 = tpu.vector_load %arg8[%get3A_98, %get3A_99] {strides = array<i32>} : memref<64x768xf32, #tpu.memory_space<vmem>>, vector<1x16xf32>,
      %get3A_101 = vector.shape_cast %get3A_100 : vector<1x16xf32> to vector<16xf32>
      %mul3A_102 = arith.constant 2 : i32
      %mul3A_103 = arith.muli %mul3A_102, %scan3A_36 : i32
      %add3A_104 = arith.constant 1 : i32
      %add3A_105 = arith.addi %mul3A_103, %add3A_104 : i32
      %get3A_106 = arith.index_cast %add3A_105 : i32 to index
      %get3A_107 = arith.constant 48 : index
      %get3A_108 = tpu.vector_load %arg8[%get3A_106, %get3A_107] {strides = array<i32>} : memref<64x768xf32, #tpu.memory_space<vmem>>, vector<1x16xf32>,
      %get3A_109 = vector.shape_cast %get3A_108 : vector<1x16xf32> to vector<16xf32>
      %add3A_110 = arith.addf %get3A_101, %get3A_109 : vector<16xf32>
      %swap3A_111 = arith.index_cast %scan3A_36 : i32 to index
      %swap3A_112 = arith.constant 48 : index
      %swap3A_113 = tpu.vector_load %arg9[%swap3A_111, %swap3A_112] {strides = array<i32>} : memref<32x768xf32, #tpu.memory_space<vmem>>, vector<1x16xf32>,
      %swap3A_114 = vector.shape_cast %swap3A_113 : vector<1x16xf32> to vector<16xf32>
      %swap3A_115 = vector.shape_cast %add3A_110 : vector<16xf32> to vector<1x16xf32>
      tpu.vector_store %arg9[%swap3A_111, %swap3A_112], %swap3A_115 {strides = array<i32>} : memref<32x768xf32, #tpu.memory_space<vmem>>, vector<1x16xf32>,
      %mul3A_116 = arith.constant 2 : i32
      %mul3A_117 = arith.muli %mul3A_116, %scan3A_36 : i32
      %get3A_118 = arith.index_cast %mul3A_117 : i32 to index
      %get3A_119 = arith.constant 64 : index
      %get3A_120 = tpu.vector_load %arg8[%get3A_118, %get3A_119] {strides = array<i32>} : memref<64x768xf32, #tpu.memory_space<vmem>>, vector<1x16xf32>,
      %get3A_121 = vector.shape_cast %get3A_120 : vector<1x16xf32> to vector<16xf32>
      %mul3A_122 = arith.constant 2 : i32
      %mul3A_123 = arith.muli %mul3A_122, %scan3A_36 : i32
      %add3A_124 = arith.constant 1 : i32
      %add3A_125 = arith.addi %mul3A_123, %add3A_124 : i32
      %get3A_126 = arith.index_cast %add3A_125 : i32 to index
      %get3A_127 = arith.constant 64 : index
      %get3A_128 = tpu.vector_load %arg8[%get3A_126, %get3A_127] {strides = array<i32>} : memref<64x768xf32, #tpu.memory_space<vmem>>, vector<1x16xf32>,
      %get3A_129 = vector.shape_cast %get3A_128 : vector<1x16xf32> to vector<16xf32>
      %add3A_130 = arith.addf %get3A_121, %get3A_129 : vector<16xf32>
      %swap3A_131 = arith.index_cast %scan3A_36 : i32 to index
      %swap3A_132 = arith.constant 64 : index
      %swap3A_133 = tpu.vector_load %arg9[%swap3A_131, %swap3A_132] {strides = array<i32>} : memref<32x768xf32, #tpu.memory_space<vmem>>, vector<1x16xf32>,
      %swap3A_134 = vector.shape_cast %swap3A_133 : vector<1x16xf32> to vector<16xf32>
      %swap3A_135 = vector.shape_cast %add3A_130 : vector<16xf32> to vector<1x16xf32>
      tpu.vector_store %arg9[%swap3A_131, %swap3A_132], %swap3A_135 {strides = array<i32>} : memref<32x768xf32, #tpu.memory_space<vmem>>, vector<1x16xf32>,
      %mul3A_136 = arith.constant 2 : i32
      %mul3A_137 = arith.muli %mul3A_136, %scan3A_36 : i32
      %get3A_138 = arith.index_cast %mul3A_137 : i32 to index
      %get3A_139 = arith.constant 80 : index
      %get3A_140 = tpu.vector_load %arg8[%get3A_138, %get3A_139] {strides = array<i32>} : memref<64x768xf32, #tpu.memory_space<vmem>>, vector<1x16xf32>,
      %get3A_141 = vector.shape_cast %get3A_140 : vector<1x16xf32> to vector<16xf32>
      %mul3A_142 = arith.constant 2 : i32
      %mul3A_143 = arith.muli %mul3A_142, %scan3A_36 : i32
      %add3A_144 = arith.constant 1 : i32
      %add3A_145 = arith.addi %mul3A_143, %add3A_144 : i32
      %get3A_146 = arith.index_cast %add3A_145 : i32 to index
      %get3A_147 = arith.constant 80 : index
      %get3A_148 = tpu.vector_load %arg8[%get3A_146, %get3A_147] {strides = array<i32>} : memref<64x768xf32, #tpu.memory_space<vmem>>, vector<1x16xf32>,
      %get3A_149 = vector.shape_cast %get3A_148 : vector<1x16xf32> to vector<16xf32>
      %add3A_150 = arith.addf %get3A_141, %get3A_149 : vector<16xf32>
      %swap3A_151 = arith.index_cast %scan3A_36 : i32 to index
      %swap3A_152 = arith.constant 80 : index
      %swap3A_153 = tpu.vector_load %arg9[%swap3A_151, %swap3A_152] {strides = array<i32>} : memref<32x768xf32, #tpu.memory_space<vmem>>, vector<1x16xf32>,
      %swap3A_154 = vector.shape_cast %swap3A_153 : vector<1x16xf32> to vector<16xf32>
      %swap3A_155 = vector.shape_cast %add3A_150 : vector<16xf32> to vector<1x16xf32>
      tpu.vector_store %arg9[%swap3A_151, %swap3A_152], %swap3A_155 {strides = array<i32>} : memref<32x768xf32, #tpu.memory_space<vmem>>, vector<1x16xf32>,
      %mul3A_156 = arith.constant 2 : i32
      %mul3A_157 = arith.muli %mul3A_156, %scan3A_36 : i32
      %get3A_158 = arith.index_cast %mul3A_157 : i32 to index
      %get3A_159 = arith.constant 96 : index
      %get3A_160 = tpu.vector_load %arg8[%get3A_158, %get3A_159] {strides = array<i32>} : memref<64x768xf32, #tpu.memory_space<vmem>>, vector<1x16xf32>,
      %get3A_161 = vector.shape_cast %get3A_160 : vector<1x16xf32> to vector<16xf32>
      %mul3A_162 = arith.constant 2 : i32
      %mul3A_163 = arith.muli %mul3A_162, %scan3A_36 : i32
      %add3A_164 = arith.constant 1 : i32
      %add3A_165 = arith.addi %mul3A_163, %add3A_164 : i32
      %get3A_166 = arith.index_cast %add3A_165 : i32 to index
      %get3A_167 = arith.constant 96 : index
      %get3A_168 = tpu.vector_load %arg8[%get3A_166, %get3A_167] {strides = array<i32>} : memref<64x768xf32, #tpu.memory_space<vmem>>, vector<1x16xf32>,
      %get3A_169 = vector.shape_cast %get3A_168 : vector<1x16xf32> to vector<16xf32>
      %add3A_170 = arith.addf %get3A_161, %get3A_169 : vector<16xf32>
      %swap3A_171 = arith.index_cast %scan3A_36 : i32 to index
      %swap3A_172 = arith.constant 96 : index
      %swap3A_173 = tpu.vector_load %arg9[%swap3A_171, %swap3A_172] {strides = array<i32>} : memref<32x768xf32, #tpu.memory_space<vmem>>, vector<1x16xf32>,
      %swap3A_174 = vector.shape_cast %swap3A_173 : vector<1x16xf32> to vector<16xf32>
      %swap3A_175 = vector.shape_cast %add3A_170 : vector<16xf32> to vector<1x16xf32>
      tpu.vector_store %arg9[%swap3A_171, %swap3A_172], %swap3A_175 {strides = array<i32>} : memref<32x768xf32, #tpu.memory_space<vmem>>, vector<1x16xf32>,
      %mul3A_176 = arith.constant 2 : i32
      %mul3A_177 = arith.muli %mul3A_176, %scan3A_36 : i32
      %get3A_178 = arith.index_cast %mul3A_177 : i32 to index
      %get3A_179 = arith.constant 112 : index
      %get3A_180 = tpu.vector_load %arg8[%get3A_178, %get3A_179] {strides = array<i32>} : memref<64x768xf32, #tpu.memory_space<vmem>>, vector<1x16xf32>,
      %get3A_181 = vector.shape_cast %get3A_180 : vector<1x16xf32> to vector<16xf32>
      %mul3A_182 = arith.constant 2 : i32
      %mul3A_183 = arith.muli %mul3A_182, %scan3A_36 : i32
      %add3A_184 = arith.constant 1 : i32
      %add3A_185 = arith.addi %mul3A_183, %add3A_184 : i32
      %get3A_186 = arith.index_cast %add3A_185 : i32 to index
      %get3A_187 = arith.constant 112 : index
      %get3A_188 = tpu.vector_load %arg8[%get3A_186, %get3A_187] {strides = array<i32>} : memref<64x768xf32, #tpu.memory_space<vmem>>, vector<1x16xf32>,
      %get3A_189 = vector.shape_cast %get3A_188 : vector<1x16xf32> to vector<16xf32>
      %add3A_190 = arith.addf %get3A_181, %get3A_189 : vector<16xf32>
      %swap3A_191 = arith.index_cast %scan3A_36 : i32 to index
      %swap3A_192 = arith.constant 112 : index
      %swap3A_193 = tpu.vector_load %arg9[%swap3A_191, %swap3A_192] {strides = array<i32>} : memref<32x768xf32, #tpu.memory_space<vmem>>, vector<1x16xf32>,
      %swap3A_194 = vector.shape_cast %swap3A_193 : vector<1x16xf32> to vector<16xf32>
      %swap3A_195 = vector.shape_cast %add3A_190 : vector<16xf32> to vector<1x16xf32>
      tpu.vector_store %arg9[%swap3A_191, %swap3A_192], %swap3A_195 {strides = array<i32>} : memref<32x768xf32, #tpu.memory_space<vmem>>, vector<1x16xf32>,
      %mul3A_196 = arith.constant 2 : i32
      %mul3A_197 = arith.muli %mul3A_196, %scan3A_36 : i32
      %get3A_198 = arith.index_cast %mul3A_197 : i32 to index
      %get3A_199 = arith.constant 128 : index
      %get3A_200 = tpu.vector_load %arg8[%get3A_198, %get3A_199] {strides = array<i32>} : memref<64x768xf32, #tpu.memory_space<vmem>>, vector<1x16xf32>,
      %get3A_201 = vector.shape_cast %get3A_200 : vector<1x16xf32> to vector<16xf32>
      %mul3A_202 = arith.constant 2 : i32
      %mul3A_203 = arith.muli %mul3A_202, %scan3A_36 : i32
      %add3A_204 = arith.constant 1 : i32
      %add3A_205 = arith.addi %mul3A_203, %add3A_204 : i32
      %get3A_206 = arith.index_cast %add3A_205 : i32 to index
      %get3A_207 = arith.constant 128 : index
      %get3A_208 = tpu.vector_load %arg8[%get3A_206, %get3A_207] {strides = array<i32>} : memref<64x768xf32, #tpu.memory_space<vmem>>, vector<1x16xf32>,
      %get3A_209 = vector.shape_cast %get3A_208 : vector<1x16xf32> to vector<16xf32>
      %add3A_210 = arith.addf %get3A_201, %get3A_209 : vector<16xf32>
      %swap3A_211 = arith.index_cast %scan3A_36 : i32 to index
      %swap3A_212 = arith.constant 128 : index
      %swap3A_213 = tpu.vector_load %arg9[%swap3A_211, %swap3A_212] {strides = array<i32>} : memref<32x768xf32, #tpu.memory_space<vmem>>, vector<1x16xf32>,
      %swap3A_214 = vector.shape_cast %swap3A_213 : vector<1x16xf32> to vector<16xf32>
      %swap3A_215 = vector.shape_cast %add3A_210 : vector<16xf32> to vector<1x16xf32>
      tpu.vector_store %arg9[%swap3A_211, %swap3A_212], %swap3A_215 {strides = array<i32>} : memref<32x768xf32, #tpu.memory_space<vmem>>, vector<1x16xf32>,
      %mul3A_216 = arith.constant 2 : i32
      %mul3A_217 = arith.muli %mul3A_216, %scan3A_36 : i32
      %get3A_218 = arith.index_cast %mul3A_217 : i32 to index
      %get3A_219 = arith.constant 144 : index
      %get3A_220 = tpu.vector_load %arg8[%get3A_218, %get3A_219] {strides = array<i32>} : memref<64x768xf32, #tpu.memory_space<vmem>>, vector<1x16xf32>,
      %get3A_221 = vector.shape_cast %get3A_220 : vector<1x16xf32> to vector<16xf32>
      %mul3A_222 = arith.constant 2 : i32
      %mul3A_223 = arith.muli %mul3A_222, %scan3A_36 : i32
      %add3A_224 = arith.constant 1 : i32
      %add3A_225 = arith.addi %mul3A_223, %add3A_224 : i32
      %get3A_226 = arith.index_cast %add3A_225 : i32 to index
      %get3A_227 = arith.constant 144 : index
      %get3A_228 = tpu.vector_load %arg8[%get3A_226, %get3A_227] {strides = array<i32>} : memref<64x768xf32, #tpu.memory_space<vmem>>, vector<1x16xf32>,
      %get3A_229 = vector.shape_cast %get3A_228 : vector<1x16xf32> to vector<16xf32>
      %add3A_230 = arith.addf %get3A_221, %get3A_229 : vector<16xf32>
      %swap3A_231 = arith.index_cast %scan3A_36 : i32 to index
      %swap3A_232 = arith.constant 144 : index
      %swap3A_233 = tpu.vector_load %arg9[%swap3A_231, %swap3A_232] {strides = array<i32>} : memref<32x768xf32, #tpu.memory_space<vmem>>, vector<1x16xf32>,
      %swap3A_234 = vector.shape_cast %swap3A_233 : vector<1x16xf32> to vector<16xf32>
      %swap3A_235 = vector.shape_cast %add3A_230 : vector<16xf32> to vector<1x16xf32>
      tpu.vector_store %arg9[%swap3A_231, %swap3A_232], %swap3A_235 {strides = array<i32>} : memref<32x768xf32, #tpu.memory_space<vmem>>, vector<1x16xf32>,
      %mul3A_236 = arith.constant 2 : i32
      %mul3A_237 = arith.muli %mul3A_236, %scan3A_36 : i32
      %get3A_238 = arith.index_cast %mul3A_237 : i32 to index
      %get3A_239 = arith.constant 160 : index
      %get3A_240 = tpu.vector_load %arg8[%get3A_238, %get3A_239] {strides = array<i32>} : memref<64x768xf32, #tpu.memory_space<vmem>>, vector<1x16xf32>,
      %get3A_241 = vector.shape_cast %get3A_240 : vector<1x16xf32> to vector<16xf32>
      %mul3A_242 = arith.constant 2 : i32
      %mul3A_243 = arith.muli %mul3A_242, %scan3A_36 : i32
      %add3A_244 = arith.constant 1 : i32
      %add3A_245 = arith.addi %mul3A_243, %add3A_244 : i32
      %get3A_246 = arith.index_cast %add3A_245 : i32 to index
      %get3A_247 = arith.constant 160 : index
      %get3A_248 = tpu.vector_load %arg8[%get3A_246, %get3A_247] {strides = array<i32>} : memref<64x768xf32, #tpu.memory_space<vmem>>, vector<1x16xf32>,
      %get3A_249 = vector.shape_cast %get3A_248 : vector<1x16xf32> to vector<16xf32>
      %add3A_250 = arith.addf %get3A_241, %get3A_249 : vector<16xf32>
      %swap3A_251 = arith.index_cast %scan3A_36 : i32 to index
      %swap3A_252 = arith.constant 160 : index
      %swap3A_253 = tpu.vector_load %arg9[%swap3A_251, %swap3A_252] {strides = array<i32>} : memref<32x768xf32, #tpu.memory_space<vmem>>, vector<1x16xf32>,
      %swap3A_254 = vector.shape_cast %swap3A_253 : vector<1x16xf32> to vector<16xf32>
      %swap3A_255 = vector.shape_cast %add3A_250 : vector<16xf32> to vector<1x16xf32>
      tpu.vector_store %arg9[%swap3A_251, %swap3A_252], %swap3A_255 {strides = array<i32>} : memref<32x768xf32, #tpu.memory_space<vmem>>, vector<1x16xf32>,
      %mul3A_256 = arith.constant 2 : i32
      %mul3A_257 = arith.muli %mul3A_256, %scan3A_36 : i32
      %get3A_258 = arith.index_cast %mul3A_257 : i32 to index
      %get3A_259 = arith.constant 176 : index
      %get3A_260 = tpu.vector_load %arg8[%get3A_258, %get3A_259] {strides = array<i32>} : memref<64x768xf32, #tpu.memory_space<vmem>>, vector<1x16xf32>,
      %get3A_261 = vector.shape_cast %get3A_260 : vector<1x16xf32> to vector<16xf32>
      %mul3A_262 = arith.constant 2 : i32
      %mul3A_263 = arith.muli %mul3A_262, %scan3A_36 : i32
      %add3A_264 = arith.constant 1 : i32
      %add3A_265 = arith.addi %mul3A_263, %add3A_264 : i32
      %get3A_266 = arith.index_cast %add3A_265 : i32 to index
      %get3A_267 = arith.constant 176 : index
      %get3A_268 = tpu.vector_load %arg8[%get3A_266, %get3A_267] {strides = array<i32>} : memref<64x768xf32, #tpu.memory_space<vmem>>, vector<1x16xf32>,
      %get3A_269 = vector.shape_cast %get3A_268 : vector<1x16xf32> to vector<16xf32>
      %add3A_270 = arith.addf %get3A_261, %get3A_269 : vector<16xf32>
      %swap3A_271 = arith.index_cast %scan3A_36 : i32 to index
      %swap3A_272 = arith.constant 176 : index
      %swap3A_273 = tpu.vector_load %arg9[%swap3A_271, %swap3A_272] {strides = array<i32>} : memref<32x768xf32, #tpu.memory_space<vmem>>, vector<1x16xf32>,
      %swap3A_274 = vector.shape_cast %swap3A_273 : vector<1x16xf32> to vector<16xf32>
      %swap3A_275 = vector.shape_cast %add3A_270 : vector<16xf32> to vector<1x16xf32>
      tpu.vector_store %arg9[%swap3A_271, %swap3A_272], %swap3A_275 {strides = array<i32>} : memref<32x768xf32, #tpu.memory_space<vmem>>, vector<1x16xf32>,
      %mul3A_276 = arith.constant 2 : i32
      %mul3A_277 = arith.muli %mul3A_276, %scan3A_36 : i32
      %get3A_278 = arith.index_cast %mul3A_277 : i32 to index
      %get3A_279 = arith.constant 192 : index
      %get3A_280 = tpu.vector_load %arg8[%get3A_278, %get3A_279] {strides = array<i32>} : memref<64x768xf32, #tpu.memory_space<vmem>>, vector<1x16xf32>,
      %get3A_281 = vector.shape_cast %get3A_280 : vector<1x16xf32> to vector<16xf32>
      %mul3A_282 = arith.constant 2 : i32
      %mul3A_283 = arith.muli %mul3A_282, %scan3A_36 : i32
      %add3A_284 = arith.constant 1 : i32
      %add3A_285 = arith.addi %mul3A_283, %add3A_284 : i32
      %get3A_286 = arith.index_cast %add3A_285 : i32 to index
      %get3A_287 = arith.constant 192 : index
      %get3A_288 = tpu.vector_load %arg8[%get3A_286, %get3A_287] {strides = array<i32>} : memref<64x768xf32, #tpu.memory_space<vmem>>, vector<1x16xf32>,
      %get3A_289 = vector.shape_cast %get3A_288 : vector<1x16xf32> to vector<16xf32>
      %add3A_290 = arith.addf %get3A_281, %get3A_289 : vector<16xf32>
      %swap3A_291 = arith.index_cast %scan3A_36 : i32 to index
      %swap3A_292 = arith.constant 192 : index
      %swap3A_293 = tpu.vector_load %arg9[%swap3A_291, %swap3A_292] {strides = array<i32>} : memref<32x768xf32, #tpu.memory_space<vmem>>, vector<1x16xf32>,
      %swap3A_294 = vector.shape_cast %swap3A_293 : vector<1x16xf32> to vector<16xf32>
      %swap3A_295 = vector.shape_cast %add3A_290 : vector<16xf32> to vector<1x16xf32>
      tpu.vector_store %arg9[%swap3A_291, %swap3A_292], %swap3A_295 {strides = array<i32>} : memref<32x768xf32, #tpu.memory_space<vmem>>, vector<1x16xf32>,
      %mul3A_296 = arith.constant 2 : i32
      %mul3A_297 = arith.muli %mul3A_296, %scan3A_36 : i32
      %get3A_298 = arith.index_cast %mul3A_297 : i32 to index
      %get3A_299 = arith.constant 208 : index
      %get3A_300 = tpu.vector_load %arg8[%get3A_298, %get3A_299] {strides = array<i32>} : memref<64x768xf32, #tpu.memory_space<vmem>>, vector<1x16xf32>,
      %get3A_301 = vector.shape_cast %get3A_300 : vector<1x16xf32> to vector<16xf32>
      %mul3A_302 = arith.constant 2 : i32
      %mul3A_303 = arith.muli %mul3A_302, %scan3A_36 : i32
      %add3A_304 = arith.constant 1 : i32
      %add3A_305 = arith.addi %mul3A_303, %add3A_304 : i32
      %get3A_306 = arith.index_cast %add3A_305 : i32 to index
      %get3A_307 = arith.constant 208 : index
      %get3A_308 = tpu.vector_load %arg8[%get3A_306, %get3A_307] {strides = array<i32>} : memref<64x768xf32, #tpu.memory_space<vmem>>, vector<1x16xf32>,
      %get3A_309 = vector.shape_cast %get3A_308 : vector<1x16xf32> to vector<16xf32>
      %add3A_310 = arith.addf %get3A_301, %get3A_309 : vector<16xf32>
      %swap3A_311 = arith.index_cast %scan3A_36 : i32 to index
      %swap3A_312 = arith.constant 208 : index
      %swap3A_313 = tpu.vector_load %arg9[%swap3A_311, %swap3A_312] {strides = array<i32>} : memref<32x768xf32, #tpu.memory_space<vmem>>, vector<1x16xf32>,
      %swap3A_314 = vector.shape_cast %swap3A_313 : vector<1x16xf32> to vector<16xf32>
      %swap3A_315 = vector.shape_cast %add3A_310 : vector<16xf32> to vector<1x16xf32>
      tpu.vector_store %arg9[%swap3A_311, %swap3A_312], %swap3A_315 {strides = array<i32>} : memref<32x768xf32, #tpu.memory_space<vmem>>, vector<1x16xf32>,
      %mul3A_316 = arith.constant 2 : i32
      %mul3A_317 = arith.muli %mul3A_316, %scan3A_36 : i32
      %get3A_318 = arith.index_cast %mul3A_317 : i32 to index
      %get3A_319 = arith.constant 224 : index
      %get3A_320 = tpu.vector_load %arg8[%get3A_318, %get3A_319] {strides = array<i32>} : memref<64x768xf32, #tpu.memory_space<vmem>>, vector<1x16xf32>,
      %get3A_321 = vector.shape_cast %get3A_320 : vector<1x16xf32> to vector<16xf32>
      %mul3A_322 = arith.constant 2 : i32
      %mul3A_323 = arith.muli %mul3A_322, %scan3A_36 : i32
      %add3A_324 = arith.constant 1 : i32
      %add3A_325 = arith.addi %mul3A_323, %add3A_324 : i32
      %get3A_326 = arith.index_cast %add3A_325 : i32 to index
      %get3A_327 = arith.constant 224 : index
      %get3A_328 = tpu.vector_load %arg8[%get3A_326, %get3A_327] {strides = array<i32>} : memref<64x768xf32, #tpu.memory_space<vmem>>, vector<1x16xf32>,
      %get3A_329 = vector.shape_cast %get3A_328 : vector<1x16xf32> to vector<16xf32>
      %add3A_330 = arith.addf %get3A_321, %get3A_329 : vector<16xf32>
      %swap3A_331 = arith.index_cast %scan3A_36 : i32 to index
      %swap3A_332 = arith.constant 224 : index
      %swap3A_333 = tpu.vector_load %arg9[%swap3A_331, %swap3A_332] {strides = array<i32>} : memref<32x768xf32, #tpu.memory_space<vmem>>, vector<1x16xf32>,
      %swap3A_334 = vector.shape_cast %swap3A_333 : vector<1x16xf32> to vector<16xf32>
      %swap3A_335 = vector.shape_cast %add3A_330 : vector<16xf32> to vector<1x16xf32>
      tpu.vector_store %arg9[%swap3A_331, %swap3A_332], %swap3A_335 {strides = array<i32>} : memref<32x768xf32, #tpu.memory_space<vmem>>, vector<1x16xf32>,
      %mul3A_336 = arith.constant 2 : i32
      %mul3A_337 = arith.muli %mul3A_336, %scan3A_36 : i32
      %get3A_338 = arith.index_cast %mul3A_337 : i32 to index
      %get3A_339 = arith.constant 240 : index
      %get3A_340 = tpu.vector_load %arg8[%get3A_338, %get3A_339] {strides = array<i32>} : memref<64x768xf32, #tpu.memory_space<vmem>>, vector<1x16xf32>,
      %get3A_341 = vector.shape_cast %get3A_340 : vector<1x16xf32> to vector<16xf32>
      %mul3A_342 = arith.constant 2 : i32
      %mul3A_343 = arith.muli %mul3A_342, %scan3A_36 : i32
      %add3A_344 = arith.constant 1 : i32
      %add3A_345 = arith.addi %mul3A_343, %add3A_344 : i32
      %get3A_346 = arith.index_cast %add3A_345 : i32 to index
      %get3A_347 = arith.constant 240 : index
      %get3A_348 = tpu.vector_load %arg8[%get3A_346, %get3A_347] {strides = array<i32>} : memref<64x768xf32, #tpu.memory_space<vmem>>, vector<1x16xf32>,
      %get3A_349 = vector.shape_cast %get3A_348 : vector<1x16xf32> to vector<16xf32>
      %add3A_350 = arith.addf %get3A_341, %get3A_349 : vector<16xf32>
      %swap3A_351 = arith.index_cast %scan3A_36 : i32 to index
      %swap3A_352 = arith.constant 240 : index
      %swap3A_353 = tpu.vector_load %arg9[%swap3A_351, %swap3A_352] {strides = array<i32>} : memref<32x768xf32, #tpu.memory_space<vmem>>, vector<1x16xf32>,
      %swap3A_354 = vector.shape_cast %swap3A_353 : vector<1x16xf32> to vector<16xf32>
      %swap3A_355 = vector.shape_cast %add3A_350 : vector<16xf32> to vector<1x16xf32>
      tpu.vector_store %arg9[%swap3A_351, %swap3A_352], %swap3A_355 {strides = array<i32>} : memref<32x768xf32, #tpu.memory_space<vmem>>, vector<1x16xf32>,
      %mul3A_356 = arith.constant 2 : i32
      %mul3A_357 = arith.muli %mul3A_356, %scan3A_36 : i32
      %get3A_358 = arith.index_cast %mul3A_357 : i32 to index
      %get3A_359 = arith.constant 256 : index
      %get3A_360 = tpu.vector_load %arg8[%get3A_358, %get3A_359] {strides = array<i32>} : memref<64x768xf32, #tpu.memory_space<vmem>>, vector<1x16xf32>,
      %get3A_361 = vector.shape_cast %get3A_360 : vector<1x16xf32> to vector<16xf32>
      %mul3A_362 = arith.constant 2 : i32
      %mul3A_363 = arith.muli %mul3A_362, %scan3A_36 : i32
      %add3A_364 = arith.constant 1 : i32
      %add3A_365 = arith.addi %mul3A_363, %add3A_364 : i32
      %get3A_366 = arith.index_cast %add3A_365 : i32 to index
      %get3A_367 = arith.constant 256 : index
      %get3A_368 = tpu.vector_load %arg8[%get3A_366, %get3A_367] {strides = array<i32>} : memref<64x768xf32, #tpu.memory_space<vmem>>, vector<1x16xf32>,
      %get3A_369 = vector.shape_cast %get3A_368 : vector<1x16xf32> to vector<16xf32>
      %add3A_370 = arith.addf %get3A_361, %get3A_369 : vector<16xf32>
      %swap3A_371 = arith.index_cast %scan3A_36 : i32 to index
      %swap3A_372 = arith.constant 256 : index
      %swap3A_373 = tpu.vector_load %arg9[%swap3A_371, %swap3A_372] {strides = array<i32>} : memref<32x768xf32, #tpu.memory_space<vmem>>, vector<1x16xf32>,
      %swap3A_374 = vector.shape_cast %swap3A_373 : vector<1x16xf32> to vector<16xf32>
      %swap3A_375 = vector.shape_cast %add3A_370 : vector<16xf32> to vector<1x16xf32>
      tpu.vector_store %arg9[%swap3A_371, %swap3A_372], %swap3A_375 {strides = array<i32>} : memref<32x768xf32, #tpu.memory_space<vmem>>, vector<1x16xf32>,
      %mul3A_376 = arith.constant 2 : i32
      %mul3A_377 = arith.muli %mul3A_376, %scan3A_36 : i32
      %get3A_378 = arith.index_cast %mul3A_377 : i32 to index
      %get3A_379 = arith.constant 272 : index
      %get3A_380 = tpu.vector_load %arg8[%get3A_378, %get3A_379] {strides = array<i32>} : memref<64x768xf32, #tpu.memory_space<vmem>>, vector<1x16xf32>,
      %get3A_381 = vector.shape_cast %get3A_380 : vector<1x16xf32> to vector<16xf32>
      %mul3A_382 = arith.constant 2 : i32
      %mul3A_383 = arith.muli %mul3A_382, %scan3A_36 : i32
      %add3A_384 = arith.constant 1 : i32
      %add3A_385 = arith.addi %mul3A_383, %add3A_384 : i32
      %get3A_386 = arith.index_cast %add3A_385 : i32 to index
      %get3A_387 = arith.constant 272 : index
      %get3A_388 = tpu.vector_load %arg8[%get3A_386, %get3A_387] {strides = array<i32>} : memref<64x768xf32, #tpu.memory_space<vmem>>, vector<1x16xf32>,
      %get3A_389 = vector.shape_cast %get3A_388 : vector<1x16xf32> to vector<16xf32>
      %add3A_390 = arith.addf %get3A_381, %get3A_389 : vector<16xf32>
      %swap3A_391 = arith.index_cast %scan3A_36 : i32 to index
      %swap3A_392 = arith.constant 272 : index
      %swap3A_393 = tpu.vector_load %arg9[%swap3A_391, %swap3A_392] {strides = array<i32>} : memref<32x768xf32, #tpu.memory_space<vmem>>, vector<1x16xf32>,
      %swap3A_394 = vector.shape_cast %swap3A_393 : vector<1x16xf32> to vector<16xf32>
      %swap3A_395 = vector.shape_cast %add3A_390 : vector<16xf32> to vector<1x16xf32>
      tpu.vector_store %arg9[%swap3A_391, %swap3A_392], %swap3A_395 {strides = array<i32>} : memref<32x768xf32, #tpu.memory_space<vmem>>, vector<1x16xf32>,
      %mul3A_396 = arith.constant 2 : i32
      %mul3A_397 = arith.muli %mul3A_396, %scan3A_36 : i32
      %get3A_398 = arith.index_cast %mul3A_397 : i32 to index
      %get3A_399 = arith.constant 288 : index
      %get3A_400 = tpu.vector_load %arg8[%get3A_398, %get3A_399] {strides = array<i32>} : memref<64x768xf32, #tpu.memory_space<vmem>>, vector<1x16xf32>,
      %get3A_401 = vector.shape_cast %get3A_400 : vector<1x16xf32> to vector<16xf32>
      %mul3A_402 = arith.constant 2 : i32
      %mul3A_403 = arith.muli %mul3A_402, %scan3A_36 : i32
      %add3A_404 = arith.constant 1 : i32
      %add3A_405 = arith.addi %mul3A_403, %add3A_404 : i32
      %get3A_406 = arith.index_cast %add3A_405 : i32 to index
      %get3A_407 = arith.constant 288 : index
      %get3A_408 = tpu.vector_load %arg8[%get3A_406, %get3A_407] {strides = array<i32>} : memref<64x768xf32, #tpu.memory_space<vmem>>, vector<1x16xf32>,
      %get3A_409 = vector.shape_cast %get3A_408 : vector<1x16xf32> to vector<16xf32>
      %add3A_410 = arith.addf %get3A_401, %get3A_409 : vector<16xf32>
      %swap3A_411 = arith.index_cast %scan3A_36 : i32 to index
      %swap3A_412 = arith.constant 288 : index
      %swap3A_413 = tpu.vector_load %arg9[%swap3A_411, %swap3A_412] {strides = array<i32>} : memref<32x768xf32, #tpu.memory_space<vmem>>, vector<1x16xf32>,
      %swap3A_414 = vector.shape_cast %swap3A_413 : vector<1x16xf32> to vector<16xf32>
      %swap3A_415 = vector.shape_cast %add3A_410 : vector<16xf32> to vector<1x16xf32>
      tpu.vector_store %arg9[%swap3A_411, %swap3A_412], %swap3A_415 {strides = array<i32>} : memref<32x768xf32, #tpu.memory_space<vmem>>, vector<1x16xf32>,
      %mul3A_416 = arith.constant 2 : i32
      %mul3A_417 = arith.muli %mul3A_416, %scan3A_36 : i32
      %get3A_418 = arith.index_cast %mul3A_417 : i32 to index
      %get3A_419 = arith.constant 304 : index
      %get3A_420 = tpu.vector_load %arg8[%get3A_418, %get3A_419] {strides = array<i32>} : memref<64x768xf32, #tpu.memory_space<vmem>>, vector<1x16xf32>,
      %get3A_421 = vector.shape_cast %get3A_420 : vector<1x16xf32> to vector<16xf32>
      %mul3A_422 = arith.constant 2 : i32
      %mul3A_423 = arith.muli %mul3A_422, %scan3A_36 : i32
      %add3A_424 = arith.constant 1 : i32
      %add3A_425 = arith.addi %mul3A_423, %add3A_424 : i32
      %get3A_426 = arith.index_cast %add3A_425 : i32 to index
      %get3A_427 = arith.constant 304 : index
      %get3A_428 = tpu.vector_load %arg8[%get3A_426, %get3A_427] {strides = array<i32>} : memref<64x768xf32, #tpu.memory_space<vmem>>, vector<1x16xf32>,
      %get3A_429 = vector.shape_cast %get3A_428 : vector<1x16xf32> to vector<16xf32>
      %add3A_430 = arith.addf %get3A_421, %get3A_429 : vector<16xf32>
      %swap3A_431 = arith.index_cast %scan3A_36 : i32 to index
      %swap3A_432 = arith.constant 304 : index
      %swap3A_433 = tpu.vector_load %arg9[%swap3A_431, %swap3A_432] {strides = array<i32>} : memref<32x768xf32, #tpu.memory_space<vmem>>, vector<1x16xf32>,
      %swap3A_434 = vector.shape_cast %swap3A_433 : vector<1x16xf32> to vector<16xf32>
      %swap3A_435 = vector.shape_cast %add3A_430 : vector<16xf32> to vector<1x16xf32>
      tpu.vector_store %arg9[%swap3A_431, %swap3A_432], %swap3A_435 {strides = array<i32>} : memref<32x768xf32, #tpu.memory_space<vmem>>, vector<1x16xf32>,
      %mul3A_436 = arith.constant 2 : i32
      %mul3A_437 = arith.muli %mul3A_436, %scan3A_36 : i32
      %get3A_438 = arith.index_cast %mul3A_437 : i32 to index
      %get3A_439 = arith.constant 320 : index
      %get3A_440 = tpu.vector_load %arg8[%get3A_438, %get3A_439] {strides = array<i32>} : memref<64x768xf32, #tpu.memory_space<vmem>>, vector<1x16xf32>,
      %get3A_441 = vector.shape_cast %get3A_440 : vector<1x16xf32> to vector<16xf32>
      %mul3A_442 = arith.constant 2 : i32
      %mul3A_443 = arith.muli %mul3A_442, %scan3A_36 : i32
      %add3A_444 = arith.constant 1 : i32
      %add3A_445 = arith.addi %mul3A_443, %add3A_444 : i32
      %get3A_446 = arith.index_cast %add3A_445 : i32 to index
      %get3A_447 = arith.constant 320 : index
      %get3A_448 = tpu.vector_load %arg8[%get3A_446, %get3A_447] {strides = array<i32>} : memref<64x768xf32, #tpu.memory_space<vmem>>, vector<1x16xf32>,
      %get3A_449 = vector.shape_cast %get3A_448 : vector<1x16xf32> to vector<16xf32>
      %add3A_450 = arith.addf %get3A_441, %get3A_449 : vector<16xf32>
      %swap3A_451 = arith.index_cast %scan3A_36 : i32 to index
      %swap3A_452 = arith.constant 320 : index
      %swap3A_453 = tpu.vector_load %arg9[%swap3A_451, %swap3A_452] {strides = array<i32>} : memref<32x768xf32, #tpu.memory_space<vmem>>, vector<1x16xf32>,
      %swap3A_454 = vector.shape_cast %swap3A_453 : vector<1x16xf32> to vector<16xf32>
      %swap3A_455 = vector.shape_cast %add3A_450 : vector<16xf32> to vector<1x16xf32>
      tpu.vector_store %arg9[%swap3A_451, %swap3A_452], %swap3A_455 {strides = array<i32>} : memref<32x768xf32, #tpu.memory_space<vmem>>, vector<1x16xf32>,
      %mul3A_456 = arith.constant 2 : i32
      %mul3A_457 = arith.muli %mul3A_456, %scan3A_36 : i32
      %get3A_458 = arith.index_cast %mul3A_457 : i32 to index
      %get3A_459 = arith.constant 336 : index
      %get3A_460 = tpu.vector_load %arg8[%get3A_458, %get3A_459] {strides = array<i32>} : memref<64x768xf32, #tpu.memory_space<vmem>>, vector<1x16xf32>,
      %get3A_461 = vector.shape_cast %get3A_460 : vector<1x16xf32> to vector<16xf32>
      %mul3A_462 = arith.constant 2 : i32
      %mul3A_463 = arith.muli %mul3A_462, %scan3A_36 : i32
      %add3A_464 = arith.constant 1 : i32
      %add3A_465 = arith.addi %mul3A_463, %add3A_464 : i32
      %get3A_466 = arith.index_cast %add3A_465 : i32 to index
      %get3A_467 = arith.constant 336 : index
      %get3A_468 = tpu.vector_load %arg8[%get3A_466, %get3A_467] {strides = array<i32>} : memref<64x768xf32, #tpu.memory_space<vmem>>, vector<1x16xf32>,
      %get3A_469 = vector.shape_cast %get3A_468 : vector<1x16xf32> to vector<16xf32>
      %add3A_470 = arith.addf %get3A_461, %get3A_469 : vector<16xf32>
      %swap3A_471 = arith.index_cast %scan3A_36 : i32 to index
      %swap3A_472 = arith.constant 336 : index
      %swap3A_473 = tpu.vector_load %arg9[%swap3A_471, %swap3A_472] {strides = array<i32>} : memref<32x768xf32, #tpu.memory_space<vmem>>, vector<1x16xf32>,
      %swap3A_474 = vector.shape_cast %swap3A_473 : vector<1x16xf32> to vector<16xf32>
      %swap3A_475 = vector.shape_cast %add3A_470 : vector<16xf32> to vector<1x16xf32>
      tpu.vector_store %arg9[%swap3A_471, %swap3A_472], %swap3A_475 {strides = array<i32>} : memref<32x768xf32, #tpu.memory_space<vmem>>, vector<1x16xf32>,
      %mul3A_476 = arith.constant 2 : i32
      %mul3A_477 = arith.muli %mul3A_476, %scan3A_36 : i32
      %get3A_478 = arith.index_cast %mul3A_477 : i32 to index
      %get3A_479 = arith.constant 352 : index
      %get3A_480 = tpu.vector_load %arg8[%get3A_478, %get3A_479] {strides = array<i32>} : memref<64x768xf32, #tpu.memory_space<vmem>>, vector<1x16xf32>,
      %get3A_481 = vector.shape_cast %get3A_480 : vector<1x16xf32> to vector<16xf32>
      %mul3A_482 = arith.constant 2 : i32
      %mul3A_483 = arith.muli %mul3A_482, %scan3A_36 : i32
      %add3A_484 = arith.constant 1 : i32
      %add3A_485 = arith.addi %mul3A_483, %add3A_484 : i32
      %get3A_486 = arith.index_cast %add3A_485 : i32 to index
      %get3A_487 = arith.constant 352 : index
      %get3A_488 = tpu.vector_load %arg8[%get3A_486, %get3A_487] {strides = array<i32>} : memref<64x768xf32, #tpu.memory_space<vmem>>, vector<1x16xf32>,
      %get3A_489 = vector.shape_cast %get3A_488 : vector<1x16xf32> to vector<16xf32>
      %add3A_490 = arith.addf %get3A_481, %get3A_489 : vector<16xf32>
      %swap3A_491 = arith.index_cast %scan3A_36 : i32 to index
      %swap3A_492 = arith.constant 352 : index
      %swap3A_493 = tpu.vector_load %arg9[%swap3A_491, %swap3A_492] {strides = array<i32>} : memref<32x768xf32, #tpu.memory_space<vmem>>, vector<1x16xf32>,
      %swap3A_494 = vector.shape_cast %swap3A_493 : vector<1x16xf32> to vector<16xf32>
      %swap3A_495 = vector.shape_cast %add3A_490 : vector<16xf32> to vector<1x16xf32>
      tpu.vector_store %arg9[%swap3A_491, %swap3A_492], %swap3A_495 {strides = array<i32>} : memref<32x768xf32, #tpu.memory_space<vmem>>, vector<1x16xf32>,
      %mul3A_496 = arith.constant 2 : i32
      %mul3A_497 = arith.muli %mul3A_496, %scan3A_36 : i32
      %get3A_498 = arith.index_cast %mul3A_497 : i32 to index
      %get3A_499 = arith.constant 368 : index
      %get3A_500 = tpu.vector_load %arg8[%get3A_498, %get3A_499] {strides = array<i32>} : memref<64x768xf32, #tpu.memory_space<vmem>>, vector<1x16xf32>,
      %get3A_501 = vector.shape_cast %get3A_500 : vector<1x16xf32> to vector<16xf32>
      %mul3A_502 = arith.constant 2 : i32
      %mul3A_503 = arith.muli %mul3A_502, %scan3A_36 : i32
      %add3A_504 = arith.constant 1 : i32
      %add3A_505 = arith.addi %mul3A_503, %add3A_504 : i32
      %get3A_506 = arith.index_cast %add3A_505 : i32 to index
      %get3A_507 = arith.constant 368 : index
      %get3A_508 = tpu.vector_load %arg8[%get3A_506, %get3A_507] {strides = array<i32>} : memref<64x768xf32, #tpu.memory_space<vmem>>, vector<1x16xf32>,
      %get3A_509 = vector.shape_cast %get3A_508 : vector<1x16xf32> to vector<16xf32>
      %add3A_510 = arith.addf %get3A_501, %get3A_509 : vector<16xf32>
      %swap3A_511 = arith.index_cast %scan3A_36 : i32 to index
      %swap3A_512 = arith.constant 368 : index
      %swap3A_513 = tpu.vector_load %arg9[%swap3A_511, %swap3A_512] {strides = array<i32>} : memref<32x768xf32, #tpu.memory_space<vmem>>, vector<1x16xf32>,
      %swap3A_514 = vector.shape_cast %swap3A_513 : vector<1x16xf32> to vector<16xf32>
      %swap3A_515 = vector.shape_cast %add3A_510 : vector<16xf32> to vector<1x16xf32>
      tpu.vector_store %arg9[%swap3A_511, %swap3A_512], %swap3A_515 {strides = array<i32>} : memref<32x768xf32, #tpu.memory_space<vmem>>, vector<1x16xf32>,
      %mul3A_516 = arith.constant 2 : i32
      %mul3A_517 = arith.muli %mul3A_516, %scan3A_36 : i32
      %get3A_518 = arith.index_cast %mul3A_517 : i32 to index
      %get3A_519 = arith.constant 384 : index
      %get3A_520 = tpu.vector_load %arg8[%get3A_518, %get3A_519] {strides = array<i32>} : memref<64x768xf32, #tpu.memory_space<vmem>>, vector<1x16xf32>,
      %get3A_521 = vector.shape_cast %get3A_520 : vector<1x16xf32> to vector<16xf32>
      %mul3A_522 = arith.constant 2 : i32
      %mul3A_523 = arith.muli %mul3A_522, %scan3A_36 : i32
      %add3A_524 = arith.constant 1 : i32
      %add3A_525 = arith.addi %mul3A_523, %add3A_524 : i32
      %get3A_526 = arith.index_cast %add3A_525 : i32 to index
      %get3A_527 = arith.constant 384 : index
      %get3A_528 = tpu.vector_load %arg8[%get3A_526, %get3A_527] {strides = array<i32>} : memref<64x768xf32, #tpu.memory_space<vmem>>, vector<1x16xf32>,
      %get3A_529 = vector.shape_cast %get3A_528 : vector<1x16xf32> to vector<16xf32>
      %add3A_530 = arith.addf %get3A_521, %get3A_529 : vector<16xf32>
      %swap3A_531 = arith.index_cast %scan3A_36 : i32 to index
      %swap3A_532 = arith.constant 384 : index
      %swap3A_533 = tpu.vector_load %arg9[%swap3A_531, %swap3A_532] {strides = array<i32>} : memref<32x768xf32, #tpu.memory_space<vmem>>, vector<1x16xf32>,
      %swap3A_534 = vector.shape_cast %swap3A_533 : vector<1x16xf32> to vector<16xf32>
      %swap3A_535 = vector.shape_cast %add3A_530 : vector<16xf32> to vector<1x16xf32>
      tpu.vector_store %arg9[%swap3A_531, %swap3A_532], %swap3A_535 {strides = array<i32>} : memref<32x768xf32, #tpu.memory_space<vmem>>, vector<1x16xf32>,
      %mul3A_536 = arith.constant 2 : i32
      %mul3A_537 = arith.muli %mul3A_536, %scan3A_36 : i32
      %get3A_538 = arith.index_cast %mul3A_537 : i32 to index
      %get3A_539 = arith.constant 400 : index
      %get3A_540 = tpu.vector_load %arg8[%get3A_538, %get3A_539] {strides = array<i32>} : memref<64x768xf32, #tpu.memory_space<vmem>>, vector<1x16xf32>,
      %get3A_541 = vector.shape_cast %get3A_540 : vector<1x16xf32> to vector<16xf32>
      %mul3A_542 = arith.constant 2 : i32
      %mul3A_543 = arith.muli %mul3A_542, %scan3A_36 : i32
      %add3A_544 = arith.constant 1 : i32
      %add3A_545 = arith.addi %mul3A_543, %add3A_544 : i32
      %get3A_546 = arith.index_cast %add3A_545 : i32 to index
      %get3A_547 = arith.constant 400 : index
      %get3A_548 = tpu.vector_load %arg8[%get3A_546, %get3A_547] {strides = array<i32>} : memref<64x768xf32, #tpu.memory_space<vmem>>, vector<1x16xf32>,
      %get3A_549 = vector.shape_cast %get3A_548 : vector<1x16xf32> to vector<16xf32>
      %add3A_550 = arith.addf %get3A_541, %get3A_549 : vector<16xf32>
      %swap3A_551 = arith.index_cast %scan3A_36 : i32 to index
      %swap3A_552 = arith.constant 400 : index
      %swap3A_553 = tpu.vector_load %arg9[%swap3A_551, %swap3A_552] {strides = array<i32>} : memref<32x768xf32, #tpu.memory_space<vmem>>, vector<1x16xf32>,
      %swap3A_554 = vector.shape_cast %swap3A_553 : vector<1x16xf32> to vector<16xf32>
      %swap3A_555 = vector.shape_cast %add3A_550 : vector<16xf32> to vector<1x16xf32>
      tpu.vector_store %arg9[%swap3A_551, %swap3A_552], %swap3A_555 {strides = array<i32>} : memref<32x768xf32, #tpu.memory_space<vmem>>, vector<1x16xf32>,
      %mul3A_556 = arith.constant 2 : i32
      %mul3A_557 = arith.muli %mul3A_556, %scan3A_36 : i32
      %get3A_558 = arith.index_cast %mul3A_557 : i32 to index
      %get3A_559 = arith.constant 416 : index
      %get3A_560 = tpu.vector_load %arg8[%get3A_558, %get3A_559] {strides = array<i32>} : memref<64x768xf32, #tpu.memory_space<vmem>>, vector<1x16xf32>,
      %get3A_561 = vector.shape_cast %get3A_560 : vector<1x16xf32> to vector<16xf32>
      %mul3A_562 = arith.constant 2 : i32
      %mul3A_563 = arith.muli %mul3A_562, %scan3A_36 : i32
      %add3A_564 = arith.constant 1 : i32
      %add3A_565 = arith.addi %mul3A_563, %add3A_564 : i32
      %get3A_566 = arith.index_cast %add3A_565 : i32 to index
      %get3A_567 = arith.constant 416 : index
      %get3A_568 = tpu.vector_load %arg8[%get3A_566, %get3A_567] {strides = array<i32>} : memref<64x768xf32, #tpu.memory_space<vmem>>, vector<1x16xf32>,
      %get3A_569 = vector.shape_cast %get3A_568 : vector<1x16xf32> to vector<16xf32>
      %add3A_570 = arith.addf %get3A_561, %get3A_569 : vector<16xf32>
      %swap3A_571 = arith.index_cast %scan3A_36 : i32 to index
      %swap3A_572 = arith.constant 416 : index
      %swap3A_573 = tpu.vector_load %arg9[%swap3A_571, %swap3A_572] {strides = array<i32>} : memref<32x768xf32, #tpu.memory_space<vmem>>, vector<1x16xf32>,
      %swap3A_574 = vector.shape_cast %swap3A_573 : vector<1x16xf32> to vector<16xf32>
      %swap3A_575 = vector.shape_cast %add3A_570 : vector<16xf32> to vector<1x16xf32>
      tpu.vector_store %arg9[%swap3A_571, %swap3A_572], %swap3A_575 {strides = array<i32>} : memref<32x768xf32, #tpu.memory_space<vmem>>, vector<1x16xf32>,
      %mul3A_576 = arith.constant 2 : i32
      %mul3A_577 = arith.muli %mul3A_576, %scan3A_36 : i32
      %get3A_578 = arith.index_cast %mul3A_577 : i32 to index
      %get3A_579 = arith.constant 432 : index
      %get3A_580 = tpu.vector_load %arg8[%get3A_578, %get3A_579] {strides = array<i32>} : memref<64x768xf32, #tpu.memory_space<vmem>>, vector<1x16xf32>,
      %get3A_581 = vector.shape_cast %get3A_580 : vector<1x16xf32> to vector<16xf32>
      %mul3A_582 = arith.constant 2 : i32
      %mul3A_583 = arith.muli %mul3A_582, %scan3A_36 : i32
      %add3A_584 = arith.constant 1 : i32
      %add3A_585 = arith.addi %mul3A_583, %add3A_584 : i32
      %get3A_586 = arith.index_cast %add3A_585 : i32 to index
      %get3A_587 = arith.constant 432 : index
      %get3A_588 = tpu.vector_load %arg8[%get3A_586, %get3A_587] {strides = array<i32>} : memref<64x768xf32, #tpu.memory_space<vmem>>, vector<1x16xf32>,
      %get3A_589 = vector.shape_cast %get3A_588 : vector<1x16xf32> to vector<16xf32>
      %add3A_590 = arith.addf %get3A_581, %get3A_589 : vector<16xf32>
      %swap3A_591 = arith.index_cast %scan3A_36 : i32 to index
      %swap3A_592 = arith.constant 432 : index
      %swap3A_593 = tpu.vector_load %arg9[%swap3A_591, %swap3A_592] {strides = array<i32>} : memref<32x768xf32, #tpu.memory_space<vmem>>, vector<1x16xf32>,
      %swap3A_594 = vector.shape_cast %swap3A_593 : vector<1x16xf32> to vector<16xf32>
      %swap3A_595 = vector.shape_cast %add3A_590 : vector<16xf32> to vector<1x16xf32>
      tpu.vector_store %arg9[%swap3A_591, %swap3A_592], %swap3A_595 {strides = array<i32>} : memref<32x768xf32, #tpu.memory_space<vmem>>, vector<1x16xf32>,
      %mul3A_596 = arith.constant 2 : i32
      %mul3A_597 = arith.muli %mul3A_596, %scan3A_36 : i32
      %get3A_598 = arith.index_cast %mul3A_597 : i32 to index
      %get3A_599 = arith.constant 448 : index
      %get3A_600 = tpu.vector_load %arg8[%get3A_598, %get3A_599] {strides = array<i32>} : memref<64x768xf32, #tpu.memory_space<vmem>>, vector<1x16xf32>,
      %get3A_601 = vector.shape_cast %get3A_600 : vector<1x16xf32> to vector<16xf32>
      %mul3A_602 = arith.constant 2 : i32
      %mul3A_603 = arith.muli %mul3A_602, %scan3A_36 : i32
      %add3A_604 = arith.constant 1 : i32
      %add3A_605 = arith.addi %mul3A_603, %add3A_604 : i32
      %get3A_606 = arith.index_cast %add3A_605 : i32 to index
      %get3A_607 = arith.constant 448 : index
      %get3A_608 = tpu.vector_load %arg8[%get3A_606, %get3A_607] {strides = array<i32>} : memref<64x768xf32, #tpu.memory_space<vmem>>, vector<1x16xf32>,
      %get3A_609 = vector.shape_cast %get3A_608 : vector<1x16xf32> to vector<16xf32>
      %add3A_610 = arith.addf %get3A_601, %get3A_609 : vector<16xf32>
      %swap3A_611 = arith.index_cast %scan3A_36 : i32 to index
      %swap3A_612 = arith.constant 448 : index
      %swap3A_613 = tpu.vector_load %arg9[%swap3A_611, %swap3A_612] {strides = array<i32>} : memref<32x768xf32, #tpu.memory_space<vmem>>, vector<1x16xf32>,
      %swap3A_614 = vector.shape_cast %swap3A_613 : vector<1x16xf32> to vector<16xf32>
      %swap3A_615 = vector.shape_cast %add3A_610 : vector<16xf32> to vector<1x16xf32>
      tpu.vector_store %arg9[%swap3A_611, %swap3A_612], %swap3A_615 {strides = array<i32>} : memref<32x768xf32, #tpu.memory_space<vmem>>, vector<1x16xf32>,
      %mul3A_616 = arith.constant 2 : i32
      %mul3A_617 = arith.muli %mul3A_616, %scan3A_36 : i32
      %get3A_618 = arith.index_cast %mul3A_617 : i32 to index
      %get3A_619 = arith.constant 464 : index
      %get3A_620 = tpu.vector_load %arg8[%get3A_618, %get3A_619] {strides = array<i32>} : memref<64x768xf32, #tpu.memory_space<vmem>>, vector<1x16xf32>,
      %get3A_621 = vector.shape_cast %get3A_620 : vector<1x16xf32> to vector<16xf32>
      %mul3A_622 = arith.constant 2 : i32
      %mul3A_623 = arith.muli %mul3A_622, %scan3A_36 : i32
      %add3A_624 = arith.constant 1 : i32
      %add3A_625 = arith.addi %mul3A_623, %add3A_624 : i32
      %get3A_626 = arith.index_cast %add3A_625 : i32 to index
      %get3A_627 = arith.constant 464 : index
      %get3A_628 = tpu.vector_load %arg8[%get3A_626, %get3A_627] {strides = array<i32>} : memref<64x768xf32, #tpu.memory_space<vmem>>, vector<1x16xf32>,
      %get3A_629 = vector.shape_cast %get3A_628 : vector<1x16xf32> to vector<16xf32>
      %add3A_630 = arith.addf %get3A_621, %get3A_629 : vector<16xf32>
      %swap3A_631 = arith.index_cast %scan3A_36 : i32 to index
      %swap3A_632 = arith.constant 464 : index
      %swap3A_633 = tpu.vector_load %arg9[%swap3A_631, %swap3A_632] {strides = array<i32>} : memref<32x768xf32, #tpu.memory_space<vmem>>, vector<1x16xf32>,
      %swap3A_634 = vector.shape_cast %swap3A_633 : vector<1x16xf32> to vector<16xf32>
      %swap3A_635 = vector.shape_cast %add3A_630 : vector<16xf32> to vector<1x16xf32>
      tpu.vector_store %arg9[%swap3A_631, %swap3A_632], %swap3A_635 {strides = array<i32>} : memref<32x768xf32, #tpu.memory_space<vmem>>, vector<1x16xf32>,
      %mul3A_636 = arith.constant 2 : i32
      %mul3A_637 = arith.muli %mul3A_636, %scan3A_36 : i32
      %get3A_638 = arith.index_cast %mul3A_637 : i32 to index
      %get3A_639 = arith.constant 480 : index
      %get3A_640 = tpu.vector_load %arg8[%get3A_638, %get3A_639] {strides = array<i32>} : memref<64x768xf32, #tpu.memory_space<vmem>>, vector<1x16xf32>,
      %get3A_641 = vector.shape_cast %get3A_640 : vector<1x16xf32> to vector<16xf32>
      %mul3A_642 = arith.constant 2 : i32
      %mul3A_643 = arith.muli %mul3A_642, %scan3A_36 : i32
      %add3A_644 = arith.constant 1 : i32
      %add3A_645 = arith.addi %mul3A_643, %add3A_644 : i32
      %get3A_646 = arith.index_cast %add3A_645 : i32 to index
      %get3A_647 = arith.constant 480 : index
      %get3A_648 = tpu.vector_load %arg8[%get3A_646, %get3A_647] {strides = array<i32>} : memref<64x768xf32, #tpu.memory_space<vmem>>, vector<1x16xf32>,
      %get3A_649 = vector.shape_cast %get3A_648 : vector<1x16xf32> to vector<16xf32>
      %add3A_650 = arith.addf %get3A_641, %get3A_649 : vector<16xf32>
      %swap3A_651 = arith.index_cast %scan3A_36 : i32 to index
      %swap3A_652 = arith.constant 480 : index
      %swap3A_653 = tpu.vector_load %arg9[%swap3A_651, %swap3A_652] {strides = array<i32>} : memref<32x768xf32, #tpu.memory_space<vmem>>, vector<1x16xf32>,
      %swap3A_654 = vector.shape_cast %swap3A_653 : vector<1x16xf32> to vector<16xf32>
      %swap3A_655 = vector.shape_cast %add3A_650 : vector<16xf32> to vector<1x16xf32>
      tpu.vector_store %arg9[%swap3A_651, %swap3A_652], %swap3A_655 {strides = array<i32>} : memref<32x768xf32, #tpu.memory_space<vmem>>, vector<1x16xf32>,
      %mul3A_656 = arith.constant 2 : i32
      %mul3A_657 = arith.muli %mul3A_656, %scan3A_36 : i32
      %get3A_658 = arith.index_cast %mul3A_657 : i32 to index
      %get3A_659 = arith.constant 496 : index
      %get3A_660 = tpu.vector_load %arg8[%get3A_658, %get3A_659] {strides = array<i32>} : memref<64x768xf32, #tpu.memory_space<vmem>>, vector<1x16xf32>,
      %get3A_661 = vector.shape_cast %get3A_660 : vector<1x16xf32> to vector<16xf32>
      %mul3A_662 = arith.constant 2 : i32
      %mul3A_663 = arith.muli %mul3A_662, %scan3A_36 : i32
      %add3A_664 = arith.constant 1 : i32
      %add3A_665 = arith.addi %mul3A_663, %add3A_664 : i32
      %get3A_666 = arith.index_cast %add3A_665 : i32 to index
      %get3A_667 = arith.constant 496 : index
      %get3A_668 = tpu.vector_load %arg8[%get3A_666, %get3A_667] {strides = array<i32>} : memref<64x768xf32, #tpu.memory_space<vmem>>, vector<1x16xf32>,
      %get3A_669 = vector.shape_cast %get3A_668 : vector<1x16xf32> to vector<16xf32>
      %add3A_670 = arith.addf %get3A_661, %get3A_669 : vector<16xf32>
      %swap3A_671 = arith.index_cast %scan3A_36 : i32 to index
      %swap3A_672 = arith.constant 496 : index
      %swap3A_673 = tpu.vector_load %arg9[%swap3A_671, %swap3A_672] {strides = array<i32>} : memref<32x768xf32, #tpu.memory_space<vmem>>, vector<1x16xf32>,
      %swap3A_674 = vector.shape_cast %swap3A_673 : vector<1x16xf32> to vector<16xf32>
      %swap3A_675 = vector.shape_cast %add3A_670 : vector<16xf32> to vector<1x16xf32>
      tpu.vector_store %arg9[%swap3A_671, %swap3A_672], %swap3A_675 {strides = array<i32>} : memref<32x768xf32, #tpu.memory_space<vmem>>, vector<1x16xf32>,
      %mul3A_676 = arith.constant 2 : i32
      %mul3A_677 = arith.muli %mul3A_676, %scan3A_36 : i32
      %get3A_678 = arith.index_cast %mul3A_677 : i32 to index
      %get3A_679 = arith.constant 512 : index
      %get3A_680 = tpu.vector_load %arg8[%get3A_678, %get3A_679] {strides = array<i32>} : memref<64x768xf32, #tpu.memory_space<vmem>>, vector<1x16xf32>,
      %get3A_681 = vector.shape_cast %get3A_680 : vector<1x16xf32> to vector<16xf32>
      %mul3A_682 = arith.constant 2 : i32
      %mul3A_683 = arith.muli %mul3A_682, %scan3A_36 : i32
      %add3A_684 = arith.constant 1 : i32
      %add3A_685 = arith.addi %mul3A_683, %add3A_684 : i32
      %get3A_686 = arith.index_cast %add3A_685 : i32 to index
      %get3A_687 = arith.constant 512 : index
      %get3A_688 = tpu.vector_load %arg8[%get3A_686, %get3A_687] {strides = array<i32>} : memref<64x768xf32, #tpu.memory_space<vmem>>, vector<1x16xf32>,
      %get3A_689 = vector.shape_cast %get3A_688 : vector<1x16xf32> to vector<16xf32>
      %add3A_690 = arith.addf %get3A_681, %get3A_689 : vector<16xf32>
      %swap3A_691 = arith.index_cast %scan3A_36 : i32 to index
      %swap3A_692 = arith.constant 512 : index
      %swap3A_693 = tpu.vector_load %arg9[%swap3A_691, %swap3A_692] {strides = array<i32>} : memref<32x768xf32, #tpu.memory_space<vmem>>, vector<1x16xf32>,
      %swap3A_694 = vector.shape_cast %swap3A_693 : vector<1x16xf32> to vector<16xf32>
      %swap3A_695 = vector.shape_cast %add3A_690 : vector<16xf32> to vector<1x16xf32>
      tpu.vector_store %arg9[%swap3A_691, %swap3A_692], %swap3A_695 {strides = array<i32>} : memref<32x768xf32, #tpu.memory_space<vmem>>, vector<1x16xf32>,
      %mul3A_696 = arith.constant 2 : i32
      %mul3A_697 = arith.muli %mul3A_696, %scan3A_36 : i32
      %get3A_698 = arith.index_cast %mul3A_697 : i32 to index
      %get3A_699 = arith.constant 528 : index
      %get3A_700 = tpu.vector_load %arg8[%get3A_698, %get3A_699] {strides = array<i32>} : memref<64x768xf32, #tpu.memory_space<vmem>>, vector<1x16xf32>,
      %get3A_701 = vector.shape_cast %get3A_700 : vector<1x16xf32> to vector<16xf32>
      %mul3A_702 = arith.constant 2 : i32
      %mul3A_703 = arith.muli %mul3A_702, %scan3A_36 : i32
      %add3A_704 = arith.constant 1 : i32
      %add3A_705 = arith.addi %mul3A_703, %add3A_704 : i32
      %get3A_706 = arith.index_cast %add3A_705 : i32 to index
      %get3A_707 = arith.constant 528 : index
      %get3A_708 = tpu.vector_load %arg8[%get3A_706, %get3A_707] {strides = array<i32>} : memref<64x768xf32, #tpu.memory_space<vmem>>, vector<1x16xf32>,
      %get3A_709 = vector.shape_cast %get3A_708 : vector<1x16xf32> to vector<16xf32>
      %add3A_710 = arith.addf %get3A_701, %get3A_709 : vector<16xf32>
      %swap3A_711 = arith.index_cast %scan3A_36 : i32 to index
      %swap3A_712 = arith.constant 528 : index
      %swap3A_713 = tpu.vector_load %arg9[%swap3A_711, %swap3A_712] {strides = array<i32>} : memref<32x768xf32, #tpu.memory_space<vmem>>, vector<1x16xf32>,
      %swap3A_714 = vector.shape_cast %swap3A_713 : vector<1x16xf32> to vector<16xf32>
      %swap3A_715 = vector.shape_cast %add3A_710 : vector<16xf32> to vector<1x16xf32>
      tpu.vector_store %arg9[%swap3A_711, %swap3A_712], %swap3A_715 {strides = array<i32>} : memref<32x768xf32, #tpu.memory_space<vmem>>, vector<1x16xf32>,
      %mul3A_716 = arith.constant 2 : i32
      %mul3A_717 = arith.muli %mul3A_716, %scan3A_36 : i32
      %get3A_718 = arith.index_cast %mul3A_717 : i32 to index
      %get3A_719 = arith.constant 544 : index
      %get3A_720 = tpu.vector_load %arg8[%get3A_718, %get3A_719] {strides = array<i32>} : memref<64x768xf32, #tpu.memory_space<vmem>>, vector<1x16xf32>,
      %get3A_721 = vector.shape_cast %get3A_720 : vector<1x16xf32> to vector<16xf32>
      %mul3A_722 = arith.constant 2 : i32
      %mul3A_723 = arith.muli %mul3A_722, %scan3A_36 : i32
      %add3A_724 = arith.constant 1 : i32
      %add3A_725 = arith.addi %mul3A_723, %add3A_724 : i32
      %get3A_726 = arith.index_cast %add3A_725 : i32 to index
      %get3A_727 = arith.constant 544 : index
      %get3A_728 = tpu.vector_load %arg8[%get3A_726, %get3A_727] {strides = array<i32>} : memref<64x768xf32, #tpu.memory_space<vmem>>, vector<1x16xf32>,
      %get3A_729 = vector.shape_cast %get3A_728 : vector<1x16xf32> to vector<16xf32>
      %add3A_730 = arith.addf %get3A_721, %get3A_729 : vector<16xf32>
      %swap3A_731 = arith.index_cast %scan3A_36 : i32 to index
      %swap3A_732 = arith.constant 544 : index
      %swap3A_733 = tpu.vector_load %arg9[%swap3A_731, %swap3A_732] {strides = array<i32>} : memref<32x768xf32, #tpu.memory_space<vmem>>, vector<1x16xf32>,
      %swap3A_734 = vector.shape_cast %swap3A_733 : vector<1x16xf32> to vector<16xf32>
      %swap3A_735 = vector.shape_cast %add3A_730 : vector<16xf32> to vector<1x16xf32>
      tpu.vector_store %arg9[%swap3A_731, %swap3A_732], %swap3A_735 {strides = array<i32>} : memref<32x768xf32, #tpu.memory_space<vmem>>, vector<1x16xf32>,
      %mul3A_736 = arith.constant 2 : i32
      %mul3A_737 = arith.muli %mul3A_736, %scan3A_36 : i32
      %get3A_738 = arith.index_cast %mul3A_737 : i32 to index
      %get3A_739 = arith.constant 560 : index
      %get3A_740 = tpu.vector_load %arg8[%get3A_738, %get3A_739] {strides = array<i32>} : memref<64x768xf32, #tpu.memory_space<vmem>>, vector<1x16xf32>,
      %get3A_741 = vector.shape_cast %get3A_740 : vector<1x16xf32> to vector<16xf32>
      %mul3A_742 = arith.constant 2 : i32
      %mul3A_743 = arith.muli %mul3A_742, %scan3A_36 : i32
      %add3A_744 = arith.constant 1 : i32
      %add3A_745 = arith.addi %mul3A_743, %add3A_744 : i32
      %get3A_746 = arith.index_cast %add3A_745 : i32 to index
      %get3A_747 = arith.constant 560 : index
      %get3A_748 = tpu.vector_load %arg8[%get3A_746, %get3A_747] {strides = array<i32>} : memref<64x768xf32, #tpu.memory_space<vmem>>, vector<1x16xf32>,
      %get3A_749 = vector.shape_cast %get3A_748 : vector<1x16xf32> to vector<16xf32>
      %add3A_750 = arith.addf %get3A_741, %get3A_749 : vector<16xf32>
      %swap3A_751 = arith.index_cast %scan3A_36 : i32 to index
      %swap3A_752 = arith.constant 560 : index
      %swap3A_753 = tpu.vector_load %arg9[%swap3A_751, %swap3A_752] {strides = array<i32>} : memref<32x768xf32, #tpu.memory_space<vmem>>, vector<1x16xf32>,
      %swap3A_754 = vector.shape_cast %swap3A_753 : vector<1x16xf32> to vector<16xf32>
      %swap3A_755 = vector.shape_cast %add3A_750 : vector<16xf32> to vector<1x16xf32>
      tpu.vector_store %arg9[%swap3A_751, %swap3A_752], %swap3A_755 {strides = array<i32>} : memref<32x768xf32, #tpu.memory_space<vmem>>, vector<1x16xf32>,
      %mul3A_756 = arith.constant 2 : i32
      %mul3A_757 = arith.muli %mul3A_756, %scan3A_36 : i32
      %get3A_758 = arith.index_cast %mul3A_757 : i32 to index
      %get3A_759 = arith.constant 576 : index
      %get3A_760 = tpu.vector_load %arg8[%get3A_758, %get3A_759] {strides = array<i32>} : memref<64x768xf32, #tpu.memory_space<vmem>>, vector<1x16xf32>,
      %get3A_761 = vector.shape_cast %get3A_760 : vector<1x16xf32> to vector<16xf32>
      %mul3A_762 = arith.constant 2 : i32
      %mul3A_763 = arith.muli %mul3A_762, %scan3A_36 : i32
      %add3A_764 = arith.constant 1 : i32
      %add3A_765 = arith.addi %mul3A_763, %add3A_764 : i32
      %get3A_766 = arith.index_cast %add3A_765 : i32 to index
      %get3A_767 = arith.constant 576 : index
      %get3A_768 = tpu.vector_load %arg8[%get3A_766, %get3A_767] {strides = array<i32>} : memref<64x768xf32, #tpu.memory_space<vmem>>, vector<1x16xf32>,
      %get3A_769 = vector.shape_cast %get3A_768 : vector<1x16xf32> to vector<16xf32>
      %add3A_770 = arith.addf %get3A_761, %get3A_769 : vector<16xf32>
      %swap3A_771 = arith.index_cast %scan3A_36 : i32 to index
      %swap3A_772 = arith.constant 576 : index
      %swap3A_773 = tpu.vector_load %arg9[%swap3A_771, %swap3A_772] {strides = array<i32>} : memref<32x768xf32, #tpu.memory_space<vmem>>, vector<1x16xf32>,
      %swap3A_774 = vector.shape_cast %swap3A_773 : vector<1x16xf32> to vector<16xf32>
      %swap3A_775 = vector.shape_cast %add3A_770 : vector<16xf32> to vector<1x16xf32>
      tpu.vector_store %arg9[%swap3A_771, %swap3A_772], %swap3A_775 {strides = array<i32>} : memref<32x768xf32, #tpu.memory_space<vmem>>, vector<1x16xf32>,
      %mul3A_776 = arith.constant 2 : i32
      %mul3A_777 = arith.muli %mul3A_776, %scan3A_36 : i32
      %get3A_778 = arith.index_cast %mul3A_777 : i32 to index
      %get3A_779 = arith.constant 592 : index
      %get3A_780 = tpu.vector_load %arg8[%get3A_778, %get3A_779] {strides = array<i32>} : memref<64x768xf32, #tpu.memory_space<vmem>>, vector<1x16xf32>,
      %get3A_781 = vector.shape_cast %get3A_780 : vector<1x16xf32> to vector<16xf32>
      %mul3A_782 = arith.constant 2 : i32
      %mul3A_783 = arith.muli %mul3A_782, %scan3A_36 : i32
      %add3A_784 = arith.constant 1 : i32
      %add3A_785 = arith.addi %mul3A_783, %add3A_784 : i32
      %get3A_786 = arith.index_cast %add3A_785 : i32 to index
      %get3A_787 = arith.constant 592 : index
      %get3A_788 = tpu.vector_load %arg8[%get3A_786, %get3A_787] {strides = array<i32>} : memref<64x768xf32, #tpu.memory_space<vmem>>, vector<1x16xf32>,
      %get3A_789 = vector.shape_cast %get3A_788 : vector<1x16xf32> to vector<16xf32>
      %add3A_790 = arith.addf %get3A_781, %get3A_789 : vector<16xf32>
      %swap3A_791 = arith.index_cast %scan3A_36 : i32 to index
      %swap3A_792 = arith.constant 592 : index
      %swap3A_793 = tpu.vector_load %arg9[%swap3A_791, %swap3A_792] {strides = array<i32>} : memref<32x768xf32, #tpu.memory_space<vmem>>, vector<1x16xf32>,
      %swap3A_794 = vector.shape_cast %swap3A_793 : vector<1x16xf32> to vector<16xf32>
      %swap3A_795 = vector.shape_cast %add3A_790 : vector<16xf32> to vector<1x16xf32>
      tpu.vector_store %arg9[%swap3A_791, %swap3A_792], %swap3A_795 {strides = array<i32>} : memref<32x768xf32, #tpu.memory_space<vmem>>, vector<1x16xf32>,
      %mul3A_796 = arith.constant 2 : i32
      %mul3A_797 = arith.muli %mul3A_796, %scan3A_36 : i32
      %get3A_798 = arith.index_cast %mul3A_797 : i32 to index
      %get3A_799 = arith.constant 608 : index
      %get3A_800 = tpu.vector_load %arg8[%get3A_798, %get3A_799] {strides = array<i32>} : memref<64x768xf32, #tpu.memory_space<vmem>>, vector<1x16xf32>,
      %get3A_801 = vector.shape_cast %get3A_800 : vector<1x16xf32> to vector<16xf32>
      %mul3A_802 = arith.constant 2 : i32
      %mul3A_803 = arith.muli %mul3A_802, %scan3A_36 : i32
      %add3A_804 = arith.constant 1 : i32
      %add3A_805 = arith.addi %mul3A_803, %add3A_804 : i32
      %get3A_806 = arith.index_cast %add3A_805 : i32 to index
      %get3A_807 = arith.constant 608 : index
      %get3A_808 = tpu.vector_load %arg8[%get3A_806, %get3A_807] {strides = array<i32>} : memref<64x768xf32, #tpu.memory_space<vmem>>, vector<1x16xf32>,
      %get3A_809 = vector.shape_cast %get3A_808 : vector<1x16xf32> to vector<16xf32>
      %add3A_810 = arith.addf %get3A_801, %get3A_809 : vector<16xf32>
      %swap3A_811 = arith.index_cast %scan3A_36 : i32 to index
      %swap3A_812 = arith.constant 608 : index
      %swap3A_813 = tpu.vector_load %arg9[%swap3A_811, %swap3A_812] {strides = array<i32>} : memref<32x768xf32, #tpu.memory_space<vmem>>, vector<1x16xf32>,
      %swap3A_814 = vector.shape_cast %swap3A_813 : vector<1x16xf32> to vector<16xf32>
      %swap3A_815 = vector.shape_cast %add3A_810 : vector<16xf32> to vector<1x16xf32>
      tpu.vector_store %arg9[%swap3A_811, %swap3A_812], %swap3A_815 {strides = array<i32>} : memref<32x768xf32, #tpu.memory_space<vmem>>, vector<1x16xf32>,
      %mul3A_816 = arith.constant 2 : i32
      %mul3A_817 = arith.muli %mul3A_816, %scan3A_36 : i32
      %get3A_818 = arith.index_cast %mul3A_817 : i32 to index
      %get3A_819 = arith.constant 624 : index
      %get3A_820 = tpu.vector_load %arg8[%get3A_818, %get3A_819] {strides = array<i32>} : memref<64x768xf32, #tpu.memory_space<vmem>>, vector<1x16xf32>,
      %get3A_821 = vector.shape_cast %get3A_820 : vector<1x16xf32> to vector<16xf32>
      %mul3A_822 = arith.constant 2 : i32
      %mul3A_823 = arith.muli %mul3A_822, %scan3A_36 : i32
      %add3A_824 = arith.constant 1 : i32
      %add3A_825 = arith.addi %mul3A_823, %add3A_824 : i32
      %get3A_826 = arith.index_cast %add3A_825 : i32 to index
      %get3A_827 = arith.constant 624 : index
      %get3A_828 = tpu.vector_load %arg8[%get3A_826, %get3A_827] {strides = array<i32>} : memref<64x768xf32, #tpu.memory_space<vmem>>, vector<1x16xf32>,
      %get3A_829 = vector.shape_cast %get3A_828 : vector<1x16xf32> to vector<16xf32>
      %add3A_830 = arith.addf %get3A_821, %get3A_829 : vector<16xf32>
      %swap3A_831 = arith.index_cast %scan3A_36 : i32 to index
      %swap3A_832 = arith.constant 624 : index
      %swap3A_833 = tpu.vector_load %arg9[%swap3A_831, %swap3A_832] {strides = array<i32>} : memref<32x768xf32, #tpu.memory_space<vmem>>, vector<1x16xf32>,
      %swap3A_834 = vector.shape_cast %swap3A_833 : vector<1x16xf32> to vector<16xf32>
      %swap3A_835 = vector.shape_cast %add3A_830 : vector<16xf32> to vector<1x16xf32>
      tpu.vector_store %arg9[%swap3A_831, %swap3A_832], %swap3A_835 {strides = array<i32>} : memref<32x768xf32, #tpu.memory_space<vmem>>, vector<1x16xf32>,
      %mul3A_836 = arith.constant 2 : i32
      %mul3A_837 = arith.muli %mul3A_836, %scan3A_36 : i32
      %get3A_838 = arith.index_cast %mul3A_837 : i32 to index
      %get3A_839 = arith.constant 640 : index
      %get3A_840 = tpu.vector_load %arg8[%get3A_838, %get3A_839] {strides = array<i32>} : memref<64x768xf32, #tpu.memory_space<vmem>>, vector<1x16xf32>,
      %get3A_841 = vector.shape_cast %get3A_840 : vector<1x16xf32> to vector<16xf32>
      %mul3A_842 = arith.constant 2 : i32
      %mul3A_843 = arith.muli %mul3A_842, %scan3A_36 : i32
      %add3A_844 = arith.constant 1 : i32
      %add3A_845 = arith.addi %mul3A_843, %add3A_844 : i32
      %get3A_846 = arith.index_cast %add3A_845 : i32 to index
      %get3A_847 = arith.constant 640 : index
      %get3A_848 = tpu.vector_load %arg8[%get3A_846, %get3A_847] {strides = array<i32>} : memref<64x768xf32, #tpu.memory_space<vmem>>, vector<1x16xf32>,
      %get3A_849 = vector.shape_cast %get3A_848 : vector<1x16xf32> to vector<16xf32>
      %add3A_850 = arith.addf %get3A_841, %get3A_849 : vector<16xf32>
      %swap3A_851 = arith.index_cast %scan3A_36 : i32 to index
      %swap3A_852 = arith.constant 640 : index
      %swap3A_853 = tpu.vector_load %arg9[%swap3A_851, %swap3A_852] {strides = array<i32>} : memref<32x768xf32, #tpu.memory_space<vmem>>, vector<1x16xf32>,
      %swap3A_854 = vector.shape_cast %swap3A_853 : vector<1x16xf32> to vector<16xf32>
      %swap3A_855 = vector.shape_cast %add3A_850 : vector<16xf32> to vector<1x16xf32>
      tpu.vector_store %arg9[%swap3A_851, %swap3A_852], %swap3A_855 {strides = array<i32>} : memref<32x768xf32, #tpu.memory_space<vmem>>, vector<1x16xf32>,
      %mul3A_856 = arith.constant 2 : i32
      %mul3A_857 = arith.muli %mul3A_856, %scan3A_36 : i32
      %get3A_858 = arith.index_cast %mul3A_857 : i32 to index
      %get3A_859 = arith.constant 656 : index
      %get3A_860 = tpu.vector_load %arg8[%get3A_858, %get3A_859] {strides = array<i32>} : memref<64x768xf32, #tpu.memory_space<vmem>>, vector<1x16xf32>,
      %get3A_861 = vector.shape_cast %get3A_860 : vector<1x16xf32> to vector<16xf32>
      %mul3A_862 = arith.constant 2 : i32
      %mul3A_863 = arith.muli %mul3A_862, %scan3A_36 : i32
      %add3A_864 = arith.constant 1 : i32
      %add3A_865 = arith.addi %mul3A_863, %add3A_864 : i32
      %get3A_866 = arith.index_cast %add3A_865 : i32 to index
      %get3A_867 = arith.constant 656 : index
      %get3A_868 = tpu.vector_load %arg8[%get3A_866, %get3A_867] {strides = array<i32>} : memref<64x768xf32, #tpu.memory_space<vmem>>, vector<1x16xf32>,
      %get3A_869 = vector.shape_cast %get3A_868 : vector<1x16xf32> to vector<16xf32>
      %add3A_870 = arith.addf %get3A_861, %get3A_869 : vector<16xf32>
      %swap3A_871 = arith.index_cast %scan3A_36 : i32 to index
      %swap3A_872 = arith.constant 656 : index
      %swap3A_873 = tpu.vector_load %arg9[%swap3A_871, %swap3A_872] {strides = array<i32>} : memref<32x768xf32, #tpu.memory_space<vmem>>, vector<1x16xf32>,
      %swap3A_874 = vector.shape_cast %swap3A_873 : vector<1x16xf32> to vector<16xf32>
      %swap3A_875 = vector.shape_cast %add3A_870 : vector<16xf32> to vector<1x16xf32>
      tpu.vector_store %arg9[%swap3A_871, %swap3A_872], %swap3A_875 {strides = array<i32>} : memref<32x768xf32, #tpu.memory_space<vmem>>, vector<1x16xf32>,
      %mul3A_876 = arith.constant 2 : i32
      %mul3A_877 = arith.muli %mul3A_876, %scan3A_36 : i32
      %get3A_878 = arith.index_cast %mul3A_877 : i32 to index
      %get3A_879 = arith.constant 672 : index
      %get3A_880 = tpu.vector_load %arg8[%get3A_878, %get3A_879] {strides = array<i32>} : memref<64x768xf32, #tpu.memory_space<vmem>>, vector<1x16xf32>,
      %get3A_881 = vector.shape_cast %get3A_880 : vector<1x16xf32> to vector<16xf32>
      %mul3A_882 = arith.constant 2 : i32
      %mul3A_883 = arith.muli %mul3A_882, %scan3A_36 : i32
      %add3A_884 = arith.constant 1 : i32
      %add3A_885 = arith.addi %mul3A_883, %add3A_884 : i32
      %get3A_886 = arith.index_cast %add3A_885 : i32 to index
      %get3A_887 = arith.constant 672 : index
      %get3A_888 = tpu.vector_load %arg8[%get3A_886, %get3A_887] {strides = array<i32>} : memref<64x768xf32, #tpu.memory_space<vmem>>, vector<1x16xf32>,
      %get3A_889 = vector.shape_cast %get3A_888 : vector<1x16xf32> to vector<16xf32>
      %add3A_890 = arith.addf %get3A_881, %get3A_889 : vector<16xf32>
      %swap3A_891 = arith.index_cast %scan3A_36 : i32 to index
      %swap3A_892 = arith.constant 672 : index
      %swap3A_893 = tpu.vector_load %arg9[%swap3A_891, %swap3A_892] {strides = array<i32>} : memref<32x768xf32, #tpu.memory_space<vmem>>, vector<1x16xf32>,
      %swap3A_894 = vector.shape_cast %swap3A_893 : vector<1x16xf32> to vector<16xf32>
      %swap3A_895 = vector.shape_cast %add3A_890 : vector<16xf32> to vector<1x16xf32>
      tpu.vector_store %arg9[%swap3A_891, %swap3A_892], %swap3A_895 {strides = array<i32>} : memref<32x768xf32, #tpu.memory_space<vmem>>, vector<1x16xf32>,
      %mul3A_896 = arith.constant 2 : i32
      %mul3A_897 = arith.muli %mul3A_896, %scan3A_36 : i32
      %get3A_898 = arith.index_cast %mul3A_897 : i32 to index
      %get3A_899 = arith.constant 688 : index
      %get3A_900 = tpu.vector_load %arg8[%get3A_898, %get3A_899] {strides = array<i32>} : memref<64x768xf32, #tpu.memory_space<vmem>>, vector<1x16xf32>,
      %get3A_901 = vector.shape_cast %get3A_900 : vector<1x16xf32> to vector<16xf32>
      %mul3A_902 = arith.constant 2 : i32
      %mul3A_903 = arith.muli %mul3A_902, %scan3A_36 : i32
      %add3A_904 = arith.constant 1 : i32
      %add3A_905 = arith.addi %mul3A_903, %add3A_904 : i32
      %get3A_906 = arith.index_cast %add3A_905 : i32 to index
      %get3A_907 = arith.constant 688 : index
      %get3A_908 = tpu.vector_load %arg8[%get3A_906, %get3A_907] {strides = array<i32>} : memref<64x768xf32, #tpu.memory_space<vmem>>, vector<1x16xf32>,
      %get3A_909 = vector.shape_cast %get3A_908 : vector<1x16xf32> to vector<16xf32>
      %add3A_910 = arith.addf %get3A_901, %get3A_909 : vector<16xf32>
      %swap3A_911 = arith.index_cast %scan3A_36 : i32 to index
      %swap3A_912 = arith.constant 688 : index
      %swap3A_913 = tpu.vector_load %arg9[%swap3A_911, %swap3A_912] {strides = array<i32>} : memref<32x768xf32, #tpu.memory_space<vmem>>, vector<1x16xf32>,
      %swap3A_914 = vector.shape_cast %swap3A_913 : vector<1x16xf32> to vector<16xf32>
      %swap3A_915 = vector.shape_cast %add3A_910 : vector<16xf32> to vector<1x16xf32>
      tpu.vector_store %arg9[%swap3A_911, %swap3A_912], %swap3A_915 {strides = array<i32>} : memref<32x768xf32, #tpu.memory_space<vmem>>, vector<1x16xf32>,
      %mul3A_916 = arith.constant 2 : i32
      %mul3A_917 = arith.muli %mul3A_916, %scan3A_36 : i32
      %get3A_918 = arith.index_cast %mul3A_917 : i32 to index
      %get3A_919 = arith.constant 704 : index
      %get3A_920 = tpu.vector_load %arg8[%get3A_918, %get3A_919] {strides = array<i32>} : memref<64x768xf32, #tpu.memory_space<vmem>>, vector<1x16xf32>,
      %get3A_921 = vector.shape_cast %get3A_920 : vector<1x16xf32> to vector<16xf32>
      %mul3A_922 = arith.constant 2 : i32
      %mul3A_923 = arith.muli %mul3A_922, %scan3A_36 : i32
      %add3A_924 = arith.constant 1 : i32
      %add3A_925 = arith.addi %mul3A_923, %add3A_924 : i32
      %get3A_926 = arith.index_cast %add3A_925 : i32 to index
      %get3A_927 = arith.constant 704 : index
      %get3A_928 = tpu.vector_load %arg8[%get3A_926, %get3A_927] {strides = array<i32>} : memref<64x768xf32, #tpu.memory_space<vmem>>, vector<1x16xf32>,
      %get3A_929 = vector.shape_cast %get3A_928 : vector<1x16xf32> to vector<16xf32>
      %add3A_930 = arith.addf %get3A_921, %get3A_929 : vector<16xf32>
      %swap3A_931 = arith.index_cast %scan3A_36 : i32 to index
      %swap3A_932 = arith.constant 704 : index
      %swap3A_933 = tpu.vector_load %arg9[%swap3A_931, %swap3A_932] {strides = array<i32>} : memref<32x768xf32, #tpu.memory_space<vmem>>, vector<1x16xf32>,
      %swap3A_934 = vector.shape_cast %swap3A_933 : vector<1x16xf32> to vector<16xf32>
      %swap3A_935 = vector.shape_cast %add3A_930 : vector<16xf32> to vector<1x16xf32>
      tpu.vector_store %arg9[%swap3A_931, %swap3A_932], %swap3A_935 {strides = array<i32>} : memref<32x768xf32, #tpu.memory_space<vmem>>, vector<1x16xf32>,
      %mul3A_936 = arith.constant 2 : i32
      %mul3A_937 = arith.muli %mul3A_936, %scan3A_36 : i32
      %get3A_938 = arith.index_cast %mul3A_937 : i32 to index
      %get3A_939 = arith.constant 720 : index
      %get3A_940 = tpu.vector_load %arg8[%get3A_938, %get3A_939] {strides = array<i32>} : memref<64x768xf32, #tpu.memory_space<vmem>>, vector<1x16xf32>,
      %get3A_941 = vector.shape_cast %get3A_940 : vector<1x16xf32> to vector<16xf32>
      %mul3A_942 = arith.constant 2 : i32
      %mul3A_943 = arith.muli %mul3A_942, %scan3A_36 : i32
      %add3A_944 = arith.constant 1 : i32
      %add3A_945 = arith.addi %mul3A_943, %add3A_944 : i32
      %get3A_946 = arith.index_cast %add3A_945 : i32 to index
      %get3A_947 = arith.constant 720 : index
      %get3A_948 = tpu.vector_load %arg8[%get3A_946, %get3A_947] {strides = array<i32>} : memref<64x768xf32, #tpu.memory_space<vmem>>, vector<1x16xf32>,
      %get3A_949 = vector.shape_cast %get3A_948 : vector<1x16xf32> to vector<16xf32>
      %add3A_950 = arith.addf %get3A_941, %get3A_949 : vector<16xf32>
      %swap3A_951 = arith.index_cast %scan3A_36 : i32 to index
      %swap3A_952 = arith.constant 720 : index
      %swap3A_953 = tpu.vector_load %arg9[%swap3A_951, %swap3A_952] {strides = array<i32>} : memref<32x768xf32, #tpu.memory_space<vmem>>, vector<1x16xf32>,
      %swap3A_954 = vector.shape_cast %swap3A_953 : vector<1x16xf32> to vector<16xf32>
      %swap3A_955 = vector.shape_cast %add3A_950 : vector<16xf32> to vector<1x16xf32>
      tpu.vector_store %arg9[%swap3A_951, %swap3A_952], %swap3A_955 {strides = array<i32>} : memref<32x768xf32, #tpu.memory_space<vmem>>, vector<1x16xf32>,
      %mul3A_956 = arith.constant 2 : i32
      %mul3A_957 = arith.muli %mul3A_956, %scan3A_36 : i32
      %get3A_958 = arith.index_cast %mul3A_957 : i32 to index
      %get3A_959 = arith.constant 736 : index
      %get3A_960 = tpu.vector_load %arg8[%get3A_958, %get3A_959] {strides = array<i32>} : memref<64x768xf32, #tpu.memory_space<vmem>>, vector<1x16xf32>,
      %get3A_961 = vector.shape_cast %get3A_960 : vector<1x16xf32> to vector<16xf32>
      %mul3A_962 = arith.constant 2 : i32
      %mul3A_963 = arith.muli %mul3A_962, %scan3A_36 : i32
      %add3A_964 = arith.constant 1 : i32
      %add3A_965 = arith.addi %mul3A_963, %add3A_964 : i32
      %get3A_966 = arith.index_cast %add3A_965 : i32 to index
      %get3A_967 = arith.constant 736 : index
      %get3A_968 = tpu.vector_load %arg8[%get3A_966, %get3A_967] {strides = array<i32>} : memref<64x768xf32, #tpu.memory_space<vmem>>, vector<1x16xf32>,
      %get3A_969 = vector.shape_cast %get3A_968 : vector<1x16xf32> to vector<16xf32>
      %add3A_970 = arith.addf %get3A_961, %get3A_969 : vector<16xf32>
      %swap3A_971 = arith.index_cast %scan3A_36 : i32 to index
      %swap3A_972 = arith.constant 736 : index
      %swap3A_973 = tpu.vector_load %arg9[%swap3A_971, %swap3A_972] {strides = array<i32>} : memref<32x768xf32, #tpu.memory_space<vmem>>, vector<1x16xf32>,
      %swap3A_974 = vector.shape_cast %swap3A_973 : vector<1x16xf32> to vector<16xf32>
      %swap3A_975 = vector.shape_cast %add3A_970 : vector<16xf32> to vector<1x16xf32>
      tpu.vector_store %arg9[%swap3A_971, %swap3A_972], %swap3A_975 {strides = array<i32>} : memref<32x768xf32, #tpu.memory_space<vmem>>, vector<1x16xf32>,
      %mul3A_976 = arith.constant 2 : i32
      %mul3A_977 = arith.muli %mul3A_976, %scan3A_36 : i32
      %get3A_978 = arith.index_cast %mul3A_977 : i32 to index
      %get3A_979 = arith.constant 752 : index
      %get3A_980 = tpu.vector_load %arg8[%get3A_978, %get3A_979] {strides = array<i32>} : memref<64x768xf32, #tpu.memory_space<vmem>>, vector<1x16xf32>,
      %get3A_981 = vector.shape_cast %get3A_980 : vector<1x16xf32> to vector<16xf32>
      %mul3A_982 = arith.constant 2 : i32
      %mul3A_983 = arith.muli %mul3A_982, %scan3A_36 : i32
      %add3A_984 = arith.constant 1 : i32
      %add3A_985 = arith.addi %mul3A_983, %add3A_984 : i32
      %get3A_986 = arith.index_cast %add3A_985 : i32 to index
      %get3A_987 = arith.constant 752 : index
      %get3A_988 = tpu.vector_load %arg8[%get3A_986, %get3A_987] {strides = array<i32>} : memref<64x768xf32, #tpu.memory_space<vmem>>, vector<1x16xf32>,
      %get3A_989 = vector.shape_cast %get3A_988 : vector<1x16xf32> to vector<16xf32>
      %add3A_990 = arith.addf %get3A_981, %get3A_989 : vector<16xf32>
      %swap3A_991 = arith.index_cast %scan3A_36 : i32 to index
      %swap3A_992 = arith.constant 752 : index
      %swap3A_993 = tpu.vector_load %arg9[%swap3A_991, %swap3A_992] {strides = array<i32>} : memref<32x768xf32, #tpu.memory_space<vmem>>, vector<1x16xf32>,
      %swap3A_994 = vector.shape_cast %swap3A_993 : vector<1x16xf32> to vector<16xf32>
      %swap3A_995 = vector.shape_cast %add3A_990 : vector<16xf32> to vector<1x16xf32>
      tpu.vector_store %arg9[%swap3A_991, %swap3A_992], %swap3A_995 {strides = array<i32>} : memref<32x768xf32, #tpu.memory_space<vmem>>, vector<1x16xf32>,
      %scan3A_996 = arith.constant 0 : i32
      scf.yield %scan3A_996 : i32
    }
    %scan3A_33 = arith.constant 32 : i32
    %add3A_34 = arith.constant 32 : i32
    %add3A_35 = arith.addi %mul3A_2, %add3A_34 : i32
    "tpu.region"() ({
      %run_scoped3A = tpu.sem_alloc : memref<!tpu.dma_semaphore, #tpu.memory_space<semaphore_mem>>
      %dma_start3A_36 = arith.constant 0 : i32
      %dma_start3A_37 = tpu.memref_slice %arg4[%add3A_35, %dma_start3A_36] : memref<2048x768xf32, #tpu.memory_space<hbm>> -> memref<32x768xf32, #tpu.memory_space<hbm>>
      %dma_start3A_38 = arith.constant 0 : i32
      %dma_start3A_39 = tpu.memref_slice %arg4[%add3A_35, %dma_start3A_38] : memref<2048x768xf32, #tpu.memory_space<hbm>> -> memref<32x768xf32, #tpu.memory_space<hbm>>
      tpu.enqueue_dma source(%arg9 : memref<32x768xf32, #tpu.memory_space<vmem>>) target(%dma_start3A_39 : memref<32x768xf32, #tpu.memory_space<hbm>>) target_semaphore(%run_scoped3A : memref<!tpu.dma_semaphore, #tpu.memory_space<semaphore_mem>>)
      %dma_wait3A_40 = arith.constant 0 : i32
      %dma_wait3A_41 = tpu.memref_slice %arg4[%add3A_35, %dma_wait3A_40] : memref<2048x768xf32, #tpu.memory_space<hbm>> -> memref<32x768xf32, #tpu.memory_space<hbm>>
      %dma_wait3A_42 = arith.constant 0 : i32
      %dma_wait3A_43 = tpu.memref_slice %arg4[%add3A_35, %dma_wait3A_42] : memref<2048x768xf32, #tpu.memory_space<hbm>> -> memref<32x768xf32, #tpu.memory_space<hbm>>
      tpu.wait_dma2 semaphore(%run_scoped3A : memref<!tpu.dma_semaphore, #tpu.memory_space<semaphore_mem>>) src(%arg9 : memref<32x768xf32, #tpu.memory_space<vmem>>) dst(%dma_wait3A_43 : memref<32x768xf32, #tpu.memory_space<hbm>>)
      tpu.yield
    }) : () -> ()
    return
  }
}

module attributes {stable_mosaic.version = 14 : i64} {
  func.func @_router_body(%arg0: i32, %arg1: memref<2048x768xf32, #tpu.memory_space<vmem>>, %arg2: memref<768x8xf32, #tpu.memory_space<vmem>>, %arg3: memref<1x8xf32, #tpu.memory_space<vmem>>, %arg4: memref<2048x8xf32, #tpu.memory_space<vmem>>, %arg5: memref<2048x8xf32, #tpu.memory_space<vmem>>, %arg6: memref<1x32xi32, #tpu.memory_space<vmem>>, %arg7: memref<1x32xi32, #tpu.memory_space<vmem>>, %arg8: memref<1x32xi32, #tpu.memory_space<vmem>>, %arg9: memref<2048x2xi32, #tpu.memory_space<vmem>>) attributes {dimension_semantics = [#tpu.dimension_semantics<arbitrary>], iteration_bounds = array<i64: 1>, scalar_prefetch = 0 : i64, scratch_operands = 0 : i64, tpu.core_type = #tpu.core_type<tc>, window_params = [{pipeline_mode = #tpu.pipeline_mode<synchronous>, transform_indices = @transform_0, window_bounds = array<i64: 2048, 768>}, {pipeline_mode = #tpu.pipeline_mode<synchronous>, transform_indices = @transform_1, window_bounds = array<i64: 768, 8>}, {pipeline_mode = #tpu.pipeline_mode<synchronous>, transform_indices = @transform_2, window_bounds = array<i64: 1, 8>}, {pipeline_mode = #tpu.pipeline_mode<synchronous>, transform_indices = @transform_3, window_bounds = array<i64: 2048, 8>}, {pipeline_mode = #tpu.pipeline_mode<synchronous>, transform_indices = @transform_4, window_bounds = array<i64: 2048, 8>}, {pipeline_mode = #tpu.pipeline_mode<synchronous>, transform_indices = @transform_5, window_bounds = array<i64: 1, 32>}, {pipeline_mode = #tpu.pipeline_mode<synchronous>, transform_indices = @transform_6, window_bounds = array<i64: 1, 32>}, {pipeline_mode = #tpu.pipeline_mode<synchronous>, transform_indices = @transform_7, window_bounds = array<i64: 1, 32>}, {pipeline_mode = #tpu.pipeline_mode<synchronous>, transform_indices = @transform_8, window_bounds = array<i64: 2048, 2>}]} {
    %get3A = arith.constant 0 : index
    %get3A_0 = arith.constant 0 : index
    %get3A_1 = vector.load %arg1[%get3A, %get3A_0] : memref<2048x768xf32, #tpu.memory_space<vmem>>, vector<2048x768xf32>
    %get3A_2 = arith.constant 0 : index
    %get3A_3 = arith.constant 0 : index
    %get3A_4 = vector.load %arg2[%get3A_2, %get3A_3] : memref<768x8xf32, #tpu.memory_space<vmem>>, vector<768x8xf32>
    %dot_general3A = arith.constant dense<0.000000e+00> : vector<2048x8xf32>
    %dot_general3A_5 = tpu.matmul %get3A_1, %get3A_4, %dot_general3A {dimension_numbers = #tpu.dot_dimension_numbers<[1], [0], [0], [1], [0, 0, 1, 1], [], []>, transpose_lhs_hint = false} : vector<2048x768xf32>, vector<768x8xf32>, vector<2048x8xf32> -> vector<2048x8xf32>
    %get3A_6 = arith.constant 0 : index
    %get3A_7 = arith.constant 0 : index
    %get3A_8 = vector.load %arg3[%get3A_6, %get3A_7] : memref<1x8xf32, #tpu.memory_space<vmem>>, vector<1x8xf32>
    %add3A = vector.broadcast %get3A_8 : vector<1x8xf32> to vector<2048x8xf32>
    %add3A_9 = arith.addf %dot_general3A_5, %add3A : vector<2048x8xf32>
    %iota3A = tpu.iota {dimensions = array<i32: 1>} : vector<2048x8xi32>
    %reduce_max3A = arith.constant dense<0xFF800000> : vector<2048xf32>
    %reduce_max3A_10 = vector.multi_reduction <maximumf>, %add3A_9, %reduce_max3A [1] : vector<2048x8xf32> to vector<2048xf32>
    %broadcast_in_dim3A = vector.shape_cast %reduce_max3A_10 : vector<2048xf32> to vector<2048x1xf32>
    %eq3A = vector.broadcast %broadcast_in_dim3A : vector<2048x1xf32> to vector<2048x8xf32>
    %eq3A_11 = arith.cmpf oeq, %add3A_9, %eq3A : vector<2048x8xf32>
    %jit3A = arith.constant 8 : i32
    %broadcast_in_dim3A_12 = vector.broadcast %jit3A : i32 to vector<2048x8xi32>
    %select_n3A = arith.select %eq3A_11, %iota3A, %broadcast_in_dim3A_12 : vector<2048x8xi1>, vector<2048x8xi32>
    %reduce_min3A = arith.constant dense<2147483647> : vector<2048xi32>
    %reduce_min3A_13 = vector.multi_reduction <minsi>, %select_n3A, %reduce_min3A [1] : vector<2048x8xi32> to vector<2048xi32>
    %broadcast_in_dim3A_14 = vector.shape_cast %reduce_min3A_13 : vector<2048xi32> to vector<2048x1xi32>
    %eq3A_15 = vector.broadcast %broadcast_in_dim3A_14 : vector<2048x1xi32> to vector<2048x8xi32>
    %eq3A_16 = arith.cmpi eq, %iota3A, %eq3A_15 : vector<2048x8xi32>
    %jit3A_17 = arith.constant 0xFF800000 : f32
    %broadcast_in_dim3A_18 = vector.broadcast %jit3A_17 : f32 to vector<2048x8xf32>
    %select_n3A_19 = arith.select %eq3A_16, %broadcast_in_dim3A_18, %add3A_9 : vector<2048x8xi1>, vector<2048x8xf32>
    %reduce_max3A_20 = arith.constant dense<0xFF800000> : vector<2048xf32>
    %reduce_max3A_21 = vector.multi_reduction <maximumf>, %select_n3A_19, %reduce_max3A_20 [1] : vector<2048x8xf32> to vector<2048xf32>
    %broadcast_in_dim3A_22 = vector.shape_cast %reduce_max3A_21 : vector<2048xf32> to vector<2048x1xf32>
    %eq3A_23 = vector.broadcast %broadcast_in_dim3A_22 : vector<2048x1xf32> to vector<2048x8xf32>
    %eq3A_24 = arith.cmpf oeq, %select_n3A_19, %eq3A_23 : vector<2048x8xf32>
    %jit3A_25 = arith.constant 8 : i32
    %broadcast_in_dim3A_26 = vector.broadcast %jit3A_25 : i32 to vector<2048x8xi32>
    %select_n3A_27 = arith.select %eq3A_24, %iota3A, %broadcast_in_dim3A_26 : vector<2048x8xi1>, vector<2048x8xi32>
    %reduce_min3A_28 = arith.constant dense<2147483647> : vector<2048xi32>
    %reduce_min3A_29 = vector.multi_reduction <minsi>, %select_n3A_27, %reduce_min3A_28 [1] : vector<2048x8xi32> to vector<2048xi32>
    %broadcast_in_dim3A_30 = vector.shape_cast %reduce_min3A_29 : vector<2048xi32> to vector<2048x1xi32>
    %eq3A_31 = vector.broadcast %broadcast_in_dim3A_30 : vector<2048x1xi32> to vector<2048x8xi32>
    %eq3A_32 = arith.cmpi eq, %iota3A, %eq3A_31 : vector<2048x8xi32>
    %sub3A = arith.subf %broadcast_in_dim3A_22, %broadcast_in_dim3A : vector<2048x1xf32>
    %exp3A = math.exp %sub3A : vector<2048x1xf32>
    %add3A_33 = arith.constant 1.000000e+00 : f32
    %add3A_34 = vector.broadcast %add3A_33 : f32 to vector<2048x1xf32>
    %add3A_35 = arith.addf %add3A_34, %exp3A : vector<2048x1xf32>
    %div3A = arith.constant 1.000000e+00 : f32
    %div3A_36 = vector.broadcast %div3A : f32 to vector<2048x1xf32>
    %div3A_37 = arith.divf %div3A_36, %add3A_35 : vector<2048x1xf32>
    %sub3A_38 = arith.constant 1.000000e+00 : f32
    %sub3A_39 = vector.broadcast %sub3A_38 : f32 to vector<2048x1xf32>
    %sub3A_40 = arith.subf %sub3A_39, %div3A_37 : vector<2048x1xf32>
    %jit3A_41 = arith.constant 0.000000e+00 : f32
    %broadcast_in_dim3A_42 = vector.shape_cast %div3A_37 : vector<2048x1xf32> to vector<2048x1xf32>
    %broadcast_in_dim3A_43 = vector.broadcast %broadcast_in_dim3A_42 : vector<2048x1xf32> to vector<2048x8xf32>
    %broadcast_in_dim3A_44 = vector.broadcast %jit3A_41 : f32 to vector<2048x8xf32>
    %select_n3A_45 = arith.select %eq3A_16, %broadcast_in_dim3A_43, %broadcast_in_dim3A_44 : vector<2048x8xi1>, vector<2048x8xf32>
    %jit3A_46 = arith.constant 0.000000e+00 : f32
    %broadcast_in_dim3A_47 = vector.shape_cast %sub3A_40 : vector<2048x1xf32> to vector<2048x1xf32>
    %broadcast_in_dim3A_48 = vector.broadcast %broadcast_in_dim3A_47 : vector<2048x1xf32> to vector<2048x8xf32>
    %broadcast_in_dim3A_49 = vector.broadcast %jit3A_46 : f32 to vector<2048x8xf32>
    %select_n3A_50 = arith.select %eq3A_32, %broadcast_in_dim3A_48, %broadcast_in_dim3A_49 : vector<2048x8xi1>, vector<2048x8xf32>
    %add3A_51 = arith.addf %select_n3A_45, %select_n3A_50 : vector<2048x8xf32>
    %swap3A = arith.constant 0 : index
    %swap3A_52 = arith.constant 0 : index
    %swap3A_53 = vector.load %arg4[%swap3A, %swap3A_52] : memref<2048x8xf32, #tpu.memory_space<vmem>>, vector<2048x8xf32>
    tpu.vector_store %arg4[%swap3A, %swap3A_52], %add3A_51 {strides = array<i32>} : memref<2048x8xf32, #tpu.memory_space<vmem>>, vector<2048x8xf32>,
    %or3A = arith.ori %eq3A_16, %eq3A_32 : vector<2048x8xi1>
    %convert_element_type3A = arith.extui %or3A : vector<2048x8xi1> to vector<2048x8xi32>
    %convert_element_type3A_54 = arith.sitofp %convert_element_type3A : vector<2048x8xi32> to vector<2048x8xf32>
    %broadcast_in_dim3A_55 = arith.constant 0.000000e+00 : f32
    %broadcast_in_dim3A_56 = vector.broadcast %broadcast_in_dim3A_55 : f32 to vector<1x8xf32>
    %slice3A = vector.extract_strided_slice %convert_element_type3A_54 {offsets = [0, 0], sizes = [2047, 8], strides = [1, 1]} : vector<2048x8xf32> to vector<2047x8xf32>
    %concatenate3A = tpu.concatenate %broadcast_in_dim3A_56, %slice3A in 0 : vector<1x8xf32>, vector<2047x8xf32> -> vector<2048x8xf32>
    %add3A_57 = arith.addf %convert_element_type3A_54, %concatenate3A : vector<2048x8xf32>
    %broadcast_in_dim3A_58 = arith.constant 0.000000e+00 : f32
    %broadcast_in_dim3A_59 = vector.broadcast %broadcast_in_dim3A_58 : f32 to vector<2x8xf32>
    %slice3A_60 = vector.extract_strided_slice %add3A_57 {offsets = [0, 0], sizes = [2046, 8], strides = [1, 1]} : vector<2048x8xf32> to vector<2046x8xf32>
    %concatenate3A_61 = tpu.concatenate %broadcast_in_dim3A_59, %slice3A_60 in 0 : vector<2x8xf32>, vector<2046x8xf32> -> vector<2048x8xf32>
    %add3A_62 = arith.addf %add3A_57, %concatenate3A_61 : vector<2048x8xf32>
    %broadcast_in_dim3A_63 = arith.constant 0.000000e+00 : f32
    %broadcast_in_dim3A_64 = vector.broadcast %broadcast_in_dim3A_63 : f32 to vector<4x8xf32>
    %slice3A_65 = vector.extract_strided_slice %add3A_62 {offsets = [0, 0], sizes = [2044, 8], strides = [1, 1]} : vector<2048x8xf32> to vector<2044x8xf32>
    %concatenate3A_66 = tpu.concatenate %broadcast_in_dim3A_64, %slice3A_65 in 0 : vector<4x8xf32>, vector<2044x8xf32> -> vector<2048x8xf32>
    %add3A_67 = arith.addf %add3A_62, %concatenate3A_66 : vector<2048x8xf32>
    %broadcast_in_dim3A_68 = arith.constant 0.000000e+00 : f32
    %broadcast_in_dim3A_69 = vector.broadcast %broadcast_in_dim3A_68 : f32 to vector<8x8xf32>
    %slice3A_70 = vector.extract_strided_slice %add3A_67 {offsets = [0, 0], sizes = [2040, 8], strides = [1, 1]} : vector<2048x8xf32> to vector<2040x8xf32>
    %concatenate3A_71 = tpu.concatenate %broadcast_in_dim3A_69, %slice3A_70 in 0 : vector<8x8xf32>, vector<2040x8xf32> -> vector<2048x8xf32>
    %add3A_72 = arith.addf %add3A_67, %concatenate3A_71 : vector<2048x8xf32>
    %broadcast_in_dim3A_73 = arith.constant 0.000000e+00 : f32
    %broadcast_in_dim3A_74 = vector.broadcast %broadcast_in_dim3A_73 : f32 to vector<16x8xf32>
    %slice3A_75 = vector.extract_strided_slice %add3A_72 {offsets = [0, 0], sizes = [2032, 8], strides = [1, 1]} : vector<2048x8xf32> to vector<2032x8xf32>
    %concatenate3A_76 = tpu.concatenate %broadcast_in_dim3A_74, %slice3A_75 in 0 : vector<16x8xf32>, vector<2032x8xf32> -> vector<2048x8xf32>
    %add3A_77 = arith.addf %add3A_72, %concatenate3A_76 : vector<2048x8xf32>
    %broadcast_in_dim3A_78 = arith.constant 0.000000e+00 : f32
    %broadcast_in_dim3A_79 = vector.broadcast %broadcast_in_dim3A_78 : f32 to vector<32x8xf32>
    %slice3A_80 = vector.extract_strided_slice %add3A_77 {offsets = [0, 0], sizes = [2016, 8], strides = [1, 1]} : vector<2048x8xf32> to vector<2016x8xf32>
    %concatenate3A_81 = tpu.concatenate %broadcast_in_dim3A_79, %slice3A_80 in 0 : vector<32x8xf32>, vector<2016x8xf32> -> vector<2048x8xf32>
    %add3A_82 = arith.addf %add3A_77, %concatenate3A_81 : vector<2048x8xf32>
    %broadcast_in_dim3A_83 = arith.constant 0.000000e+00 : f32
    %broadcast_in_dim3A_84 = vector.broadcast %broadcast_in_dim3A_83 : f32 to vector<64x8xf32>
    %slice3A_85 = vector.extract_strided_slice %add3A_82 {offsets = [0, 0], sizes = [1984, 8], strides = [1, 1]} : vector<2048x8xf32> to vector<1984x8xf32>
    %concatenate3A_86 = tpu.concatenate %broadcast_in_dim3A_84, %slice3A_85 in 0 : vector<64x8xf32>, vector<1984x8xf32> -> vector<2048x8xf32>
    %add3A_87 = arith.addf %add3A_82, %concatenate3A_86 : vector<2048x8xf32>
    %broadcast_in_dim3A_88 = arith.constant 0.000000e+00 : f32
    %broadcast_in_dim3A_89 = vector.broadcast %broadcast_in_dim3A_88 : f32 to vector<128x8xf32>
    %slice3A_90 = vector.extract_strided_slice %add3A_87 {offsets = [0, 0], sizes = [1920, 8], strides = [1, 1]} : vector<2048x8xf32> to vector<1920x8xf32>
    %concatenate3A_91 = tpu.concatenate %broadcast_in_dim3A_89, %slice3A_90 in 0 : vector<128x8xf32>, vector<1920x8xf32> -> vector<2048x8xf32>
    %add3A_92 = arith.addf %add3A_87, %concatenate3A_91 : vector<2048x8xf32>
    %broadcast_in_dim3A_93 = arith.constant 0.000000e+00 : f32
    %broadcast_in_dim3A_94 = vector.broadcast %broadcast_in_dim3A_93 : f32 to vector<256x8xf32>
    %slice3A_95 = vector.extract_strided_slice %add3A_92 {offsets = [0, 0], sizes = [1792, 8], strides = [1, 1]} : vector<2048x8xf32> to vector<1792x8xf32>
    %concatenate3A_96 = tpu.concatenate %broadcast_in_dim3A_94, %slice3A_95 in 0 : vector<256x8xf32>, vector<1792x8xf32> -> vector<2048x8xf32>
    %add3A_97 = arith.addf %add3A_92, %concatenate3A_96 : vector<2048x8xf32>
    %broadcast_in_dim3A_98 = arith.constant 0.000000e+00 : f32
    %broadcast_in_dim3A_99 = vector.broadcast %broadcast_in_dim3A_98 : f32 to vector<512x8xf32>
    %slice3A_100 = vector.extract_strided_slice %add3A_97 {offsets = [0, 0], sizes = [1536, 8], strides = [1, 1]} : vector<2048x8xf32> to vector<1536x8xf32>
    %concatenate3A_101 = tpu.concatenate %broadcast_in_dim3A_99, %slice3A_100 in 0 : vector<512x8xf32>, vector<1536x8xf32> -> vector<2048x8xf32>
    %add3A_102 = arith.addf %add3A_97, %concatenate3A_101 : vector<2048x8xf32>
    %broadcast_in_dim3A_103 = arith.constant 0.000000e+00 : f32
    %broadcast_in_dim3A_104 = vector.broadcast %broadcast_in_dim3A_103 : f32 to vector<1024x8xf32>
    %slice3A_105 = vector.extract_strided_slice %add3A_102 {offsets = [0, 0], sizes = [1024, 8], strides = [1, 1]} : vector<2048x8xf32> to vector<1024x8xf32>
    %concatenate3A_106 = tpu.concatenate %broadcast_in_dim3A_104, %slice3A_105 in 0 : vector<1024x8xf32>, vector<1024x8xf32> -> vector<2048x8xf32>
    %add3A_107 = arith.addf %add3A_102, %concatenate3A_106 : vector<2048x8xf32>
    %swap3A_108 = arith.constant 0 : index
    %swap3A_109 = arith.constant 0 : index
    %swap3A_110 = vector.load %arg5[%swap3A_108, %swap3A_109] : memref<2048x8xf32, #tpu.memory_space<vmem>>, vector<2048x8xf32>
    tpu.vector_store %arg5[%swap3A_108, %swap3A_109], %add3A_107 {strides = array<i32>} : memref<2048x8xf32, #tpu.memory_space<vmem>>, vector<2048x8xf32>,
    %slice3A_111 = vector.extract_strided_slice %add3A_107 {offsets = [2047, 0], sizes = [1, 8], strides = [1, 1]} : vector<2048x8xf32> to vector<1x8xf32>
    %add3A_112 = arith.constant 2.550000e+02 : f32
    %add3A_113 = vector.broadcast %add3A_112 : f32 to vector<1x8xf32>
    %add3A_114 = arith.addf %slice3A_111, %add3A_113 : vector<1x8xf32>
    %div3A_115 = arith.constant 2.560000e+02 : f32
    %div3A_116 = vector.broadcast %div3A_115 : f32 to vector<1x8xf32>
    %div3A_117 = arith.divf %add3A_114, %div3A_116 : vector<1x8xf32>
    %floor3A = math.floor %div3A_117 : vector<1x8xf32>
    %iota3A_118 = tpu.iota {dimensions = array<i32: 0>} : vector<8x8xi32>
    %iota3A_119 = tpu.iota {dimensions = array<i32: 1>} : vector<8x8xi32>
    %lt3A = arith.cmpi slt, %iota3A_119, %iota3A_118 : vector<8x8xi32>
    %convert_element_type3A_120 = arith.extui %lt3A : vector<8x8xi1> to vector<8x8xi32>
    %convert_element_type3A_121 = arith.sitofp %convert_element_type3A_120 : vector<8x8xi32> to vector<8x8xf32>
    %mul3A = vector.broadcast %floor3A : vector<1x8xf32> to vector<8x8xf32>
    %mul3A_122 = arith.mulf %convert_element_type3A_121, %mul3A : vector<8x8xf32>
    %reduce_sum3A = arith.constant dense<0.000000e+00> : vector<8xf32>
    %reduce_sum3A_123 = vector.multi_reduction <add>, %mul3A_122, %reduce_sum3A [1] : vector<8x8xf32> to vector<8xf32>
    %broadcast_in_dim3A_124 = vector.shape_cast %reduce_sum3A_123 : vector<8xf32> to vector<8x1xf32>
    %iota3A_125 = tpu.iota {dimensions = array<i32: 1>} : vector<8x32xi32>
    %convert_element_type3A_126 = arith.sitofp %iota3A_125 : vector<8x32xi32> to vector<8x32xf32>
    %le3A = vector.broadcast %broadcast_in_dim3A_124 : vector<8x1xf32> to vector<8x32xf32>
    %le3A_127 = arith.cmpf ole, %le3A, %convert_element_type3A_126 : vector<8x32xf32>
    %convert_element_type3A_128 = arith.extui %le3A_127 : vector<8x32xi1> to vector<8x32xi32>
    %convert_element_type3A_129 = arith.sitofp %convert_element_type3A_128 : vector<8x32xi32> to vector<8x32xf32>
    %reduce_sum3A_130 = arith.constant dense<0.000000e+00> : vector<32xf32>
    %reduce_sum3A_131 = vector.multi_reduction <add>, %convert_element_type3A_129, %reduce_sum3A_130 [0] : vector<8x32xf32> to vector<32xf32>
    %broadcast_in_dim3A_132 = vector.shape_cast %reduce_sum3A_131 : vector<32xf32> to vector<1x32xf32>
    %sub3A_133 = arith.constant 1.000000e+00 : f32
    %sub3A_134 = vector.broadcast %sub3A_133 : f32 to vector<1x32xf32>
    %sub3A_135 = arith.subf %broadcast_in_dim3A_132, %sub3A_134 : vector<1x32xf32>
    %le3A_136 = vector.broadcast %broadcast_in_dim3A_124 : vector<8x1xf32> to vector<8x32xf32>
    %le3A_137 = arith.cmpf ole, %le3A_136, %convert_element_type3A_126 : vector<8x32xf32>
    %jit3A_138 = arith.constant -1.000000e+00 : f32
    %broadcast_in_dim3A_139 = vector.shape_cast %broadcast_in_dim3A_124 : vector<8x1xf32> to vector<8x1xf32>
    %broadcast_in_dim3A_140 = vector.broadcast %broadcast_in_dim3A_139 : vector<8x1xf32> to vector<8x32xf32>
    %broadcast_in_dim3A_141 = vector.broadcast %jit3A_138 : f32 to vector<8x32xf32>
    %select_n3A_142 = arith.select %le3A_137, %broadcast_in_dim3A_140, %broadcast_in_dim3A_141 : vector<8x32xi1>, vector<8x32xf32>
    %reduce_max3A_143 = arith.constant dense<0xFF800000> : vector<32xf32>
    %reduce_max3A_144 = vector.multi_reduction <maximumf>, %select_n3A_142, %reduce_max3A_143 [0] : vector<8x32xf32> to vector<32xf32>
    %broadcast_in_dim3A_145 = vector.shape_cast %reduce_max3A_144 : vector<32xf32> to vector<1x32xf32>
    %slice3A_146 = vector.extract_strided_slice %convert_element_type3A_126 {offsets = [0, 0], sizes = [1, 32], strides = [1, 1]} : vector<8x32xf32> to vector<1x32xf32>
    %sub3A_147 = arith.subf %slice3A_146, %broadcast_in_dim3A_145 : vector<1x32xf32>
    %mul3A_148 = arith.constant 2.560000e+02 : f32
    %mul3A_149 = vector.broadcast %mul3A_148 : f32 to vector<1x32xf32>
    %mul3A_150 = arith.mulf %sub3A_147, %mul3A_149 : vector<1x32xf32>
    %convert_element_type3A_151 = arith.fptosi %sub3A_135 : vector<1x32xf32> to vector<1x32xi32>
    %swap3A_152 = arith.constant 0 : index
    %swap3A_153 = arith.constant 0 : index
    %swap3A_154 = vector.load %arg6[%swap3A_152, %swap3A_153] : memref<1x32xi32, #tpu.memory_space<vmem>>, vector<1x32xi32>
    tpu.vector_store %arg6[%swap3A_152, %swap3A_153], %convert_element_type3A_151 {strides = array<i32>} : memref<1x32xi32, #tpu.memory_space<vmem>>, vector<1x32xi32>,
    %convert_element_type3A_155 = arith.fptosi %mul3A_150 : vector<1x32xf32> to vector<1x32xi32>
    %swap3A_156 = arith.constant 0 : index
    %swap3A_157 = arith.constant 0 : index
    %swap3A_158 = vector.load %arg7[%swap3A_156, %swap3A_157] : memref<1x32xi32, #tpu.memory_space<vmem>>, vector<1x32xi32>
    tpu.vector_store %arg7[%swap3A_156, %swap3A_157], %convert_element_type3A_155 {strides = array<i32>} : memref<1x32xi32, #tpu.memory_space<vmem>>, vector<1x32xi32>,
    %reduce_sum3A_159 = arith.constant dense<0.000000e+00> : vector<1xf32>
    %reduce_sum3A_160 = vector.multi_reduction <add>, %floor3A, %reduce_sum3A_159 [1] : vector<1x8xf32> to vector<1xf32>
    %broadcast_in_dim3A_161 = vector.shape_cast %reduce_sum3A_160 : vector<1xf32> to vector<1x1xf32>
    %slice3A_162 = vector.extract_strided_slice %convert_element_type3A_126 {offsets = [0, 0], sizes = [1, 32], strides = [1, 1]} : vector<8x32xf32> to vector<1x32xf32>
    %lt3A_163 = vector.broadcast %broadcast_in_dim3A_161 : vector<1x1xf32> to vector<1x32xf32>
    %lt3A_164 = arith.cmpf olt, %slice3A_162, %lt3A_163 : vector<1x32xf32>
    %convert_element_type3A_165 = arith.extui %lt3A_164 : vector<1x32xi1> to vector<1x32xi32>
    %swap3A_166 = arith.constant 0 : index
    %swap3A_167 = arith.constant 0 : index
    %swap3A_168 = vector.load %arg8[%swap3A_166, %swap3A_167] : memref<1x32xi32, #tpu.memory_space<vmem>>, vector<1x32xi32>
    tpu.vector_store %arg8[%swap3A_166, %swap3A_167], %convert_element_type3A_165 {strides = array<i32>} : memref<1x32xi32, #tpu.memory_space<vmem>>, vector<1x32xi32>,
    %eq3A_169 = arith.cmpi eq, %iota3A_118, %iota3A_119 : vector<8x8xi32>
    %broadcast_in_dim3A_170 = arith.constant 1.000000e+00 : f32
    %broadcast_in_dim3A_171 = vector.broadcast %broadcast_in_dim3A_170 : f32 to vector<1x8xf32>
    %mul3A_172 = vector.broadcast %broadcast_in_dim3A_124 : vector<8x1xf32> to vector<8x8xf32>
    %mul3A_173 = vector.broadcast %broadcast_in_dim3A_171 : vector<1x8xf32> to vector<8x8xf32>
    %mul3A_174 = arith.mulf %mul3A_172, %mul3A_173 : vector<8x8xf32>
    %jit3A_175 = arith.constant 0.000000e+00 : f32
    %broadcast_in_dim3A_176 = vector.broadcast %jit3A_175 : f32 to vector<8x8xf32>
    %select_n3A_177 = arith.select %eq3A_169, %mul3A_174, %broadcast_in_dim3A_176 : vector<8x8xi1>, vector<8x8xf32>
    %reduce_sum3A_178 = arith.constant dense<0.000000e+00> : vector<8xf32>
    %reduce_sum3A_179 = vector.multi_reduction <add>, %select_n3A_177, %reduce_sum3A_178 [0] : vector<8x8xf32> to vector<8xf32>
    %broadcast_in_dim3A_180 = vector.shape_cast %reduce_sum3A_179 : vector<8xf32> to vector<1x8xf32>
    %mul3A_181 = arith.constant 2.560000e+02 : f32
    %mul3A_182 = vector.broadcast %mul3A_181 : f32 to vector<1x8xf32>
    %mul3A_183 = arith.mulf %broadcast_in_dim3A_180, %mul3A_182 : vector<1x8xf32>
    %add3A_184 = vector.broadcast %mul3A_183 : vector<1x8xf32> to vector<2048x8xf32>
    %add3A_185 = arith.addf %add3A_184, %add3A_107 : vector<2048x8xf32>
    %sub3A_186 = arith.constant 1.000000e+00 : f32
    %sub3A_187 = vector.broadcast %sub3A_186 : f32 to vector<2048x8xf32>
    %sub3A_188 = arith.subf %add3A_185, %sub3A_187 : vector<2048x8xf32>
    %jit3A_189 = arith.constant 0.000000e+00 : f32
    %broadcast_in_dim3A_190 = vector.broadcast %jit3A_189 : f32 to vector<2048x8xf32>
    %select_n3A_191 = arith.select %eq3A_16, %sub3A_188, %broadcast_in_dim3A_190 : vector<2048x8xi1>, vector<2048x8xf32>
    %reduce_sum3A_192 = arith.constant dense<0.000000e+00> : vector<2048xf32>
    %reduce_sum3A_193 = vector.multi_reduction <add>, %select_n3A_191, %reduce_sum3A_192 [1] : vector<2048x8xf32> to vector<2048xf32>
    %broadcast_in_dim3A_194 = vector.shape_cast %reduce_sum3A_193 : vector<2048xf32> to vector<2048x1xf32>
    %jit3A_195 = arith.constant 0.000000e+00 : f32
    %broadcast_in_dim3A_196 = vector.broadcast %jit3A_195 : f32 to vector<2048x8xf32>
    %select_n3A_197 = arith.select %eq3A_32, %sub3A_188, %broadcast_in_dim3A_196 : vector<2048x8xi1>, vector<2048x8xf32>
    %reduce_sum3A_198 = arith.constant dense<0.000000e+00> : vector<2048xf32>
    %reduce_sum3A_199 = vector.multi_reduction <add>, %select_n3A_197, %reduce_sum3A_198 [1] : vector<2048x8xf32> to vector<2048xf32>
    %broadcast_in_dim3A_200 = vector.shape_cast %reduce_sum3A_199 : vector<2048xf32> to vector<2048x1xf32>
    %concatenate3A_201 = tpu.concatenate %broadcast_in_dim3A_194, %broadcast_in_dim3A_200 in 1 : vector<2048x1xf32>, vector<2048x1xf32> -> vector<2048x2xf32>
    %convert_element_type3A_202 = arith.fptosi %concatenate3A_201 : vector<2048x2xf32> to vector<2048x2xi32>
    %swap3A_203 = arith.constant 0 : index
    %swap3A_204 = arith.constant 0 : index
    %swap3A_205 = vector.load %arg9[%swap3A_203, %swap3A_204] : memref<2048x2xi32, #tpu.memory_space<vmem>>, vector<2048x2xi32>
    tpu.vector_store %arg9[%swap3A_203, %swap3A_204], %convert_element_type3A_202 {strides = array<i32>} : memref<2048x2xi32, #tpu.memory_space<vmem>>, vector<2048x2xi32>,
    return
  }
  func.func @transform_0(%arg0: i32) -> (i32, i32) {
    %c0_i32 = arith.constant 0 : i32
    %c0_i32_0 = arith.constant 0 : i32
    %c0_i32_1 = arith.constant 0 : i32
    return %c0_i32, %c0_i32_0 : i32, i32
  }
  func.func @transform_1(%arg0: i32) -> (i32, i32) {
    %c0_i32 = arith.constant 0 : i32
    %c0_i32_0 = arith.constant 0 : i32
    %c0_i32_1 = arith.constant 0 : i32
    return %c0_i32, %c0_i32_0 : i32, i32
  }
  func.func @transform_2(%arg0: i32) -> (i32, i32) {
    %c0_i32 = arith.constant 0 : i32
    %c0_i32_0 = arith.constant 0 : i32
    %c0_i32_1 = arith.constant 0 : i32
    return %c0_i32, %c0_i32_0 : i32, i32
  }
  func.func @transform_3(%arg0: i32) -> (i32, i32) {
    %c0_i32 = arith.constant 0 : i32
    %c0_i32_0 = arith.constant 0 : i32
    %c0_i32_1 = arith.constant 0 : i32
    return %c0_i32, %c0_i32_0 : i32, i32
  }
  func.func @transform_4(%arg0: i32) -> (i32, i32) {
    %c0_i32 = arith.constant 0 : i32
    %c0_i32_0 = arith.constant 0 : i32
    %c0_i32_1 = arith.constant 0 : i32
    return %c0_i32, %c0_i32_0 : i32, i32
  }
  func.func @transform_5(%arg0: i32) -> (i32, i32) {
    %c0_i32 = arith.constant 0 : i32
    %c0_i32_0 = arith.constant 0 : i32
    %c0_i32_1 = arith.constant 0 : i32
    return %c0_i32, %c0_i32_0 : i32, i32
  }
  func.func @transform_6(%arg0: i32) -> (i32, i32) {
    %c0_i32 = arith.constant 0 : i32
    %c0_i32_0 = arith.constant 0 : i32
    %c0_i32_1 = arith.constant 0 : i32
    return %c0_i32, %c0_i32_0 : i32, i32
  }
  func.func @transform_7(%arg0: i32) -> (i32, i32) {
    %c0_i32 = arith.constant 0 : i32
    %c0_i32_0 = arith.constant 0 : i32
    %c0_i32_1 = arith.constant 0 : i32
    return %c0_i32, %c0_i32_0 : i32, i32
  }
  func.func @transform_8(%arg0: i32) -> (i32, i32) {
    %c0_i32 = arith.constant 0 : i32
    %c0_i32_0 = arith.constant 0 : i32
    %c0_i32_1 = arith.constant 0 : i32
    return %c0_i32, %c0_i32_0 : i32, i32
  }
}

module attributes {stable_mosaic.version = 14 : i64} {
  func.func @_kv_body(%arg0: i32, %arg1: i32, %arg2: memref<512x768xbf16, #tpu.memory_space<vmem>>, %arg3: memref<1x768x768xbf16, #tpu.memory_space<vmem>>, %arg4: memref<1x1x768xf32, #tpu.memory_space<vmem>>, %arg5: memref<1x768x768xbf16, #tpu.memory_space<vmem>>, %arg6: memref<1x1x768xf32, #tpu.memory_space<vmem>>, %arg7: memref<1x12x512x64xbf16, #tpu.memory_space<vmem>>, %arg8: memref<1x12x512x64xbf16, #tpu.memory_space<vmem>>) attributes {dimension_semantics = [#tpu.dimension_semantics<arbitrary>, #tpu.dimension_semantics<arbitrary>], iteration_bounds = array<i64: 8, 4>, scalar_prefetch = 0 : i64, scratch_operands = 0 : i64, tpu.core_type = #tpu.core_type<tc>, window_params = [{transform_indices = @transform_0, window_bounds = array<i64: 512, 768>}, {transform_indices = @transform_1, window_bounds = array<i64: 1, 768, 768>}, {transform_indices = @transform_2, window_bounds = array<i64: 1, 1, 768>}, {transform_indices = @transform_3, window_bounds = array<i64: 1, 768, 768>}, {transform_indices = @transform_4, window_bounds = array<i64: 1, 1, 768>}, {transform_indices = @transform_5, window_bounds = array<i64: 1, 12, 512, 64>}, {transform_indices = @transform_6, window_bounds = array<i64: 1, 12, 512, 64>}]} {
    %get3A = arith.constant 0 : index
    %get3A_0 = arith.constant 0 : index
    %get3A_1 = vector.load %arg2[%get3A, %get3A_0] : memref<512x768xbf16, #tpu.memory_space<vmem>>, vector<512x768xbf16>
    %get3A_2 = arith.constant 0 : index
    %get3A_3 = arith.constant 0 : index
    %get3A_4 = arith.constant 0 : index
    %get3A_5 = vector.load %arg3[%get3A_2, %get3A_3, %get3A_4] : memref<1x768x768xbf16, #tpu.memory_space<vmem>>, vector<1x768x768xbf16>
    %get3A_6 = vector.shape_cast %get3A_5 : vector<1x768x768xbf16> to vector<768x768xbf16>
    %dot_general3A = arith.constant dense<0.000000e+00> : vector<512x768xf32>
    %dot_general3A_7 = tpu.matmul %get3A_1, %get3A_6, %dot_general3A {dimension_numbers = #tpu.dot_dimension_numbers<[1], [0], [0], [1], [0, 0, 1, 1], [], []>, transpose_lhs_hint = false} : vector<512x768xbf16>, vector<768x768xbf16>, vector<512x768xf32> -> vector<512x768xf32>
    %get3A_8 = arith.constant 0 : index
    %get3A_9 = arith.constant 0 : index
    %get3A_10 = arith.constant 0 : index
    %get3A_11 = vector.load %arg4[%get3A_8, %get3A_9, %get3A_10] : memref<1x1x768xf32, #tpu.memory_space<vmem>>, vector<1x1x768xf32>
    %get3A_12 = vector.shape_cast %get3A_11 : vector<1x1x768xf32> to vector<1x768xf32>
    %add3A = vector.broadcast %get3A_12 : vector<1x768xf32> to vector<512x768xf32>
    %add3A_13 = arith.addf %dot_general3A_7, %add3A : vector<512x768xf32>
    %convert_element_type3A = arith.truncf %add3A_13 : vector<512x768xf32> to vector<512x768xbf16>
    %get3A_14 = arith.constant 0 : index
    %get3A_15 = arith.constant 0 : index
    %get3A_16 = arith.constant 0 : index
    %get3A_17 = vector.load %arg5[%get3A_14, %get3A_15, %get3A_16] : memref<1x768x768xbf16, #tpu.memory_space<vmem>>, vector<1x768x768xbf16>
    %get3A_18 = vector.shape_cast %get3A_17 : vector<1x768x768xbf16> to vector<768x768xbf16>
    %dot_general3A_19 = arith.constant dense<0.000000e+00> : vector<512x768xf32>
    %dot_general3A_20 = tpu.matmul %get3A_1, %get3A_18, %dot_general3A_19 {dimension_numbers = #tpu.dot_dimension_numbers<[1], [0], [0], [1], [0, 0, 1, 1], [], []>, transpose_lhs_hint = false} : vector<512x768xbf16>, vector<768x768xbf16>, vector<512x768xf32> -> vector<512x768xf32>
    %get3A_21 = arith.constant 0 : index
    %get3A_22 = arith.constant 0 : index
    %get3A_23 = arith.constant 0 : index
    %get3A_24 = vector.load %arg6[%get3A_21, %get3A_22, %get3A_23] : memref<1x1x768xf32, #tpu.memory_space<vmem>>, vector<1x1x768xf32>
    %get3A_25 = vector.shape_cast %get3A_24 : vector<1x1x768xf32> to vector<1x768xf32>
    %add3A_26 = vector.broadcast %get3A_25 : vector<1x768xf32> to vector<512x768xf32>
    %add3A_27 = arith.addf %dot_general3A_20, %add3A_26 : vector<512x768xf32>
    %convert_element_type3A_28 = arith.truncf %add3A_27 : vector<512x768xf32> to vector<512x768xbf16>
    %slice3A = vector.extract_strided_slice %convert_element_type3A {offsets = [0, 0], sizes = [512, 64], strides = [1, 1]} : vector<512x768xbf16> to vector<512x64xbf16>
    %swap3A = arith.constant 0 : index
    %swap3A_29 = arith.constant 0 : index
    %swap3A_30 = arith.constant 0 : index
    %swap3A_31 = arith.constant 0 : index
    %swap3A_32 = vector.load %arg7[%swap3A, %swap3A_29, %swap3A_30, %swap3A_31] : memref<1x12x512x64xbf16, #tpu.memory_space<vmem>>, vector<1x1x512x64xbf16>
    %swap3A_33 = vector.shape_cast %swap3A_32 : vector<1x1x512x64xbf16> to vector<512x64xbf16>
    %swap3A_34 = vector.shape_cast %slice3A : vector<512x64xbf16> to vector<1x1x512x64xbf16>
    tpu.vector_store %arg7[%swap3A, %swap3A_29, %swap3A_30, %swap3A_31], %swap3A_34 {strides = array<i32>} : memref<1x12x512x64xbf16, #tpu.memory_space<vmem>>, vector<1x1x512x64xbf16>,
    %slice3A_35 = vector.extract_strided_slice %convert_element_type3A_28 {offsets = [0, 0], sizes = [512, 64], strides = [1, 1]} : vector<512x768xbf16> to vector<512x64xbf16>
    %swap3A_36 = arith.constant 0 : index
    %swap3A_37 = arith.constant 0 : index
    %swap3A_38 = arith.constant 0 : index
    %swap3A_39 = arith.constant 0 : index
    %swap3A_40 = vector.load %arg8[%swap3A_36, %swap3A_37, %swap3A_38, %swap3A_39] : memref<1x12x512x64xbf16, #tpu.memory_space<vmem>>, vector<1x1x512x64xbf16>
    %swap3A_41 = vector.shape_cast %swap3A_40 : vector<1x1x512x64xbf16> to vector<512x64xbf16>
    %swap3A_42 = vector.shape_cast %slice3A_35 : vector<512x64xbf16> to vector<1x1x512x64xbf16>
    tpu.vector_store %arg8[%swap3A_36, %swap3A_37, %swap3A_38, %swap3A_39], %swap3A_42 {strides = array<i32>} : memref<1x12x512x64xbf16, #tpu.memory_space<vmem>>, vector<1x1x512x64xbf16>,
    %slice3A_43 = vector.extract_strided_slice %convert_element_type3A {offsets = [0, 64], sizes = [512, 64], strides = [1, 1]} : vector<512x768xbf16> to vector<512x64xbf16>
    %swap3A_44 = arith.constant 0 : index
    %swap3A_45 = arith.constant 1 : index
    %swap3A_46 = arith.constant 0 : index
    %swap3A_47 = arith.constant 0 : index
    %swap3A_48 = vector.load %arg7[%swap3A_44, %swap3A_45, %swap3A_46, %swap3A_47] : memref<1x12x512x64xbf16, #tpu.memory_space<vmem>>, vector<1x1x512x64xbf16>
    %swap3A_49 = vector.shape_cast %swap3A_48 : vector<1x1x512x64xbf16> to vector<512x64xbf16>
    %swap3A_50 = vector.shape_cast %slice3A_43 : vector<512x64xbf16> to vector<1x1x512x64xbf16>
    tpu.vector_store %arg7[%swap3A_44, %swap3A_45, %swap3A_46, %swap3A_47], %swap3A_50 {strides = array<i32>} : memref<1x12x512x64xbf16, #tpu.memory_space<vmem>>, vector<1x1x512x64xbf16>,
    %slice3A_51 = vector.extract_strided_slice %convert_element_type3A_28 {offsets = [0, 64], sizes = [512, 64], strides = [1, 1]} : vector<512x768xbf16> to vector<512x64xbf16>
    %swap3A_52 = arith.constant 0 : index
    %swap3A_53 = arith.constant 1 : index
    %swap3A_54 = arith.constant 0 : index
    %swap3A_55 = arith.constant 0 : index
    %swap3A_56 = vector.load %arg8[%swap3A_52, %swap3A_53, %swap3A_54, %swap3A_55] : memref<1x12x512x64xbf16, #tpu.memory_space<vmem>>, vector<1x1x512x64xbf16>
    %swap3A_57 = vector.shape_cast %swap3A_56 : vector<1x1x512x64xbf16> to vector<512x64xbf16>
    %swap3A_58 = vector.shape_cast %slice3A_51 : vector<512x64xbf16> to vector<1x1x512x64xbf16>
    tpu.vector_store %arg8[%swap3A_52, %swap3A_53, %swap3A_54, %swap3A_55], %swap3A_58 {strides = array<i32>} : memref<1x12x512x64xbf16, #tpu.memory_space<vmem>>, vector<1x1x512x64xbf16>,
    %slice3A_59 = vector.extract_strided_slice %convert_element_type3A {offsets = [0, 128], sizes = [512, 64], strides = [1, 1]} : vector<512x768xbf16> to vector<512x64xbf16>
    %swap3A_60 = arith.constant 0 : index
    %swap3A_61 = arith.constant 2 : index
    %swap3A_62 = arith.constant 0 : index
    %swap3A_63 = arith.constant 0 : index
    %swap3A_64 = vector.load %arg7[%swap3A_60, %swap3A_61, %swap3A_62, %swap3A_63] : memref<1x12x512x64xbf16, #tpu.memory_space<vmem>>, vector<1x1x512x64xbf16>
    %swap3A_65 = vector.shape_cast %swap3A_64 : vector<1x1x512x64xbf16> to vector<512x64xbf16>
    %swap3A_66 = vector.shape_cast %slice3A_59 : vector<512x64xbf16> to vector<1x1x512x64xbf16>
    tpu.vector_store %arg7[%swap3A_60, %swap3A_61, %swap3A_62, %swap3A_63], %swap3A_66 {strides = array<i32>} : memref<1x12x512x64xbf16, #tpu.memory_space<vmem>>, vector<1x1x512x64xbf16>,
    %slice3A_67 = vector.extract_strided_slice %convert_element_type3A_28 {offsets = [0, 128], sizes = [512, 64], strides = [1, 1]} : vector<512x768xbf16> to vector<512x64xbf16>
    %swap3A_68 = arith.constant 0 : index
    %swap3A_69 = arith.constant 2 : index
    %swap3A_70 = arith.constant 0 : index
    %swap3A_71 = arith.constant 0 : index
    %swap3A_72 = vector.load %arg8[%swap3A_68, %swap3A_69, %swap3A_70, %swap3A_71] : memref<1x12x512x64xbf16, #tpu.memory_space<vmem>>, vector<1x1x512x64xbf16>
    %swap3A_73 = vector.shape_cast %swap3A_72 : vector<1x1x512x64xbf16> to vector<512x64xbf16>
    %swap3A_74 = vector.shape_cast %slice3A_67 : vector<512x64xbf16> to vector<1x1x512x64xbf16>
    tpu.vector_store %arg8[%swap3A_68, %swap3A_69, %swap3A_70, %swap3A_71], %swap3A_74 {strides = array<i32>} : memref<1x12x512x64xbf16, #tpu.memory_space<vmem>>, vector<1x1x512x64xbf16>,
    %slice3A_75 = vector.extract_strided_slice %convert_element_type3A {offsets = [0, 192], sizes = [512, 64], strides = [1, 1]} : vector<512x768xbf16> to vector<512x64xbf16>
    %swap3A_76 = arith.constant 0 : index
    %swap3A_77 = arith.constant 3 : index
    %swap3A_78 = arith.constant 0 : index
    %swap3A_79 = arith.constant 0 : index
    %swap3A_80 = vector.load %arg7[%swap3A_76, %swap3A_77, %swap3A_78, %swap3A_79] : memref<1x12x512x64xbf16, #tpu.memory_space<vmem>>, vector<1x1x512x64xbf16>
    %swap3A_81 = vector.shape_cast %swap3A_80 : vector<1x1x512x64xbf16> to vector<512x64xbf16>
    %swap3A_82 = vector.shape_cast %slice3A_75 : vector<512x64xbf16> to vector<1x1x512x64xbf16>
    tpu.vector_store %arg7[%swap3A_76, %swap3A_77, %swap3A_78, %swap3A_79], %swap3A_82 {strides = array<i32>} : memref<1x12x512x64xbf16, #tpu.memory_space<vmem>>, vector<1x1x512x64xbf16>,
    %slice3A_83 = vector.extract_strided_slice %convert_element_type3A_28 {offsets = [0, 192], sizes = [512, 64], strides = [1, 1]} : vector<512x768xbf16> to vector<512x64xbf16>
    %swap3A_84 = arith.constant 0 : index
    %swap3A_85 = arith.constant 3 : index
    %swap3A_86 = arith.constant 0 : index
    %swap3A_87 = arith.constant 0 : index
    %swap3A_88 = vector.load %arg8[%swap3A_84, %swap3A_85, %swap3A_86, %swap3A_87] : memref<1x12x512x64xbf16, #tpu.memory_space<vmem>>, vector<1x1x512x64xbf16>
    %swap3A_89 = vector.shape_cast %swap3A_88 : vector<1x1x512x64xbf16> to vector<512x64xbf16>
    %swap3A_90 = vector.shape_cast %slice3A_83 : vector<512x64xbf16> to vector<1x1x512x64xbf16>
    tpu.vector_store %arg8[%swap3A_84, %swap3A_85, %swap3A_86, %swap3A_87], %swap3A_90 {strides = array<i32>} : memref<1x12x512x64xbf16, #tpu.memory_space<vmem>>, vector<1x1x512x64xbf16>,
    %slice3A_91 = vector.extract_strided_slice %convert_element_type3A {offsets = [0, 256], sizes = [512, 64], strides = [1, 1]} : vector<512x768xbf16> to vector<512x64xbf16>
    %swap3A_92 = arith.constant 0 : index
    %swap3A_93 = arith.constant 4 : index
    %swap3A_94 = arith.constant 0 : index
    %swap3A_95 = arith.constant 0 : index
    %swap3A_96 = vector.load %arg7[%swap3A_92, %swap3A_93, %swap3A_94, %swap3A_95] : memref<1x12x512x64xbf16, #tpu.memory_space<vmem>>, vector<1x1x512x64xbf16>
    %swap3A_97 = vector.shape_cast %swap3A_96 : vector<1x1x512x64xbf16> to vector<512x64xbf16>
    %swap3A_98 = vector.shape_cast %slice3A_91 : vector<512x64xbf16> to vector<1x1x512x64xbf16>
    tpu.vector_store %arg7[%swap3A_92, %swap3A_93, %swap3A_94, %swap3A_95], %swap3A_98 {strides = array<i32>} : memref<1x12x512x64xbf16, #tpu.memory_space<vmem>>, vector<1x1x512x64xbf16>,
    %slice3A_99 = vector.extract_strided_slice %convert_element_type3A_28 {offsets = [0, 256], sizes = [512, 64], strides = [1, 1]} : vector<512x768xbf16> to vector<512x64xbf16>
    %swap3A_100 = arith.constant 0 : index
    %swap3A_101 = arith.constant 4 : index
    %swap3A_102 = arith.constant 0 : index
    %swap3A_103 = arith.constant 0 : index
    %swap3A_104 = vector.load %arg8[%swap3A_100, %swap3A_101, %swap3A_102, %swap3A_103] : memref<1x12x512x64xbf16, #tpu.memory_space<vmem>>, vector<1x1x512x64xbf16>
    %swap3A_105 = vector.shape_cast %swap3A_104 : vector<1x1x512x64xbf16> to vector<512x64xbf16>
    %swap3A_106 = vector.shape_cast %slice3A_99 : vector<512x64xbf16> to vector<1x1x512x64xbf16>
    tpu.vector_store %arg8[%swap3A_100, %swap3A_101, %swap3A_102, %swap3A_103], %swap3A_106 {strides = array<i32>} : memref<1x12x512x64xbf16, #tpu.memory_space<vmem>>, vector<1x1x512x64xbf16>,
    %slice3A_107 = vector.extract_strided_slice %convert_element_type3A {offsets = [0, 320], sizes = [512, 64], strides = [1, 1]} : vector<512x768xbf16> to vector<512x64xbf16>
    %swap3A_108 = arith.constant 0 : index
    %swap3A_109 = arith.constant 5 : index
    %swap3A_110 = arith.constant 0 : index
    %swap3A_111 = arith.constant 0 : index
    %swap3A_112 = vector.load %arg7[%swap3A_108, %swap3A_109, %swap3A_110, %swap3A_111] : memref<1x12x512x64xbf16, #tpu.memory_space<vmem>>, vector<1x1x512x64xbf16>
    %swap3A_113 = vector.shape_cast %swap3A_112 : vector<1x1x512x64xbf16> to vector<512x64xbf16>
    %swap3A_114 = vector.shape_cast %slice3A_107 : vector<512x64xbf16> to vector<1x1x512x64xbf16>
    tpu.vector_store %arg7[%swap3A_108, %swap3A_109, %swap3A_110, %swap3A_111], %swap3A_114 {strides = array<i32>} : memref<1x12x512x64xbf16, #tpu.memory_space<vmem>>, vector<1x1x512x64xbf16>,
    %slice3A_115 = vector.extract_strided_slice %convert_element_type3A_28 {offsets = [0, 320], sizes = [512, 64], strides = [1, 1]} : vector<512x768xbf16> to vector<512x64xbf16>
    %swap3A_116 = arith.constant 0 : index
    %swap3A_117 = arith.constant 5 : index
    %swap3A_118 = arith.constant 0 : index
    %swap3A_119 = arith.constant 0 : index
    %swap3A_120 = vector.load %arg8[%swap3A_116, %swap3A_117, %swap3A_118, %swap3A_119] : memref<1x12x512x64xbf16, #tpu.memory_space<vmem>>, vector<1x1x512x64xbf16>
    %swap3A_121 = vector.shape_cast %swap3A_120 : vector<1x1x512x64xbf16> to vector<512x64xbf16>
    %swap3A_122 = vector.shape_cast %slice3A_115 : vector<512x64xbf16> to vector<1x1x512x64xbf16>
    tpu.vector_store %arg8[%swap3A_116, %swap3A_117, %swap3A_118, %swap3A_119], %swap3A_122 {strides = array<i32>} : memref<1x12x512x64xbf16, #tpu.memory_space<vmem>>, vector<1x1x512x64xbf16>,
    %slice3A_123 = vector.extract_strided_slice %convert_element_type3A {offsets = [0, 384], sizes = [512, 64], strides = [1, 1]} : vector<512x768xbf16> to vector<512x64xbf16>
    %swap3A_124 = arith.constant 0 : index
    %swap3A_125 = arith.constant 6 : index
    %swap3A_126 = arith.constant 0 : index
    %swap3A_127 = arith.constant 0 : index
    %swap3A_128 = vector.load %arg7[%swap3A_124, %swap3A_125, %swap3A_126, %swap3A_127] : memref<1x12x512x64xbf16, #tpu.memory_space<vmem>>, vector<1x1x512x64xbf16>
    %swap3A_129 = vector.shape_cast %swap3A_128 : vector<1x1x512x64xbf16> to vector<512x64xbf16>
    %swap3A_130 = vector.shape_cast %slice3A_123 : vector<512x64xbf16> to vector<1x1x512x64xbf16>
    tpu.vector_store %arg7[%swap3A_124, %swap3A_125, %swap3A_126, %swap3A_127], %swap3A_130 {strides = array<i32>} : memref<1x12x512x64xbf16, #tpu.memory_space<vmem>>, vector<1x1x512x64xbf16>,
    %slice3A_131 = vector.extract_strided_slice %convert_element_type3A_28 {offsets = [0, 384], sizes = [512, 64], strides = [1, 1]} : vector<512x768xbf16> to vector<512x64xbf16>
    %swap3A_132 = arith.constant 0 : index
    %swap3A_133 = arith.constant 6 : index
    %swap3A_134 = arith.constant 0 : index
    %swap3A_135 = arith.constant 0 : index
    %swap3A_136 = vector.load %arg8[%swap3A_132, %swap3A_133, %swap3A_134, %swap3A_135] : memref<1x12x512x64xbf16, #tpu.memory_space<vmem>>, vector<1x1x512x64xbf16>
    %swap3A_137 = vector.shape_cast %swap3A_136 : vector<1x1x512x64xbf16> to vector<512x64xbf16>
    %swap3A_138 = vector.shape_cast %slice3A_131 : vector<512x64xbf16> to vector<1x1x512x64xbf16>
    tpu.vector_store %arg8[%swap3A_132, %swap3A_133, %swap3A_134, %swap3A_135], %swap3A_138 {strides = array<i32>} : memref<1x12x512x64xbf16, #tpu.memory_space<vmem>>, vector<1x1x512x64xbf16>,
    %slice3A_139 = vector.extract_strided_slice %convert_element_type3A {offsets = [0, 448], sizes = [512, 64], strides = [1, 1]} : vector<512x768xbf16> to vector<512x64xbf16>
    %swap3A_140 = arith.constant 0 : index
    %swap3A_141 = arith.constant 7 : index
    %swap3A_142 = arith.constant 0 : index
    %swap3A_143 = arith.constant 0 : index
    %swap3A_144 = vector.load %arg7[%swap3A_140, %swap3A_141, %swap3A_142, %swap3A_143] : memref<1x12x512x64xbf16, #tpu.memory_space<vmem>>, vector<1x1x512x64xbf16>
    %swap3A_145 = vector.shape_cast %swap3A_144 : vector<1x1x512x64xbf16> to vector<512x64xbf16>
    %swap3A_146 = vector.shape_cast %slice3A_139 : vector<512x64xbf16> to vector<1x1x512x64xbf16>
    tpu.vector_store %arg7[%swap3A_140, %swap3A_141, %swap3A_142, %swap3A_143], %swap3A_146 {strides = array<i32>} : memref<1x12x512x64xbf16, #tpu.memory_space<vmem>>, vector<1x1x512x64xbf16>,
    %slice3A_147 = vector.extract_strided_slice %convert_element_type3A_28 {offsets = [0, 448], sizes = [512, 64], strides = [1, 1]} : vector<512x768xbf16> to vector<512x64xbf16>
    %swap3A_148 = arith.constant 0 : index
    %swap3A_149 = arith.constant 7 : index
    %swap3A_150 = arith.constant 0 : index
    %swap3A_151 = arith.constant 0 : index
    %swap3A_152 = vector.load %arg8[%swap3A_148, %swap3A_149, %swap3A_150, %swap3A_151] : memref<1x12x512x64xbf16, #tpu.memory_space<vmem>>, vector<1x1x512x64xbf16>
    %swap3A_153 = vector.shape_cast %swap3A_152 : vector<1x1x512x64xbf16> to vector<512x64xbf16>
    %swap3A_154 = vector.shape_cast %slice3A_147 : vector<512x64xbf16> to vector<1x1x512x64xbf16>
    tpu.vector_store %arg8[%swap3A_148, %swap3A_149, %swap3A_150, %swap3A_151], %swap3A_154 {strides = array<i32>} : memref<1x12x512x64xbf16, #tpu.memory_space<vmem>>, vector<1x1x512x64xbf16>,
    %slice3A_155 = vector.extract_strided_slice %convert_element_type3A {offsets = [0, 512], sizes = [512, 64], strides = [1, 1]} : vector<512x768xbf16> to vector<512x64xbf16>
    %swap3A_156 = arith.constant 0 : index
    %swap3A_157 = arith.constant 8 : index
    %swap3A_158 = arith.constant 0 : index
    %swap3A_159 = arith.constant 0 : index
    %swap3A_160 = vector.load %arg7[%swap3A_156, %swap3A_157, %swap3A_158, %swap3A_159] : memref<1x12x512x64xbf16, #tpu.memory_space<vmem>>, vector<1x1x512x64xbf16>
    %swap3A_161 = vector.shape_cast %swap3A_160 : vector<1x1x512x64xbf16> to vector<512x64xbf16>
    %swap3A_162 = vector.shape_cast %slice3A_155 : vector<512x64xbf16> to vector<1x1x512x64xbf16>
    tpu.vector_store %arg7[%swap3A_156, %swap3A_157, %swap3A_158, %swap3A_159], %swap3A_162 {strides = array<i32>} : memref<1x12x512x64xbf16, #tpu.memory_space<vmem>>, vector<1x1x512x64xbf16>,
    %slice3A_163 = vector.extract_strided_slice %convert_element_type3A_28 {offsets = [0, 512], sizes = [512, 64], strides = [1, 1]} : vector<512x768xbf16> to vector<512x64xbf16>
    %swap3A_164 = arith.constant 0 : index
    %swap3A_165 = arith.constant 8 : index
    %swap3A_166 = arith.constant 0 : index
    %swap3A_167 = arith.constant 0 : index
    %swap3A_168 = vector.load %arg8[%swap3A_164, %swap3A_165, %swap3A_166, %swap3A_167] : memref<1x12x512x64xbf16, #tpu.memory_space<vmem>>, vector<1x1x512x64xbf16>
    %swap3A_169 = vector.shape_cast %swap3A_168 : vector<1x1x512x64xbf16> to vector<512x64xbf16>
    %swap3A_170 = vector.shape_cast %slice3A_163 : vector<512x64xbf16> to vector<1x1x512x64xbf16>
    tpu.vector_store %arg8[%swap3A_164, %swap3A_165, %swap3A_166, %swap3A_167], %swap3A_170 {strides = array<i32>} : memref<1x12x512x64xbf16, #tpu.memory_space<vmem>>, vector<1x1x512x64xbf16>,
    %slice3A_171 = vector.extract_strided_slice %convert_element_type3A {offsets = [0, 576], sizes = [512, 64], strides = [1, 1]} : vector<512x768xbf16> to vector<512x64xbf16>
    %swap3A_172 = arith.constant 0 : index
    %swap3A_173 = arith.constant 9 : index
    %swap3A_174 = arith.constant 0 : index
    %swap3A_175 = arith.constant 0 : index
    %swap3A_176 = vector.load %arg7[%swap3A_172, %swap3A_173, %swap3A_174, %swap3A_175] : memref<1x12x512x64xbf16, #tpu.memory_space<vmem>>, vector<1x1x512x64xbf16>
    %swap3A_177 = vector.shape_cast %swap3A_176 : vector<1x1x512x64xbf16> to vector<512x64xbf16>
    %swap3A_178 = vector.shape_cast %slice3A_171 : vector<512x64xbf16> to vector<1x1x512x64xbf16>
    tpu.vector_store %arg7[%swap3A_172, %swap3A_173, %swap3A_174, %swap3A_175], %swap3A_178 {strides = array<i32>} : memref<1x12x512x64xbf16, #tpu.memory_space<vmem>>, vector<1x1x512x64xbf16>,
    %slice3A_179 = vector.extract_strided_slice %convert_element_type3A_28 {offsets = [0, 576], sizes = [512, 64], strides = [1, 1]} : vector<512x768xbf16> to vector<512x64xbf16>
    %swap3A_180 = arith.constant 0 : index
    %swap3A_181 = arith.constant 9 : index
    %swap3A_182 = arith.constant 0 : index
    %swap3A_183 = arith.constant 0 : index
    %swap3A_184 = vector.load %arg8[%swap3A_180, %swap3A_181, %swap3A_182, %swap3A_183] : memref<1x12x512x64xbf16, #tpu.memory_space<vmem>>, vector<1x1x512x64xbf16>
    %swap3A_185 = vector.shape_cast %swap3A_184 : vector<1x1x512x64xbf16> to vector<512x64xbf16>
    %swap3A_186 = vector.shape_cast %slice3A_179 : vector<512x64xbf16> to vector<1x1x512x64xbf16>
    tpu.vector_store %arg8[%swap3A_180, %swap3A_181, %swap3A_182, %swap3A_183], %swap3A_186 {strides = array<i32>} : memref<1x12x512x64xbf16, #tpu.memory_space<vmem>>, vector<1x1x512x64xbf16>,
    %slice3A_187 = vector.extract_strided_slice %convert_element_type3A {offsets = [0, 640], sizes = [512, 64], strides = [1, 1]} : vector<512x768xbf16> to vector<512x64xbf16>
    %swap3A_188 = arith.constant 0 : index
    %swap3A_189 = arith.constant 10 : index
    %swap3A_190 = arith.constant 0 : index
    %swap3A_191 = arith.constant 0 : index
    %swap3A_192 = vector.load %arg7[%swap3A_188, %swap3A_189, %swap3A_190, %swap3A_191] : memref<1x12x512x64xbf16, #tpu.memory_space<vmem>>, vector<1x1x512x64xbf16>
    %swap3A_193 = vector.shape_cast %swap3A_192 : vector<1x1x512x64xbf16> to vector<512x64xbf16>
    %swap3A_194 = vector.shape_cast %slice3A_187 : vector<512x64xbf16> to vector<1x1x512x64xbf16>
    tpu.vector_store %arg7[%swap3A_188, %swap3A_189, %swap3A_190, %swap3A_191], %swap3A_194 {strides = array<i32>} : memref<1x12x512x64xbf16, #tpu.memory_space<vmem>>, vector<1x1x512x64xbf16>,
    %slice3A_195 = vector.extract_strided_slice %convert_element_type3A_28 {offsets = [0, 640], sizes = [512, 64], strides = [1, 1]} : vector<512x768xbf16> to vector<512x64xbf16>
    %swap3A_196 = arith.constant 0 : index
    %swap3A_197 = arith.constant 10 : index
    %swap3A_198 = arith.constant 0 : index
    %swap3A_199 = arith.constant 0 : index
    %swap3A_200 = vector.load %arg8[%swap3A_196, %swap3A_197, %swap3A_198, %swap3A_199] : memref<1x12x512x64xbf16, #tpu.memory_space<vmem>>, vector<1x1x512x64xbf16>
    %swap3A_201 = vector.shape_cast %swap3A_200 : vector<1x1x512x64xbf16> to vector<512x64xbf16>
    %swap3A_202 = vector.shape_cast %slice3A_195 : vector<512x64xbf16> to vector<1x1x512x64xbf16>
    tpu.vector_store %arg8[%swap3A_196, %swap3A_197, %swap3A_198, %swap3A_199], %swap3A_202 {strides = array<i32>} : memref<1x12x512x64xbf16, #tpu.memory_space<vmem>>, vector<1x1x512x64xbf16>,
    %slice3A_203 = vector.extract_strided_slice %convert_element_type3A {offsets = [0, 704], sizes = [512, 64], strides = [1, 1]} : vector<512x768xbf16> to vector<512x64xbf16>
    %swap3A_204 = arith.constant 0 : index
    %swap3A_205 = arith.constant 11 : index
    %swap3A_206 = arith.constant 0 : index
    %swap3A_207 = arith.constant 0 : index
    %swap3A_208 = vector.load %arg7[%swap3A_204, %swap3A_205, %swap3A_206, %swap3A_207] : memref<1x12x512x64xbf16, #tpu.memory_space<vmem>>, vector<1x1x512x64xbf16>
    %swap3A_209 = vector.shape_cast %swap3A_208 : vector<1x1x512x64xbf16> to vector<512x64xbf16>
    %swap3A_210 = vector.shape_cast %slice3A_203 : vector<512x64xbf16> to vector<1x1x512x64xbf16>
    tpu.vector_store %arg7[%swap3A_204, %swap3A_205, %swap3A_206, %swap3A_207], %swap3A_210 {strides = array<i32>} : memref<1x12x512x64xbf16, #tpu.memory_space<vmem>>, vector<1x1x512x64xbf16>,
    %slice3A_211 = vector.extract_strided_slice %convert_element_type3A_28 {offsets = [0, 704], sizes = [512, 64], strides = [1, 1]} : vector<512x768xbf16> to vector<512x64xbf16>
    %swap3A_212 = arith.constant 0 : index
    %swap3A_213 = arith.constant 11 : index
    %swap3A_214 = arith.constant 0 : index
    %swap3A_215 = arith.constant 0 : index
    %swap3A_216 = vector.load %arg8[%swap3A_212, %swap3A_213, %swap3A_214, %swap3A_215] : memref<1x12x512x64xbf16, #tpu.memory_space<vmem>>, vector<1x1x512x64xbf16>
    %swap3A_217 = vector.shape_cast %swap3A_216 : vector<1x1x512x64xbf16> to vector<512x64xbf16>
    %swap3A_218 = vector.shape_cast %slice3A_211 : vector<512x64xbf16> to vector<1x1x512x64xbf16>
    tpu.vector_store %arg8[%swap3A_212, %swap3A_213, %swap3A_214, %swap3A_215], %swap3A_218 {strides = array<i32>} : memref<1x12x512x64xbf16, #tpu.memory_space<vmem>>, vector<1x1x512x64xbf16>,
    return
  }
  func.func @transform_0(%arg0: i32, %arg1: i32) -> (i32, i32) {
    %c0_i32 = arith.constant 0 : i32
    %c0_i32_0 = arith.constant 0 : i32
    return %arg1, %c0_i32 : i32, i32
  }
  func.func @transform_1(%arg0: i32, %arg1: i32) -> (i32, i32, i32) {
    %c0_i32 = arith.constant 0 : i32
    %c0_i32_0 = arith.constant 0 : i32
    %c0_i32_1 = arith.constant 0 : i32
    return %arg0, %c0_i32, %c0_i32_0 : i32, i32, i32
  }
  func.func @transform_2(%arg0: i32, %arg1: i32) -> (i32, i32, i32) {
    %c0_i32 = arith.constant 0 : i32
    %c0_i32_0 = arith.constant 0 : i32
    %c0_i32_1 = arith.constant 0 : i32
    return %arg0, %c0_i32, %c0_i32_0 : i32, i32, i32
  }
  func.func @transform_3(%arg0: i32, %arg1: i32) -> (i32, i32, i32) {
    %c0_i32 = arith.constant 0 : i32
    %c0_i32_0 = arith.constant 0 : i32
    %c0_i32_1 = arith.constant 0 : i32
    return %arg0, %c0_i32, %c0_i32_0 : i32, i32, i32
  }
  func.func @transform_4(%arg0: i32, %arg1: i32) -> (i32, i32, i32) {
    %c0_i32 = arith.constant 0 : i32
    %c0_i32_0 = arith.constant 0 : i32
    %c0_i32_1 = arith.constant 0 : i32
    return %arg0, %c0_i32, %c0_i32_0 : i32, i32, i32
  }
  func.func @transform_5(%arg0: i32, %arg1: i32) -> (i32, i32, i32, i32) {
    %c0_i32 = arith.constant 0 : i32
    %c0_i32_0 = arith.constant 0 : i32
    %c0_i32_1 = arith.constant 0 : i32
    return %arg0, %c0_i32, %arg1, %c0_i32_0 : i32, i32, i32, i32
  }
  func.func @transform_6(%arg0: i32, %arg1: i32) -> (i32, i32, i32, i32) {
    %c0_i32 = arith.constant 0 : i32
    %c0_i32_0 = arith.constant 0 : i32
    %c0_i32_1 = arith.constant 0 : i32
    return %arg0, %c0_i32, %arg1, %c0_i32_0 : i32, i32, i32, i32
  }
}

module attributes {stable_mosaic.version = 14 : i64} {
  func.func @_moe_attn_body(%arg0: i32, %arg1: memref<32xi32, #tpu.memory_space<smem>>, %arg2: memref<32xi32, #tpu.memory_space<smem>>, %arg3: memref<32xi32, #tpu.memory_space<smem>>, %arg4: memref<2048x768xbf16, #tpu.memory_space<vmem>>, %arg5: memref<2048x8xf32, #tpu.memory_space<vmem>>, %arg6: memref<2048x8xf32, #tpu.memory_space<vmem>>, %arg7: memref<1x12x2048x64xbf16, #tpu.memory_space<vmem>>, %arg8: memref<1x12x2048x64xbf16, #tpu.memory_space<vmem>>, %arg9: memref<1x768x768xbf16, #tpu.memory_space<vmem>>, %arg10: memref<1x1x768xf32, #tpu.memory_space<vmem>>, %arg11: memref<1x768x768xbf16, #tpu.memory_space<vmem>>, %arg12: memref<1x1x768xf32, #tpu.memory_space<vmem>>, %arg13: memref<1x256x768xf32, #tpu.memory_space<vmem>>) attributes {dimension_semantics = [#tpu.dimension_semantics<arbitrary>], iteration_bounds = array<i64: 24>, scalar_prefetch = 3 : i64, scratch_operands = 0 : i64, tpu.core_type = #tpu.core_type<tc>, window_params = [{pipeline_mode = #tpu.pipeline_mode<synchronous>, transform_indices = @transform_0, window_bounds = array<i64: 2048, 768>}, {pipeline_mode = #tpu.pipeline_mode<synchronous>, transform_indices = @transform_1, window_bounds = array<i64: 2048, 8>}, {pipeline_mode = #tpu.pipeline_mode<synchronous>, transform_indices = @transform_2, window_bounds = array<i64: 2048, 8>}, {transform_indices = @transform_3, window_bounds = array<i64: 1, 12, 2048, 64>}, {transform_indices = @transform_4, window_bounds = array<i64: 1, 12, 2048, 64>}, {transform_indices = @transform_5, window_bounds = array<i64: 1, 768, 768>}, {transform_indices = @transform_6, window_bounds = array<i64: 1, 1, 768>}, {transform_indices = @transform_7, window_bounds = array<i64: 1, 768, 768>}, {transform_indices = @transform_8, window_bounds = array<i64: 1, 1, 768>}, {transform_indices = @transform_9, window_bounds = array<i64: 1, 256, 768>}]} {
    %get3A = arith.index_cast %arg0 : i32 to index
    %get3A_0 = memref.load %arg3[%get3A] : memref<32xi32, #tpu.memory_space<smem>>
    %eq3A = arith.constant 1 : i32
    %eq3A_1 = arith.cmpi eq, %get3A_0, %eq3A : i32
    %convert_element_type3A = arith.extui %eq3A_1 : i1 to i32
    %cond3A = arith.constant 0 : i32
    %cond3A_2 = arith.cmpi ne, %convert_element_type3A, %cond3A : i32
    scf.if %cond3A_2 {
      %get3A_3 = arith.index_cast %arg0 : i32 to index
      %get3A_4 = memref.load %arg1[%get3A_3] : memref<32xi32, #tpu.memory_space<smem>>
      %get3A_5 = arith.index_cast %arg0 : i32 to index
      %get3A_6 = memref.load %arg2[%get3A_5] : memref<32xi32, #tpu.memory_space<smem>>
      %get3A_7 = arith.constant 0 : index
      %get3A_8 = arith.constant 0 : index
      %get3A_9 = vector.load %arg5[%get3A_7, %get3A_8] : memref<2048x8xf32, #tpu.memory_space<vmem>>, vector<2048x8xf32>
      %get3A_10 = arith.constant 0 : index
      %get3A_11 = arith.constant 0 : index
      %get3A_12 = vector.load %arg6[%get3A_10, %get3A_11] : memref<2048x8xf32, #tpu.memory_space<vmem>>, vector<2048x8xf32>
      %iota3A = tpu.iota {dimensions = array<i32: 1>} : vector<2048x8xi32>
      %eq3A_13 = vector.broadcast %get3A_4 : i32 to vector<2048x8xi32>
      %eq3A_14 = arith.cmpi eq, %iota3A, %eq3A_13 : vector<2048x8xi32>
      %jit3A = arith.constant 0.000000e+00 : f32
      %broadcast_in_dim3A = vector.broadcast %jit3A : f32 to vector<2048x8xf32>
      %select_n3A = arith.select %eq3A_14, %get3A_9, %broadcast_in_dim3A : vector<2048x8xi1>, vector<2048x8xf32>
      %reduce_sum3A = arith.constant dense<0.000000e+00> : vector<2048xf32>
      %reduce_sum3A_15 = vector.multi_reduction <add>, %select_n3A, %reduce_sum3A [1] : vector<2048x8xf32> to vector<2048xf32>
      %broadcast_in_dim3A_16 = vector.shape_cast %reduce_sum3A_15 : vector<2048xf32> to vector<2048x1xf32>
      %jit3A_17 = arith.constant 0.000000e+00 : f32
      %broadcast_in_dim3A_18 = vector.broadcast %jit3A_17 : f32 to vector<2048x8xf32>
      %select_n3A_19 = arith.select %eq3A_14, %get3A_12, %broadcast_in_dim3A_18 : vector<2048x8xi1>, vector<2048x8xf32>
      %reduce_sum3A_20 = arith.constant dense<0.000000e+00> : vector<2048xf32>
      %reduce_sum3A_21 = vector.multi_reduction <add>, %select_n3A_19, %reduce_sum3A_20 [1] : vector<2048x8xf32> to vector<2048xf32>
      %broadcast_in_dim3A_22 = vector.shape_cast %reduce_sum3A_21 : vector<2048xf32> to vector<2048x1xf32>
      %iota3A_23 = tpu.iota {dimensions = array<i32: 1>} : vector<2048x256xi32>
      %add3A = arith.constant 1 : i32
      %add3A_24 = arith.addi %get3A_6, %add3A : i32
      %add3A_25 = vector.broadcast %add3A_24 : i32 to vector<2048x256xi32>
      %add3A_26 = arith.addi %iota3A_23, %add3A_25 : vector<2048x256xi32>
      %convert_element_type3A_27 = arith.sitofp %add3A_26 : vector<2048x256xi32> to vector<2048x256xf32>
      %eq3A_28 = vector.broadcast %broadcast_in_dim3A_16 : vector<2048x1xf32> to vector<2048x256xf32>
      %eq3A_29 = arith.cmpf oeq, %eq3A_28, %convert_element_type3A_27 : vector<2048x256xf32>
      %gt3A = arith.constant 0.000000e+00 : f32
      %gt3A_30 = vector.broadcast %gt3A : f32 to vector<2048x1xf32>
      %gt3A_31 = arith.cmpf ogt, %broadcast_in_dim3A_22, %gt3A_30 : vector<2048x1xf32>
      %and3A = vector.broadcast %gt3A_31 : vector<2048x1xi1> to vector<2048x256xi1>
      %and3A_32 = arith.andi %eq3A_29, %and3A : vector<2048x256xi1>
      %jit3A_33 = arith.constant 1.000000e+00 : f32
      %jit3A_34 = arith.constant 0.000000e+00 : f32
      %broadcast_in_dim3A_35 = vector.broadcast %jit3A_33 : f32 to vector<2048x256xf32>
      %broadcast_in_dim3A_36 = vector.broadcast %jit3A_34 : f32 to vector<2048x256xf32>
      %select_n3A_37 = arith.select %and3A_32, %broadcast_in_dim3A_35, %broadcast_in_dim3A_36 : vector<2048x256xi1>, vector<2048x256xf32>
      %convert_element_type3A_38 = arith.truncf %select_n3A_37 : vector<2048x256xf32> to vector<2048x256xbf16>
      %dot_general3A = arith.constant dense<0.000000e+00> : vector<256x1xf32>
      %dot_general3A_39 = tpu.matmul %select_n3A_37, %broadcast_in_dim3A_22, %dot_general3A {dimension_numbers = #tpu.dot_dimension_numbers<[0], [0], [1], [1], [0, 1, 1, 1], [], []>, transpose_lhs_hint = false} : vector<2048x256xf32>, vector<2048x1xf32>, vector<256x1xf32> -> vector<256x1xf32>
      %get3A_40 = arith.constant 0 : index
      %get3A_41 = arith.constant 0 : index
      %get3A_42 = vector.load %arg4[%get3A_40, %get3A_41] : memref<2048x768xbf16, #tpu.memory_space<vmem>>, vector<2048x768xbf16>
      %dot_general3A_43 = arith.constant dense<0.000000e+00> : vector<256x768xf32>
      %dot_general3A_44 = tpu.matmul %convert_element_type3A_38, %get3A_42, %dot_general3A_43 {dimension_numbers = #tpu.dot_dimension_numbers<[0], [0], [1], [1], [0, 1, 1, 1], [], []>, transpose_lhs_hint = false} : vector<2048x256xbf16>, vector<2048x768xbf16>, vector<256x768xf32> -> vector<256x768xf32>
      %convert_element_type3A_45 = arith.truncf %dot_general3A_44 : vector<256x768xf32> to vector<256x768xbf16>
      %get3A_46 = arith.constant 0 : index
      %get3A_47 = arith.constant 0 : index
      %get3A_48 = arith.constant 0 : index
      %get3A_49 = vector.load %arg9[%get3A_46, %get3A_47, %get3A_48] : memref<1x768x768xbf16, #tpu.memory_space<vmem>>, vector<1x768x768xbf16>
      %get3A_50 = vector.shape_cast %get3A_49 : vector<1x768x768xbf16> to vector<768x768xbf16>
      %dot_general3A_51 = arith.constant dense<0.000000e+00> : vector<256x768xf32>
      %dot_general3A_52 = tpu.matmul %convert_element_type3A_45, %get3A_50, %dot_general3A_51 {dimension_numbers = #tpu.dot_dimension_numbers<[1], [0], [0], [1], [0, 0, 1, 1], [], []>, transpose_lhs_hint = false} : vector<256x768xbf16>, vector<768x768xbf16>, vector<256x768xf32> -> vector<256x768xf32>
      %get3A_53 = arith.constant 0 : index
      %get3A_54 = arith.constant 0 : index
      %get3A_55 = arith.constant 0 : index
      %get3A_56 = vector.load %arg10[%get3A_53, %get3A_54, %get3A_55] : memref<1x1x768xf32, #tpu.memory_space<vmem>>, vector<1x1x768xf32>
      %get3A_57 = vector.shape_cast %get3A_56 : vector<1x1x768xf32> to vector<1x768xf32>
      %add3A_58 = vector.broadcast %get3A_57 : vector<1x768xf32> to vector<256x768xf32>
      %add3A_59 = arith.addf %dot_general3A_52, %add3A_58 : vector<256x768xf32>
      %mul3A = arith.constant 1.250000e-01 : f32
      %mul3A_60 = vector.broadcast %mul3A : f32 to vector<256x768xf32>
      %mul3A_61 = arith.mulf %add3A_59, %mul3A_60 : vector<256x768xf32>
      %convert_element_type3A_62 = arith.truncf %mul3A_61 : vector<256x768xf32> to vector<256x768xbf16>
      %broadcast_in_dim3A_63 = arith.constant 1.000000e+00 : bf16
      %broadcast_in_dim3A_64 = vector.broadcast %broadcast_in_dim3A_63 : bf16 to vector<2048x1xbf16>
      %slice3A = vector.extract_strided_slice %convert_element_type3A_62 {offsets = [0, 0], sizes = [256, 64], strides = [1, 1]} : vector<256x768xbf16> to vector<256x64xbf16>
      %get3A_65 = arith.constant 0 : index
      %get3A_66 = arith.constant 0 : index
      %get3A_67 = arith.constant 0 : index
      %get3A_68 = arith.constant 0 : index
      %get3A_69 = vector.load %arg7[%get3A_65, %get3A_66, %get3A_67, %get3A_68] : memref<1x12x2048x64xbf16, #tpu.memory_space<vmem>>, vector<1x1x2048x64xbf16>
      %get3A_70 = vector.shape_cast %get3A_69 : vector<1x1x2048x64xbf16> to vector<2048x64xbf16>
      %dot_general3A_71 = arith.constant dense<0.000000e+00> : vector<256x2048xf32>
      %dot_general3A_72 = tpu.matmul %slice3A, %get3A_70, %dot_general3A_71 {dimension_numbers = #tpu.dot_dimension_numbers<[1], [1], [0], [0], [0, 0, 1, 0], [], []>, transpose_lhs_hint = false} : vector<256x64xbf16>, vector<2048x64xbf16>, vector<256x2048xf32> -> vector<256x2048xf32>
      %exp3A = math.exp %dot_general3A_72 : vector<256x2048xf32>
      %convert_element_type3A_73 = arith.truncf %exp3A : vector<256x2048xf32> to vector<256x2048xbf16>
      %dot_general3A_74 = arith.constant dense<0.000000e+00> : vector<256x1xf32>
      %dot_general3A_75 = tpu.matmul %convert_element_type3A_73, %broadcast_in_dim3A_64, %dot_general3A_74 {dimension_numbers = #tpu.dot_dimension_numbers<[1], [0], [0], [1], [0, 0, 1, 1], [], []>, transpose_lhs_hint = false} : vector<256x2048xbf16>, vector<2048x1xbf16>, vector<256x1xf32> -> vector<256x1xf32>
      %get3A_76 = arith.constant 0 : index
      %get3A_77 = arith.constant 0 : index
      %get3A_78 = arith.constant 0 : index
      %get3A_79 = arith.constant 0 : index
      %get3A_80 = vector.load %arg8[%get3A_76, %get3A_77, %get3A_78, %get3A_79] : memref<1x12x2048x64xbf16, #tpu.memory_space<vmem>>, vector<1x1x2048x64xbf16>
      %get3A_81 = vector.shape_cast %get3A_80 : vector<1x1x2048x64xbf16> to vector<2048x64xbf16>
      %dot_general3A_82 = arith.constant dense<0.000000e+00> : vector<256x64xf32>
      %dot_general3A_83 = tpu.matmul %convert_element_type3A_73, %get3A_81, %dot_general3A_82 {dimension_numbers = #tpu.dot_dimension_numbers<[1], [0], [0], [1], [0, 0, 1, 1], [], []>, transpose_lhs_hint = false} : vector<256x2048xbf16>, vector<2048x64xbf16>, vector<256x64xf32> -> vector<256x64xf32>
      %div3A = vector.broadcast %dot_general3A_75 : vector<256x1xf32> to vector<256x64xf32>
      %div3A_84 = arith.divf %dot_general3A_83, %div3A : vector<256x64xf32>
      %slice3A_85 = vector.extract_strided_slice %convert_element_type3A_62 {offsets = [0, 64], sizes = [256, 64], strides = [1, 1]} : vector<256x768xbf16> to vector<256x64xbf16>
      %get3A_86 = arith.constant 0 : index
      %get3A_87 = arith.constant 1 : index
      %get3A_88 = arith.constant 0 : index
      %get3A_89 = arith.constant 0 : index
      %get3A_90 = vector.load %arg7[%get3A_86, %get3A_87, %get3A_88, %get3A_89] : memref<1x12x2048x64xbf16, #tpu.memory_space<vmem>>, vector<1x1x2048x64xbf16>
      %get3A_91 = vector.shape_cast %get3A_90 : vector<1x1x2048x64xbf16> to vector<2048x64xbf16>
      %dot_general3A_92 = arith.constant dense<0.000000e+00> : vector<256x2048xf32>
      %dot_general3A_93 = tpu.matmul %slice3A_85, %get3A_91, %dot_general3A_92 {dimension_numbers = #tpu.dot_dimension_numbers<[1], [1], [0], [0], [0, 0, 1, 0], [], []>, transpose_lhs_hint = false} : vector<256x64xbf16>, vector<2048x64xbf16>, vector<256x2048xf32> -> vector<256x2048xf32>
      %exp3A_94 = math.exp %dot_general3A_93 : vector<256x2048xf32>
      %convert_element_type3A_95 = arith.truncf %exp3A_94 : vector<256x2048xf32> to vector<256x2048xbf16>
      %dot_general3A_96 = arith.constant dense<0.000000e+00> : vector<256x1xf32>
      %dot_general3A_97 = tpu.matmul %convert_element_type3A_95, %broadcast_in_dim3A_64, %dot_general3A_96 {dimension_numbers = #tpu.dot_dimension_numbers<[1], [0], [0], [1], [0, 0, 1, 1], [], []>, transpose_lhs_hint = false} : vector<256x2048xbf16>, vector<2048x1xbf16>, vector<256x1xf32> -> vector<256x1xf32>
      %get3A_98 = arith.constant 0 : index
      %get3A_99 = arith.constant 1 : index
      %get3A_100 = arith.constant 0 : index
      %get3A_101 = arith.constant 0 : index
      %get3A_102 = vector.load %arg8[%get3A_98, %get3A_99, %get3A_100, %get3A_101] : memref<1x12x2048x64xbf16, #tpu.memory_space<vmem>>, vector<1x1x2048x64xbf16>
      %get3A_103 = vector.shape_cast %get3A_102 : vector<1x1x2048x64xbf16> to vector<2048x64xbf16>
      %dot_general3A_104 = arith.constant dense<0.000000e+00> : vector<256x64xf32>
      %dot_general3A_105 = tpu.matmul %convert_element_type3A_95, %get3A_103, %dot_general3A_104 {dimension_numbers = #tpu.dot_dimension_numbers<[1], [0], [0], [1], [0, 0, 1, 1], [], []>, transpose_lhs_hint = false} : vector<256x2048xbf16>, vector<2048x64xbf16>, vector<256x64xf32> -> vector<256x64xf32>
      %div3A_106 = vector.broadcast %dot_general3A_97 : vector<256x1xf32> to vector<256x64xf32>
      %div3A_107 = arith.divf %dot_general3A_105, %div3A_106 : vector<256x64xf32>
      %slice3A_108 = vector.extract_strided_slice %convert_element_type3A_62 {offsets = [0, 128], sizes = [256, 64], strides = [1, 1]} : vector<256x768xbf16> to vector<256x64xbf16>
      %get3A_109 = arith.constant 0 : index
      %get3A_110 = arith.constant 2 : index
      %get3A_111 = arith.constant 0 : index
      %get3A_112 = arith.constant 0 : index
      %get3A_113 = vector.load %arg7[%get3A_109, %get3A_110, %get3A_111, %get3A_112] : memref<1x12x2048x64xbf16, #tpu.memory_space<vmem>>, vector<1x1x2048x64xbf16>
      %get3A_114 = vector.shape_cast %get3A_113 : vector<1x1x2048x64xbf16> to vector<2048x64xbf16>
      %dot_general3A_115 = arith.constant dense<0.000000e+00> : vector<256x2048xf32>
      %dot_general3A_116 = tpu.matmul %slice3A_108, %get3A_114, %dot_general3A_115 {dimension_numbers = #tpu.dot_dimension_numbers<[1], [1], [0], [0], [0, 0, 1, 0], [], []>, transpose_lhs_hint = false} : vector<256x64xbf16>, vector<2048x64xbf16>, vector<256x2048xf32> -> vector<256x2048xf32>
      %exp3A_117 = math.exp %dot_general3A_116 : vector<256x2048xf32>
      %convert_element_type3A_118 = arith.truncf %exp3A_117 : vector<256x2048xf32> to vector<256x2048xbf16>
      %dot_general3A_119 = arith.constant dense<0.000000e+00> : vector<256x1xf32>
      %dot_general3A_120 = tpu.matmul %convert_element_type3A_118, %broadcast_in_dim3A_64, %dot_general3A_119 {dimension_numbers = #tpu.dot_dimension_numbers<[1], [0], [0], [1], [0, 0, 1, 1], [], []>, transpose_lhs_hint = false} : vector<256x2048xbf16>, vector<2048x1xbf16>, vector<256x1xf32> -> vector<256x1xf32>
      %get3A_121 = arith.constant 0 : index
      %get3A_122 = arith.constant 2 : index
      %get3A_123 = arith.constant 0 : index
      %get3A_124 = arith.constant 0 : index
      %get3A_125 = vector.load %arg8[%get3A_121, %get3A_122, %get3A_123, %get3A_124] : memref<1x12x2048x64xbf16, #tpu.memory_space<vmem>>, vector<1x1x2048x64xbf16>
      %get3A_126 = vector.shape_cast %get3A_125 : vector<1x1x2048x64xbf16> to vector<2048x64xbf16>
      %dot_general3A_127 = arith.constant dense<0.000000e+00> : vector<256x64xf32>
      %dot_general3A_128 = tpu.matmul %convert_element_type3A_118, %get3A_126, %dot_general3A_127 {dimension_numbers = #tpu.dot_dimension_numbers<[1], [0], [0], [1], [0, 0, 1, 1], [], []>, transpose_lhs_hint = false} : vector<256x2048xbf16>, vector<2048x64xbf16>, vector<256x64xf32> -> vector<256x64xf32>
      %div3A_129 = vector.broadcast %dot_general3A_120 : vector<256x1xf32> to vector<256x64xf32>
      %div3A_130 = arith.divf %dot_general3A_128, %div3A_129 : vector<256x64xf32>
      %slice3A_131 = vector.extract_strided_slice %convert_element_type3A_62 {offsets = [0, 192], sizes = [256, 64], strides = [1, 1]} : vector<256x768xbf16> to vector<256x64xbf16>
      %get3A_132 = arith.constant 0 : index
      %get3A_133 = arith.constant 3 : index
      %get3A_134 = arith.constant 0 : index
      %get3A_135 = arith.constant 0 : index
      %get3A_136 = vector.load %arg7[%get3A_132, %get3A_133, %get3A_134, %get3A_135] : memref<1x12x2048x64xbf16, #tpu.memory_space<vmem>>, vector<1x1x2048x64xbf16>
      %get3A_137 = vector.shape_cast %get3A_136 : vector<1x1x2048x64xbf16> to vector<2048x64xbf16>
      %dot_general3A_138 = arith.constant dense<0.000000e+00> : vector<256x2048xf32>
      %dot_general3A_139 = tpu.matmul %slice3A_131, %get3A_137, %dot_general3A_138 {dimension_numbers = #tpu.dot_dimension_numbers<[1], [1], [0], [0], [0, 0, 1, 0], [], []>, transpose_lhs_hint = false} : vector<256x64xbf16>, vector<2048x64xbf16>, vector<256x2048xf32> -> vector<256x2048xf32>
      %exp3A_140 = math.exp %dot_general3A_139 : vector<256x2048xf32>
      %convert_element_type3A_141 = arith.truncf %exp3A_140 : vector<256x2048xf32> to vector<256x2048xbf16>
      %dot_general3A_142 = arith.constant dense<0.000000e+00> : vector<256x1xf32>
      %dot_general3A_143 = tpu.matmul %convert_element_type3A_141, %broadcast_in_dim3A_64, %dot_general3A_142 {dimension_numbers = #tpu.dot_dimension_numbers<[1], [0], [0], [1], [0, 0, 1, 1], [], []>, transpose_lhs_hint = false} : vector<256x2048xbf16>, vector<2048x1xbf16>, vector<256x1xf32> -> vector<256x1xf32>
      %get3A_144 = arith.constant 0 : index
      %get3A_145 = arith.constant 3 : index
      %get3A_146 = arith.constant 0 : index
      %get3A_147 = arith.constant 0 : index
      %get3A_148 = vector.load %arg8[%get3A_144, %get3A_145, %get3A_146, %get3A_147] : memref<1x12x2048x64xbf16, #tpu.memory_space<vmem>>, vector<1x1x2048x64xbf16>
      %get3A_149 = vector.shape_cast %get3A_148 : vector<1x1x2048x64xbf16> to vector<2048x64xbf16>
      %dot_general3A_150 = arith.constant dense<0.000000e+00> : vector<256x64xf32>
      %dot_general3A_151 = tpu.matmul %convert_element_type3A_141, %get3A_149, %dot_general3A_150 {dimension_numbers = #tpu.dot_dimension_numbers<[1], [0], [0], [1], [0, 0, 1, 1], [], []>, transpose_lhs_hint = false} : vector<256x2048xbf16>, vector<2048x64xbf16>, vector<256x64xf32> -> vector<256x64xf32>
      %div3A_152 = vector.broadcast %dot_general3A_143 : vector<256x1xf32> to vector<256x64xf32>
      %div3A_153 = arith.divf %dot_general3A_151, %div3A_152 : vector<256x64xf32>
      %slice3A_154 = vector.extract_strided_slice %convert_element_type3A_62 {offsets = [0, 256], sizes = [256, 64], strides = [1, 1]} : vector<256x768xbf16> to vector<256x64xbf16>
      %get3A_155 = arith.constant 0 : index
      %get3A_156 = arith.constant 4 : index
      %get3A_157 = arith.constant 0 : index
      %get3A_158 = arith.constant 0 : index
      %get3A_159 = vector.load %arg7[%get3A_155, %get3A_156, %get3A_157, %get3A_158] : memref<1x12x2048x64xbf16, #tpu.memory_space<vmem>>, vector<1x1x2048x64xbf16>
      %get3A_160 = vector.shape_cast %get3A_159 : vector<1x1x2048x64xbf16> to vector<2048x64xbf16>
      %dot_general3A_161 = arith.constant dense<0.000000e+00> : vector<256x2048xf32>
      %dot_general3A_162 = tpu.matmul %slice3A_154, %get3A_160, %dot_general3A_161 {dimension_numbers = #tpu.dot_dimension_numbers<[1], [1], [0], [0], [0, 0, 1, 0], [], []>, transpose_lhs_hint = false} : vector<256x64xbf16>, vector<2048x64xbf16>, vector<256x2048xf32> -> vector<256x2048xf32>
      %exp3A_163 = math.exp %dot_general3A_162 : vector<256x2048xf32>
      %convert_element_type3A_164 = arith.truncf %exp3A_163 : vector<256x2048xf32> to vector<256x2048xbf16>
      %dot_general3A_165 = arith.constant dense<0.000000e+00> : vector<256x1xf32>
      %dot_general3A_166 = tpu.matmul %convert_element_type3A_164, %broadcast_in_dim3A_64, %dot_general3A_165 {dimension_numbers = #tpu.dot_dimension_numbers<[1], [0], [0], [1], [0, 0, 1, 1], [], []>, transpose_lhs_hint = false} : vector<256x2048xbf16>, vector<2048x1xbf16>, vector<256x1xf32> -> vector<256x1xf32>
      %get3A_167 = arith.constant 0 : index
      %get3A_168 = arith.constant 4 : index
      %get3A_169 = arith.constant 0 : index
      %get3A_170 = arith.constant 0 : index
      %get3A_171 = vector.load %arg8[%get3A_167, %get3A_168, %get3A_169, %get3A_170] : memref<1x12x2048x64xbf16, #tpu.memory_space<vmem>>, vector<1x1x2048x64xbf16>
      %get3A_172 = vector.shape_cast %get3A_171 : vector<1x1x2048x64xbf16> to vector<2048x64xbf16>
      %dot_general3A_173 = arith.constant dense<0.000000e+00> : vector<256x64xf32>
      %dot_general3A_174 = tpu.matmul %convert_element_type3A_164, %get3A_172, %dot_general3A_173 {dimension_numbers = #tpu.dot_dimension_numbers<[1], [0], [0], [1], [0, 0, 1, 1], [], []>, transpose_lhs_hint = false} : vector<256x2048xbf16>, vector<2048x64xbf16>, vector<256x64xf32> -> vector<256x64xf32>
      %div3A_175 = vector.broadcast %dot_general3A_166 : vector<256x1xf32> to vector<256x64xf32>
      %div3A_176 = arith.divf %dot_general3A_174, %div3A_175 : vector<256x64xf32>
      %slice3A_177 = vector.extract_strided_slice %convert_element_type3A_62 {offsets = [0, 320], sizes = [256, 64], strides = [1, 1]} : vector<256x768xbf16> to vector<256x64xbf16>
      %get3A_178 = arith.constant 0 : index
      %get3A_179 = arith.constant 5 : index
      %get3A_180 = arith.constant 0 : index
      %get3A_181 = arith.constant 0 : index
      %get3A_182 = vector.load %arg7[%get3A_178, %get3A_179, %get3A_180, %get3A_181] : memref<1x12x2048x64xbf16, #tpu.memory_space<vmem>>, vector<1x1x2048x64xbf16>
      %get3A_183 = vector.shape_cast %get3A_182 : vector<1x1x2048x64xbf16> to vector<2048x64xbf16>
      %dot_general3A_184 = arith.constant dense<0.000000e+00> : vector<256x2048xf32>
      %dot_general3A_185 = tpu.matmul %slice3A_177, %get3A_183, %dot_general3A_184 {dimension_numbers = #tpu.dot_dimension_numbers<[1], [1], [0], [0], [0, 0, 1, 0], [], []>, transpose_lhs_hint = false} : vector<256x64xbf16>, vector<2048x64xbf16>, vector<256x2048xf32> -> vector<256x2048xf32>
      %exp3A_186 = math.exp %dot_general3A_185 : vector<256x2048xf32>
      %convert_element_type3A_187 = arith.truncf %exp3A_186 : vector<256x2048xf32> to vector<256x2048xbf16>
      %dot_general3A_188 = arith.constant dense<0.000000e+00> : vector<256x1xf32>
      %dot_general3A_189 = tpu.matmul %convert_element_type3A_187, %broadcast_in_dim3A_64, %dot_general3A_188 {dimension_numbers = #tpu.dot_dimension_numbers<[1], [0], [0], [1], [0, 0, 1, 1], [], []>, transpose_lhs_hint = false} : vector<256x2048xbf16>, vector<2048x1xbf16>, vector<256x1xf32> -> vector<256x1xf32>
      %get3A_190 = arith.constant 0 : index
      %get3A_191 = arith.constant 5 : index
      %get3A_192 = arith.constant 0 : index
      %get3A_193 = arith.constant 0 : index
      %get3A_194 = vector.load %arg8[%get3A_190, %get3A_191, %get3A_192, %get3A_193] : memref<1x12x2048x64xbf16, #tpu.memory_space<vmem>>, vector<1x1x2048x64xbf16>
      %get3A_195 = vector.shape_cast %get3A_194 : vector<1x1x2048x64xbf16> to vector<2048x64xbf16>
      %dot_general3A_196 = arith.constant dense<0.000000e+00> : vector<256x64xf32>
      %dot_general3A_197 = tpu.matmul %convert_element_type3A_187, %get3A_195, %dot_general3A_196 {dimension_numbers = #tpu.dot_dimension_numbers<[1], [0], [0], [1], [0, 0, 1, 1], [], []>, transpose_lhs_hint = false} : vector<256x2048xbf16>, vector<2048x64xbf16>, vector<256x64xf32> -> vector<256x64xf32>
      %div3A_198 = vector.broadcast %dot_general3A_189 : vector<256x1xf32> to vector<256x64xf32>
      %div3A_199 = arith.divf %dot_general3A_197, %div3A_198 : vector<256x64xf32>
      %slice3A_200 = vector.extract_strided_slice %convert_element_type3A_62 {offsets = [0, 384], sizes = [256, 64], strides = [1, 1]} : vector<256x768xbf16> to vector<256x64xbf16>
      %get3A_201 = arith.constant 0 : index
      %get3A_202 = arith.constant 6 : index
      %get3A_203 = arith.constant 0 : index
      %get3A_204 = arith.constant 0 : index
      %get3A_205 = vector.load %arg7[%get3A_201, %get3A_202, %get3A_203, %get3A_204] : memref<1x12x2048x64xbf16, #tpu.memory_space<vmem>>, vector<1x1x2048x64xbf16>
      %get3A_206 = vector.shape_cast %get3A_205 : vector<1x1x2048x64xbf16> to vector<2048x64xbf16>
      %dot_general3A_207 = arith.constant dense<0.000000e+00> : vector<256x2048xf32>
      %dot_general3A_208 = tpu.matmul %slice3A_200, %get3A_206, %dot_general3A_207 {dimension_numbers = #tpu.dot_dimension_numbers<[1], [1], [0], [0], [0, 0, 1, 0], [], []>, transpose_lhs_hint = false} : vector<256x64xbf16>, vector<2048x64xbf16>, vector<256x2048xf32> -> vector<256x2048xf32>
      %exp3A_209 = math.exp %dot_general3A_208 : vector<256x2048xf32>
      %convert_element_type3A_210 = arith.truncf %exp3A_209 : vector<256x2048xf32> to vector<256x2048xbf16>
      %dot_general3A_211 = arith.constant dense<0.000000e+00> : vector<256x1xf32>
      %dot_general3A_212 = tpu.matmul %convert_element_type3A_210, %broadcast_in_dim3A_64, %dot_general3A_211 {dimension_numbers = #tpu.dot_dimension_numbers<[1], [0], [0], [1], [0, 0, 1, 1], [], []>, transpose_lhs_hint = false} : vector<256x2048xbf16>, vector<2048x1xbf16>, vector<256x1xf32> -> vector<256x1xf32>
      %get3A_213 = arith.constant 0 : index
      %get3A_214 = arith.constant 6 : index
      %get3A_215 = arith.constant 0 : index
      %get3A_216 = arith.constant 0 : index
      %get3A_217 = vector.load %arg8[%get3A_213, %get3A_214, %get3A_215, %get3A_216] : memref<1x12x2048x64xbf16, #tpu.memory_space<vmem>>, vector<1x1x2048x64xbf16>
      %get3A_218 = vector.shape_cast %get3A_217 : vector<1x1x2048x64xbf16> to vector<2048x64xbf16>
      %dot_general3A_219 = arith.constant dense<0.000000e+00> : vector<256x64xf32>
      %dot_general3A_220 = tpu.matmul %convert_element_type3A_210, %get3A_218, %dot_general3A_219 {dimension_numbers = #tpu.dot_dimension_numbers<[1], [0], [0], [1], [0, 0, 1, 1], [], []>, transpose_lhs_hint = false} : vector<256x2048xbf16>, vector<2048x64xbf16>, vector<256x64xf32> -> vector<256x64xf32>
      %div3A_221 = vector.broadcast %dot_general3A_212 : vector<256x1xf32> to vector<256x64xf32>
      %div3A_222 = arith.divf %dot_general3A_220, %div3A_221 : vector<256x64xf32>
      %slice3A_223 = vector.extract_strided_slice %convert_element_type3A_62 {offsets = [0, 448], sizes = [256, 64], strides = [1, 1]} : vector<256x768xbf16> to vector<256x64xbf16>
      %get3A_224 = arith.constant 0 : index
      %get3A_225 = arith.constant 7 : index
      %get3A_226 = arith.constant 0 : index
      %get3A_227 = arith.constant 0 : index
      %get3A_228 = vector.load %arg7[%get3A_224, %get3A_225, %get3A_226, %get3A_227] : memref<1x12x2048x64xbf16, #tpu.memory_space<vmem>>, vector<1x1x2048x64xbf16>
      %get3A_229 = vector.shape_cast %get3A_228 : vector<1x1x2048x64xbf16> to vector<2048x64xbf16>
      %dot_general3A_230 = arith.constant dense<0.000000e+00> : vector<256x2048xf32>
      %dot_general3A_231 = tpu.matmul %slice3A_223, %get3A_229, %dot_general3A_230 {dimension_numbers = #tpu.dot_dimension_numbers<[1], [1], [0], [0], [0, 0, 1, 0], [], []>, transpose_lhs_hint = false} : vector<256x64xbf16>, vector<2048x64xbf16>, vector<256x2048xf32> -> vector<256x2048xf32>
      %exp3A_232 = math.exp %dot_general3A_231 : vector<256x2048xf32>
      %convert_element_type3A_233 = arith.truncf %exp3A_232 : vector<256x2048xf32> to vector<256x2048xbf16>
      %dot_general3A_234 = arith.constant dense<0.000000e+00> : vector<256x1xf32>
      %dot_general3A_235 = tpu.matmul %convert_element_type3A_233, %broadcast_in_dim3A_64, %dot_general3A_234 {dimension_numbers = #tpu.dot_dimension_numbers<[1], [0], [0], [1], [0, 0, 1, 1], [], []>, transpose_lhs_hint = false} : vector<256x2048xbf16>, vector<2048x1xbf16>, vector<256x1xf32> -> vector<256x1xf32>
      %get3A_236 = arith.constant 0 : index
      %get3A_237 = arith.constant 7 : index
      %get3A_238 = arith.constant 0 : index
      %get3A_239 = arith.constant 0 : index
      %get3A_240 = vector.load %arg8[%get3A_236, %get3A_237, %get3A_238, %get3A_239] : memref<1x12x2048x64xbf16, #tpu.memory_space<vmem>>, vector<1x1x2048x64xbf16>
      %get3A_241 = vector.shape_cast %get3A_240 : vector<1x1x2048x64xbf16> to vector<2048x64xbf16>
      %dot_general3A_242 = arith.constant dense<0.000000e+00> : vector<256x64xf32>
      %dot_general3A_243 = tpu.matmul %convert_element_type3A_233, %get3A_241, %dot_general3A_242 {dimension_numbers = #tpu.dot_dimension_numbers<[1], [0], [0], [1], [0, 0, 1, 1], [], []>, transpose_lhs_hint = false} : vector<256x2048xbf16>, vector<2048x64xbf16>, vector<256x64xf32> -> vector<256x64xf32>
      %div3A_244 = vector.broadcast %dot_general3A_235 : vector<256x1xf32> to vector<256x64xf32>
      %div3A_245 = arith.divf %dot_general3A_243, %div3A_244 : vector<256x64xf32>
      %slice3A_246 = vector.extract_strided_slice %convert_element_type3A_62 {offsets = [0, 512], sizes = [256, 64], strides = [1, 1]} : vector<256x768xbf16> to vector<256x64xbf16>
      %get3A_247 = arith.constant 0 : index
      %get3A_248 = arith.constant 8 : index
      %get3A_249 = arith.constant 0 : index
      %get3A_250 = arith.constant 0 : index
      %get3A_251 = vector.load %arg7[%get3A_247, %get3A_248, %get3A_249, %get3A_250] : memref<1x12x2048x64xbf16, #tpu.memory_space<vmem>>, vector<1x1x2048x64xbf16>
      %get3A_252 = vector.shape_cast %get3A_251 : vector<1x1x2048x64xbf16> to vector<2048x64xbf16>
      %dot_general3A_253 = arith.constant dense<0.000000e+00> : vector<256x2048xf32>
      %dot_general3A_254 = tpu.matmul %slice3A_246, %get3A_252, %dot_general3A_253 {dimension_numbers = #tpu.dot_dimension_numbers<[1], [1], [0], [0], [0, 0, 1, 0], [], []>, transpose_lhs_hint = false} : vector<256x64xbf16>, vector<2048x64xbf16>, vector<256x2048xf32> -> vector<256x2048xf32>
      %exp3A_255 = math.exp %dot_general3A_254 : vector<256x2048xf32>
      %convert_element_type3A_256 = arith.truncf %exp3A_255 : vector<256x2048xf32> to vector<256x2048xbf16>
      %dot_general3A_257 = arith.constant dense<0.000000e+00> : vector<256x1xf32>
      %dot_general3A_258 = tpu.matmul %convert_element_type3A_256, %broadcast_in_dim3A_64, %dot_general3A_257 {dimension_numbers = #tpu.dot_dimension_numbers<[1], [0], [0], [1], [0, 0, 1, 1], [], []>, transpose_lhs_hint = false} : vector<256x2048xbf16>, vector<2048x1xbf16>, vector<256x1xf32> -> vector<256x1xf32>
      %get3A_259 = arith.constant 0 : index
      %get3A_260 = arith.constant 8 : index
      %get3A_261 = arith.constant 0 : index
      %get3A_262 = arith.constant 0 : index
      %get3A_263 = vector.load %arg8[%get3A_259, %get3A_260, %get3A_261, %get3A_262] : memref<1x12x2048x64xbf16, #tpu.memory_space<vmem>>, vector<1x1x2048x64xbf16>
      %get3A_264 = vector.shape_cast %get3A_263 : vector<1x1x2048x64xbf16> to vector<2048x64xbf16>
      %dot_general3A_265 = arith.constant dense<0.000000e+00> : vector<256x64xf32>
      %dot_general3A_266 = tpu.matmul %convert_element_type3A_256, %get3A_264, %dot_general3A_265 {dimension_numbers = #tpu.dot_dimension_numbers<[1], [0], [0], [1], [0, 0, 1, 1], [], []>, transpose_lhs_hint = false} : vector<256x2048xbf16>, vector<2048x64xbf16>, vector<256x64xf32> -> vector<256x64xf32>
      %div3A_267 = vector.broadcast %dot_general3A_258 : vector<256x1xf32> to vector<256x64xf32>
      %div3A_268 = arith.divf %dot_general3A_266, %div3A_267 : vector<256x64xf32>
      %slice3A_269 = vector.extract_strided_slice %convert_element_type3A_62 {offsets = [0, 576], sizes = [256, 64], strides = [1, 1]} : vector<256x768xbf16> to vector<256x64xbf16>
      %get3A_270 = arith.constant 0 : index
      %get3A_271 = arith.constant 9 : index
      %get3A_272 = arith.constant 0 : index
      %get3A_273 = arith.constant 0 : index
      %get3A_274 = vector.load %arg7[%get3A_270, %get3A_271, %get3A_272, %get3A_273] : memref<1x12x2048x64xbf16, #tpu.memory_space<vmem>>, vector<1x1x2048x64xbf16>
      %get3A_275 = vector.shape_cast %get3A_274 : vector<1x1x2048x64xbf16> to vector<2048x64xbf16>
      %dot_general3A_276 = arith.constant dense<0.000000e+00> : vector<256x2048xf32>
      %dot_general3A_277 = tpu.matmul %slice3A_269, %get3A_275, %dot_general3A_276 {dimension_numbers = #tpu.dot_dimension_numbers<[1], [1], [0], [0], [0, 0, 1, 0], [], []>, transpose_lhs_hint = false} : vector<256x64xbf16>, vector<2048x64xbf16>, vector<256x2048xf32> -> vector<256x2048xf32>
      %exp3A_278 = math.exp %dot_general3A_277 : vector<256x2048xf32>
      %convert_element_type3A_279 = arith.truncf %exp3A_278 : vector<256x2048xf32> to vector<256x2048xbf16>
      %dot_general3A_280 = arith.constant dense<0.000000e+00> : vector<256x1xf32>
      %dot_general3A_281 = tpu.matmul %convert_element_type3A_279, %broadcast_in_dim3A_64, %dot_general3A_280 {dimension_numbers = #tpu.dot_dimension_numbers<[1], [0], [0], [1], [0, 0, 1, 1], [], []>, transpose_lhs_hint = false} : vector<256x2048xbf16>, vector<2048x1xbf16>, vector<256x1xf32> -> vector<256x1xf32>
      %get3A_282 = arith.constant 0 : index
      %get3A_283 = arith.constant 9 : index
      %get3A_284 = arith.constant 0 : index
      %get3A_285 = arith.constant 0 : index
      %get3A_286 = vector.load %arg8[%get3A_282, %get3A_283, %get3A_284, %get3A_285] : memref<1x12x2048x64xbf16, #tpu.memory_space<vmem>>, vector<1x1x2048x64xbf16>
      %get3A_287 = vector.shape_cast %get3A_286 : vector<1x1x2048x64xbf16> to vector<2048x64xbf16>
      %dot_general3A_288 = arith.constant dense<0.000000e+00> : vector<256x64xf32>
      %dot_general3A_289 = tpu.matmul %convert_element_type3A_279, %get3A_287, %dot_general3A_288 {dimension_numbers = #tpu.dot_dimension_numbers<[1], [0], [0], [1], [0, 0, 1, 1], [], []>, transpose_lhs_hint = false} : vector<256x2048xbf16>, vector<2048x64xbf16>, vector<256x64xf32> -> vector<256x64xf32>
      %div3A_290 = vector.broadcast %dot_general3A_281 : vector<256x1xf32> to vector<256x64xf32>
      %div3A_291 = arith.divf %dot_general3A_289, %div3A_290 : vector<256x64xf32>
      %slice3A_292 = vector.extract_strided_slice %convert_element_type3A_62 {offsets = [0, 640], sizes = [256, 64], strides = [1, 1]} : vector<256x768xbf16> to vector<256x64xbf16>
      %get3A_293 = arith.constant 0 : index
      %get3A_294 = arith.constant 10 : index
      %get3A_295 = arith.constant 0 : index
      %get3A_296 = arith.constant 0 : index
      %get3A_297 = vector.load %arg7[%get3A_293, %get3A_294, %get3A_295, %get3A_296] : memref<1x12x2048x64xbf16, #tpu.memory_space<vmem>>, vector<1x1x2048x64xbf16>
      %get3A_298 = vector.shape_cast %get3A_297 : vector<1x1x2048x64xbf16> to vector<2048x64xbf16>
      %dot_general3A_299 = arith.constant dense<0.000000e+00> : vector<256x2048xf32>
      %dot_general3A_300 = tpu.matmul %slice3A_292, %get3A_298, %dot_general3A_299 {dimension_numbers = #tpu.dot_dimension_numbers<[1], [1], [0], [0], [0, 0, 1, 0], [], []>, transpose_lhs_hint = false} : vector<256x64xbf16>, vector<2048x64xbf16>, vector<256x2048xf32> -> vector<256x2048xf32>
      %exp3A_301 = math.exp %dot_general3A_300 : vector<256x2048xf32>
      %convert_element_type3A_302 = arith.truncf %exp3A_301 : vector<256x2048xf32> to vector<256x2048xbf16>
      %dot_general3A_303 = arith.constant dense<0.000000e+00> : vector<256x1xf32>
      %dot_general3A_304 = tpu.matmul %convert_element_type3A_302, %broadcast_in_dim3A_64, %dot_general3A_303 {dimension_numbers = #tpu.dot_dimension_numbers<[1], [0], [0], [1], [0, 0, 1, 1], [], []>, transpose_lhs_hint = false} : vector<256x2048xbf16>, vector<2048x1xbf16>, vector<256x1xf32> -> vector<256x1xf32>
      %get3A_305 = arith.constant 0 : index
      %get3A_306 = arith.constant 10 : index
      %get3A_307 = arith.constant 0 : index
      %get3A_308 = arith.constant 0 : index
      %get3A_309 = vector.load %arg8[%get3A_305, %get3A_306, %get3A_307, %get3A_308] : memref<1x12x2048x64xbf16, #tpu.memory_space<vmem>>, vector<1x1x2048x64xbf16>
      %get3A_310 = vector.shape_cast %get3A_309 : vector<1x1x2048x64xbf16> to vector<2048x64xbf16>
      %dot_general3A_311 = arith.constant dense<0.000000e+00> : vector<256x64xf32>
      %dot_general3A_312 = tpu.matmul %convert_element_type3A_302, %get3A_310, %dot_general3A_311 {dimension_numbers = #tpu.dot_dimension_numbers<[1], [0], [0], [1], [0, 0, 1, 1], [], []>, transpose_lhs_hint = false} : vector<256x2048xbf16>, vector<2048x64xbf16>, vector<256x64xf32> -> vector<256x64xf32>
      %div3A_313 = vector.broadcast %dot_general3A_304 : vector<256x1xf32> to vector<256x64xf32>
      %div3A_314 = arith.divf %dot_general3A_312, %div3A_313 : vector<256x64xf32>
      %slice3A_315 = vector.extract_strided_slice %convert_element_type3A_62 {offsets = [0, 704], sizes = [256, 64], strides = [1, 1]} : vector<256x768xbf16> to vector<256x64xbf16>
      %get3A_316 = arith.constant 0 : index
      %get3A_317 = arith.constant 11 : index
      %get3A_318 = arith.constant 0 : index
      %get3A_319 = arith.constant 0 : index
      %get3A_320 = vector.load %arg7[%get3A_316, %get3A_317, %get3A_318, %get3A_319] : memref<1x12x2048x64xbf16, #tpu.memory_space<vmem>>, vector<1x1x2048x64xbf16>
      %get3A_321 = vector.shape_cast %get3A_320 : vector<1x1x2048x64xbf16> to vector<2048x64xbf16>
      %dot_general3A_322 = arith.constant dense<0.000000e+00> : vector<256x2048xf32>
      %dot_general3A_323 = tpu.matmul %slice3A_315, %get3A_321, %dot_general3A_322 {dimension_numbers = #tpu.dot_dimension_numbers<[1], [1], [0], [0], [0, 0, 1, 0], [], []>, transpose_lhs_hint = false} : vector<256x64xbf16>, vector<2048x64xbf16>, vector<256x2048xf32> -> vector<256x2048xf32>
      %exp3A_324 = math.exp %dot_general3A_323 : vector<256x2048xf32>
      %convert_element_type3A_325 = arith.truncf %exp3A_324 : vector<256x2048xf32> to vector<256x2048xbf16>
      %dot_general3A_326 = arith.constant dense<0.000000e+00> : vector<256x1xf32>
      %dot_general3A_327 = tpu.matmul %convert_element_type3A_325, %broadcast_in_dim3A_64, %dot_general3A_326 {dimension_numbers = #tpu.dot_dimension_numbers<[1], [0], [0], [1], [0, 0, 1, 1], [], []>, transpose_lhs_hint = false} : vector<256x2048xbf16>, vector<2048x1xbf16>, vector<256x1xf32> -> vector<256x1xf32>
      %get3A_328 = arith.constant 0 : index
      %get3A_329 = arith.constant 11 : index
      %get3A_330 = arith.constant 0 : index
      %get3A_331 = arith.constant 0 : index
      %get3A_332 = vector.load %arg8[%get3A_328, %get3A_329, %get3A_330, %get3A_331] : memref<1x12x2048x64xbf16, #tpu.memory_space<vmem>>, vector<1x1x2048x64xbf16>
      %get3A_333 = vector.shape_cast %get3A_332 : vector<1x1x2048x64xbf16> to vector<2048x64xbf16>
      %dot_general3A_334 = arith.constant dense<0.000000e+00> : vector<256x64xf32>
      %dot_general3A_335 = tpu.matmul %convert_element_type3A_325, %get3A_333, %dot_general3A_334 {dimension_numbers = #tpu.dot_dimension_numbers<[1], [0], [0], [1], [0, 0, 1, 1], [], []>, transpose_lhs_hint = false} : vector<256x2048xbf16>, vector<2048x64xbf16>, vector<256x64xf32> -> vector<256x64xf32>
      %div3A_336 = vector.broadcast %dot_general3A_327 : vector<256x1xf32> to vector<256x64xf32>
      %div3A_337 = arith.divf %dot_general3A_335, %div3A_336 : vector<256x64xf32>
      %concatenate3A = tpu.concatenate %div3A_84, %div3A_107, %div3A_130, %div3A_153, %div3A_176, %div3A_199, %div3A_222, %div3A_245, %div3A_268, %div3A_291, %div3A_314, %div3A_337 in 1 : vector<256x64xf32>, vector<256x64xf32>, vector<256x64xf32>, vector<256x64xf32>, vector<256x64xf32>, vector<256x64xf32>, vector<256x64xf32>, vector<256x64xf32>, vector<256x64xf32>, vector<256x64xf32>, vector<256x64xf32>, vector<256x64xf32> -> vector<256x768xf32>
      %convert_element_type3A_338 = arith.truncf %concatenate3A : vector<256x768xf32> to vector<256x768xbf16>
      %get3A_339 = arith.constant 0 : index
      %get3A_340 = arith.constant 0 : index
      %get3A_341 = arith.constant 0 : index
      %get3A_342 = vector.load %arg11[%get3A_339, %get3A_340, %get3A_341] : memref<1x768x768xbf16, #tpu.memory_space<vmem>>, vector<1x768x768xbf16>
      %get3A_343 = vector.shape_cast %get3A_342 : vector<1x768x768xbf16> to vector<768x768xbf16>
      %dot_general3A_344 = arith.constant dense<0.000000e+00> : vector<256x768xf32>
      %dot_general3A_345 = tpu.matmul %convert_element_type3A_338, %get3A_343, %dot_general3A_344 {dimension_numbers = #tpu.dot_dimension_numbers<[1], [0], [0], [1], [0, 0, 1, 1], [], []>, transpose_lhs_hint = false} : vector<256x768xbf16>, vector<768x768xbf16>, vector<256x768xf32> -> vector<256x768xf32>
      %get3A_346 = arith.constant 0 : index
      %get3A_347 = arith.constant 0 : index
      %get3A_348 = arith.constant 0 : index
      %get3A_349 = vector.load %arg12[%get3A_346, %get3A_347, %get3A_348] : memref<1x1x768xf32, #tpu.memory_space<vmem>>, vector<1x1x768xf32>
      %get3A_350 = vector.shape_cast %get3A_349 : vector<1x1x768xf32> to vector<1x768xf32>
      %add3A_351 = vector.broadcast %get3A_350 : vector<1x768xf32> to vector<256x768xf32>
      %add3A_352 = arith.addf %dot_general3A_345, %add3A_351 : vector<256x768xf32>
      %mul3A_353 = vector.broadcast %dot_general3A_39 : vector<256x1xf32> to vector<256x768xf32>
      %mul3A_354 = arith.mulf %add3A_352, %mul3A_353 : vector<256x768xf32>
      %swap3A = arith.constant 0 : index
      %swap3A_355 = arith.constant 0 : index
      %swap3A_356 = arith.constant 0 : index
      %swap3A_357 = vector.load %arg13[%swap3A, %swap3A_355, %swap3A_356] : memref<1x256x768xf32, #tpu.memory_space<vmem>>, vector<1x256x768xf32>
      %swap3A_358 = vector.shape_cast %swap3A_357 : vector<1x256x768xf32> to vector<256x768xf32>
      %swap3A_359 = vector.shape_cast %mul3A_354 : vector<256x768xf32> to vector<1x256x768xf32>
      tpu.vector_store %arg13[%swap3A, %swap3A_355, %swap3A_356], %swap3A_359 {strides = array<i32>} : memref<1x256x768xf32, #tpu.memory_space<vmem>>, vector<1x256x768xf32>,
    } else {
    }
    return
  }
  func.func @transform_0(%arg0: i32, %arg1: memref<32xi32, #tpu.memory_space<smem>>, %arg2: memref<32xi32, #tpu.memory_space<smem>>, %arg3: memref<32xi32, #tpu.memory_space<smem>>) -> (i32, i32) {
    %c0_i32 = arith.constant 0 : i32
    %c0_i32_0 = arith.constant 0 : i32
    %c0_i32_1 = arith.constant 0 : i32
    return %c0_i32, %c0_i32_0 : i32, i32
  }
  func.func @transform_1(%arg0: i32, %arg1: memref<32xi32, #tpu.memory_space<smem>>, %arg2: memref<32xi32, #tpu.memory_space<smem>>, %arg3: memref<32xi32, #tpu.memory_space<smem>>) -> (i32, i32) {
    %c0_i32 = arith.constant 0 : i32
    %c0_i32_0 = arith.constant 0 : i32
    %c0_i32_1 = arith.constant 0 : i32
    return %c0_i32, %c0_i32_0 : i32, i32
  }
  func.func @transform_2(%arg0: i32, %arg1: memref<32xi32, #tpu.memory_space<smem>>, %arg2: memref<32xi32, #tpu.memory_space<smem>>, %arg3: memref<32xi32, #tpu.memory_space<smem>>) -> (i32, i32) {
    %c0_i32 = arith.constant 0 : i32
    %c0_i32_0 = arith.constant 0 : i32
    %c0_i32_1 = arith.constant 0 : i32
    return %c0_i32, %c0_i32_0 : i32, i32
  }
  func.func @transform_3(%arg0: i32, %arg1: memref<32xi32, #tpu.memory_space<smem>>, %arg2: memref<32xi32, #tpu.memory_space<smem>>, %arg3: memref<32xi32, #tpu.memory_space<smem>>) -> (i32, i32, i32, i32) {
    %get3A = arith.index_cast %arg0 : i32 to index
    %get3A_0 = memref.load %arg1[%get3A] : memref<32xi32, #tpu.memory_space<smem>>
    %c0_i32 = arith.constant 0 : i32
    %c0_i32_1 = arith.constant 0 : i32
    %c0_i32_2 = arith.constant 0 : i32
    %c0_i32_3 = arith.constant 0 : i32
    return %get3A_0, %c0_i32, %c0_i32_1, %c0_i32_2 : i32, i32, i32, i32
  }
  func.func @transform_4(%arg0: i32, %arg1: memref<32xi32, #tpu.memory_space<smem>>, %arg2: memref<32xi32, #tpu.memory_space<smem>>, %arg3: memref<32xi32, #tpu.memory_space<smem>>) -> (i32, i32, i32, i32) {
    %get3A = arith.index_cast %arg0 : i32 to index
    %get3A_0 = memref.load %arg1[%get3A] : memref<32xi32, #tpu.memory_space<smem>>
    %c0_i32 = arith.constant 0 : i32
    %c0_i32_1 = arith.constant 0 : i32
    %c0_i32_2 = arith.constant 0 : i32
    %c0_i32_3 = arith.constant 0 : i32
    return %get3A_0, %c0_i32, %c0_i32_1, %c0_i32_2 : i32, i32, i32, i32
  }
  func.func @transform_5(%arg0: i32, %arg1: memref<32xi32, #tpu.memory_space<smem>>, %arg2: memref<32xi32, #tpu.memory_space<smem>>, %arg3: memref<32xi32, #tpu.memory_space<smem>>) -> (i32, i32, i32) {
    %get3A = arith.index_cast %arg0 : i32 to index
    %get3A_0 = memref.load %arg1[%get3A] : memref<32xi32, #tpu.memory_space<smem>>
    %c0_i32 = arith.constant 0 : i32
    %c0_i32_1 = arith.constant 0 : i32
    %c0_i32_2 = arith.constant 0 : i32
    return %get3A_0, %c0_i32, %c0_i32_1 : i32, i32, i32
  }
  func.func @transform_6(%arg0: i32, %arg1: memref<32xi32, #tpu.memory_space<smem>>, %arg2: memref<32xi32, #tpu.memory_space<smem>>, %arg3: memref<32xi32, #tpu.memory_space<smem>>) -> (i32, i32, i32) {
    %get3A = arith.index_cast %arg0 : i32 to index
    %get3A_0 = memref.load %arg1[%get3A] : memref<32xi32, #tpu.memory_space<smem>>
    %c0_i32 = arith.constant 0 : i32
    %c0_i32_1 = arith.constant 0 : i32
    %c0_i32_2 = arith.constant 0 : i32
    return %get3A_0, %c0_i32, %c0_i32_1 : i32, i32, i32
  }
  func.func @transform_7(%arg0: i32, %arg1: memref<32xi32, #tpu.memory_space<smem>>, %arg2: memref<32xi32, #tpu.memory_space<smem>>, %arg3: memref<32xi32, #tpu.memory_space<smem>>) -> (i32, i32, i32) {
    %get3A = arith.index_cast %arg0 : i32 to index
    %get3A_0 = memref.load %arg1[%get3A] : memref<32xi32, #tpu.memory_space<smem>>
    %c0_i32 = arith.constant 0 : i32
    %c0_i32_1 = arith.constant 0 : i32
    %c0_i32_2 = arith.constant 0 : i32
    return %get3A_0, %c0_i32, %c0_i32_1 : i32, i32, i32
  }
  func.func @transform_8(%arg0: i32, %arg1: memref<32xi32, #tpu.memory_space<smem>>, %arg2: memref<32xi32, #tpu.memory_space<smem>>, %arg3: memref<32xi32, #tpu.memory_space<smem>>) -> (i32, i32, i32) {
    %get3A = arith.index_cast %arg0 : i32 to index
    %get3A_0 = memref.load %arg1[%get3A] : memref<32xi32, #tpu.memory_space<smem>>
    %c0_i32 = arith.constant 0 : i32
    %c0_i32_1 = arith.constant 0 : i32
    %c0_i32_2 = arith.constant 0 : i32
    return %get3A_0, %c0_i32, %c0_i32_1 : i32, i32, i32
  }
  func.func @transform_9(%arg0: i32, %arg1: memref<32xi32, #tpu.memory_space<smem>>, %arg2: memref<32xi32, #tpu.memory_space<smem>>, %arg3: memref<32xi32, #tpu.memory_space<smem>>) -> (i32, i32, i32) {
    %c0_i32 = arith.constant 0 : i32
    %c0_i32_0 = arith.constant 0 : i32
    %c0_i32_1 = arith.constant 0 : i32
    return %arg0, %c0_i32, %c0_i32_0 : i32, i32, i32
  }
}

</mosaic_0001>

<sc_bundles>
// kernel: kernel.6.cloned.1.call-start
scs
__scs_entry_jumppad:
0x0: {  	(pc) =	sbr.rel $0x88, $3  }
0x1: {  	(tag) =	ssettag $0x0;
	lr =	simm.s32 $0x1  }
0x2: {  	[smem:$0x3F96] =	sst lr;
	_ =	strace $0xD0000000  }
0x3: {  	_ = 	snop  }
0x4: {  	_ = 	snop  }
0x5: {  	_ = 	snop  }
0x6: {  	_ = 	snop  }
0x7: {  	_ = 	snop  }
__scs_overlays_trampoline_lowered:
0x8: {  	[smem:$0x3FA5] =	sst s0  }
0x9: {  	[smem:$0x3FA6] =	sst s1  }
0xa: {  	[smem:$0x3FA7] =	sst s2  }
0xb: {  	[smem:$0x3FA8] =	sst s3  }
0xc: {  	[smem:$0x3FA9] =	sst s4  }
0xd: {  	[smem:$0x3FAA] =	sst s5  }
0xe: {  	[smem:$0x3FAB] =	sst s6  }
0xf: {  	[smem:$0x3FAC] =	sst s7  }
0x10: {  	[smem:$0x3FAD] =	sst s8  }
0x11: {  	[smem:$0x3FAE] =	sst s9;
	s0 =	simm.s32 @!p0 $0x0  }
0x12: {  	s1 =	sld [smem:$0x3F94];
	s0 =	simm.s32 @p0 $0x1  }
0x13: {  	[smem:$0x3FAF] =	sst s0;
	s0 =	simm.s32 @!p1 $0x0  }
0x14: {  	s2 =	sld [smem:$0x3F93];
	s0 =	simm.s32 @p1 $0x1  }
0x15: {  	[smem:$0x3FB0] =	sst s0;
	s0 =	simm.s32 @!p2 $0x0  }
0x16: {  	s3 =	sld [smem:$0x3FDB];
	s0 =	simm.s32 @p2 $0x1  }
0x17: {  	s4 =	simm.s32 $0x1BF5;
	[smem:$0x3FB2] =	sst s0  }
0x18: {  	s0 =	sld [smem:$0x3F95];
	_ =	swait.ge [sflag:s4], $0x0  }
0x19: {  	s7 =	sld [smem:$0x3F96]  }
0x1a: {  	s8 =	sadd.s32 $0xFFFFE003, lr  }
0x1b: {  	s9 =	sadd.s32 $0xFFFFFEF7, lr;
	s5 =	simm.s32 $0xFFFFFFFF;
	p2 =	slt.u32 s8, $0xFFFFF086  }
0x1c: {  	p1 =	slt.u32 s9, $0xF7A;
	s5 =	simm.s32 @!p2 $0x0  }
0x1d: {  	s5 =	simm.s32 @p1 $0x1;
	p0 =	seq.s32 s7, s2  }
0x1e: {  	s7 =	smul.u32 @!p0 $0xF7A, s2;
	p2 =	seq.s32 @!p0 s5, $0x0  }
0x1f: {  	s9 =	smul.u32 $0xF7A, s1;
	s8 =	simm.s32 @!p0 $0x1BF5;
	p2 =	por !p2, p0  }
0x20: {  	[sflag:s8] =	ssyncset.s32 @!p0 $0xFFFFF086;
	s6 =	sadd.s32 @!p0 s3, s7;
	s7 =	simm.s32 @!p0 $0x108  }
0x21: {  	s3 =	sadd.s32 s3, s9;
	s6 =	sadd.s32 @!p0 $0x88, s6;
	s7 =	simm.s32 @p2 $0x1082  }
0x22: {  	[simem:s7], [sflag:s8] =	dma.local @!p0 [hbm:s6], $0xF7A  }
0x23: {  	s9 =	sor.u32 $0xD0000000, s2;
	s6 =	simm.s32 $0x108;
	_ =	swait.ge @!p0 [sflag:s8], $0x0  }
0x24: {  	s3 =	sadd.s32 $0x88, s3;
	s6 =	simm.s32 @!p1 $0x1082;
	[sflag:s4] =	ssyncset.s32 $0xFFFFF086  }
0x25: {  	[simem:s6], [sflag:s4] =	dma.local [hbm:s3], $0xF7A  }
0x26: {  	[smem:$0x3F96] =	sst s1;
	(tag) =	ssettag s2;
	_ =	strace s9  }
0x27: {  	s1 =	sld [smem:$0x3FA6]  }
0x28: {  	s2 =	sld [smem:$0x3FA7]  }
0x29: {  	s4 =	sld [smem:$0x3FA9]  }
0x2a: {  	p0 =	seq.s32 s5, $0x0;
	s5 =	sld [smem:$0x3FAA]  }
0x2b: {  	s6 =	sld [smem:$0x3FAB]  }
0x2c: {  	s7 =	sld [smem:$0x3FAC]  }
0x2d: {  	s3 =	simm.s32 $0x108;
	s8 =	sld [smem:$0x3FAD]  }
0x2e: {  	s3 =	simm.s32 @!p0 $0x1082;
	s9 =	sld [smem:$0x3FAE]  }
0x2f: {  	lr =	sadd.s32 s0, s3;
	s0 =	sld [smem:$0x3FA5]  }
0x30: {  	s3 =	sld [smem:$0x3FA8]  }
0x31: {  	[smem:$0x3FB1] =	sst s10  }
0x32: {  	s10 =	sld [smem:$0x3FAF];
	_ =	sdelay $0x3  }
0x33: {  	p0 =	seq.s32 s10, $0x1;
	s10 =	sld [smem:$0x3FB1];
	_ =	sdelay $0x3  }
0x34: {  	[smem:$0x3FB1] =	sst s10  }
0x35: {  	s10 =	sld [smem:$0x3FB0];
	_ =	sdelay $0x3  }
0x36: {  	p1 =	seq.s32 s10, $0x1;
	s10 =	sld [smem:$0x3FB1];
	_ =	sdelay $0x3  }
0x37: {  	[smem:$0x3FB1] =	sst s10  }
0x38: {  	s10 =	sld [smem:$0x3FB2]  }
0x39: {  	_ = 	snop;
	(pc) =	sbr.ind lr, $3  }
0x3a: {  	_ = 	snop  }
0x3b: {  	_ = 	snop  }
0x3c: {  	p2 =	seq.s32 s10, $0x1;
	s10 =	sld [smem:$0x3FB1]  }
0x3d: {  	_ =	shalt  }
0x3e: {  	_ =	shalt  }
0x3f: {  	_ =	shalt  }
0x40: {  	_ =	shalt  }
0x41: {  	_ =	shalt  }
0x42: {  	_ =	shalt  }
0x43: {  	_ =	shalt  }
0x44: {  	_ =	shalt  }
0x45: {  	_ =	shalt  }
0x46: {  	_ =	shalt  }
0x47: {  	_ =	shalt  }
0x48: {  	_ =	shalt  }
0x49: {  	_ =	shalt  }
0x4a: {  	_ =	shalt  }
0x4b: {  	_ =	shalt  }
0x4c: {  	_ =	shalt  }
0x4d: {  	_ =	shalt  }
0x4e: {  	_ =	shalt  }
0x4f: {  	_ =	shalt  }
0x50: {  	_ =	shalt  }
0x51: {  	_ =	shalt  }
0x52: {  	_ =	shalt  }
0x53: {  	_ =	shalt  }
0x54: {  	_ =	shalt  }
0x55: {  	_ =	shalt  }
0x56: {  	_ =	shalt  }
0x57: {  	_ =	shalt  }
0x58: {  	_ =	shalt  }
0x59: {  	_ =	shalt  }
0x5a: {  	_ =	shalt  }
0x5b: {  	_ =	shalt  }
0x5c: {  	_ =	shalt  }
0x5d: {  	_ =	shalt  }
0x5e: {  	_ =	shalt  }
0x5f: {  	_ =	shalt  }
0x60: {  	_ =	shalt  }
0x61: {  	_ =	shalt  }
0x62: {  	_ =	shalt  }
0x63: {  	_ =	shalt  }
0x64: {  	_ =	shalt  }
0x65: {  	_ =	shalt  }
0x66: {  	_ =	shalt  }
0x67: {  	_ =	shalt  }
0x68: {  	_ =	shalt  }
0x69: {  	_ =	shalt  }
0x6a: {  	_ =	shalt  }
0x6b: {  	_ =	shalt  }
0x6c: {  	_ =	shalt  }
0x6d: {  	_ =	shalt  }
0x6e: {  	_ =	shalt  }
0x6f: {  	_ =	shalt  }
0x70: {  	_ =	shalt  }
0x71: {  	_ =	shalt  }
0x72: {  	_ =	shalt  }
0x73: {  	_ =	shalt  }
0x74: {  	_ =	shalt  }
0x75: {  	_ =	shalt  }
0x76: {  	_ =	shalt  }
0x77: {  	_ =	shalt  }
0x78: {  	_ =	shalt  }
0x79: {  	_ =	shalt  }
0x7a: {  	_ =	shalt  }
0x7b: {  	_ =	shalt  }
0x7c: {  	_ =	shalt  }
0x7d: {  	_ =	shalt  }
0x7e: {  	_ =	shalt  }
0x7f: {  	_ =	shalt  }
0x80: {  	_ =	shalt  }
0x81: {  	_ =	shalt  }
0x82: {  	_ =	shalt  }
0x83: {  	_ =	shalt  }
0x84: {  	_ =	shalt  }
0x85: {  	_ =	shalt  }
0x86: {  	_ =	shalt  }
0x87: {  	_ =	shalt  }
.Lfunc_end0:
.L_simem_size_0:
called_computation_lowered:
.L_overlay_start_0:
0x88: {  	s2 =	sld [smem:$0x3FD9]  }
0x89: {  	s3 =	sld [smem:$0x3FFE];
	_ =	sdelay $0x1  }
0x8a: {  	s1 =	srdreg.scid  }
0x8b: {  	s0 =	sand.u32 $0x1, s1  }
0x8c: {  	s17 =	sshll.u32 s0, $0xA;
	s2 =	sadd.s32 s3, s2  }
0x8d: {  	s2 =	sadd.s32 s2, s17  }
0x8e: {  	[smem:$0x3FBD] =	sst s2  }
0x8f: {  	_ = 	snop  }
0x90: {  	s2 =	sld [smem:$0x3FD0];
	(tm) =	ssettm $0x1  }
0x91: {  	s18 =	sld [smem:$0x3FFB];
	_ =	sdelay $0x3  }
0x92: {  	_ =	strace s18  }
0x93: {  	s3 =	sld [smem:$0x3FFC];
	_ =	sdelay $0x3  }
0x94: {  	_ =	strace s3  }
0x95: {  	s3 =	sld [smem:$0x3FFD];
	_ =	sdelay $0x3  }
0x96: {  	_ =	strace s3  }
0x97: {  	_ =	strace $0x8FFFFFFF  }
0x98: {  	s19 =	sld [smem:$0x3FDB];
	_ =	sdelay $0x1  }
0x99: {  	s4 =	simm.s32 $_scs_section_size  }
0x9a: {  	s5 =	simm.s32 $_size__tile_overlayer_lowered;
	s6 =	simm.s32 $_tile_overlayer_lowered  }
0x9b: {  	s22 =	simm.s32 $0x1BFF;
	s21 =	sshll.u32 s6, $0x1;
	s3 =	sadd.s32 s4, s19  }
0x9c: {  	s7 =	simm.s32 $0x0;
	s20 =	sshll.u32 s5, $0x1;
	s5 =	sadd.s32 s21, s3  }
0x9d: {  	[timem:s7], [sflag:s22] =	dma.local [hbm:s5], s20  }
0x9e: {  	_ =	swait.ge [sflag:s22], s20  }
0x9f: {  	s4 =	ssub.s32 $0x0, s20;
	[sflag:s22] =	ssyncset.done $0x0  }
0xa0: {  	[sflag:s22] =	ssyncadd.s32 s4;
	_ =	sdelay $0x1  }
0xa1: {  	s23 =	simm.s32 $0x1B8B  }
0xa2: {  	_ =	swait.ge [sflag:s23], $0x1  }
0xa3: {  	[sflag:s23] =	ssyncset.done $0x0  }
0xa4: {  	s25 =	simm.s32 $0x1B8E;
	s24 =	sld [smem:$0x3FFE];
	[sflag:s23] =	ssyncadd.s32 $0xFFFFFFFF  }
0xa5: {  	s26 =	simm.s32 $execute0_lowered;
	[smem:$0x3FD2] =	sst s25  }
0xa6: {  	s5 =	sshll.u32 s26, $0x1;
	_ =	strace $0x80000046;
	[dreg:$0x1] =	wrdreg $0xFFFFFFFF  }
0xa7: {  	s28 =	simm.s32 $_size_execute0_lowered;
	s3 =	sadd.s32 s3, s5;
	[dreg:$0x0] =	wrdreg $0x0  }
0xa8: {  	s5 =	sshll.u32 s28, $0x1;
	[dreg:$0x2] =	wrdreg s3  }
0xa9: {  	[dreg:$0x3] =	wrdreg s5  }
0xaa: {  	[dreg:$0x4] =	wrdreg $0xC0  }
0xab: {  	_ =	task [dreg:s7], $0x5FFFF  }
0xac: {  	[dreg:$0x1] =	wrdreg $0xFFFFFFFF  }
0xad: {  	[dreg:$0x0] =	wrdreg $0x60  }
0xae: {  	[dreg:$0x2] =	wrdreg s24  }
0xaf: {  	[dreg:$0x3] =	wrdreg s2  }
0xb0: {  	[dreg:$0x4] =	wrdreg $0x9  }
0xb1: {  	_ =	task.clear_ibuf [dreg:s7], $0x5FFFF;
	_ =	strace $0x90000046  }
0xb2: {  	s29 =	simm.s32 $0x9;
	_ =	strace $0x80000048  }
0xb3: {  	_ =	swait.ge [sflag:s29], $0x1  }
0xb4: {  	[sflag:s29] =	ssyncadd.s32 $0xFFFFFFFF  }
0xb5: {  	_ =	strace $0x90000048  }
0xb6: {  	_ =	sfence  }
0xb7: {  	s30 =	sld [smem:$0x0];
	_ =	sdelay $0x2  }
0xb8: {  	s31 =	sshll.u32 s1, $0xD;
	s1 =	sshrl.u32 s1, $0x2  }
0xb9: {  	s3 =	sand.u32 $0x4000, s31;
	s1 =	sadd.s32 s1, s30  }
0xba: {  	s0 =	sor.u32 s3, s0;
	s1 =	sshll.u32 s1, $0x11  }
0xbb: {  	s0 =	sor.u32 s1, s0  }
0xbc: {  	s0 =	sadd.s32 $0x8F2B, s0  }
0xbd: {  	[sflag:s0] =	ssyncadd.remote.s32 $0x1  }
0xbe: {  	_ =	sfence.sel $0xFFFF  }
0xbf: {  	[dreg:$0x0] =	wrdreg $0xFFFFFFFF;
	(pc) =	sbr.abs _section_cstart, $3  }
0xc0: {  	[dreg:$0x1] =	wrdreg $0xFFFFFFFF  }
0xc1: {  	_ =	task.clear_ibuf [dreg:s7], $0x2FFFF;
	_ =	strace $0x9FFFFFFF  }
0xc2: {  	(tm) =	ssettm $0x7FFFFFFF  }
0xc3: {  	_ =	shalt  }
tec
execute0_lowered:
.L_overlay_start_1:
0x0: {  	(tag) =	ssettag $0x1  }
0x1: {  	s0 =	rddreg [dreg:$0x0]  }
0x2: {  	s1 =	rddreg [dreg:$0x1];
	s3 =	srdreg.scid  }
0x3: {  	s4 =	stileid.u32;
	s2 =	simm.s32 $0x0;
	s11 =	simm.s32 $0x3  }
0x4: {  	s12 =	simm.s32 $0x14900;
	s13 =	simm.s32 $0x15100;
	s14 =	simm.s32 $0x15900  }
0x5: {  	s15 =	simm.s32 $0x16100;
	s16 =	simm.s32 $0x16900;
	s17 =	simm.s32 $0x17100  }
0x6: {  	s18 =	simm.s32 $0x17900;
	s19 =	simm.s32 $0x1;
	s20 =	simm.s32 $0x18100  }
0x7: {  	s21 =	simm.s32 $0x2;
	s3 =	sand.u32 $0x1, s3;
	s4 =	sshll.u32 s4, $0x1  }
0x8: {  	s22 =	simm.s32 $0x0;
	[smem:$0x7FF] =	sst s2;
	s6 =	sor.u32 s3, s4  }
0x9: {  	_ =	strace $0x80000047;
	s5 =	ssub.s32 $0x2, s3;
	s3 =	sadd.s32 $0x351600, s0  }
0xa: {  	s4 =	sshll.u32 s6, $0x4;
	s30 =	sshrl.u32 s5, $0x1;
	s8 =	smul.u32 $0xC000, s6  }
0xb: {  	s9 =	smul.u32 $0x1800, s6;
	s6 =	sadd.s32 $0x351700, s0;
	s7 =	sadd.s32 s4, s0  }
0xc: {  	v2 =	vlaneseq.u32;
	s10 =	ssub.s32 s5, s30;
	s4 =	sadd.s32 $0x9400, s7;
	s8 =	sshrl.u32 s8, $0x3  }
0xd: {  	vm0 =	vmmov $0xffff;
	v1 =	vshrl.u32 v2, $0x3;
	s5 =	sadd.s32 $0x9408, s7;
	s7 =	sadd.s32 $0x351800, s0;
	s31 =	sadd.s32 s1, s8  }
0xe: {  	v0 =	vand.u32 $0x7, v2;
	v2 =	vor.u32 $0x8, v2;
	v1 =	vmul.u32 $0x8, v1;
	s10 =	smax.u32 s10, $0x1;
	s8 =	sadd.s32 s1, s9;
	s9 =	sadd.s32 $0xC00, s31  }
.LBB2_1:
0xf: {  	[tilespmem:s2], [sflag:$0x3] =	stream.linear.gather [hbm4b:s4+s2], $0x40, $0x38;
	[tilespmem:$0x1E100] =	vst v63  }
0x10: {  	_ =	swait.ge [sflag:s11], $0x40  }
0x11: {  	[sflag:s11] =	ssyncset.done $0x0  }
0x12: {  	s0 =	simm.s32 $0x80;
	[sflag:s11] =	ssyncadd.s32 $0xFFFFFFC0  }
0x13: {  	[tilespmem:s0], [sflag:$0x3] =	stream.linear.gather [hbm4b:s5+s2], $0x40, $0x38;
	[tilespmem:$0x1E100] =	vst v63  }
0x14: {  	_ =	swait.ge [sflag:s11], $0x40  }
0x15: {  	[sflag:s11] =	ssyncset.done $0x0  }
0x16: {  	[sflag:s11] =	ssyncadd.s32 $0xFFFFFFC0  }
0x17: {  	v3 =	vld [tilespmem:$0x0];
	_ =	sdelay $0x4  }
0x18: {  	v4 =	vshrl.u32 v3, $0x3  }
0x19: {  	v4 =	vmul.u32 $0x30, v4  }
0x1a: {  	v3 =	vand.u32 $0x7, v3  }
0x1b: {  	v3 =	vor.u32 v3, v4  }
0x1c: {  	v4 =	vperm.xlane v3, v0;
	_ =	sdelay $0x1  }
0x1d: {  	v4 =	vadd.s32 v1, v4;
	_ =	sdelay $0x3  }
0x1e: {  	s26 =	simm.s32 $0x100;
	v3 =	vperm.xlane v3, v2  }
0x1f: {  	[tilespmem:s26], [sflag:$0x1] =	stream.indirect_vreg.gather [hbm4b:s3+s2], $0x80, v4, vm0, $0xb8;
	[tilespmem:$0x1E100] =	vst v63  }
0x20: {  	s28 =	simm.s32 $0x900;
	v3 =	vadd.s32 v1, v3  }
0x21: {  	[tilespmem:s28], [sflag:$0x1] =	stream.indirect_vreg.gather [hbm4b:s6+s2], $0x80, v4, vm0, $0xb8;
	[tilespmem:$0x1E100] =	vst v63  }
0x22: {  	s29 =	simm.s32 $0x1100  }
0x23: {  	[tilespmem:s29], [sflag:$0x1] =	stream.indirect_vreg.gather [hbm4b:s7+s2], $0x80, v4, vm0, $0xb8;
	[tilespmem:$0x1E100] =	vst v63  }
0x24: {  	s30 =	simm.s32 $0x1900  }
0x25: {  	[tilespmem:s30], [sflag:$0x1] =	stream.indirect_vreg.gather [hbm4b:s3+s2], $0x80, v3, vm0, $0xb8;
	[tilespmem:$0x1E100] =	vst v63  }
0x26: {  	s31 =	simm.s32 $0x2100  }
0x27: {  	[tilespmem:s31], [sflag:$0x1] =	stream.indirect_vreg.gather [hbm4b:s6+s2], $0x80, v3, vm0, $0xb8;
	[tilespmem:$0x1E100] =	vst v63  }
0x28: {  	s1 =	simm.s32 $0x2900  }
0x29: {  	[tilespmem:s1], [sflag:$0x1] =	stream.indirect_vreg.gather [hbm4b:s7+s2], $0x80, v3, vm0, $0xb8;
	[tilespmem:$0x1E100] =	vst v63  }
0x2a: {  	v3 =	vld [tilespmem:$0x10];
	_ =	sdelay $0x4  }
0x2b: {  	v57 =	vshrl.u32 v3, $0x3  }
0x2c: {  	v4 =	vmul.u32 $0x30, v57  }
0x2d: {  	v3 =	vand.u32 $0x7, v3  }
0x2e: {  	v3 =	vor.u32 v3, v4  }
0x2f: {  	v4 =	vperm.xlane v3, v0;
	_ =	sdelay $0x1  }
0x30: {  	v4 =	vadd.s32 v1, v4;
	_ =	sdelay $0x3  }
0x31: {  	s23 =	simm.s32 $0x3100;
	v3 =	vperm.xlane v3, v2  }
0x32: {  	[tilespmem:s23], [sflag:$0x1] =	stream.indirect_vreg.gather [hbm4b:s3+s2], $0x80, v4, vm0, $0xb8;
	[tilespmem:$0x1E100] =	vst v63  }
0x33: {  	s24 =	simm.s32 $0x3900;
	v3 =	vadd.s32 v1, v3  }
0x34: {  	[tilespmem:s24], [sflag:$0x1] =	stream.indirect_vreg.gather [hbm4b:s6+s2], $0x80, v4, vm0, $0xb8;
	[tilespmem:$0x1E100] =	vst v63  }
0x35: {  	s25 =	simm.s32 $0x4100  }
0x36: {  	[tilespmem:s25], [sflag:$0x1] =	stream.indirect_vreg.gather [hbm4b:s7+s2], $0x80, v4, vm0, $0xb8;
	[tilespmem:$0x1E100] =	vst v63  }
0x37: {  	s26 =	simm.s32 $0x4900  }
0x38: {  	[tilespmem:s26], [sflag:$0x1] =	stream.indirect_vreg.gather [hbm4b:s3+s2], $0x80, v3, vm0, $0xb8;
	[tilespmem:$0x1E100] =	vst v63  }
0x39: {  	s28 =	simm.s32 $0x5100  }
0x3a: {  	[tilespmem:s28], [sflag:$0x1] =	stream.indirect_vreg.gather [hbm4b:s6+s2], $0x80, v3, vm0, $0xb8;
	[tilespmem:$0x1E100] =	vst v63  }
0x3b: {  	s29 =	simm.s32 $0x5900  }
0x3c: {  	[tilespmem:s29], [sflag:$0x1] =	stream.indirect_vreg.gather [hbm4b:s7+s2], $0x80, v3, vm0, $0xb8;
	[tilespmem:$0x1E100] =	vst v63  }
0x3d: {  	v3 =	vld [tilespmem:$0x20];
	_ =	sdelay $0x4  }
0x3e: {  	v58 =	vshrl.u32 v3, $0x3  }
0x3f: {  	v4 =	vmul.u32 $0x30, v58  }
0x40: {  	v3 =	vand.u32 $0x7, v3  }
0x41: {  	v3 =	vor.u32 v3, v4  }
0x42: {  	v4 =	vperm.xlane v3, v0;
	_ =	sdelay $0x1  }
0x43: {  	v4 =	vadd.s32 v1, v4;
	_ =	sdelay $0x3  }
0x44: {  	s30 =	simm.s32 $0x6100;
	v3 =	vperm.xlane v3, v2  }
0x45: {  	[tilespmem:s30], [sflag:$0x1] =	stream.indirect_vreg.gather [hbm4b:s3+s2], $0x80, v4, vm0, $0xb8;
	[tilespmem:$0x1E100] =	vst v63  }
0x46: {  	s31 =	simm.s32 $0x6900;
	v3 =	vadd.s32 v1, v3  }
0x47: {  	[tilespmem:s31], [sflag:$0x1] =	stream.indirect_vreg.gather [hbm4b:s6+s2], $0x80, v4, vm0, $0xb8;
	[tilespmem:$0x1E100] =	vst v63  }
0x48: {  	s1 =	simm.s32 $0x7100  }
0x49: {  	[tilespmem:s1], [sflag:$0x1] =	stream.indirect_vreg.gather [hbm4b:s7+s2], $0x80, v4, vm0, $0xb8;
	[tilespmem:$0x1E100] =	vst v63  }
0x4a: {  	s23 =	simm.s32 $0x7900  }
0x4b: {  	[tilespmem:s23], [sflag:$0x1] =	stream.indirect_vreg.gather [hbm4b:s3+s2], $0x80, v3, vm0, $0xb8;
	[tilespmem:$0x1E100] =	vst v63  }
0x4c: {  	s24 =	simm.s32 $0x8100  }
0x4d: {  	[tilespmem:s24], [sflag:$0x1] =	stream.indirect_vreg.gather [hbm4b:s6+s2], $0x80, v3, vm0, $0xb8;
	[tilespmem:$0x1E100] =	vst v63  }
0x4e: {  	s25 =	simm.s32 $0x8900  }
0x4f: {  	[tilespmem:s25], [sflag:$0x1] =	stream.indirect_vreg.gather [hbm4b:s7+s2], $0x80, v3, vm0, $0xb8;
	[tilespmem:$0x1E100] =	vst v63  }
0x50: {  	v3 =	vld [tilespmem:$0x30];
	_ =	sdelay $0x4  }
0x51: {  	v59 =	vshrl.u32 v3, $0x3  }
0x52: {  	v4 =	vmul.u32 $0x30, v59  }
0x53: {  	v3 =	vand.u32 $0x7, v3  }
0x54: {  	v3 =	vor.u32 v3, v4  }
0x55: {  	v4 =	vperm.xlane v3, v0;
	_ =	sdelay $0x1  }
0x56: {  	v4 =	vadd.s32 v1, v4;
	_ =	sdelay $0x3  }
0x57: {  	s26 =	simm.s32 $0x9100;
	v3 =	vperm.xlane v3, v2  }
0x58: {  	[tilespmem:s26], [sflag:$0x1] =	stream.indirect_vreg.gather [hbm4b:s3+s2], $0x80, v4, vm0, $0xb8;
	[tilespmem:$0x1E100] =	vst v63  }
0x59: {  	s28 =	simm.s32 $0x9900;
	v3 =	vadd.s32 v1, v3  }
0x5a: {  	[tilespmem:s28], [sflag:$0x1] =	stream.indirect_vreg.gather [hbm4b:s6+s2], $0x80, v4, vm0, $0xb8;
	[tilespmem:$0x1E100] =	vst v63  }
0x5b: {  	s29 =	simm.s32 $0xA100  }
0x5c: {  	[tilespmem:s29], [sflag:$0x1] =	stream.indirect_vreg.gather [hbm4b:s7+s2], $0x80, v4, vm0, $0xb8;
	[tilespmem:$0x1E100] =	vst v63  }
0x5d: {  	s30 =	simm.s32 $0xA900  }
0x5e: {  	[tilespmem:s30], [sflag:$0x1] =	stream.indirect_vreg.gather [hbm4b:s3+s2], $0x80, v3, vm0, $0xb8;
	[tilespmem:$0x1E100] =	vst v63  }
0x5f: {  	s31 =	simm.s32 $0xB100  }
0x60: {  	[tilespmem:s31], [sflag:$0x1] =	stream.indirect_vreg.gather [hbm4b:s6+s2], $0x80, v3, vm0, $0xb8;
	[tilespmem:$0x1E100] =	vst v63  }
0x61: {  	s1 =	simm.s32 $0xB900  }
0x62: {  	[tilespmem:s1], [sflag:$0x1] =	stream.indirect_vreg.gather [hbm4b:s7+s2], $0x80, v3, vm0, $0xb8;
	[tilespmem:$0x1E100] =	vst v63  }
0x63: {  	v3 =	vld [tilespmem:$0x80];
	_ =	sdelay $0x4  }
0x64: {  	v60 =	vshrl.u32 v3, $0x3  }
0x65: {  	v4 =	vmul.u32 $0x30, v60  }
0x66: {  	v3 =	vand.u32 $0x7, v3  }
0x67: {  	v3 =	vor.u32 v3, v4  }
0x68: {  	v4 =	vperm.xlane v3, v0;
	_ =	sdelay $0x1  }
0x69: {  	v4 =	vadd.s32 v1, v4;
	_ =	sdelay $0x3  }
0x6a: {  	s23 =	simm.s32 $0xC100;
	v3 =	vperm.xlane v3, v2  }
0x6b: {  	[tilespmem:s23], [sflag:$0x2] =	stream.indirect_vreg.gather [hbm4b:s3+s2], $0x80, v4, vm0, $0xb8;
	[tilespmem:$0x1E100] =	vst v63  }
0x6c: {  	s24 =	simm.s32 $0xC900;
	v3 =	vadd.s32 v1, v3  }
0x6d: {  	[tilespmem:s24], [sflag:$0x2] =	stream.indirect_vreg.gather [hbm4b:s6+s2], $0x80, v4, vm0, $0xb8;
	[tilespmem:$0x1E100] =	vst v63  }
0x6e: {  	s25 =	simm.s32 $0xD100  }
0x6f: {  	[tilespmem:s25], [sflag:$0x2] =	stream.indirect_vreg.gather [hbm4b:s7+s2], $0x80, v4, vm0, $0xb8;
	[tilespmem:$0x1E100] =	vst v63  }
0x70: {  	s26 =	simm.s32 $0xD900  }
0x71: {  	[tilespmem:s26], [sflag:$0x2] =	stream.indirect_vreg.gather [hbm4b:s3+s2], $0x80, v3, vm0, $0xb8;
	[tilespmem:$0x1E100] =	vst v63  }
0x72: {  	s28 =	simm.s32 $0xE100  }
0x73: {  	[tilespmem:s28], [sflag:$0x2] =	stream.indirect_vreg.gather [hbm4b:s6+s2], $0x80, v3, vm0, $0xb8;
	[tilespmem:$0x1E100] =	vst v63  }
0x74: {  	s29 =	simm.s32 $0xE900  }
0x75: {  	[tilespmem:s29], [sflag:$0x2] =	stream.indirect_vreg.gather [hbm4b:s7+s2], $0x80, v3, vm0, $0xb8;
	[tilespmem:$0x1E100] =	vst v63  }
0x76: {  	v3 =	vld [tilespmem:$0x90];
	_ =	sdelay $0x4  }
0x77: {  	v61 =	vshrl.u32 v3, $0x3  }
0x78: {  	v4 =	vmul.u32 $0x30, v61  }
0x79: {  	v3 =	vand.u32 $0x7, v3  }
0x7a: {  	v3 =	vor.u32 v3, v4  }
0x7b: {  	v4 =	vperm.xlane v3, v0;
	_ =	sdelay $0x1  }
0x7c: {  	v4 =	vadd.s32 v1, v4;
	_ =	sdelay $0x3  }
0x7d: {  	s30 =	simm.s32 $0xF100;
	v3 =	vperm.xlane v3, v2  }
0x7e: {  	[tilespmem:s30], [sflag:$0x2] =	stream.indirect_vreg.gather [hbm4b:s3+s2], $0x80, v4, vm0, $0xb8;
	[tilespmem:$0x1E100] =	vst v63  }
0x7f: {  	s31 =	simm.s32 $0xF900;
	v3 =	vadd.s32 v1, v3  }
0x80: {  	[tilespmem:s31], [sflag:$0x2] =	stream.indirect_vreg.gather [hbm4b:s6+s2], $0x80, v4, vm0, $0xb8;
	[tilespmem:$0x1E100] =	vst v63  }
0x81: {  	s1 =	simm.s32 $0x10100  }
0x82: {  	[tilespmem:s1], [sflag:$0x2] =	stream.indirect_vreg.gather [hbm4b:s7+s2], $0x80, v4, vm0, $0xb8;
	[tilespmem:$0x1E100] =	vst v63  }
0x83: {  	s23 =	simm.s32 $0x10900  }
0x84: {  	[tilespmem:s23], [sflag:$0x2] =	stream.indirect_vreg.gather [hbm4b:s3+s2], $0x80, v3, vm0, $0xb8;
	[tilespmem:$0x1E100] =	vst v63  }
0x85: {  	s24 =	simm.s32 $0x11100  }
0x86: {  	[tilespmem:s24], [sflag:$0x2] =	stream.indirect_vreg.gather [hbm4b:s6+s2], $0x80, v3, vm0, $0xb8;
	[tilespmem:$0x1E100] =	vst v63  }
0x87: {  	s25 =	simm.s32 $0x11900  }
0x88: {  	[tilespmem:s25], [sflag:$0x2] =	stream.indirect_vreg.gather [hbm4b:s7+s2], $0x80, v3, vm0, $0xb8;
	[tilespmem:$0x1E100] =	vst v63  }
0x89: {  	v3 =	vld [tilespmem:$0xA0];
	_ =	sdelay $0x4  }
0x8a: {  	v62 =	vshrl.u32 v3, $0x3  }
0x8b: {  	v4 =	vmul.u32 $0x30, v62  }
0x8c: {  	v3 =	vand.u32 $0x7, v3  }
0x8d: {  	v3 =	vor.u32 v3, v4  }
0x8e: {  	v4 =	vperm.xlane v3, v0;
	_ =	sdelay $0x1  }
0x8f: {  	v4 =	vadd.s32 v1, v4;
	_ =	sdelay $0x3  }
0x90: {  	s26 =	simm.s32 $0x12100;
	v3 =	vperm.xlane v3, v2  }
0x91: {  	[tilespmem:s26], [sflag:$0x2] =	stream.indirect_vreg.gather [hbm4b:s3+s2], $0x80, v4, vm0, $0xb8;
	[tilespmem:$0x1E100] =	vst v63  }
0x92: {  	s28 =	simm.s32 $0x12900;
	v3 =	vadd.s32 v1, v3  }
0x93: {  	[tilespmem:s28], [sflag:$0x2] =	stream.indirect_vreg.gather [hbm4b:s6+s2], $0x80, v4, vm0, $0xb8;
	[tilespmem:$0x1E100] =	vst v63  }
0x94: {  	s29 =	simm.s32 $0x13100  }
0x95: {  	[tilespmem:s29], [sflag:$0x2] =	stream.indirect_vreg.gather [hbm4b:s7+s2], $0x80, v4, vm0, $0xb8;
	[tilespmem:$0x1E100] =	vst v63  }
0x96: {  	s30 =	simm.s32 $0x13900  }
0x97: {  	[tilespmem:s30], [sflag:$0x2] =	stream.indirect_vreg.gather [hbm4b:s3+s2], $0x80, v3, vm0, $0xb8;
	[tilespmem:$0x1E100] =	vst v63  }
0x98: {  	s31 =	simm.s32 $0x14100  }
0x99: {  	[tilespmem:s31], [sflag:$0x2] =	stream.indirect_vreg.gather [hbm4b:s6+s2], $0x80, v3, vm0, $0xb8;
	[tilespmem:$0x1E100] =	vst v63  }
0x9a: {  	_ = 	snop  }
0x9b: {  	[tilespmem:s12], [sflag:$0x2] =	stream.indirect_vreg.gather [hbm4b:s7+s2], $0x80, v3, vm0, $0xb8;
	[tilespmem:$0x1E100] =	vst v63  }
0x9c: {  	v3 =	vld [tilespmem:$0xB0];
	_ =	sdelay $0x4  }
0x9d: {  	v63 =	vshrl.u32 v3, $0x3  }
0x9e: {  	v4 =	vmul.u32 $0x30, v63  }
0x9f: {  	v3 =	vand.u32 $0x7, v3  }
0xa0: {  	v3 =	vor.u32 v3, v4  }
0xa1: {  	v4 =	vperm.xlane v3, v0;
	_ =	sdelay $0x1  }
0xa2: {  	v4 =	vadd.s32 v1, v4;
	_ =	sdelay $0x3  }
0xa3: {  	v3 =	vperm.xlane v3, v2  }
0xa4: {  	[tilespmem:s13], [sflag:$0x2] =	stream.indirect_vreg.gather [hbm4b:s3+s2], $0x80, v4, vm0, $0xb8;
	[tilespmem:$0x1E100] =	vst v63  }
0xa5: {  	v3 =	vadd.s32 v1, v3  }
0xa6: {  	[tilespmem:s14], [sflag:$0x2] =	stream.indirect_vreg.gather [hbm4b:s6+s2], $0x80, v4, vm0, $0xb8;
	[tilespmem:$0x1E100] =	vst v63  }
0xa7: {  	_ = 	snop  }
0xa8: {  	[tilespmem:s15], [sflag:$0x2] =	stream.indirect_vreg.gather [hbm4b:s7+s2], $0x80, v4, vm0, $0xb8;
	[tilespmem:$0x1E100] =	vst v63  }
0xa9: {  	_ = 	snop  }
0xaa: {  	[tilespmem:s16], [sflag:$0x2] =	stream.indirect_vreg.gather [hbm4b:s3+s2], $0x80, v3, vm0, $0xb8;
	[tilespmem:$0x1E100] =	vst v63  }
0xab: {  	_ = 	snop  }
0xac: {  	[tilespmem:s17], [sflag:$0x2] =	stream.indirect_vreg.gather [hbm4b:s6+s2], $0x80, v3, vm0, $0xb8;
	[tilespmem:$0x1E100] =	vst v63  }
0xad: {  	_ = 	snop  }
0xae: {  	[tilespmem:s18], [sflag:$0x2] =	stream.indirect_vreg.gather [hbm4b:s7+s2], $0x80, v3, vm0, $0xb8;
	[tilespmem:$0x1E100] =	vst v63  }
0xaf: {  	_ =	swait.ge [sflag:s19], $0xC000  }
0xb0: {  	s23 =	simm.s32 $0x0;
	[sflag:s19] =	ssyncset.done $0x0  }
0xb1: {  	s24 =	simm.s32 $0x0;
	s25 =	simm.s32 $0x0;
	[sflag:s19] =	ssyncadd.s32 $0xFFFF4000  }
.LBB2_2:
0xb2: {  	s0 =	sshrl.u32 s25, $0x2  }
0xb3: {  	s0 =	smul.u32 $0x6000, s0;
	_ =	sdelay $0x1  }
0xb4: {  	s28 =	sshra.s32 s0, $0x2  }
0xb5: {  	s26 =	sand.u32 $0x300, s23;
	s0 =	sor.u32 $0x100, s28  }
0xb6: {  	s29 =	sor.u32 $0x80, s26;
	s31 =	sadd.s32 s26, s0  }
0xb7: {  	s0 =	sadd.s32 s29, s0;
	v3 =	vld [tilespmem:s31+$0x0]  }
0xb8: {  	v4 =	vld [tilespmem:s0+$0x0];
	_ =	sdelay $0x1  }
0xb9: {  	s30 =	sshrl.u32 s25, $0x3  }
0xba: {  	s30 =	smul.u32 $0x6000, s30;
	_ =	sdelay $0x1  }
0xbb: {  	s1 =	sand.u32 $0x380, s24;
	s30 =	sshra.s32 s30, $0x2;
	v3 =	vadd.f32 v4, v3  }
0xbc: {  	s30 =	sor.u32 s1, s30  }
0xbd: {  	[tilespmem:s30+$0x18100] =	vst v3  }
0xbe: {  	v3 =	vld [tilespmem:s31+$0x10]  }
0xbf: {  	v17 =	vld [tilespmem:s0+$0x10];
	_ =	sdelay $0x4  }
0xc0: {  	v3 =	vadd.f32 v17, v3  }
0xc1: {  	s1 =	sadd.s32 $0x18100, s30  }
0xc2: {  	[tilespmem:s1+$0x10] =	vst v3  }
0xc3: {  	v3 =	vld [tilespmem:s31+$0x20]  }
0xc4: {  	v18 =	vld [tilespmem:s0+$0x20];
	_ =	sdelay $0x4  }
0xc5: {  	v3 =	vadd.f32 v18, v3;
	_ =	sdelay $0x1  }
0xc6: {  	[tilespmem:s1+$0x20] =	vst v3  }
0xc7: {  	v3 =	vld [tilespmem:s31+$0x30]  }
0xc8: {  	v19 =	vld [tilespmem:s0+$0x30];
	_ =	sdelay $0x4  }
0xc9: {  	v3 =	vadd.f32 v19, v3;
	_ =	sdelay $0x1  }
0xca: {  	[tilespmem:s1+$0x30] =	vst v3  }
0xcb: {  	v3 =	vld [tilespmem:s31+$0x40]  }
0xcc: {  	v20 =	vld [tilespmem:s0+$0x40];
	_ =	sdelay $0x4  }
0xcd: {  	v3 =	vadd.f32 v20, v3;
	_ =	sdelay $0x1  }
0xce: {  	[tilespmem:s1+$0x40] =	vst v3  }
0xcf: {  	v3 =	vld [tilespmem:s31+$0x50]  }
0xd0: {  	v21 =	vld [tilespmem:s0+$0x50];
	_ =	sdelay $0x4  }
0xd1: {  	v3 =	vadd.f32 v21, v3;
	_ =	sdelay $0x1  }
0xd2: {  	[tilespmem:s1+$0x50] =	vst v3  }
0xd3: {  	v3 =	vld [tilespmem:s31+$0x60]  }
0xd4: {  	v22 =	vld [tilespmem:s0+$0x60];
	_ =	sdelay $0x4  }
0xd5: {  	v3 =	vadd.f32 v22, v3;
	_ =	sdelay $0x1  }
0xd6: {  	[tilespmem:s1+$0x60] =	vst v3  }
0xd7: {  	v3 =	vld [tilespmem:s31+$0x70]  }
0xd8: {  	v23 =	vld [tilespmem:s0+$0x70];
	_ =	sdelay $0x4  }
0xd9: {  	v3 =	vadd.f32 v23, v3;
	_ =	sdelay $0x1  }
0xda: {  	[tilespmem:s1+$0x70] =	vst v3  }
0xdb: {  	v3 =	vld [tilespmem:s31+$0x400]  }
0xdc: {  	v24 =	vld [tilespmem:s0+$0x400];
	_ =	sdelay $0x4  }
0xdd: {  	v3 =	vadd.f32 v24, v3;
	_ =	sdelay $0x1  }
0xde: {  	[tilespmem:s1+$0x400] =	vst v3  }
0xdf: {  	v3 =	vld [tilespmem:s31+$0x410]  }
0xe0: {  	v25 =	vld [tilespmem:s0+$0x410];
	_ =	sdelay $0x4  }
0xe1: {  	v3 =	vadd.f32 v25, v3;
	_ =	sdelay $0x1  }
0xe2: {  	[tilespmem:s1+$0x410] =	vst v3  }
0xe3: {  	v3 =	vld [tilespmem:s31+$0x420]  }
0xe4: {  	v26 =	vld [tilespmem:s0+$0x420];
	_ =	sdelay $0x4  }
0xe5: {  	v3 =	vadd.f32 v26, v3;
	_ =	sdelay $0x1  }
0xe6: {  	[tilespmem:s1+$0x420] =	vst v3  }
0xe7: {  	v3 =	vld [tilespmem:s31+$0x430]  }
0xe8: {  	v27 =	vld [tilespmem:s0+$0x430];
	_ =	sdelay $0x4  }
0xe9: {  	v3 =	vadd.f32 v27, v3;
	_ =	sdelay $0x1  }
0xea: {  	[tilespmem:s1+$0x430] =	vst v3  }
0xeb: {  	v3 =	vld [tilespmem:s31+$0x440]  }
0xec: {  	v28 =	vld [tilespmem:s0+$0x440];
	_ =	sdelay $0x4  }
0xed: {  	v3 =	vadd.f32 v28, v3;
	_ =	sdelay $0x1  }
0xee: {  	[tilespmem:s1+$0x440] =	vst v3  }
0xef: {  	v3 =	vld [tilespmem:s31+$0x450]  }
0xf0: {  	v29 =	vld [tilespmem:s0+$0x450];
	_ =	sdelay $0x4  }
0xf1: {  	v3 =	vadd.f32 v29, v3;
	_ =	sdelay $0x1  }
0xf2: {  	[tilespmem:s1+$0x450] =	vst v3  }
0xf3: {  	v3 =	vld [tilespmem:s31+$0x460]  }
0xf4: {  	v30 =	vld [tilespmem:s0+$0x460];
	_ =	sdelay $0x4  }
0xf5: {  	v3 =	vadd.f32 v30, v3;
	_ =	sdelay $0x1  }
0xf6: {  	[tilespmem:s1+$0x460] =	vst v3  }
0xf7: {  	v3 =	vld [tilespmem:s31+$0x470]  }
0xf8: {  	v31 =	vld [tilespmem:s0+$0x470];
	_ =	sdelay $0x4  }
0xf9: {  	v3 =	vadd.f32 v31, v3  }
0xfa: {  	s31 =	sadd.s32 $0x900, s28  }
0xfb: {  	[tilespmem:s1+$0x470] =	vst v3;
	s1 =	sadd.s32 s26, s31  }
0xfc: {  	s0 =	sadd.s32 s29, s31;
	v3 =	vld [tilespmem:s1+$0x0]  }
0xfd: {  	v32 =	vld [tilespmem:s0+$0x0];
	_ =	sdelay $0x4  }
0xfe: {  	v3 =	vadd.f32 v32, v3;
	_ =	sdelay $0x1  }
0xff: {  	[tilespmem:s30+$0x18900] =	vst v3  }
0x100: {  	v3 =	vld [tilespmem:s1+$0x10]  }
0x101: {  	v33 =	vld [tilespmem:s0+$0x10];
	_ =	sdelay $0x4  }
0x102: {  	v3 =	vadd.f32 v33, v3  }
0x103: {  	s31 =	sadd.s32 $0x18900, s30  }
0x104: {  	[tilespmem:s31+$0x10] =	vst v3  }
0x105: {  	v3 =	vld [tilespmem:s1+$0x20]  }
0x106: {  	v34 =	vld [tilespmem:s0+$0x20];
	_ =	sdelay $0x4  }
0x107: {  	v3 =	vadd.f32 v34, v3;
	_ =	sdelay $0x1  }
0x108: {  	[tilespmem:s31+$0x20] =	vst v3  }
0x109: {  	v3 =	vld [tilespmem:s1+$0x30]  }
0x10a: {  	v35 =	vld [tilespmem:s0+$0x30];
	_ =	sdelay $0x4  }
0x10b: {  	v3 =	vadd.f32 v35, v3;
	_ =	sdelay $0x1  }
0x10c: {  	[tilespmem:s31+$0x30] =	vst v3  }
0x10d: {  	v3 =	vld [tilespmem:s1+$0x40]  }
0x10e: {  	v36 =	vld [tilespmem:s0+$0x40];
	_ =	sdelay $0x4  }
0x10f: {  	v3 =	vadd.f32 v36, v3;
	_ =	sdelay $0x1  }
0x110: {  	[tilespmem:s31+$0x40] =	vst v3  }
0x111: {  	v3 =	vld [tilespmem:s1+$0x50]  }
0x112: {  	v37 =	vld [tilespmem:s0+$0x50];
	_ =	sdelay $0x4  }
0x113: {  	v3 =	vadd.f32 v37, v3;
	_ =	sdelay $0x1  }
0x114: {  	[tilespmem:s31+$0x50] =	vst v3  }
0x115: {  	v3 =	vld [tilespmem:s1+$0x60]  }
0x116: {  	v38 =	vld [tilespmem:s0+$0x60];
	_ =	sdelay $0x4  }
0x117: {  	v3 =	vadd.f32 v38, v3;
	_ =	sdelay $0x1  }
0x118: {  	[tilespmem:s31+$0x60] =	vst v3  }
0x119: {  	v3 =	vld [tilespmem:s1+$0x70]  }
0x11a: {  	v39 =	vld [tilespmem:s0+$0x70];
	_ =	sdelay $0x4  }
0x11b: {  	v3 =	vadd.f32 v39, v3  }
0x11c: {  	s0 =	sadd.s32 $0xD00, s28  }
0x11d: {  	s1 =	sadd.s32 s26, s0;
	[tilespmem:s31+$0x70] =	vst v3  }
0x11e: {  	s0 =	sadd.s32 s29, s0;
	v3 =	vld [tilespmem:s1+$0x0]  }
0x11f: {  	v40 =	vld [tilespmem:s0+$0x0];
	_ =	sdelay $0x4  }
0x120: {  	v3 =	vadd.f32 v40, v3;
	_ =	sdelay $0x1  }
0x121: {  	[tilespmem:s30+$0x18D00] =	vst v3  }
0x122: {  	v3 =	vld [tilespmem:s1+$0x10]  }
0x123: {  	v41 =	vld [tilespmem:s0+$0x10];
	_ =	sdelay $0x4  }
0x124: {  	v3 =	vadd.f32 v41, v3  }
0x125: {  	s31 =	sadd.s32 $0x18D00, s30  }
0x126: {  	[tilespmem:s31+$0x10] =	vst v3  }
0x127: {  	v3 =	vld [tilespmem:s1+$0x20]  }
0x128: {  	v42 =	vld [tilespmem:s0+$0x20];
	_ =	sdelay $0x4  }
0x129: {  	v3 =	vadd.f32 v42, v3;
	_ =	sdelay $0x1  }
0x12a: {  	[tilespmem:s31+$0x20] =	vst v3  }
0x12b: {  	v3 =	vld [tilespmem:s1+$0x30]  }
0x12c: {  	v43 =	vld [tilespmem:s0+$0x30];
	_ =	sdelay $0x4  }
0x12d: {  	v3 =	vadd.f32 v43, v3;
	_ =	sdelay $0x1  }
0x12e: {  	[tilespmem:s31+$0x30] =	vst v3  }
0x12f: {  	v3 =	vld [tilespmem:s1+$0x40]  }
0x130: {  	v44 =	vld [tilespmem:s0+$0x40];
	_ =	sdelay $0x4  }
0x131: {  	v3 =	vadd.f32 v44, v3;
	_ =	sdelay $0x1  }
0x132: {  	[tilespmem:s31+$0x40] =	vst v3  }
0x133: {  	v3 =	vld [tilespmem:s1+$0x50]  }
0x134: {  	v45 =	vld [tilespmem:s0+$0x50];
	_ =	sdelay $0x4  }
0x135: {  	v3 =	vadd.f32 v45, v3;
	_ =	sdelay $0x1  }
0x136: {  	[tilespmem:s31+$0x50] =	vst v3  }
0x137: {  	v3 =	vld [tilespmem:s1+$0x60]  }
0x138: {  	v46 =	vld [tilespmem:s0+$0x60];
	_ =	sdelay $0x4  }
0x139: {  	v3 =	vadd.f32 v46, v3;
	_ =	sdelay $0x1  }
0x13a: {  	[tilespmem:s31+$0x60] =	vst v3  }
0x13b: {  	v3 =	vld [tilespmem:s1+$0x70]  }
0x13c: {  	v47 =	vld [tilespmem:s0+$0x70];
	_ =	sdelay $0x4  }
0x13d: {  	v3 =	vadd.f32 v47, v3  }
0x13e: {  	s0 =	sadd.s32 $0x1100, s28  }
0x13f: {  	s1 =	sadd.s32 s26, s0;
	[tilespmem:s31+$0x70] =	vst v3  }
0x140: {  	s0 =	sadd.s32 s29, s0;
	v3 =	vld [tilespmem:s1+$0x0]  }
0x141: {  	v48 =	vld [tilespmem:s0+$0x0];
	_ =	sdelay $0x4  }
0x142: {  	v3 =	vadd.f32 v48, v3;
	_ =	sdelay $0x1  }
0x143: {  	[tilespmem:s30+$0x19100] =	vst v3  }
0x144: {  	v3 =	vld [tilespmem:s1+$0x10]  }
0x145: {  	v49 =	vld [tilespmem:s0+$0x10];
	_ =	sdelay $0x4  }
0x146: {  	v3 =	vadd.f32 v49, v3  }
0x147: {  	s31 =	sadd.s32 $0x19100, s30  }
0x148: {  	[tilespmem:s31+$0x10] =	vst v3  }
0x149: {  	v3 =	vld [tilespmem:s1+$0x20]  }
0x14a: {  	v50 =	vld [tilespmem:s0+$0x20];
	_ =	sdelay $0x4  }
0x14b: {  	v3 =	vadd.f32 v50, v3;
	_ =	sdelay $0x1  }
0x14c: {  	[tilespmem:s31+$0x20] =	vst v3  }
0x14d: {  	v3 =	vld [tilespmem:s1+$0x30]  }
0x14e: {  	v51 =	vld [tilespmem:s0+$0x30];
	_ =	sdelay $0x4  }
0x14f: {  	v3 =	vadd.f32 v51, v3;
	_ =	sdelay $0x1  }
0x150: {  	[tilespmem:s31+$0x30] =	vst v3  }
0x151: {  	v3 =	vld [tilespmem:s1+$0x40]  }
0x152: {  	v52 =	vld [tilespmem:s0+$0x40];
	_ =	sdelay $0x4  }
0x153: {  	v3 =	vadd.f32 v52, v3;
	_ =	sdelay $0x1  }
0x154: {  	[tilespmem:s31+$0x40] =	vst v3  }
0x155: {  	v3 =	vld [tilespmem:s1+$0x50]  }
0x156: {  	v53 =	vld [tilespmem:s0+$0x50];
	_ =	sdelay $0x4  }
0x157: {  	v3 =	vadd.f32 v53, v3;
	_ =	sdelay $0x1  }
0x158: {  	[tilespmem:s31+$0x50] =	vst v3  }
0x159: {  	v3 =	vld [tilespmem:s1+$0x60]  }
0x15a: {  	v54 =	vld [tilespmem:s0+$0x60];
	_ =	sdelay $0x4  }
0x15b: {  	v3 =	vadd.f32 v54, v3;
	_ =	sdelay $0x1  }
0x15c: {  	[tilespmem:s31+$0x60] =	vst v3  }
0x15d: {  	v3 =	vld [tilespmem:s1+$0x70]  }
0x15e: {  	v55 =	vld [tilespmem:s0+$0x70];
	_ =	sdelay $0x4  }
0x15f: {  	v3 =	vadd.f32 v55, v3  }
0x160: {  	s1 =	sadd.s32 $0x1500, s28  }
0x161: {  	s28 =	sadd.s32 s26, s1;
	[tilespmem:s31+$0x70] =	vst v3  }
0x162: {  	s0 =	sadd.s32 s29, s1;
	v3 =	vld [tilespmem:s28+$0x0]  }
0x163: {  	v56 =	vld [tilespmem:s0+$0x0];
	_ =	sdelay $0x4  }
0x164: {  	v3 =	vadd.f32 v56, v3;
	_ =	sdelay $0x1  }
0x165: {  	[tilespmem:s30+$0x19500] =	vst v3  }
0x166: {  	v3 =	vld [tilespmem:s28+$0x10]  }
0x167: {  	v57 =	vld [tilespmem:s0+$0x10];
	_ =	sdelay $0x4  }
0x168: {  	v3 =	vadd.f32 v57, v3  }
0x169: {  	s31 =	sadd.s32 $0x19500, s30  }
0x16a: {  	[tilespmem:s31+$0x10] =	vst v3  }
0x16b: {  	v3 =	vld [tilespmem:s28+$0x20]  }
0x16c: {  	v58 =	vld [tilespmem:s0+$0x20];
	_ =	sdelay $0x4  }
0x16d: {  	v3 =	vadd.f32 v58, v3;
	_ =	sdelay $0x1  }
0x16e: {  	[tilespmem:s31+$0x20] =	vst v3  }
0x16f: {  	v3 =	vld [tilespmem:s28+$0x30]  }
0x170: {  	v59 =	vld [tilespmem:s0+$0x30];
	_ =	sdelay $0x4  }
0x171: {  	v3 =	vadd.f32 v59, v3;
	_ =	sdelay $0x1  }
0x172: {  	[tilespmem:s31+$0x30] =	vst v3  }
0x173: {  	v3 =	vld [tilespmem:s28+$0x40]  }
0x174: {  	v60 =	vld [tilespmem:s0+$0x40];
	_ =	sdelay $0x4  }
0x175: {  	v3 =	vadd.f32 v60, v3;
	_ =	sdelay $0x1  }
0x176: {  	[tilespmem:s31+$0x40] =	vst v3  }
0x177: {  	v3 =	vld [tilespmem:s28+$0x50]  }
0x178: {  	v61 =	vld [tilespmem:s0+$0x50];
	_ =	sdelay $0x4  }
0x179: {  	v3 =	vadd.f32 v61, v3;
	_ =	sdelay $0x1  }
0x17a: {  	[tilespmem:s31+$0x50] =	vst v3  }
0x17b: {  	v3 =	vld [tilespmem:s28+$0x60]  }
0x17c: {  	v62 =	vld [tilespmem:s0+$0x60];
	_ =	sdelay $0x4  }
0x17d: {  	v3 =	vadd.f32 v62, v3;
	_ =	sdelay $0x1  }
0x17e: {  	[tilespmem:s31+$0x60] =	vst v3  }
0x17f: {  	v3 =	vld [tilespmem:s28+$0x70]  }
0x180: {  	v63 =	vld [tilespmem:s0+$0x70];
	_ =	sdelay $0x1  }
0x181: {  	p0 =	sne.s32 s25, $0x1F  }
.Ltmp0:
0x182: {  	_ = 	snop;
	(pc) =	sbr.rel @p0 .LBB2_2-.Ltmp0, $3  }
0x183: {  	_ = 	snop  }
0x184: {  	v3 =	vadd.f32 v63, v3;
	_ =	sdelay $0x1  }
0x185: {  	s24 =	sadd.s32 $0x80, s24;
	s23 =	sadd.s32 $0x100, s23;
	s25 =	sadd.s32 $0x1, s25;
	[tilespmem:s31+$0x70] =	vst v3  }
0x186: {  	s23 =	simm.s32 $0x0  }
0x187: {  	[hbm4b:s8+s23] =	stream.linear.scatter [tilespmem:s20], [sflag:$0x3], $0x6000, $0x38;
	[tilespmem:$0x1E100] =	vst v63  }
0x188: {  	_ =	swait.ge [sflag:s11], $0x6000  }
0x189: {  	[sflag:s11] =	ssyncset.done $0x0  }
0x18a: {  	[sflag:s11] =	ssyncadd.s32 $0xFFFFA000  }
0x18b: {  	_ =	swait.ge [sflag:s21], $0xC000  }
0x18c: {  	[sflag:s21] =	ssyncset.done $0x0  }
0x18d: {  	s24 =	simm.s32 $0x0;
	s25 =	simm.s32 $0x0;
	[sflag:s21] =	ssyncadd.s32 $0xFFFF4000  }
.LBB2_4:
0x18e: {  	s0 =	sshrl.u32 s25, $0x2  }
0x18f: {  	s0 =	smul.u32 $0x6000, s0;
	_ =	sdelay $0x1  }
0x190: {  	s28 =	sshra.s32 s0, $0x2  }
0x191: {  	s26 =	sand.u32 $0x300, s23;
	s0 =	sadd.s32 $0xC100, s28  }
0x192: {  	s29 =	sor.u32 $0x80, s26;
	s31 =	sadd.s32 s26, s0  }
0x193: {  	s0 =	sadd.s32 s29, s0;
	v3 =	vld [tilespmem:s31+$0x0]  }
0x194: {  	v4 =	vld [tilespmem:s0+$0x0];
	_ =	sdelay $0x1  }
0x195: {  	s1 =	sshrl.u32 s25, $0x3  }
0x196: {  	s1 =	smul.u32 $0x6000, s1;
	_ =	sdelay $0x1  }
0x197: {  	s30 =	sand.u32 $0x380, s24;
	s1 =	sshra.s32 s1, $0x2;
	v3 =	vadd.f32 v4, v3  }
0x198: {  	s30 =	sor.u32 s30, s1  }
0x199: {  	[tilespmem:s30+$0x18100] =	vst v3  }
0x19a: {  	v3 =	vld [tilespmem:s31+$0x10]  }
0x19b: {  	v17 =	vld [tilespmem:s0+$0x10];
	_ =	sdelay $0x4  }
0x19c: {  	v3 =	vadd.f32 v17, v3  }
0x19d: {  	s1 =	sadd.s32 $0x18100, s30  }
0x19e: {  	[tilespmem:s1+$0x10] =	vst v3  }
0x19f: {  	v3 =	vld [tilespmem:s31+$0x20]  }
0x1a0: {  	v18 =	vld [tilespmem:s0+$0x20];
	_ =	sdelay $0x4  }
0x1a1: {  	v3 =	vadd.f32 v18, v3;
	_ =	sdelay $0x1  }
0x1a2: {  	[tilespmem:s1+$0x20] =	vst v3  }
0x1a3: {  	v3 =	vld [tilespmem:s31+$0x30]  }
0x1a4: {  	v19 =	vld [tilespmem:s0+$0x30];
	_ =	sdelay $0x4  }
0x1a5: {  	v3 =	vadd.f32 v19, v3;
	_ =	sdelay $0x1  }
0x1a6: {  	[tilespmem:s1+$0x30] =	vst v3  }
0x1a7: {  	v3 =	vld [tilespmem:s31+$0x40]  }
0x1a8: {  	v20 =	vld [tilespmem:s0+$0x40];
	_ =	sdelay $0x4  }
0x1a9: {  	v3 =	vadd.f32 v20, v3;
	_ =	sdelay $0x1  }
0x1aa: {  	[tilespmem:s1+$0x40] =	vst v3  }
0x1ab: {  	v3 =	vld [tilespmem:s31+$0x50]  }
0x1ac: {  	v21 =	vld [tilespmem:s0+$0x50];
	_ =	sdelay $0x4  }
0x1ad: {  	v3 =	vadd.f32 v21, v3;
	_ =	sdelay $0x1  }
0x1ae: {  	[tilespmem:s1+$0x50] =	vst v3  }
0x1af: {  	v3 =	vld [tilespmem:s31+$0x60]  }
0x1b0: {  	v22 =	vld [tilespmem:s0+$0x60];
	_ =	sdelay $0x4  }
0x1b1: {  	v3 =	vadd.f32 v22, v3;
	_ =	sdelay $0x1  }
0x1b2: {  	[tilespmem:s1+$0x60] =	vst v3  }
0x1b3: {  	v3 =	vld [tilespmem:s31+$0x70]  }
0x1b4: {  	v23 =	vld [tilespmem:s0+$0x70];
	_ =	sdelay $0x4  }
0x1b5: {  	v3 =	vadd.f32 v23, v3;
	_ =	sdelay $0x1  }
0x1b6: {  	[tilespmem:s1+$0x70] =	vst v3  }
0x1b7: {  	v3 =	vld [tilespmem:s31+$0x400]  }
0x1b8: {  	v24 =	vld [tilespmem:s0+$0x400];
	_ =	sdelay $0x4  }
0x1b9: {  	v3 =	vadd.f32 v24, v3;
	_ =	sdelay $0x1  }
0x1ba: {  	[tilespmem:s1+$0x400] =	vst v3  }
0x1bb: {  	v3 =	vld [tilespmem:s31+$0x410]  }
0x1bc: {  	v25 =	vld [tilespmem:s0+$0x410];
	_ =	sdelay $0x4  }
0x1bd: {  	v3 =	vadd.f32 v25, v3;
	_ =	sdelay $0x1  }
0x1be: {  	[tilespmem:s1+$0x410] =	vst v3  }
0x1bf: {  	v3 =	vld [tilespmem:s31+$0x420]  }
0x1c0: {  	v26 =	vld [tilespmem:s0+$0x420];
	_ =	sdelay $0x4  }
0x1c1: {  	v3 =	vadd.f32 v26, v3;
	_ =	sdelay $0x1  }
0x1c2: {  	[tilespmem:s1+$0x420] =	vst v3  }
0x1c3: {  	v3 =	vld [tilespmem:s31+$0x430]  }
0x1c4: {  	v27 =	vld [tilespmem:s0+$0x430];
	_ =	sdelay $0x4  }
0x1c5: {  	v3 =	vadd.f32 v27, v3;
	_ =	sdelay $0x1  }
0x1c6: {  	[tilespmem:s1+$0x430] =	vst v3  }
0x1c7: {  	v3 =	vld [tilespmem:s31+$0x440]  }
0x1c8: {  	v28 =	vld [tilespmem:s0+$0x440];
	_ =	sdelay $0x4  }
0x1c9: {  	v3 =	vadd.f32 v28, v3;
	_ =	sdelay $0x1  }
0x1ca: {  	[tilespmem:s1+$0x440] =	vst v3  }
0x1cb: {  	v3 =	vld [tilespmem:s31+$0x450]  }
0x1cc: {  	v29 =	vld [tilespmem:s0+$0x450];
	_ =	sdelay $0x4  }
0x1cd: {  	v3 =	vadd.f32 v29, v3;
	_ =	sdelay $0x1  }
0x1ce: {  	[tilespmem:s1+$0x450] =	vst v3  }
0x1cf: {  	v3 =	vld [tilespmem:s31+$0x460]  }
0x1d0: {  	v30 =	vld [tilespmem:s0+$0x460];
	_ =	sdelay $0x4  }
0x1d1: {  	v3 =	vadd.f32 v30, v3;
	_ =	sdelay $0x1  }
0x1d2: {  	[tilespmem:s1+$0x460] =	vst v3  }
0x1d3: {  	v3 =	vld [tilespmem:s31+$0x470]  }
0x1d4: {  	v31 =	vld [tilespmem:s0+$0x470];
	_ =	sdelay $0x4  }
0x1d5: {  	v3 =	vadd.f32 v31, v3  }
0x1d6: {  	s31 =	sadd.s32 $0xC900, s28  }
0x1d7: {  	[tilespmem:s1+$0x470] =	vst v3;
	s1 =	sadd.s32 s26, s31  }
0x1d8: {  	s0 =	sadd.s32 s29, s31;
	v3 =	vld [tilespmem:s1+$0x0]  }
0x1d9: {  	v32 =	vld [tilespmem:s0+$0x0];
	_ =	sdelay $0x4  }
0x1da: {  	v3 =	vadd.f32 v32, v3;
	_ =	sdelay $0x1  }
0x1db: {  	[tilespmem:s30+$0x18900] =	vst v3  }
0x1dc: {  	v3 =	vld [tilespmem:s1+$0x10]  }
0x1dd: {  	v33 =	vld [tilespmem:s0+$0x10];
	_ =	sdelay $0x4  }
0x1de: {  	v3 =	vadd.f32 v33, v3  }
0x1df: {  	s31 =	sadd.s32 $0x18900, s30  }
0x1e0: {  	[tilespmem:s31+$0x10] =	vst v3  }
0x1e1: {  	v3 =	vld [tilespmem:s1+$0x20]  }
0x1e2: {  	v34 =	vld [tilespmem:s0+$0x20];
	_ =	sdelay $0x4  }
0x1e3: {  	v3 =	vadd.f32 v34, v3;
	_ =	sdelay $0x1  }
0x1e4: {  	[tilespmem:s31+$0x20] =	vst v3  }
0x1e5: {  	v3 =	vld [tilespmem:s1+$0x30]  }
0x1e6: {  	v35 =	vld [tilespmem:s0+$0x30];
	_ =	sdelay $0x4  }
0x1e7: {  	v3 =	vadd.f32 v35, v3;
	_ =	sdelay $0x1  }
0x1e8: {  	[tilespmem:s31+$0x30] =	vst v3  }
0x1e9: {  	v3 =	vld [tilespmem:s1+$0x40]  }
0x1ea: {  	v36 =	vld [tilespmem:s0+$0x40];
	_ =	sdelay $0x4  }
0x1eb: {  	v3 =	vadd.f32 v36, v3;
	_ =	sdelay $0x1  }
0x1ec: {  	[tilespmem:s31+$0x40] =	vst v3  }
0x1ed: {  	v3 =	vld [tilespmem:s1+$0x50]  }
0x1ee: {  	v37 =	vld [tilespmem:s0+$0x50];
	_ =	sdelay $0x4  }
0x1ef: {  	v3 =	vadd.f32 v37, v3;
	_ =	sdelay $0x1  }
0x1f0: {  	[tilespmem:s31+$0x50] =	vst v3  }
0x1f1: {  	v3 =	vld [tilespmem:s1+$0x60]  }
0x1f2: {  	v38 =	vld [tilespmem:s0+$0x60];
	_ =	sdelay $0x4  }
0x1f3: {  	v3 =	vadd.f32 v38, v3;
	_ =	sdelay $0x1  }
0x1f4: {  	[tilespmem:s31+$0x60] =	vst v3  }
0x1f5: {  	v3 =	vld [tilespmem:s1+$0x70]  }
0x1f6: {  	v39 =	vld [tilespmem:s0+$0x70];
	_ =	sdelay $0x4  }
0x1f7: {  	v3 =	vadd.f32 v39, v3  }
0x1f8: {  	s0 =	sadd.s32 $0xCD00, s28  }
0x1f9: {  	s1 =	sadd.s32 s26, s0;
	[tilespmem:s31+$0x70] =	vst v3  }
0x1fa: {  	s0 =	sadd.s32 s29, s0;
	v3 =	vld [tilespmem:s1+$0x0]  }
0x1fb: {  	v40 =	vld [tilespmem:s0+$0x0];
	_ =	sdelay $0x4  }
0x1fc: {  	v3 =	vadd.f32 v40, v3;
	_ =	sdelay $0x1  }
0x1fd: {  	[tilespmem:s30+$0x18D00] =	vst v3  }
0x1fe: {  	v3 =	vld [tilespmem:s1+$0x10]  }
0x1ff: {  	v41 =	vld [tilespmem:s0+$0x10];
	_ =	sdelay $0x4  }
0x200: {  	v3 =	vadd.f32 v41, v3  }
0x201: {  	s31 =	sadd.s32 $0x18D00, s30  }
0x202: {  	[tilespmem:s31+$0x10] =	vst v3  }
0x203: {  	v3 =	vld [tilespmem:s1+$0x20]  }
0x204: {  	v42 =	vld [tilespmem:s0+$0x20];
	_ =	sdelay $0x4  }
0x205: {  	v3 =	vadd.f32 v42, v3;
	_ =	sdelay $0x1  }
0x206: {  	[tilespmem:s31+$0x20] =	vst v3  }
0x207: {  	v3 =	vld [tilespmem:s1+$0x30]  }
0x208: {  	v43 =	vld [tilespmem:s0+$0x30];
	_ =	sdelay $0x4  }
0x209: {  	v3 =	vadd.f32 v43, v3;
	_ =	sdelay $0x1  }
0x20a: {  	[tilespmem:s31+$0x30] =	vst v3  }
0x20b: {  	v3 =	vld [tilespmem:s1+$0x40]  }
0x20c: {  	v44 =	vld [tilespmem:s0+$0x40];
	_ =	sdelay $0x4  }
0x20d: {  	v3 =	vadd.f32 v44, v3;
	_ =	sdelay $0x1  }
0x20e: {  	[tilespmem:s31+$0x40] =	vst v3  }
0x20f: {  	v3 =	vld [tilespmem:s1+$0x50]  }
0x210: {  	v45 =	vld [tilespmem:s0+$0x50];
	_ =	sdelay $0x4  }
0x211: {  	v3 =	vadd.f32 v45, v3;
	_ =	sdelay $0x1  }
0x212: {  	[tilespmem:s31+$0x50] =	vst v3  }
0x213: {  	v3 =	vld [tilespmem:s1+$0x60]  }
0x214: {  	v46 =	vld [tilespmem:s0+$0x60];
	_ =	sdelay $0x4  }
0x215: {  	v3 =	vadd.f32 v46, v3;
	_ =	sdelay $0x1  }
0x216: {  	[tilespmem:s31+$0x60] =	vst v3  }
0x217: {  	v3 =	vld [tilespmem:s1+$0x70]  }
0x218: {  	v47 =	vld [tilespmem:s0+$0x70];
	_ =	sdelay $0x4  }
0x219: {  	v3 =	vadd.f32 v47, v3  }
0x21a: {  	s0 =	sadd.s32 $0xD100, s28  }
0x21b: {  	s1 =	sadd.s32 s26, s0;
	[tilespmem:s31+$0x70] =	vst v3  }
0x21c: {  	s0 =	sadd.s32 s29, s0;
	v3 =	vld [tilespmem:s1+$0x0]  }
0x21d: {  	v48 =	vld [tilespmem:s0+$0x0];
	_ =	sdelay $0x4  }
0x21e: {  	v3 =	vadd.f32 v48, v3;
	_ =	sdelay $0x1  }
0x21f: {  	[tilespmem:s30+$0x19100] =	vst v3  }
0x220: {  	v3 =	vld [tilespmem:s1+$0x10]  }
0x221: {  	v49 =	vld [tilespmem:s0+$0x10];
	_ =	sdelay $0x4  }
0x222: {  	v3 =	vadd.f32 v49, v3  }
0x223: {  	s31 =	sadd.s32 $0x19100, s30  }
0x224: {  	[tilespmem:s31+$0x10] =	vst v3  }
0x225: {  	v3 =	vld [tilespmem:s1+$0x20]  }
0x226: {  	v50 =	vld [tilespmem:s0+$0x20];
	_ =	sdelay $0x4  }
0x227: {  	v3 =	vadd.f32 v50, v3;
	_ =	sdelay $0x1  }
0x228: {  	[tilespmem:s31+$0x20] =	vst v3  }
0x229: {  	v3 =	vld [tilespmem:s1+$0x30]  }
0x22a: {  	v51 =	vld [tilespmem:s0+$0x30];
	_ =	sdelay $0x4  }
0x22b: {  	v3 =	vadd.f32 v51, v3;
	_ =	sdelay $0x1  }
0x22c: {  	[tilespmem:s31+$0x30] =	vst v3  }
0x22d: {  	v3 =	vld [tilespmem:s1+$0x40]  }
0x22e: {  	v52 =	vld [tilespmem:s0+$0x40];
	_ =	sdelay $0x4  }
0x22f: {  	v3 =	vadd.f32 v52, v3;
	_ =	sdelay $0x1  }
0x230: {  	[tilespmem:s31+$0x40] =	vst v3  }
0x231: {  	v3 =	vld [tilespmem:s1+$0x50]  }
0x232: {  	v53 =	vld [tilespmem:s0+$0x50];
	_ =	sdelay $0x4  }
0x233: {  	v3 =	vadd.f32 v53, v3;
	_ =	sdelay $0x1  }
0x234: {  	[tilespmem:s31+$0x50] =	vst v3  }
0x235: {  	v3 =	vld [tilespmem:s1+$0x60]  }
0x236: {  	v54 =	vld [tilespmem:s0+$0x60];
	_ =	sdelay $0x4  }
0x237: {  	v3 =	vadd.f32 v54, v3;
	_ =	sdelay $0x1  }
0x238: {  	[tilespmem:s31+$0x60] =	vst v3  }
0x239: {  	v3 =	vld [tilespmem:s1+$0x70]  }
0x23a: {  	v55 =	vld [tilespmem:s0+$0x70];
	_ =	sdelay $0x4  }
0x23b: {  	v3 =	vadd.f32 v55, v3  }
0x23c: {  	s1 =	sadd.s32 $0xD500, s28  }
0x23d: {  	s28 =	sadd.s32 s26, s1;
	[tilespmem:s31+$0x70] =	vst v3  }
0x23e: {  	s0 =	sadd.s32 s29, s1;
	v3 =	vld [tilespmem:s28+$0x0]  }
0x23f: {  	v56 =	vld [tilespmem:s0+$0x0];
	_ =	sdelay $0x4  }
0x240: {  	v3 =	vadd.f32 v56, v3;
	_ =	sdelay $0x1  }
0x241: {  	[tilespmem:s30+$0x19500] =	vst v3  }
0x242: {  	v3 =	vld [tilespmem:s28+$0x10]  }
0x243: {  	v57 =	vld [tilespmem:s0+$0x10];
	_ =	sdelay $0x4  }
0x244: {  	v3 =	vadd.f32 v57, v3  }
0x245: {  	s31 =	sadd.s32 $0x19500, s30  }
0x246: {  	[tilespmem:s31+$0x10] =	vst v3  }
0x247: {  	v3 =	vld [tilespmem:s28+$0x20]  }
0x248: {  	v58 =	vld [tilespmem:s0+$0x20];
	_ =	sdelay $0x4  }
0x249: {  	v3 =	vadd.f32 v58, v3;
	_ =	sdelay $0x1  }
0x24a: {  	[tilespmem:s31+$0x20] =	vst v3  }
0x24b: {  	v3 =	vld [tilespmem:s28+$0x30]  }
0x24c: {  	v59 =	vld [tilespmem:s0+$0x30];
	_ =	sdelay $0x4  }
0x24d: {  	v3 =	vadd.f32 v59, v3;
	_ =	sdelay $0x1  }
0x24e: {  	[tilespmem:s31+$0x30] =	vst v3  }
0x24f: {  	v3 =	vld [tilespmem:s28+$0x40]  }
0x250: {  	v60 =	vld [tilespmem:s0+$0x40];
	_ =	sdelay $0x4  }
0x251: {  	v3 =	vadd.f32 v60, v3;
	_ =	sdelay $0x1  }
0x252: {  	[tilespmem:s31+$0x40] =	vst v3  }
0x253: {  	v3 =	vld [tilespmem:s28+$0x50]  }
0x254: {  	v61 =	vld [tilespmem:s0+$0x50];
	_ =	sdelay $0x4  }
0x255: {  	v3 =	vadd.f32 v61, v3;
	_ =	sdelay $0x1  }
0x256: {  	[tilespmem:s31+$0x50] =	vst v3  }
0x257: {  	v3 =	vld [tilespmem:s28+$0x60]  }
0x258: {  	v62 =	vld [tilespmem:s0+$0x60];
	_ =	sdelay $0x4  }
0x259: {  	v3 =	vadd.f32 v62, v3;
	_ =	sdelay $0x1  }
0x25a: {  	[tilespmem:s31+$0x60] =	vst v3  }
0x25b: {  	v3 =	vld [tilespmem:s28+$0x70]  }
0x25c: {  	v63 =	vld [tilespmem:s0+$0x70];
	_ =	sdelay $0x1  }
0x25d: {  	p0 =	sne.s32 s25, $0x1F  }
.Ltmp1:
0x25e: {  	_ = 	snop;
	(pc) =	sbr.rel @p0 .LBB2_4-.Ltmp1, $3  }
0x25f: {  	_ = 	snop  }
0x260: {  	v3 =	vadd.f32 v63, v3;
	_ =	sdelay $0x1  }
0x261: {  	s24 =	sadd.s32 $0x80, s24;
	s23 =	sadd.s32 $0x100, s23;
	s25 =	sadd.s32 $0x1, s25;
	[tilespmem:s31+$0x70] =	vst v3  }
0x262: {  	s22 =	sadd.s32 $0x1, s22  }
0x263: {  	p0 =	sne.s32 s22, s10  }
.Ltmp2:
0x264: {  	_ = 	snop;
	(pc) =	sbr.rel @p0 .LBB2_1-.Ltmp2, $4  }
0x265: {  	[hbm4b:s9+s2] =	stream.linear.scatter [tilespmem:s20], [sflag:$0x3], $0x6000, $0x38;
	[tilespmem:$0x1E100] =	vst v63  }
0x266: {  	_ =	swait.ge [sflag:s11], $0x6000  }
0x267: {  	[sflag:s11] =	ssyncset.done $0x0  }
0x268: {  	[sflag:s11] =	ssyncadd.s32 $0xFFFFA000  }
0x269: {  	_ =	sfence.sel $0x180000  }
0x26a: {  	[bflag:$0x0] =	sbarrier.arrive $0xFFFF  }
0x26b: {  	_ =	strace $0x90000047  }
0x26c: {  	s0 =	stileid.u32;
	[bflag:$0x2] =	sbarrier.arrive $0xFFFF  }
0x26d: {  	p0 =	sne.s32 s0, $0x0;
	s0 =	rddreg [dreg:$0x2]  }
0x26e: {  	s0 =	sadd.s32 @!p0 $0x100000, s0  }
0x26f: {  	[sflag:s0] =	ssyncadd.tile.s32 @!p0 $0x1;
	_ =	shalt  }
.Lfunc_end2:
_tile_overlayer_lowered:
.L_overlay_start_2:
0x270: {  	(tag) =	ssettag $0x2  }
0x271: {  	s0 =	rddreg [dreg:$0x0];
	s2 =	stileid.u32  }
0x272: {  	s1 =	rddreg [dreg:$0x1];
	p0 =	sne.s32 s2, $0x0  }
0x273: {  	s3 =	rddreg [dreg:$0x2];
	[bflag:$0x3] =	sbarrier.arrive $0xFFFF;
	s2 =	simm.s32 @!p0 $0x1C03  }
0x274: {  	[timem:s3], [sflag:s2] =	dma.local @!p0 [hbm:s0], s1  }
0x275: {  	s0 =	simm.s32 @!p0 $0x3  }
0x276: {  	_ =	swait.ge @!p0 [sflag:s0], s1  }
0x277: {  	s1 =	ssub.s32 @!p0 $0x0, s1;
	[sflag:s0] =	ssyncset.done @!p0 $0x0  }
0x278: {  	[sflag:s0] =	ssyncadd.s32 @!p0 s1  }
0x279: {  	[bflag:$0x3] =	sbarrier.arrive $0xFFFF  }
0x27a: {  	_ =	shalt  }

</sc_bundles>
